<compile_context>
chip_gen: v7x
topology: tpu7x:2x2x1
jax: 0.10.2.dev20260603
libtpu: 0.0.44.dev20260713+nightly
codegen_flags: <defaults>
</compile_context>

<pallas_src>
import functools

import jax
import jax.numpy as jnp
from jax import lax
from jax.experimental import pallas as pl
from jax.experimental.pallas import tpu as pltpu
from jax.experimental.pallas import tpu_sc as plsc

NUM_STEPS = 100
NCORES = 2
NSUB = 16
NW = NCORES * NSUB
EBLK = 128


def _make_edge_kernel(n_nodes, ep, rows_per_tile):
    chunk = rows_per_tile // 2
    mesh = plsc.VectorSubcoreMesh(core_axis_name="c", subcore_axis_name="s")

    @functools.partial(
        pl.kernel,
        mesh=mesh,
        out_type=jax.ShapeDtypeStruct((n_nodes, 64), jnp.float32),
        scratch_types=[
            pltpu.VMEM((80,), jnp.int32),
            pltpu.VMEM((EBLK,), jnp.int32),
            pltpu.VMEM((EBLK + 16,), jnp.int32),
            pltpu.VMEM((EBLK + 16,), jnp.float32),
            pltpu.VMEM((EBLK, 128), jnp.float32),
            pltpu.VMEM((chunk + 8, 64), jnp.float32),
            pltpu.VMEM((chunk + 8, 64), jnp.float32),
            pltpu.VMEM((64,), jnp.float32),
            pltpu.SemaphoreType.DMA,
        ],
    )
    def edge_kernel(p1_hbm, p2b_hbm, src_hbm, dst_hbm, ef_hbm, bounds_hbm,
                    zero_hbm, w64_hbm, agg_hbm,
                    bounds_v, srcv, dstv, efv, rows1, p2l, aggl, w64v, sem):
        wid = lax.axis_index("s") * NCORES + lax.axis_index("c")
        pltpu.sync_copy(bounds_hbm, bounds_v)
        pltpu.sync_copy(w64_hbm, w64v)
        w64r = [w64v[pl.ds(16 * k, 16)] for k in range(4)]

        for c in range(2):
            g = wid * 2 + c
            base = g * chunk
            pltpu.sync_copy(zero_hbm, aggl)
            pltpu.sync_copy(p2b_hbm.at[pl.ds(base, chunk)],
                            p2l.at[pl.ds(0, chunk)])
            bv = bounds_v[pl.ds(g, 16)]
            elo = bv[0]
            ehi = bv[1]
            abase = (elo // EBLK) * EBLK
            nblk = (ehi - abase + (EBLK - 1)) // EBLK

            def blk_body(kb, _):
                off = abase + kb * EBLK
                pltpu.sync_copy(src_hbm.at[pl.ds(off, EBLK)], srcv)
                pltpu.sync_copy(dst_hbm.at[pl.ds(off, EBLK)],
                                dstv.at[pl.ds(0, EBLK)])
                pltpu.sync_copy(ef_hbm.at[pl.ds(off, EBLK)],
                                efv.at[pl.ds(0, EBLK)])
                pltpu.async_copy(p1_hbm.at[srcv], rows1, sem).wait()

                def e_body(jj, _):
                    for u in range(2):
                        j = jj * 2 + u
                        e = off + j
                        valid = jnp.logical_and(e >= elo, e < ehi)
                        dj = dstv[pl.ds(j, 16)][0] - base
                        d = jnp.where(valid, dj, chunk)
                        efs = efv[pl.ds(j, 16)][0]
                        for k in range(4):
                            sl = pl.ds(16 * k, 16)
                            r = jnp.maximum(
                                rows1[j, sl] + p2l[d, sl] + efs * w64r[k], 0.0)
                            plsc.addupdate(aggl.at[d, sl], r)
                    return 0

                lax.fori_loop(0, EBLK // 2, e_body, 0)
                return 0

            lax.fori_loop(0, nblk, blk_body, 0)
            pltpu.sync_copy(aggl.at[pl.ds(0, chunk)],
                            agg_hbm.at[pl.ds(base, chunk)])

    return edge_kernel


def _make_assemble_kernel(nc):
    rows = nc // NW
    mesh = plsc.VectorSubcoreMesh(core_axis_name="c", subcore_axis_name="s")

    @functools.partial(
        pl.kernel,
        mesh=mesh,
        out_type=jax.ShapeDtypeStruct((nc, 128), jnp.float32),
        scratch_types=[
            pltpu.VMEM((rows,), jnp.int32),
            pltpu.VMEM((rows,), jnp.int32),
            pltpu.VMEM((rows, 128), jnp.float32),
            pltpu.VMEM((rows, 128), jnp.float32),
            pltpu.VMEM((rows, 128), jnp.float32),
            pltpu.VMEM((rows, 128), jnp.float32),
            pltpu.VMEM((64,), jnp.float32),
            pltpu.VMEM((rows, 128), jnp.float32),
            pltpu.SemaphoreType.DMA,
        ],
    )
    def assemble_kernel(p1_hbm, q_hbm, pb0_hbm, pb1_hbm, w64_hbm,
                        out_hbm, ia, ib, g1, g3, qa, qb, w64v, obuf,
                        sem):
        wid = lax.axis_index("s") * NCORES + lax.axis_index("c")
        base = wid * rows
        pltpu.sync_copy(pb0_hbm.at[pl.ds(base, rows)], ia)
        pltpu.sync_copy(pb1_hbm.at[pl.ds(base, rows)], ib)
        pltpu.sync_copy(w64_hbm, w64v)
        pltpu.async_copy(p1_hbm.at[ia], g1, sem).wait()
        pltpu.async_copy(p1_hbm.at[ib], g3, sem).wait()
        pltpu.async_copy(q_hbm.at[ia], qa, sem).wait()
        pltpu.async_copy(q_hbm.at[ib], qb, sem).wait()
        c999 = [w64v[pl.ds(16 * k, 16)] * 999.0 for k in range(4)]

        def j_body(j, _):
            for k in range(2):
                obuf[j, pl.ds(16 * k, 16)] = qa[j, pl.ds(64 + 16 * k, 16)]
                obuf[j, pl.ds(32 + 16 * k, 16)] = qb[j, pl.ds(64 + 16 * k, 16)]
            for k in range(4):
                sl = pl.ds(16 * k, 16)
                v = (jnp.maximum(g1[j, sl] + qb[j, sl] + c999[k], 0.0)
                     + jnp.maximum(g3[j, sl] + qa[j, sl] + c999[k], 0.0))
                obuf[j, pl.ds(64 + 16 * k, 16)] = v
            return 0

        lax.fori_loop(0, rows, j_body, 0)
        pltpu.sync_copy(obuf, out_hbm.at[pl.ds(base, rows)])

    return assemble_kernel


def _node_body(agg, cn, wn2, w1, w2, be, p1o, p2o, nho):
    nh = jnp.maximum(
        jnp.dot(agg[...], wn2[...], preferred_element_type=jnp.float32)
        + cn[...], 0.0)
    nho[...] = nh
    p1o[...] = jnp.dot(nh, w1[...], preferred_element_type=jnp.float32)
    p2o[...] = jnp.dot(nh, w2[...], preferred_element_type=jnp.float32) + be[...]


def _cn_body(nf, wn1, bn, cno):
    cno[...] = jnp.dot(nf[...], wn1[...],
                       preferred_element_type=jnp.float32) + bn[...]


def _mlp_body(x, W0, b0, W1, b1, W2, b2, W3, b3, W4, b4, W5, b5, out):
    h = x[...]
    for W, b in ((W0, b0), (W1, b1), (W2, b2), (W3, b3), (W4, b4)):
        h = jax.nn.relu(jnp.dot(h, W[...], preferred_element_type=jnp.float32)
                        + b[...])
    logits = jnp.dot(h, W5[...], preferred_element_type=jnp.float32) + b5[...]
    best = logits[:, 0:1]
    idx = jnp.zeros_like(best, dtype=jnp.int32)
    for k in range(1, 4):
        cur = logits[:, k:k + 1]
        m = cur > best
        idx = jnp.where(m, k, idx)
        best = jnp.where(m, cur, best)
    out[...] = idx


def kernel(mol_a_node_features, mol_a_edge_features, mol_a_edges, mol_a_batch_indices,
           mol_b_node_features, mol_b_edge_features, mol_b_edges, mol_b_batch_indices,
           proposed_bonds, W_edge, b_edge, W_node, b_node,
           mlp_W0, mlp_b0, mlp_W1, mlp_b1, mlp_W2, mlp_b2,
           mlp_W3, mlp_b3, mlp_W4, mlp_b4, mlp_W5, mlp_b5):
    Na = mol_a_node_features.shape[0]
    Ea = mol_a_edges.shape[0]
    Eb = mol_b_edges.shape[0]
    nc = proposed_bonds.shape[1]
    E = Ea + Eb + 2 * nc

    pb0 = proposed_bonds[0].astype(jnp.int32)
    pb1 = (proposed_bonds[1] + Na).astype(jnp.int32)
    src = jnp.concatenate([mol_a_edges[:, 0].astype(jnp.int32),
                           mol_b_edges[:, 0].astype(jnp.int32) + Na, pb0, pb1])
    dst = jnp.concatenate([mol_a_edges[:, 1].astype(jnp.int32),
                           mol_b_edges[:, 1].astype(jnp.int32) + Na, pb1, pb0])
    ef = jnp.concatenate([mol_a_edge_features[:, 0], mol_b_edge_features[:, 0],
                          jnp.full((2 * nc,), 999.0, dtype=jnp.float32)])
    nf = jnp.concatenate([mol_a_node_features, mol_b_node_features], axis=0)
    N0 = nf.shape[0]
    N = ((N0 + NW * 16 - 1) // (NW * 16)) * (NW * 16)
    nf = jnp.concatenate(
        [nf, jnp.zeros((N - N0, nf.shape[1]), nf.dtype)], axis=0)
    rows_per_tile = N // NW

    perm = jnp.argsort(dst)
    dst_s = dst[perm]
    src_s = src[perm]
    ef_s = ef[perm]
    ep = ((E + EBLK - 1) // EBLK) * EBLK + EBLK
    pad = ep - E
    src_s = jnp.concatenate([src_s, jnp.zeros((pad,), jnp.int32)])
    dst_s = jnp.concatenate([dst_s, jnp.full((pad,), N - 1, jnp.int32)])
    ef_s = jnp.concatenate([ef_s, jnp.zeros((pad,), jnp.float32)])
    bounds = jnp.searchsorted(
        dst_s[:E], (rows_per_tile // 2) * jnp.arange(2 * NW + 1, dtype=jnp.int32)
    ).astype(jnp.int32)
    bounds = jnp.concatenate(
        [bounds, jnp.full((80 - (2 * NW + 1),), E, jnp.int32)])

    w64 = W_edge[64]
    W1 = jnp.concatenate(
        [W_edge[:32], jnp.zeros((32, 64), jnp.float32)], axis=1)
    W2 = W_edge[32:64]
    Wn1 = W_node[:5]
    Wn2 = W_node[5:]
    be2d = b_edge[None, :]
    bn2d = b_node[None, :]
    zero_tile = jnp.zeros((rows_per_tile // 2 + 8, 64), jnp.float32)

    RB = rows_per_tile * 4
    ng = N // RB
    cn = pl.pallas_call(
        _cn_body,
        grid=(ng,),
        in_specs=[pl.BlockSpec((RB, 5), lambda i: (i, 0)),
                  pl.BlockSpec((5, 32), lambda i: (0, 0)),
                  pl.BlockSpec((1, 32), lambda i: (0, 0))],
        out_specs=pl.BlockSpec((RB, 32), lambda i: (i, 0)),
        out_shape=jax.ShapeDtypeStruct((N, 32), jnp.float32),
    )(nf, Wn1, bn2d)


    node_call = pl.pallas_call(
        _node_body,
        grid=(ng,),
        in_specs=[pl.BlockSpec((RB, 64), lambda i: (i, 0)),
                  pl.BlockSpec((RB, 32), lambda i: (i, 0)),
                  pl.BlockSpec((64, 32), lambda i: (0, 0)),
                  pl.BlockSpec((32, 128), lambda i: (0, 0)),
                  pl.BlockSpec((32, 64), lambda i: (0, 0)),
                  pl.BlockSpec((1, 64), lambda i: (0, 0))],
        out_specs=[pl.BlockSpec((RB, 128), lambda i: (i, 0)),
                   pl.BlockSpec((RB, 64), lambda i: (i, 0)),
                   pl.BlockSpec((RB, 32), lambda i: (i, 0))],
        out_shape=[jax.ShapeDtypeStruct((N, 128), jnp.float32),
                   jax.ShapeDtypeStruct((N, 64), jnp.float32),
                   jax.ShapeDtypeStruct((N, 32), jnp.float32)],
    )

    edge_call = _make_edge_kernel(N, ep, rows_per_tile)
    assemble_call = _make_assemble_kernel(nc)

    P1_0 = jnp.zeros((N, 128), jnp.float32)
    P2b_0 = jnp.broadcast_to(b_edge, (N, 64)).astype(jnp.float32)

    def step(carry, _):
        P1, P2b = carry
        agg = edge_call(P1, P2b, src_s, dst_s, ef_s, bounds, zero_tile, w64)
        P1n, P2bn, _nh = node_call(agg, cn, Wn2, W1, W2, be2d)
        return (P1n, P2bn), None

    (P1f, P2bf), _ = lax.scan(step, (P1_0, P2b_0), None, length=NUM_STEPS - 1)

    agg = edge_call(P1f, P2bf, src_s, dst_s, ef_s, bounds, zero_tile, w64)
    _, _, nh_final = node_call(agg, cn, Wn2, W1, W2, be2d)

    def _pack_body(p2b, nh, out):
        out[...] = jnp.concatenate(
            [p2b[...], nh[...],
             jnp.zeros((p2b.shape[0], 32), jnp.float32)], axis=1)

    q = pl.pallas_call(
        _pack_body,
        grid=(ng,),
        in_specs=[pl.BlockSpec((RB, 64), lambda i: (i, 0)),
                  pl.BlockSpec((RB, 32), lambda i: (i, 0))],
        out_specs=pl.BlockSpec((RB, 128), lambda i: (i, 0)),
        out_shape=jax.ShapeDtypeStruct((N, 128), jnp.float32),
    )(P2bf, nh_final)

    mlp_in = assemble_call(P1f, q, pb0, pb1, w64)

    labels = pl.pallas_call(
        _mlp_body,
        out_shape=jax.ShapeDtypeStruct((nc, 1), jnp.int32),
    )(mlp_in, mlp_W0, mlp_b0, mlp_W1, mlp_b1, mlp_W2, mlp_b2,
      mlp_W3, mlp_b3, mlp_W4, mlp_b4, mlp_W5, mlp_b5)

    return jnp.concatenate([proposed_bonds.T.astype(labels.dtype), labels],
                           axis=1)

# --- scband reference (transcript-rebuilt; emitter-appended) ---
"""Pipeline reference for scband-classify-mol-bond-18923625906920 (READ-ONLY COPY).

The authoritative reference and input builder live on the scoring server;
editing this copy changes nothing except your own understanding.
"""

import jax, jax.numpy as jnp
import numpy as np

NA = 10000
EA = 20000
NB = 10000
EB = 20000
NC = 2048
NUM_STEPS = 100


def _lin(key, fi, fo):
    return jax.random.normal(key, (fi, fo), dtype=jnp.float32) / np.sqrt(fi)


def setup_inputs(seed: int = 0):
    key = jax.random.key(seed)
    ks = jax.random.split(key, 32)
    inp = {}
    inp["mol_a_node_features"] = jax.random.normal(ks[0], (NA, 5), dtype=jnp.float32)
    inp["mol_a_edge_features"] = jax.random.normal(ks[1], (EA, 1), dtype=jnp.float32)
    inp["mol_a_edges"] = jax.random.randint(ks[2], (EA, 2), 0, NA)
    inp["mol_a_batch_indices"] = jnp.sort(jax.random.randint(ks[3], (NA,), 0, 500))
    inp["mol_b_node_features"] = jax.random.normal(ks[4], (NB, 5), dtype=jnp.float32)
    inp["mol_b_edge_features"] = jax.random.normal(ks[5], (EB, 1), dtype=jnp.float32)
    inp["mol_b_edges"] = jax.random.randint(ks[6], (EB, 2), 0, NB)
    inp["mol_b_batch_indices"] = jnp.sort(jax.random.randint(ks[7], (NB,), 0, 500))
    inp["proposed_bonds"] = jax.random.randint(ks[8], (2, NC), 0, NA)
    inp["W_edge"] = _lin(ks[9], 32 + 32 + 1, 64)
    inp["b_edge"] = jnp.zeros((64,), dtype=jnp.float32)
    inp["W_node"] = _lin(ks[10], 5 + 64, 32)
    inp["b_node"] = jnp.zeros((32,), dtype=jnp.float32)
    dims = [(128, 128), (128, 256), (256, 256), (256, 128), (128, 64), (64, 4)]
    for i, (fi, fo) in enumerate(dims):
        inp["mlp_W%d" % i] = _lin(ks[11 + i], fi, fo)
        inp["mlp_b%d" % i] = jnp.zeros((fo,), dtype=jnp.float32)
    return inp


def reference(mol_a_node_features, mol_a_edge_features, mol_a_edges, mol_a_batch_indices,
              mol_b_node_features, mol_b_edge_features, mol_b_edges, mol_b_batch_indices,
              proposed_bonds, W_edge, b_edge, W_node, b_node,
              mlp_W0, mlp_b0, mlp_W1, mlp_b1, mlp_W2, mlp_b2,
              mlp_W3, mlp_b3, mlp_W4, mlp_b4, mlp_W5, mlp_b5):
    Na = mol_a_node_features.shape[0]
    Ea = mol_a_edges.shape[0]
    Eb = mol_b_edges.shape[0]
    nc = proposed_bonds.shape[1]
    pb1 = proposed_bonds[1] + Na
    additional = jnp.concatenate([
        jnp.stack([proposed_bonds[0], pb1], axis=1),
        jnp.stack([pb1, proposed_bonds[0]], axis=1)
    ], axis=0)
    node_features = jnp.concatenate([mol_a_node_features, mol_b_node_features], axis=0)
    edge_features = jnp.concatenate([
        mol_a_edge_features, mol_b_edge_features,
        jnp.full((2 * nc, 1), 999.0, dtype=jnp.float32)
    ], axis=0)
    edges = jnp.concatenate([mol_a_edges, mol_b_edges + Na, additional], axis=0)
    N = node_features.shape[0]
    src = edges[:, 0]
    dst = edges[:, 1]
    node_h0 = jnp.zeros((N, 32), dtype=jnp.float32)
    edge_h0 = jnp.zeros((edges.shape[0], 64), dtype=jnp.float32)

    def step(carry, _):
        nh, eh = carry
        m = jnp.concatenate([nh[src], nh[dst], edge_features], axis=1)
        eh = jax.nn.relu(m @ W_edge + b_edge)
        agg = jax.ops.segment_sum(eh, dst, num_segments=N)
        nh = jax.nn.relu(jnp.concatenate([node_features, agg], axis=1) @ W_node + b_node)
        return (nh, eh), None

    (node_h, edge_h), _ = jax.lax.scan(step, (node_h0, edge_h0), None, length=NUM_STEPS)

    offset = Ea + Eb
    pbh = edge_h[offset:offset + nc] + edge_h[offset + nc:offset + 2 * nc]
    mlp_in = jnp.concatenate([
        node_h[proposed_bonds[0]],
        node_h[Na:][proposed_bonds[1]],
        pbh
    ], axis=1)
    h = mlp_in
    for W, b in ((mlp_W0, mlp_b0), (mlp_W1, mlp_b1), (mlp_W2, mlp_b2), (mlp_W3, mlp_b3), (mlp_W4, mlp_b4)):
        h = jax.nn.relu(h @ W + b)
    probs = jax.nn.softmax(h @ mlp_W5 + mlp_b5, axis=1)
    labels = jnp.argmax(probs, axis=1).astype(proposed_bonds.dtype)
    return jnp.concatenate([proposed_bonds.T, labels[:, None]], axis=1)

if __name__ == "__main__":
    import jax
    _d = setup_inputs()
    print(jax.jit(kernel)(*tuple(_d.values())))

</pallas_src>

<mosaic_0001>
#map = affine_map<(d0, d1) -> (0, 0)>
#map1 = affine_map<(d0, d1) -> (0)>
module attributes {stable_mosaic.version = 14 : i64} {
  func.func @edge_kernel(%arg0: i32, %arg1: i32, %arg2: memref<20480x128xf32, #tpu.memory_space<hbm>>, %arg3: memref<20480x64xf32, #tpu.memory_space<hbm>>, %arg4: memref<44288xi32, #tpu.memory_space<hbm>>, %arg5: memref<44288xi32, #tpu.memory_space<hbm>>, %arg6: memref<44288xf32, #tpu.memory_space<hbm>>, %arg7: memref<80xi32, #tpu.memory_space<hbm>>, %arg8: memref<328x64xf32, #tpu.memory_space<hbm>>, %arg9: memref<64xf32, #tpu.memory_space<hbm>>, %arg10: memref<20480x64xf32, #tpu.memory_space<hbm>>, %arg11: memref<80xi32, #tpu.memory_space<vmem>>, %arg12: memref<128xi32, #tpu.memory_space<vmem>>, %arg13: memref<144xi32, #tpu.memory_space<vmem>>, %arg14: memref<144xf32, #tpu.memory_space<vmem>>, %arg15: memref<128x128xf32, #tpu.memory_space<vmem>>, %arg16: memref<328x64xf32, #tpu.memory_space<vmem>>, %arg17: memref<328x64xf32, #tpu.memory_space<vmem>>, %arg18: memref<64xf32, #tpu.memory_space<vmem>>, %arg19: memref<!tpu.dma_semaphore, #tpu.memory_space<semaphore_mem>>) attributes {dimension_semantics = [#tpu.dimension_semantics<core_parallel>, #tpu.dimension_semantics<subcore_parallel>], iteration_bounds = array<i64: 2, 16>, scalar_prefetch = 0 : i64, scratch_operands = 9 : i64, tpu.core_type = #tpu.core_type<sc_vector_subcore>, window_params = [{transform_indices = #map}, {transform_indices = #map}, {transform_indices = #map1}, {transform_indices = #map1}, {transform_indices = #map1}, {transform_indices = #map1}, {transform_indices = #map}, {transform_indices = #map1}, {transform_indices = #map}]} {
    %mul3A = arith.constant 2 : i32
    %mul3A_0 = arith.muli %arg1, %mul3A : i32
    %add3A = arith.addi %mul3A_0, %arg0 : i32
    "tpu.region"() ({
      %run_scoped3A = tpu.sem_alloc : memref<!tpu.dma_semaphore, #tpu.memory_space<semaphore_mem>>
      tpu.enqueue_dma source(%arg7 : memref<80xi32, #tpu.memory_space<hbm>>) target(%arg11 : memref<80xi32, #tpu.memory_space<vmem>>) target_semaphore(%run_scoped3A : memref<!tpu.dma_semaphore, #tpu.memory_space<semaphore_mem>>)
      tpu.wait_dma2 semaphore(%run_scoped3A : memref<!tpu.dma_semaphore, #tpu.memory_space<semaphore_mem>>) src(%arg7 : memref<80xi32, #tpu.memory_space<hbm>>) dst(%arg11 : memref<80xi32, #tpu.memory_space<vmem>>)
      tpu.yield
    }) : () -> ()
    "tpu.region"() ({
      %run_scoped3A = tpu.sem_alloc : memref<!tpu.dma_semaphore, #tpu.memory_space<semaphore_mem>>
      tpu.enqueue_dma source(%arg9 : memref<64xf32, #tpu.memory_space<hbm>>) target(%arg18 : memref<64xf32, #tpu.memory_space<vmem>>) target_semaphore(%run_scoped3A : memref<!tpu.dma_semaphore, #tpu.memory_space<semaphore_mem>>)
      tpu.wait_dma2 semaphore(%run_scoped3A : memref<!tpu.dma_semaphore, #tpu.memory_space<semaphore_mem>>) src(%arg9 : memref<64xf32, #tpu.memory_space<hbm>>) dst(%arg18 : memref<64xf32, #tpu.memory_space<vmem>>)
      tpu.yield
    }) : () -> ()
    %get3A = arith.constant 0 : index
    %get3A_1 = tpu.vector_load %arg18[%get3A] {strides = array<i32>} : memref<64xf32, #tpu.memory_space<vmem>>, vector<16xf32>,
    %get3A_2 = vector.shape_cast %get3A_1 : vector<16xf32> to vector<16xf32>
    %get3A_3 = arith.constant 16 : index
    %get3A_4 = tpu.vector_load %arg18[%get3A_3] {strides = array<i32>} : memref<64xf32, #tpu.memory_space<vmem>>, vector<16xf32>,
    %get3A_5 = vector.shape_cast %get3A_4 : vector<16xf32> to vector<16xf32>
    %get3A_6 = arith.constant 32 : index
    %get3A_7 = tpu.vector_load %arg18[%get3A_6] {strides = array<i32>} : memref<64xf32, #tpu.memory_space<vmem>>, vector<16xf32>,
    %get3A_8 = vector.shape_cast %get3A_7 : vector<16xf32> to vector<16xf32>
    %get3A_9 = arith.constant 48 : index
    %get3A_10 = tpu.vector_load %arg18[%get3A_9] {strides = array<i32>} : memref<64xf32, #tpu.memory_space<vmem>>, vector<16xf32>,
    %get3A_11 = vector.shape_cast %get3A_10 : vector<16xf32> to vector<16xf32>
    %mul3A_12 = arith.constant 2 : i32
    %mul3A_13 = arith.muli %add3A, %mul3A_12 : i32
    %add3A_14 = arith.constant 0 : i32
    %add3A_15 = arith.addi %mul3A_13, %add3A_14 : i32
    %mul3A_16 = arith.constant 320 : i32
    %mul3A_17 = arith.muli %add3A_15, %mul3A_16 : i32
    "tpu.region"() ({
      %run_scoped3A = tpu.sem_alloc : memref<!tpu.dma_semaphore, #tpu.memory_space<semaphore_mem>>
      tpu.enqueue_dma source(%arg8 : memref<328x64xf32, #tpu.memory_space<hbm>>) target(%arg17 : memref<328x64xf32, #tpu.memory_space<vmem>>) target_semaphore(%run_scoped3A : memref<!tpu.dma_semaphore, #tpu.memory_space<semaphore_mem>>)
      tpu.wait_dma2 semaphore(%run_scoped3A : memref<!tpu.dma_semaphore, #tpu.memory_space<semaphore_mem>>) src(%arg8 : memref<328x64xf32, #tpu.memory_space<hbm>>) dst(%arg17 : memref<328x64xf32, #tpu.memory_space<vmem>>)
      tpu.yield
    }) : () -> ()
    "tpu.region"() ({
      %run_scoped3A = tpu.sem_alloc : memref<!tpu.dma_semaphore, #tpu.memory_space<semaphore_mem>>
      %dma_start3A = arith.constant 0 : i32
      %dma_start3A_157 = arith.constant 0 : i32
      %dma_start3A_158 = tpu.memref_slice %arg16[%dma_start3A, %dma_start3A_157] : memref<328x64xf32, #tpu.memory_space<vmem>> -> memref<320x64xf32, #tpu.memory_space<vmem>>
      %dma_start3A_159 = arith.constant 0 : i32
      %dma_start3A_160 = tpu.memref_slice %arg3[%mul3A_17, %dma_start3A_159] : memref<20480x64xf32, #tpu.memory_space<hbm>> -> memref<320x64xf32, #tpu.memory_space<hbm>>
      %dma_start3A_161 = arith.constant 0 : i32
      %dma_start3A_162 = arith.constant 0 : i32
      %dma_start3A_163 = tpu.memref_slice %arg16[%dma_start3A_161, %dma_start3A_162] : memref<328x64xf32, #tpu.memory_space<vmem>> -> memref<320x64xf32, #tpu.memory_space<vmem>>
      %dma_start3A_164 = arith.constant 0 : i32
      %dma_start3A_165 = tpu.memref_slice %arg3[%mul3A_17, %dma_start3A_164] : memref<20480x64xf32, #tpu.memory_space<hbm>> -> memref<320x64xf32, #tpu.memory_space<hbm>>
      tpu.enqueue_dma source(%dma_start3A_165 : memref<320x64xf32, #tpu.memory_space<hbm>>) target(%dma_start3A_163 : memref<320x64xf32, #tpu.memory_space<vmem>>) target_semaphore(%run_scoped3A : memref<!tpu.dma_semaphore, #tpu.memory_space<semaphore_mem>>)
      %dma_wait3A = arith.constant 0 : i32
      %dma_wait3A_166 = arith.constant 0 : i32
      %dma_wait3A_167 = tpu.memref_slice %arg16[%dma_wait3A, %dma_wait3A_166] : memref<328x64xf32, #tpu.memory_space<vmem>> -> memref<320x64xf32, #tpu.memory_space<vmem>>
      %dma_wait3A_168 = arith.constant 0 : i32
      %dma_wait3A_169 = tpu.memref_slice %arg3[%mul3A_17, %dma_wait3A_168] : memref<20480x64xf32, #tpu.memory_space<hbm>> -> memref<320x64xf32, #tpu.memory_space<hbm>>
      %dma_wait3A_170 = arith.constant 0 : i32
      %dma_wait3A_171 = arith.constant 0 : i32
      %dma_wait3A_172 = tpu.memref_slice %arg16[%dma_wait3A_170, %dma_wait3A_171] : memref<328x64xf32, #tpu.memory_space<vmem>> -> memref<320x64xf32, #tpu.memory_space<vmem>>
      %dma_wait3A_173 = arith.constant 0 : i32
      %dma_wait3A_174 = tpu.memref_slice %arg3[%mul3A_17, %dma_wait3A_173] : memref<20480x64xf32, #tpu.memory_space<hbm>> -> memref<320x64xf32, #tpu.memory_space<hbm>>
      tpu.wait_dma2 semaphore(%run_scoped3A : memref<!tpu.dma_semaphore, #tpu.memory_space<semaphore_mem>>) src(%dma_wait3A_174 : memref<320x64xf32, #tpu.memory_space<hbm>>) dst(%dma_wait3A_172 : memref<320x64xf32, #tpu.memory_space<vmem>>)
      tpu.yield
    }) : () -> ()
    %get3A_18 = arith.index_cast %add3A_15 : i32 to index
    %get3A_19 = tpu.vector_load %arg11[%get3A_18] {strides = array<i32>} : memref<80xi32, #tpu.memory_space<vmem>>, vector<16xi32>,
    %get3A_20 = vector.shape_cast %get3A_19 : vector<16xi32> to vector<16xi32>
    %slice3A = vector.extract_strided_slice %get3A_20 {offsets = [0], sizes = [1], strides = [1]} : vector<16xi32> to vector<1xi32>
    %squeeze3A = vector.extract %slice3A[0] : i32 from vector<1xi32>
    %slice3A_21 = vector.extract_strided_slice %get3A_20 {offsets = [1], sizes = [1], strides = [1]} : vector<16xi32> to vector<1xi32>
    %squeeze3A_22 = vector.extract %slice3A_21[0] : i32 from vector<1xi32>
    %jit3A = arith.constant 128 : i32
    %div3A = arith.divsi %squeeze3A, %jit3A : i32
    %sign3A = arith.constant 0 : i32
    %sign3A_23 = arith.cmpi sgt, %squeeze3A, %sign3A : i32
    %sign3A_24 = arith.extui %sign3A_23 : i1 to i32
    %sign3A_25 = arith.constant 0 : i32
    %sign3A_26 = arith.cmpi slt, %squeeze3A, %sign3A_25 : i32
    %sign3A_27 = arith.extui %sign3A_26 : i1 to i32
    %sign3A_28 = arith.subi %sign3A_24, %sign3A_27 : i32
    %sign3A_29 = arith.constant 0 : i32
    %sign3A_30 = arith.cmpi sgt, %jit3A, %sign3A_29 : i32
    %sign3A_31 = arith.extui %sign3A_30 : i1 to i32
    %sign3A_32 = arith.constant 0 : i32
    %sign3A_33 = arith.cmpi slt, %jit3A, %sign3A_32 : i32
    %sign3A_34 = arith.extui %sign3A_33 : i1 to i32
    %sign3A_35 = arith.subi %sign3A_31, %sign3A_34 : i32
    %ne3A = arith.cmpi ne, %sign3A_28, %sign3A_35 : i32
    %rem3A = arith.remsi %squeeze3A, %jit3A : i32
    %ne3A_36 = arith.constant 0 : i32
    %ne3A_37 = arith.cmpi ne, %rem3A, %ne3A_36 : i32
    %and3A = arith.andi %ne3A, %ne3A_37 : i1
    %sub3A = arith.constant 1 : i32
    %sub3A_38 = arith.subi %div3A, %sub3A : i32
    %select_n3A = arith.select %and3A, %sub3A_38, %div3A : i32
    %mul3A_39 = arith.constant 128 : i32
    %mul3A_40 = arith.muli %select_n3A, %mul3A_39 : i32
    %sub3A_41 = arith.subi %squeeze3A_22, %mul3A_40 : i32
    %add3A_42 = arith.constant 127 : i32
    %add3A_43 = arith.addi %sub3A_41, %add3A_42 : i32
    %jit3A_44 = arith.constant 128 : i32
    %div3A_45 = arith.divsi %add3A_43, %jit3A_44 : i32
    %sign3A_46 = arith.constant 0 : i32
    %sign3A_47 = arith.cmpi sgt, %add3A_43, %sign3A_46 : i32
    %sign3A_48 = arith.extui %sign3A_47 : i1 to i32
    %sign3A_49 = arith.constant 0 : i32
    %sign3A_50 = arith.cmpi slt, %add3A_43, %sign3A_49 : i32
    %sign3A_51 = arith.extui %sign3A_50 : i1 to i32
    %sign3A_52 = arith.subi %sign3A_48, %sign3A_51 : i32
    %sign3A_53 = arith.constant 0 : i32
    %sign3A_54 = arith.cmpi sgt, %jit3A_44, %sign3A_53 : i32
    %sign3A_55 = arith.extui %sign3A_54 : i1 to i32
    %sign3A_56 = arith.constant 0 : i32
    %sign3A_57 = arith.cmpi slt, %jit3A_44, %sign3A_56 : i32
    %sign3A_58 = arith.extui %sign3A_57 : i1 to i32
    %sign3A_59 = arith.subi %sign3A_55, %sign3A_58 : i32
    %ne3A_60 = arith.cmpi ne, %sign3A_52, %sign3A_59 : i32
    %rem3A_61 = arith.remsi %add3A_43, %jit3A_44 : i32
    %ne3A_62 = arith.constant 0 : i32
    %ne3A_63 = arith.cmpi ne, %rem3A_61, %ne3A_62 : i32
    %and3A_64 = arith.andi %ne3A_60, %ne3A_63 : i1
    %sub3A_65 = arith.constant 1 : i32
    %sub3A_66 = arith.subi %div3A_45, %sub3A_65 : i32
    %select_n3A_67 = arith.select %and3A_64, %sub3A_66, %div3A_45 : i32
    %while3A = arith.constant 0 : i32
    %while3A_68 = arith.constant 0 : i32
    %while3A_69 = arith.subi %select_n3A_67, %while3A : i32
    %while3A_70 = arith.addi %while3A, %while3A_69 : i32
    %while3A_71 = arith.constant 1 : i32
    %while3A_72 = arith.divsi %while3A_69, %while3A_71 : i32
    %while3A_73 = arith.muli %while3A_72, %while3A_71 : i32
    %while3A_74 = arith.addi %while3A, %while3A_73 : i32
    %while3A_75 = arith.constant 1 : i32
    %while3A_76 = scf.for %while3A_157 = %while3A to %while3A_74 step %while3A_75 iter_args(%while3A_158 = %while3A_68) -> (i32)  : i32 {
      %mul3A_159 = arith.constant 128 : i32
      %mul3A_160 = arith.muli %while3A_157, %mul3A_159 : i32
      %add3A_161 = arith.addi %mul3A_40, %mul3A_160 : i32
      "tpu.region"() ({
        %run_scoped3A = tpu.sem_alloc : memref<!tpu.dma_semaphore, #tpu.memory_space<semaphore_mem>>
        %dma_start3A_173 = tpu.memref_slice %arg4[%add3A_161] : memref<44288xi32, #tpu.memory_space<hbm>> -> memref<128xi32, #tpu.memory_space<hbm>>
        %dma_start3A_174 = tpu.memref_slice %arg4[%add3A_161] : memref<44288xi32, #tpu.memory_space<hbm>> -> memref<128xi32, #tpu.memory_space<hbm>>
        tpu.enqueue_dma source(%dma_start3A_174 : memref<128xi32, #tpu.memory_space<hbm>>) target(%arg12 : memref<128xi32, #tpu.memory_space<vmem>>) target_semaphore(%run_scoped3A : memref<!tpu.dma_semaphore, #tpu.memory_space<semaphore_mem>>)
        %dma_wait3A_175 = tpu.memref_slice %arg4[%add3A_161] : memref<44288xi32, #tpu.memory_space<hbm>> -> memref<128xi32, #tpu.memory_space<hbm>>
        %dma_wait3A_176 = tpu.memref_slice %arg4[%add3A_161] : memref<44288xi32, #tpu.memory_space<hbm>> -> memref<128xi32, #tpu.memory_space<hbm>>
        tpu.wait_dma2 semaphore(%run_scoped3A : memref<!tpu.dma_semaphore, #tpu.memory_space<semaphore_mem>>) src(%dma_wait3A_176 : memref<128xi32, #tpu.memory_space<hbm>>) dst(%arg12 : memref<128xi32, #tpu.memory_space<vmem>>)
        tpu.yield
      }) : () -> ()
      "tpu.region"() ({
        %run_scoped3A = tpu.sem_alloc : memref<!tpu.dma_semaphore, #tpu.memory_space<semaphore_mem>>
        %dma_start3A_173 = arith.constant 0 : i32
        %dma_start3A_174 = tpu.memref_slice %arg13[%dma_start3A_173] : memref<144xi32, #tpu.memory_space<vmem>> -> memref<128xi32, #tpu.memory_space<vmem>>
        %dma_start3A_175 = tpu.memref_slice %arg5[%add3A_161] : memref<44288xi32, #tpu.memory_space<hbm>> -> memref<128xi32, #tpu.memory_space<hbm>>
        %dma_start3A_176 = arith.constant 0 : i32
        %dma_start3A_177 = tpu.memref_slice %arg13[%dma_start3A_176] : memref<144xi32, #tpu.memory_space<vmem>> -> memref<128xi32, #tpu.memory_space<vmem>>
        %dma_start3A_178 = tpu.memref_slice %arg5[%add3A_161] : memref<44288xi32, #tpu.memory_space<hbm>> -> memref<128xi32, #tpu.memory_space<hbm>>
        tpu.enqueue_dma source(%dma_start3A_178 : memref<128xi32, #tpu.memory_space<hbm>>) target(%dma_start3A_177 : memref<128xi32, #tpu.memory_space<vmem>>) target_semaphore(%run_scoped3A : memref<!tpu.dma_semaphore, #tpu.memory_space<semaphore_mem>>)
        %dma_wait3A_179 = arith.constant 0 : i32
        %dma_wait3A_180 = tpu.memref_slice %arg13[%dma_wait3A_179] : memref<144xi32, #tpu.memory_space<vmem>> -> memref<128xi32, #tpu.memory_space<vmem>>
        %dma_wait3A_181 = tpu.memref_slice %arg5[%add3A_161] : memref<44288xi32, #tpu.memory_space<hbm>> -> memref<128xi32, #tpu.memory_space<hbm>>
        %dma_wait3A_182 = arith.constant 0 : i32
        %dma_wait3A_183 = tpu.memref_slice %arg13[%dma_wait3A_182] : memref<144xi32, #tpu.memory_space<vmem>> -> memref<128xi32, #tpu.memory_space<vmem>>
        %dma_wait3A_184 = tpu.memref_slice %arg5[%add3A_161] : memref<44288xi32, #tpu.memory_space<hbm>> -> memref<128xi32, #tpu.memory_space<hbm>>
        tpu.wait_dma2 semaphore(%run_scoped3A : memref<!tpu.dma_semaphore, #tpu.memory_space<semaphore_mem>>) src(%dma_wait3A_184 : memref<128xi32, #tpu.memory_space<hbm>>) dst(%dma_wait3A_183 : memref<128xi32, #tpu.memory_space<vmem>>)
        tpu.yield
      }) : () -> ()
      "tpu.region"() ({
        %run_scoped3A = tpu.sem_alloc : memref<!tpu.dma_semaphore, #tpu.memory_space<semaphore_mem>>
        %dma_start3A_173 = arith.constant 0 : i32
        %dma_start3A_174 = tpu.memref_slice %arg14[%dma_start3A_173] : memref<144xf32, #tpu.memory_space<vmem>> -> memref<128xf32, #tpu.memory_space<vmem>>
        %dma_start3A_175 = tpu.memref_slice %arg6[%add3A_161] : memref<44288xf32, #tpu.memory_space<hbm>> -> memref<128xf32, #tpu.memory_space<hbm>>
        %dma_start3A_176 = arith.constant 0 : i32
        %dma_start3A_177 = tpu.memref_slice %arg14[%dma_start3A_176] : memref<144xf32, #tpu.memory_space<vmem>> -> memref<128xf32, #tpu.memory_space<vmem>>
        %dma_start3A_178 = tpu.memref_slice %arg6[%add3A_161] : memref<44288xf32, #tpu.memory_space<hbm>> -> memref<128xf32, #tpu.memory_space<hbm>>
        tpu.enqueue_dma source(%dma_start3A_178 : memref<128xf32, #tpu.memory_space<hbm>>) target(%dma_start3A_177 : memref<128xf32, #tpu.memory_space<vmem>>) target_semaphore(%run_scoped3A : memref<!tpu.dma_semaphore, #tpu.memory_space<semaphore_mem>>)
        %dma_wait3A_179 = arith.constant 0 : i32
        %dma_wait3A_180 = tpu.memref_slice %arg14[%dma_wait3A_179] : memref<144xf32, #tpu.memory_space<vmem>> -> memref<128xf32, #tpu.memory_space<vmem>>
        %dma_wait3A_181 = tpu.memref_slice %arg6[%add3A_161] : memref<44288xf32, #tpu.memory_space<hbm>> -> memref<128xf32, #tpu.memory_space<hbm>>
        %dma_wait3A_182 = arith.constant 0 : i32
        %dma_wait3A_183 = tpu.memref_slice %arg14[%dma_wait3A_182] : memref<144xf32, #tpu.memory_space<vmem>> -> memref<128xf32, #tpu.memory_space<vmem>>
        %dma_wait3A_184 = tpu.memref_slice %arg6[%add3A_161] : memref<44288xf32, #tpu.memory_space<hbm>> -> memref<128xf32, #tpu.memory_space<hbm>>
        tpu.wait_dma2 semaphore(%run_scoped3A : memref<!tpu.dma_semaphore, #tpu.memory_space<semaphore_mem>>) src(%dma_wait3A_184 : memref<128xf32, #tpu.memory_space<hbm>>) dst(%dma_wait3A_183 : memref<128xf32, #tpu.memory_space<vmem>>)
        tpu.yield
      }) : () -> ()
      %dma_start3A = arith.constant 0 : i32
      %dma_start3A_162 = arith.constant 0 : i32
      %dma_start3A_163 = tpu.memref_slice %arg2[%dma_start3A, %dma_start3A_162] : memref<20480x128xf32, #tpu.memory_space<hbm>> -> memref<20480x128xf32, #tpu.memory_space<hbm>>
      tpu.enqueue_indirect_dma source(%dma_start3A_163 : memref<20480x128xf32, #tpu.memory_space<hbm>>) target(%arg15 : memref<128x128xf32, #tpu.memory_space<vmem>>) offsets(%arg12 : memref<128xi32, #tpu.memory_space<vmem>>) semaphore(%arg19 : memref<!tpu.dma_semaphore, #tpu.memory_space<semaphore_mem>>)
      %dma_wait3A = arith.constant 0 : i32
      %dma_wait3A_164 = arith.constant 0 : i32
      %dma_wait3A_165 = tpu.memref_slice %arg2[%dma_wait3A, %dma_wait3A_164] : memref<20480x128xf32, #tpu.memory_space<hbm>> -> memref<20480x128xf32, #tpu.memory_space<hbm>>
      tpu.wait_indirect_dma semaphore(%arg19 : memref<!tpu.dma_semaphore, #tpu.memory_space<semaphore_mem>>) src(%dma_wait3A_165 : memref<20480x128xf32, #tpu.memory_space<hbm>>) dst(%arg15 : memref<128x128xf32, #tpu.memory_space<vmem>>)
      %scan3A = arith.constant 0 : i32
      %scan3A_166 = arith.constant 0 : i32
      %scan3A_167 = arith.constant 64 : i32
      %scan3A_168 = arith.addi %scan3A_166, %scan3A_167 : i32
      %scan3A_169 = arith.constant 1 : i32
      %scan3A_170 = scf.for %scan3A_173 = %scan3A_166 to %scan3A_168 step %scan3A_169 iter_args(%scan3A_174 = %scan3A) -> (i32)  : i32 {
        %mul3A_175 = arith.constant 2 : i32
        %mul3A_176 = arith.muli %scan3A_173, %mul3A_175 : i32
        %add3A_177 = arith.constant 0 : i32
        %add3A_178 = arith.addi %mul3A_176, %add3A_177 : i32
        %add3A_179 = arith.addi %add3A_161, %add3A_178 : i32
        %ge3A = arith.cmpi sge, %add3A_179, %squeeze3A : i32
        %lt3A = arith.cmpi slt, %add3A_179, %squeeze3A_22 : i32
        %and3A_180 = arith.andi %ge3A, %lt3A : i1
        %get3A_181 = arith.index_cast %add3A_178 : i32 to index
        %get3A_182 = tpu.vector_load %arg13[%get3A_181] {strides = array<i32>} : memref<144xi32, #tpu.memory_space<vmem>>, vector<16xi32>,
        %get3A_183 = vector.shape_cast %get3A_182 : vector<16xi32> to vector<16xi32>
        %slice3A_184 = vector.extract_strided_slice %get3A_183 {offsets = [0], sizes = [1], strides = [1]} : vector<16xi32> to vector<1xi32>
        %squeeze3A_185 = vector.extract %slice3A_184[0] : i32 from vector<1xi32>
        %sub3A_186 = arith.subi %squeeze3A_185, %mul3A_17 : i32
        %jit3A_187 = arith.constant 320 : i32
        %select_n3A_188 = arith.select %and3A_180, %sub3A_186, %jit3A_187 : i32
        %get3A_189 = arith.index_cast %add3A_178 : i32 to index
        %get3A_190 = tpu.vector_load %arg14[%get3A_189] {strides = array<i32>} : memref<144xf32, #tpu.memory_space<vmem>>, vector<16xf32>,
        %get3A_191 = vector.shape_cast %get3A_190 : vector<16xf32> to vector<16xf32>
        %slice3A_192 = vector.extract_strided_slice %get3A_191 {offsets = [0], sizes = [1], strides = [1]} : vector<16xf32> to vector<1xf32>
        %squeeze3A_193 = vector.extract %slice3A_192[0] : f32 from vector<1xf32>
        %get3A_194 = arith.index_cast %add3A_178 : i32 to index
        %get3A_195 = arith.constant 0 : index
        %get3A_196 = tpu.vector_load %arg15[%get3A_194, %get3A_195] {strides = array<i32>} : memref<128x128xf32, #tpu.memory_space<vmem>>, vector<1x16xf32>,
        %get3A_197 = vector.shape_cast %get3A_196 : vector<1x16xf32> to vector<16xf32>
        %get3A_198 = arith.index_cast %select_n3A_188 : i32 to index
        %get3A_199 = arith.constant 0 : index
        %get3A_200 = tpu.vector_load %arg16[%get3A_198, %get3A_199] {strides = array<i32>} : memref<328x64xf32, #tpu.memory_space<vmem>>, vector<1x16xf32>,
        %get3A_201 = vector.shape_cast %get3A_200 : vector<1x16xf32> to vector<16xf32>
        %add3A_202 = arith.addf %get3A_197, %get3A_201 : vector<16xf32>
        %mul3A_203 = vector.broadcast %squeeze3A_193 : f32 to vector<16xf32>
        %mul3A_204 = arith.mulf %mul3A_203, %get3A_2 : vector<16xf32>
        %add3A_205 = arith.addf %add3A_202, %mul3A_204 : vector<16xf32>
        %max3A = arith.constant 0.000000e+00 : f32
        %max3A_206 = vector.broadcast %max3A : f32 to vector<16xf32>
        %max3A_207 = arith.maximumf %add3A_205, %max3A_206 : vector<16xf32>
        %swap3A = arith.index_cast %select_n3A_188 : i32 to index
        %swap3A_208 = arith.constant 0 : index
        %swap3A_209 = tpu.vector_load %arg17[%swap3A, %swap3A_208] {strides = array<i32>} : memref<328x64xf32, #tpu.memory_space<vmem>>, vector<1x16xf32>,
        %swap3A_210 = vector.shape_cast %swap3A_209 : vector<1x16xf32> to vector<16xf32>
        %swap3A_211 = vector.shape_cast %max3A_207 : vector<16xf32> to vector<1x16xf32>
        tpu.vector_store %arg17[%swap3A, %swap3A_208], %swap3A_211 {add = true, strides = array<i32>} : memref<328x64xf32, #tpu.memory_space<vmem>>, vector<1x16xf32>,
        %get3A_212 = arith.index_cast %add3A_178 : i32 to index
        %get3A_213 = arith.constant 16 : index
        %get3A_214 = tpu.vector_load %arg15[%get3A_212, %get3A_213] {strides = array<i32>} : memref<128x128xf32, #tpu.memory_space<vmem>>, vector<1x16xf32>,
        %get3A_215 = vector.shape_cast %get3A_214 : vector<1x16xf32> to vector<16xf32>
        %get3A_216 = arith.index_cast %select_n3A_188 : i32 to index
        %get3A_217 = arith.constant 16 : index
        %get3A_218 = tpu.vector_load %arg16[%get3A_216, %get3A_217] {strides = array<i32>} : memref<328x64xf32, #tpu.memory_space<vmem>>, vector<1x16xf32>,
        %get3A_219 = vector.shape_cast %get3A_218 : vector<1x16xf32> to vector<16xf32>
        %add3A_220 = arith.addf %get3A_215, %get3A_219 : vector<16xf32>
        %mul3A_221 = vector.broadcast %squeeze3A_193 : f32 to vector<16xf32>
        %mul3A_222 = arith.mulf %mul3A_221, %get3A_5 : vector<16xf32>
        %add3A_223 = arith.addf %add3A_220, %mul3A_222 : vector<16xf32>
        %max3A_224 = arith.constant 0.000000e+00 : f32
        %max3A_225 = vector.broadcast %max3A_224 : f32 to vector<16xf32>
        %max3A_226 = arith.maximumf %add3A_223, %max3A_225 : vector<16xf32>
        %swap3A_227 = arith.index_cast %select_n3A_188 : i32 to index
        %swap3A_228 = arith.constant 16 : index
        %swap3A_229 = tpu.vector_load %arg17[%swap3A_227, %swap3A_228] {strides = array<i32>} : memref<328x64xf32, #tpu.memory_space<vmem>>, vector<1x16xf32>,
        %swap3A_230 = vector.shape_cast %swap3A_229 : vector<1x16xf32> to vector<16xf32>
        %swap3A_231 = vector.shape_cast %max3A_226 : vector<16xf32> to vector<1x16xf32>
        tpu.vector_store %arg17[%swap3A_227, %swap3A_228], %swap3A_231 {add = true, strides = array<i32>} : memref<328x64xf32, #tpu.memory_space<vmem>>, vector<1x16xf32>,
        %get3A_232 = arith.index_cast %add3A_178 : i32 to index
        %get3A_233 = arith.constant 32 : index
        %get3A_234 = tpu.vector_load %arg15[%get3A_232, %get3A_233] {strides = array<i32>} : memref<128x128xf32, #tpu.memory_space<vmem>>, vector<1x16xf32>,
        %get3A_235 = vector.shape_cast %get3A_234 : vector<1x16xf32> to vector<16xf32>
        %get3A_236 = arith.index_cast %select_n3A_188 : i32 to index
        %get3A_237 = arith.constant 32 : index
        %get3A_238 = tpu.vector_load %arg16[%get3A_236, %get3A_237] {strides = array<i32>} : memref<328x64xf32, #tpu.memory_space<vmem>>, vector<1x16xf32>,
        %get3A_239 = vector.shape_cast %get3A_238 : vector<1x16xf32> to vector<16xf32>
        %add3A_240 = arith.addf %get3A_235, %get3A_239 : vector<16xf32>
        %mul3A_241 = vector.broadcast %squeeze3A_193 : f32 to vector<16xf32>
        %mul3A_242 = arith.mulf %mul3A_241, %get3A_8 : vector<16xf32>
        %add3A_243 = arith.addf %add3A_240, %mul3A_242 : vector<16xf32>
        %max3A_244 = arith.constant 0.000000e+00 : f32
        %max3A_245 = vector.broadcast %max3A_244 : f32 to vector<16xf32>
        %max3A_246 = arith.maximumf %add3A_243, %max3A_245 : vector<16xf32>
        %swap3A_247 = arith.index_cast %select_n3A_188 : i32 to index
        %swap3A_248 = arith.constant 32 : index
        %swap3A_249 = tpu.vector_load %arg17[%swap3A_247, %swap3A_248] {strides = array<i32>} : memref<328x64xf32, #tpu.memory_space<vmem>>, vector<1x16xf32>,
        %swap3A_250 = vector.shape_cast %swap3A_249 : vector<1x16xf32> to vector<16xf32>
        %swap3A_251 = vector.shape_cast %max3A_246 : vector<16xf32> to vector<1x16xf32>
        tpu.vector_store %arg17[%swap3A_247, %swap3A_248], %swap3A_251 {add = true, strides = array<i32>} : memref<328x64xf32, #tpu.memory_space<vmem>>, vector<1x16xf32>,
        %get3A_252 = arith.index_cast %add3A_178 : i32 to index
        %get3A_253 = arith.constant 48 : index
        %get3A_254 = tpu.vector_load %arg15[%get3A_252, %get3A_253] {strides = array<i32>} : memref<128x128xf32, #tpu.memory_space<vmem>>, vector<1x16xf32>,
        %get3A_255 = vector.shape_cast %get3A_254 : vector<1x16xf32> to vector<16xf32>
        %get3A_256 = arith.index_cast %select_n3A_188 : i32 to index
        %get3A_257 = arith.constant 48 : index
        %get3A_258 = tpu.vector_load %arg16[%get3A_256, %get3A_257] {strides = array<i32>} : memref<328x64xf32, #tpu.memory_space<vmem>>, vector<1x16xf32>,
        %get3A_259 = vector.shape_cast %get3A_258 : vector<1x16xf32> to vector<16xf32>
        %add3A_260 = arith.addf %get3A_255, %get3A_259 : vector<16xf32>
        %mul3A_261 = vector.broadcast %squeeze3A_193 : f32 to vector<16xf32>
        %mul3A_262 = arith.mulf %mul3A_261, %get3A_11 : vector<16xf32>
        %add3A_263 = arith.addf %add3A_260, %mul3A_262 : vector<16xf32>
        %max3A_264 = arith.constant 0.000000e+00 : f32
        %max3A_265 = vector.broadcast %max3A_264 : f32 to vector<16xf32>
        %max3A_266 = arith.maximumf %add3A_263, %max3A_265 : vector<16xf32>
        %swap3A_267 = arith.index_cast %select_n3A_188 : i32 to index
        %swap3A_268 = arith.constant 48 : index
        %swap3A_269 = tpu.vector_load %arg17[%swap3A_267, %swap3A_268] {strides = array<i32>} : memref<328x64xf32, #tpu.memory_space<vmem>>, vector<1x16xf32>,
        %swap3A_270 = vector.shape_cast %swap3A_269 : vector<1x16xf32> to vector<16xf32>
        %swap3A_271 = vector.shape_cast %max3A_266 : vector<16xf32> to vector<1x16xf32>
        tpu.vector_store %arg17[%swap3A_267, %swap3A_268], %swap3A_271 {add = true, strides = array<i32>} : memref<328x64xf32, #tpu.memory_space<vmem>>, vector<1x16xf32>,
        %mul3A_272 = arith.constant 2 : i32
        %mul3A_273 = arith.muli %scan3A_173, %mul3A_272 : i32
        %add3A_274 = arith.constant 1 : i32
        %add3A_275 = arith.addi %mul3A_273, %add3A_274 : i32
        %add3A_276 = arith.addi %add3A_161, %add3A_275 : i32
        %ge3A_277 = arith.cmpi sge, %add3A_276, %squeeze3A : i32
        %lt3A_278 = arith.cmpi slt, %add3A_276, %squeeze3A_22 : i32
        %and3A_279 = arith.andi %ge3A_277, %lt3A_278 : i1
        %get3A_280 = arith.index_cast %add3A_275 : i32 to index
        %get3A_281 = tpu.vector_load %arg13[%get3A_280] {strides = array<i32>} : memref<144xi32, #tpu.memory_space<vmem>>, vector<16xi32>,
        %get3A_282 = vector.shape_cast %get3A_281 : vector<16xi32> to vector<16xi32>
        %slice3A_283 = vector.extract_strided_slice %get3A_282 {offsets = [0], sizes = [1], strides = [1]} : vector<16xi32> to vector<1xi32>
        %squeeze3A_284 = vector.extract %slice3A_283[0] : i32 from vector<1xi32>
        %sub3A_285 = arith.subi %squeeze3A_284, %mul3A_17 : i32
        %jit3A_286 = arith.constant 320 : i32
        %select_n3A_287 = arith.select %and3A_279, %sub3A_285, %jit3A_286 : i32
        %get3A_288 = arith.index_cast %add3A_275 : i32 to index
        %get3A_289 = tpu.vector_load %arg14[%get3A_288] {strides = array<i32>} : memref<144xf32, #tpu.memory_space<vmem>>, vector<16xf32>,
        %get3A_290 = vector.shape_cast %get3A_289 : vector<16xf32> to vector<16xf32>
        %slice3A_291 = vector.extract_strided_slice %get3A_290 {offsets = [0], sizes = [1], strides = [1]} : vector<16xf32> to vector<1xf32>
        %squeeze3A_292 = vector.extract %slice3A_291[0] : f32 from vector<1xf32>
        %get3A_293 = arith.index_cast %add3A_275 : i32 to index
        %get3A_294 = arith.constant 0 : index
        %get3A_295 = tpu.vector_load %arg15[%get3A_293, %get3A_294] {strides = array<i32>} : memref<128x128xf32, #tpu.memory_space<vmem>>, vector<1x16xf32>,
        %get3A_296 = vector.shape_cast %get3A_295 : vector<1x16xf32> to vector<16xf32>
        %get3A_297 = arith.index_cast %select_n3A_287 : i32 to index
        %get3A_298 = arith.constant 0 : index
        %get3A_299 = tpu.vector_load %arg16[%get3A_297, %get3A_298] {strides = array<i32>} : memref<328x64xf32, #tpu.memory_space<vmem>>, vector<1x16xf32>,
        %get3A_300 = vector.shape_cast %get3A_299 : vector<1x16xf32> to vector<16xf32>
        %add3A_301 = arith.addf %get3A_296, %get3A_300 : vector<16xf32>
        %mul3A_302 = vector.broadcast %squeeze3A_292 : f32 to vector<16xf32>
        %mul3A_303 = arith.mulf %mul3A_302, %get3A_2 : vector<16xf32>
        %add3A_304 = arith.addf %add3A_301, %mul3A_303 : vector<16xf32>
        %max3A_305 = arith.constant 0.000000e+00 : f32
        %max3A_306 = vector.broadcast %max3A_305 : f32 to vector<16xf32>
        %max3A_307 = arith.maximumf %add3A_304, %max3A_306 : vector<16xf32>
        %swap3A_308 = arith.index_cast %select_n3A_287 : i32 to index
        %swap3A_309 = arith.constant 0 : index
        %swap3A_310 = tpu.vector_load %arg17[%swap3A_308, %swap3A_309] {strides = array<i32>} : memref<328x64xf32, #tpu.memory_space<vmem>>, vector<1x16xf32>,
        %swap3A_311 = vector.shape_cast %swap3A_310 : vector<1x16xf32> to vector<16xf32>
        %swap3A_312 = vector.shape_cast %max3A_307 : vector<16xf32> to vector<1x16xf32>
        tpu.vector_store %arg17[%swap3A_308, %swap3A_309], %swap3A_312 {add = true, strides = array<i32>} : memref<328x64xf32, #tpu.memory_space<vmem>>, vector<1x16xf32>,
        %get3A_313 = arith.index_cast %add3A_275 : i32 to index
        %get3A_314 = arith.constant 16 : index
        %get3A_315 = tpu.vector_load %arg15[%get3A_313, %get3A_314] {strides = array<i32>} : memref<128x128xf32, #tpu.memory_space<vmem>>, vector<1x16xf32>,
        %get3A_316 = vector.shape_cast %get3A_315 : vector<1x16xf32> to vector<16xf32>
        %get3A_317 = arith.index_cast %select_n3A_287 : i32 to index
        %get3A_318 = arith.constant 16 : index
        %get3A_319 = tpu.vector_load %arg16[%get3A_317, %get3A_318] {strides = array<i32>} : memref<328x64xf32, #tpu.memory_space<vmem>>, vector<1x16xf32>,
        %get3A_320 = vector.shape_cast %get3A_319 : vector<1x16xf32> to vector<16xf32>
        %add3A_321 = arith.addf %get3A_316, %get3A_320 : vector<16xf32>
        %mul3A_322 = vector.broadcast %squeeze3A_292 : f32 to vector<16xf32>
        %mul3A_323 = arith.mulf %mul3A_322, %get3A_5 : vector<16xf32>
        %add3A_324 = arith.addf %add3A_321, %mul3A_323 : vector<16xf32>
        %max3A_325 = arith.constant 0.000000e+00 : f32
        %max3A_326 = vector.broadcast %max3A_325 : f32 to vector<16xf32>
        %max3A_327 = arith.maximumf %add3A_324, %max3A_326 : vector<16xf32>
        %swap3A_328 = arith.index_cast %select_n3A_287 : i32 to index
        %swap3A_329 = arith.constant 16 : index
        %swap3A_330 = tpu.vector_load %arg17[%swap3A_328, %swap3A_329] {strides = array<i32>} : memref<328x64xf32, #tpu.memory_space<vmem>>, vector<1x16xf32>,
        %swap3A_331 = vector.shape_cast %swap3A_330 : vector<1x16xf32> to vector<16xf32>
        %swap3A_332 = vector.shape_cast %max3A_327 : vector<16xf32> to vector<1x16xf32>
        tpu.vector_store %arg17[%swap3A_328, %swap3A_329], %swap3A_332 {add = true, strides = array<i32>} : memref<328x64xf32, #tpu.memory_space<vmem>>, vector<1x16xf32>,
        %get3A_333 = arith.index_cast %add3A_275 : i32 to index
        %get3A_334 = arith.constant 32 : index
        %get3A_335 = tpu.vector_load %arg15[%get3A_333, %get3A_334] {strides = array<i32>} : memref<128x128xf32, #tpu.memory_space<vmem>>, vector<1x16xf32>,
        %get3A_336 = vector.shape_cast %get3A_335 : vector<1x16xf32> to vector<16xf32>
        %get3A_337 = arith.index_cast %select_n3A_287 : i32 to index
        %get3A_338 = arith.constant 32 : index
        %get3A_339 = tpu.vector_load %arg16[%get3A_337, %get3A_338] {strides = array<i32>} : memref<328x64xf32, #tpu.memory_space<vmem>>, vector<1x16xf32>,
        %get3A_340 = vector.shape_cast %get3A_339 : vector<1x16xf32> to vector<16xf32>
        %add3A_341 = arith.addf %get3A_336, %get3A_340 : vector<16xf32>
        %mul3A_342 = vector.broadcast %squeeze3A_292 : f32 to vector<16xf32>
        %mul3A_343 = arith.mulf %mul3A_342, %get3A_8 : vector<16xf32>
        %add3A_344 = arith.addf %add3A_341, %mul3A_343 : vector<16xf32>
        %max3A_345 = arith.constant 0.000000e+00 : f32
        %max3A_346 = vector.broadcast %max3A_345 : f32 to vector<16xf32>
        %max3A_347 = arith.maximumf %add3A_344, %max3A_346 : vector<16xf32>
        %swap3A_348 = arith.index_cast %select_n3A_287 : i32 to index
        %swap3A_349 = arith.constant 32 : index
        %swap3A_350 = tpu.vector_load %arg17[%swap3A_348, %swap3A_349] {strides = array<i32>} : memref<328x64xf32, #tpu.memory_space<vmem>>, vector<1x16xf32>,
        %swap3A_351 = vector.shape_cast %swap3A_350 : vector<1x16xf32> to vector<16xf32>
        %swap3A_352 = vector.shape_cast %max3A_347 : vector<16xf32> to vector<1x16xf32>
        tpu.vector_store %arg17[%swap3A_348, %swap3A_349], %swap3A_352 {add = true, strides = array<i32>} : memref<328x64xf32, #tpu.memory_space<vmem>>, vector<1x16xf32>,
        %get3A_353 = arith.index_cast %add3A_275 : i32 to index
        %get3A_354 = arith.constant 48 : index
        %get3A_355 = tpu.vector_load %arg15[%get3A_353, %get3A_354] {strides = array<i32>} : memref<128x128xf32, #tpu.memory_space<vmem>>, vector<1x16xf32>,
        %get3A_356 = vector.shape_cast %get3A_355 : vector<1x16xf32> to vector<16xf32>
        %get3A_357 = arith.index_cast %select_n3A_287 : i32 to index
        %get3A_358 = arith.constant 48 : index
        %get3A_359 = tpu.vector_load %arg16[%get3A_357, %get3A_358] {strides = array<i32>} : memref<328x64xf32, #tpu.memory_space<vmem>>, vector<1x16xf32>,
        %get3A_360 = vector.shape_cast %get3A_359 : vector<1x16xf32> to vector<16xf32>
        %add3A_361 = arith.addf %get3A_356, %get3A_360 : vector<16xf32>
        %mul3A_362 = vector.broadcast %squeeze3A_292 : f32 to vector<16xf32>
        %mul3A_363 = arith.mulf %mul3A_362, %get3A_11 : vector<16xf32>
        %add3A_364 = arith.addf %add3A_361, %mul3A_363 : vector<16xf32>
        %max3A_365 = arith.constant 0.000000e+00 : f32
        %max3A_366 = vector.broadcast %max3A_365 : f32 to vector<16xf32>
        %max3A_367 = arith.maximumf %add3A_364, %max3A_366 : vector<16xf32>
        %swap3A_368 = arith.index_cast %select_n3A_287 : i32 to index
        %swap3A_369 = arith.constant 48 : index
        %swap3A_370 = tpu.vector_load %arg17[%swap3A_368, %swap3A_369] {strides = array<i32>} : memref<328x64xf32, #tpu.memory_space<vmem>>, vector<1x16xf32>,
        %swap3A_371 = vector.shape_cast %swap3A_370 : vector<1x16xf32> to vector<16xf32>
        %swap3A_372 = vector.shape_cast %max3A_367 : vector<16xf32> to vector<1x16xf32>
        tpu.vector_store %arg17[%swap3A_368, %swap3A_369], %swap3A_372 {add = true, strides = array<i32>} : memref<328x64xf32, #tpu.memory_space<vmem>>, vector<1x16xf32>,
        %scan3A_373 = arith.constant 0 : i32
        scf.yield %scan3A_373 : i32
      }
      %scan3A_171 = arith.constant 64 : i32
      %while3A_172 = arith.constant 0 : i32
      scf.yield %while3A_172 : i32
    }
    %while3A_77 = arith.constant 1 : i32
    %while3A_78 = scf.for %while3A_157 = %while3A_74 to %while3A_70 step %while3A_77 iter_args(%while3A_158 = %while3A_76) -> (i32)  : i32 {
      %mul3A_159 = arith.constant 128 : i32
      %mul3A_160 = arith.muli %while3A_157, %mul3A_159 : i32
      %add3A_161 = arith.addi %mul3A_40, %mul3A_160 : i32
      "tpu.region"() ({
        %run_scoped3A = tpu.sem_alloc : memref<!tpu.dma_semaphore, #tpu.memory_space<semaphore_mem>>
        %dma_start3A_173 = tpu.memref_slice %arg4[%add3A_161] : memref<44288xi32, #tpu.memory_space<hbm>> -> memref<128xi32, #tpu.memory_space<hbm>>
        %dma_start3A_174 = tpu.memref_slice %arg4[%add3A_161] : memref<44288xi32, #tpu.memory_space<hbm>> -> memref<128xi32, #tpu.memory_space<hbm>>
        tpu.enqueue_dma source(%dma_start3A_174 : memref<128xi32, #tpu.memory_space<hbm>>) target(%arg12 : memref<128xi32, #tpu.memory_space<vmem>>) target_semaphore(%run_scoped3A : memref<!tpu.dma_semaphore, #tpu.memory_space<semaphore_mem>>)
        %dma_wait3A_175 = tpu.memref_slice %arg4[%add3A_161] : memref<44288xi32, #tpu.memory_space<hbm>> -> memref<128xi32, #tpu.memory_space<hbm>>
        %dma_wait3A_176 = tpu.memref_slice %arg4[%add3A_161] : memref<44288xi32, #tpu.memory_space<hbm>> -> memref<128xi32, #tpu.memory_space<hbm>>
        tpu.wait_dma2 semaphore(%run_scoped3A : memref<!tpu.dma_semaphore, #tpu.memory_space<semaphore_mem>>) src(%dma_wait3A_176 : memref<128xi32, #tpu.memory_space<hbm>>) dst(%arg12 : memref<128xi32, #tpu.memory_space<vmem>>)
        tpu.yield
      }) : () -> ()
      "tpu.region"() ({
        %run_scoped3A = tpu.sem_alloc : memref<!tpu.dma_semaphore, #tpu.memory_space<semaphore_mem>>
        %dma_start3A_173 = arith.constant 0 : i32
        %dma_start3A_174 = tpu.memref_slice %arg13[%dma_start3A_173] : memref<144xi32, #tpu.memory_space<vmem>> -> memref<128xi32, #tpu.memory_space<vmem>>
        %dma_start3A_175 = tpu.memref_slice %arg5[%add3A_161] : memref<44288xi32, #tpu.memory_space<hbm>> -> memref<128xi32, #tpu.memory_space<hbm>>
        %dma_start3A_176 = arith.constant 0 : i32
        %dma_start3A_177 = tpu.memref_slice %arg13[%dma_start3A_176] : memref<144xi32, #tpu.memory_space<vmem>> -> memref<128xi32, #tpu.memory_space<vmem>>
        %dma_start3A_178 = tpu.memref_slice %arg5[%add3A_161] : memref<44288xi32, #tpu.memory_space<hbm>> -> memref<128xi32, #tpu.memory_space<hbm>>
        tpu.enqueue_dma source(%dma_start3A_178 : memref<128xi32, #tpu.memory_space<hbm>>) target(%dma_start3A_177 : memref<128xi32, #tpu.memory_space<vmem>>) target_semaphore(%run_scoped3A : memref<!tpu.dma_semaphore, #tpu.memory_space<semaphore_mem>>)
        %dma_wait3A_179 = arith.constant 0 : i32
        %dma_wait3A_180 = tpu.memref_slice %arg13[%dma_wait3A_179] : memref<144xi32, #tpu.memory_space<vmem>> -> memref<128xi32, #tpu.memory_space<vmem>>
        %dma_wait3A_181 = tpu.memref_slice %arg5[%add3A_161] : memref<44288xi32, #tpu.memory_space<hbm>> -> memref<128xi32, #tpu.memory_space<hbm>>
        %dma_wait3A_182 = arith.constant 0 : i32
        %dma_wait3A_183 = tpu.memref_slice %arg13[%dma_wait3A_182] : memref<144xi32, #tpu.memory_space<vmem>> -> memref<128xi32, #tpu.memory_space<vmem>>
        %dma_wait3A_184 = tpu.memref_slice %arg5[%add3A_161] : memref<44288xi32, #tpu.memory_space<hbm>> -> memref<128xi32, #tpu.memory_space<hbm>>
        tpu.wait_dma2 semaphore(%run_scoped3A : memref<!tpu.dma_semaphore, #tpu.memory_space<semaphore_mem>>) src(%dma_wait3A_184 : memref<128xi32, #tpu.memory_space<hbm>>) dst(%dma_wait3A_183 : memref<128xi32, #tpu.memory_space<vmem>>)
        tpu.yield
      }) : () -> ()
      "tpu.region"() ({
        %run_scoped3A = tpu.sem_alloc : memref<!tpu.dma_semaphore, #tpu.memory_space<semaphore_mem>>
        %dma_start3A_173 = arith.constant 0 : i32
        %dma_start3A_174 = tpu.memref_slice %arg14[%dma_start3A_173] : memref<144xf32, #tpu.memory_space<vmem>> -> memref<128xf32, #tpu.memory_space<vmem>>
        %dma_start3A_175 = tpu.memref_slice %arg6[%add3A_161] : memref<44288xf32, #tpu.memory_space<hbm>> -> memref<128xf32, #tpu.memory_space<hbm>>
        %dma_start3A_176 = arith.constant 0 : i32
        %dma_start3A_177 = tpu.memref_slice %arg14[%dma_start3A_176] : memref<144xf32, #tpu.memory_space<vmem>> -> memref<128xf32, #tpu.memory_space<vmem>>
        %dma_start3A_178 = tpu.memref_slice %arg6[%add3A_161] : memref<44288xf32, #tpu.memory_space<hbm>> -> memref<128xf32, #tpu.memory_space<hbm>>
        tpu.enqueue_dma source(%dma_start3A_178 : memref<128xf32, #tpu.memory_space<hbm>>) target(%dma_start3A_177 : memref<128xf32, #tpu.memory_space<vmem>>) target_semaphore(%run_scoped3A : memref<!tpu.dma_semaphore, #tpu.memory_space<semaphore_mem>>)
        %dma_wait3A_179 = arith.constant 0 : i32
        %dma_wait3A_180 = tpu.memref_slice %arg14[%dma_wait3A_179] : memref<144xf32, #tpu.memory_space<vmem>> -> memref<128xf32, #tpu.memory_space<vmem>>
        %dma_wait3A_181 = tpu.memref_slice %arg6[%add3A_161] : memref<44288xf32, #tpu.memory_space<hbm>> -> memref<128xf32, #tpu.memory_space<hbm>>
        %dma_wait3A_182 = arith.constant 0 : i32
        %dma_wait3A_183 = tpu.memref_slice %arg14[%dma_wait3A_182] : memref<144xf32, #tpu.memory_space<vmem>> -> memref<128xf32, #tpu.memory_space<vmem>>
        %dma_wait3A_184 = tpu.memref_slice %arg6[%add3A_161] : memref<44288xf32, #tpu.memory_space<hbm>> -> memref<128xf32, #tpu.memory_space<hbm>>
        tpu.wait_dma2 semaphore(%run_scoped3A : memref<!tpu.dma_semaphore, #tpu.memory_space<semaphore_mem>>) src(%dma_wait3A_184 : memref<128xf32, #tpu.memory_space<hbm>>) dst(%dma_wait3A_183 : memref<128xf32, #tpu.memory_space<vmem>>)
        tpu.yield
      }) : () -> ()
      %dma_start3A = arith.constant 0 : i32
      %dma_start3A_162 = arith.constant 0 : i32
      %dma_start3A_163 = tpu.memref_slice %arg2[%dma_start3A, %dma_start3A_162] : memref<20480x128xf32, #tpu.memory_space<hbm>> -> memref<20480x128xf32, #tpu.memory_space<hbm>>
      tpu.enqueue_indirect_dma source(%dma_start3A_163 : memref<20480x128xf32, #tpu.memory_space<hbm>>) target(%arg15 : memref<128x128xf32, #tpu.memory_space<vmem>>) offsets(%arg12 : memref<128xi32, #tpu.memory_space<vmem>>) semaphore(%arg19 : memref<!tpu.dma_semaphore, #tpu.memory_space<semaphore_mem>>)
      %dma_wait3A = arith.constant 0 : i32
      %dma_wait3A_164 = arith.constant 0 : i32
      %dma_wait3A_165 = tpu.memref_slice %arg2[%dma_wait3A, %dma_wait3A_164] : memref<20480x128xf32, #tpu.memory_space<hbm>> -> memref<20480x128xf32, #tpu.memory_space<hbm>>
      tpu.wait_indirect_dma semaphore(%arg19 : memref<!tpu.dma_semaphore, #tpu.memory_space<semaphore_mem>>) src(%dma_wait3A_165 : memref<20480x128xf32, #tpu.memory_space<hbm>>) dst(%arg15 : memref<128x128xf32, #tpu.memory_space<vmem>>)
      %scan3A = arith.constant 0 : i32
      %scan3A_166 = arith.constant 0 : i32
      %scan3A_167 = arith.constant 64 : i32
      %scan3A_168 = arith.addi %scan3A_166, %scan3A_167 : i32
      %scan3A_169 = arith.constant 1 : i32
      %scan3A_170 = scf.for %scan3A_173 = %scan3A_166 to %scan3A_168 step %scan3A_169 iter_args(%scan3A_174 = %scan3A) -> (i32)  : i32 {
        %mul3A_175 = arith.constant 2 : i32
        %mul3A_176 = arith.muli %scan3A_173, %mul3A_175 : i32
        %add3A_177 = arith.constant 0 : i32
        %add3A_178 = arith.addi %mul3A_176, %add3A_177 : i32
        %add3A_179 = arith.addi %add3A_161, %add3A_178 : i32
        %ge3A = arith.cmpi sge, %add3A_179, %squeeze3A : i32
        %lt3A = arith.cmpi slt, %add3A_179, %squeeze3A_22 : i32
        %and3A_180 = arith.andi %ge3A, %lt3A : i1
        %get3A_181 = arith.index_cast %add3A_178 : i32 to index
        %get3A_182 = tpu.vector_load %arg13[%get3A_181] {strides = array<i32>} : memref<144xi32, #tpu.memory_space<vmem>>, vector<16xi32>,
        %get3A_183 = vector.shape_cast %get3A_182 : vector<16xi32> to vector<16xi32>
        %slice3A_184 = vector.extract_strided_slice %get3A_183 {offsets = [0], sizes = [1], strides = [1]} : vector<16xi32> to vector<1xi32>
        %squeeze3A_185 = vector.extract %slice3A_184[0] : i32 from vector<1xi32>
        %sub3A_186 = arith.subi %squeeze3A_185, %mul3A_17 : i32
        %jit3A_187 = arith.constant 320 : i32
        %select_n3A_188 = arith.select %and3A_180, %sub3A_186, %jit3A_187 : i32
        %get3A_189 = arith.index_cast %add3A_178 : i32 to index
        %get3A_190 = tpu.vector_load %arg14[%get3A_189] {strides = array<i32>} : memref<144xf32, #tpu.memory_space<vmem>>, vector<16xf32>,
        %get3A_191 = vector.shape_cast %get3A_190 : vector<16xf32> to vector<16xf32>
        %slice3A_192 = vector.extract_strided_slice %get3A_191 {offsets = [0], sizes = [1], strides = [1]} : vector<16xf32> to vector<1xf32>
        %squeeze3A_193 = vector.extract %slice3A_192[0] : f32 from vector<1xf32>
        %get3A_194 = arith.index_cast %add3A_178 : i32 to index
        %get3A_195 = arith.constant 0 : index
        %get3A_196 = tpu.vector_load %arg15[%get3A_194, %get3A_195] {strides = array<i32>} : memref<128x128xf32, #tpu.memory_space<vmem>>, vector<1x16xf32>,
        %get3A_197 = vector.shape_cast %get3A_196 : vector<1x16xf32> to vector<16xf32>
        %get3A_198 = arith.index_cast %select_n3A_188 : i32 to index
        %get3A_199 = arith.constant 0 : index
        %get3A_200 = tpu.vector_load %arg16[%get3A_198, %get3A_199] {strides = array<i32>} : memref<328x64xf32, #tpu.memory_space<vmem>>, vector<1x16xf32>,
        %get3A_201 = vector.shape_cast %get3A_200 : vector<1x16xf32> to vector<16xf32>
        %add3A_202 = arith.addf %get3A_197, %get3A_201 : vector<16xf32>
        %mul3A_203 = vector.broadcast %squeeze3A_193 : f32 to vector<16xf32>
        %mul3A_204 = arith.mulf %mul3A_203, %get3A_2 : vector<16xf32>
        %add3A_205 = arith.addf %add3A_202, %mul3A_204 : vector<16xf32>
        %max3A = arith.constant 0.000000e+00 : f32
        %max3A_206 = vector.broadcast %max3A : f32 to vector<16xf32>
        %max3A_207 = arith.maximumf %add3A_205, %max3A_206 : vector<16xf32>
        %swap3A = arith.index_cast %select_n3A_188 : i32 to index
        %swap3A_208 = arith.constant 0 : index
        %swap3A_209 = tpu.vector_load %arg17[%swap3A, %swap3A_208] {strides = array<i32>} : memref<328x64xf32, #tpu.memory_space<vmem>>, vector<1x16xf32>,
        %swap3A_210 = vector.shape_cast %swap3A_209 : vector<1x16xf32> to vector<16xf32>
        %swap3A_211 = vector.shape_cast %max3A_207 : vector<16xf32> to vector<1x16xf32>
        tpu.vector_store %arg17[%swap3A, %swap3A_208], %swap3A_211 {add = true, strides = array<i32>} : memref<328x64xf32, #tpu.memory_space<vmem>>, vector<1x16xf32>,
        %get3A_212 = arith.index_cast %add3A_178 : i32 to index
        %get3A_213 = arith.constant 16 : index
        %get3A_214 = tpu.vector_load %arg15[%get3A_212, %get3A_213] {strides = array<i32>} : memref<128x128xf32, #tpu.memory_space<vmem>>, vector<1x16xf32>,
        %get3A_215 = vector.shape_cast %get3A_214 : vector<1x16xf32> to vector<16xf32>
        %get3A_216 = arith.index_cast %select_n3A_188 : i32 to index
        %get3A_217 = arith.constant 16 : index
        %get3A_218 = tpu.vector_load %arg16[%get3A_216, %get3A_217] {strides = array<i32>} : memref<328x64xf32, #tpu.memory_space<vmem>>, vector<1x16xf32>,
        %get3A_219 = vector.shape_cast %get3A_218 : vector<1x16xf32> to vector<16xf32>
        %add3A_220 = arith.addf %get3A_215, %get3A_219 : vector<16xf32>
        %mul3A_221 = vector.broadcast %squeeze3A_193 : f32 to vector<16xf32>
        %mul3A_222 = arith.mulf %mul3A_221, %get3A_5 : vector<16xf32>
        %add3A_223 = arith.addf %add3A_220, %mul3A_222 : vector<16xf32>
        %max3A_224 = arith.constant 0.000000e+00 : f32
        %max3A_225 = vector.broadcast %max3A_224 : f32 to vector<16xf32>
        %max3A_226 = arith.maximumf %add3A_223, %max3A_225 : vector<16xf32>
        %swap3A_227 = arith.index_cast %select_n3A_188 : i32 to index
        %swap3A_228 = arith.constant 16 : index
        %swap3A_229 = tpu.vector_load %arg17[%swap3A_227, %swap3A_228] {strides = array<i32>} : memref<328x64xf32, #tpu.memory_space<vmem>>, vector<1x16xf32>,
        %swap3A_230 = vector.shape_cast %swap3A_229 : vector<1x16xf32> to vector<16xf32>
        %swap3A_231 = vector.shape_cast %max3A_226 : vector<16xf32> to vector<1x16xf32>
        tpu.vector_store %arg17[%swap3A_227, %swap3A_228], %swap3A_231 {add = true, strides = array<i32>} : memref<328x64xf32, #tpu.memory_space<vmem>>, vector<1x16xf32>,
        %get3A_232 = arith.index_cast %add3A_178 : i32 to index
        %get3A_233 = arith.constant 32 : index
        %get3A_234 = tpu.vector_load %arg15[%get3A_232, %get3A_233] {strides = array<i32>} : memref<128x128xf32, #tpu.memory_space<vmem>>, vector<1x16xf32>,
        %get3A_235 = vector.shape_cast %get3A_234 : vector<1x16xf32> to vector<16xf32>
        %get3A_236 = arith.index_cast %select_n3A_188 : i32 to index
        %get3A_237 = arith.constant 32 : index
        %get3A_238 = tpu.vector_load %arg16[%get3A_236, %get3A_237] {strides = array<i32>} : memref<328x64xf32, #tpu.memory_space<vmem>>, vector<1x16xf32>,
        %get3A_239 = vector.shape_cast %get3A_238 : vector<1x16xf32> to vector<16xf32>
        %add3A_240 = arith.addf %get3A_235, %get3A_239 : vector<16xf32>
        %mul3A_241 = vector.broadcast %squeeze3A_193 : f32 to vector<16xf32>
        %mul3A_242 = arith.mulf %mul3A_241, %get3A_8 : vector<16xf32>
        %add3A_243 = arith.addf %add3A_240, %mul3A_242 : vector<16xf32>
        %max3A_244 = arith.constant 0.000000e+00 : f32
        %max3A_245 = vector.broadcast %max3A_244 : f32 to vector<16xf32>
        %max3A_246 = arith.maximumf %add3A_243, %max3A_245 : vector<16xf32>
        %swap3A_247 = arith.index_cast %select_n3A_188 : i32 to index
        %swap3A_248 = arith.constant 32 : index
        %swap3A_249 = tpu.vector_load %arg17[%swap3A_247, %swap3A_248] {strides = array<i32>} : memref<328x64xf32, #tpu.memory_space<vmem>>, vector<1x16xf32>,
        %swap3A_250 = vector.shape_cast %swap3A_249 : vector<1x16xf32> to vector<16xf32>
        %swap3A_251 = vector.shape_cast %max3A_246 : vector<16xf32> to vector<1x16xf32>
        tpu.vector_store %arg17[%swap3A_247, %swap3A_248], %swap3A_251 {add = true, strides = array<i32>} : memref<328x64xf32, #tpu.memory_space<vmem>>, vector<1x16xf32>,
        %get3A_252 = arith.index_cast %add3A_178 : i32 to index
        %get3A_253 = arith.constant 48 : index
        %get3A_254 = tpu.vector_load %arg15[%get3A_252, %get3A_253] {strides = array<i32>} : memref<128x128xf32, #tpu.memory_space<vmem>>, vector<1x16xf32>,
        %get3A_255 = vector.shape_cast %get3A_254 : vector<1x16xf32> to vector<16xf32>
        %get3A_256 = arith.index_cast %select_n3A_188 : i32 to index
        %get3A_257 = arith.constant 48 : index
        %get3A_258 = tpu.vector_load %arg16[%get3A_256, %get3A_257] {strides = array<i32>} : memref<328x64xf32, #tpu.memory_space<vmem>>, vector<1x16xf32>,
        %get3A_259 = vector.shape_cast %get3A_258 : vector<1x16xf32> to vector<16xf32>
        %add3A_260 = arith.addf %get3A_255, %get3A_259 : vector<16xf32>
        %mul3A_261 = vector.broadcast %squeeze3A_193 : f32 to vector<16xf32>
        %mul3A_262 = arith.mulf %mul3A_261, %get3A_11 : vector<16xf32>
        %add3A_263 = arith.addf %add3A_260, %mul3A_262 : vector<16xf32>
        %max3A_264 = arith.constant 0.000000e+00 : f32
        %max3A_265 = vector.broadcast %max3A_264 : f32 to vector<16xf32>
        %max3A_266 = arith.maximumf %add3A_263, %max3A_265 : vector<16xf32>
        %swap3A_267 = arith.index_cast %select_n3A_188 : i32 to index
        %swap3A_268 = arith.constant 48 : index
        %swap3A_269 = tpu.vector_load %arg17[%swap3A_267, %swap3A_268] {strides = array<i32>} : memref<328x64xf32, #tpu.memory_space<vmem>>, vector<1x16xf32>,
        %swap3A_270 = vector.shape_cast %swap3A_269 : vector<1x16xf32> to vector<16xf32>
        %swap3A_271 = vector.shape_cast %max3A_266 : vector<16xf32> to vector<1x16xf32>
        tpu.vector_store %arg17[%swap3A_267, %swap3A_268], %swap3A_271 {add = true, strides = array<i32>} : memref<328x64xf32, #tpu.memory_space<vmem>>, vector<1x16xf32>,
        %mul3A_272 = arith.constant 2 : i32
        %mul3A_273 = arith.muli %scan3A_173, %mul3A_272 : i32
        %add3A_274 = arith.constant 1 : i32
        %add3A_275 = arith.addi %mul3A_273, %add3A_274 : i32
        %add3A_276 = arith.addi %add3A_161, %add3A_275 : i32
        %ge3A_277 = arith.cmpi sge, %add3A_276, %squeeze3A : i32
        %lt3A_278 = arith.cmpi slt, %add3A_276, %squeeze3A_22 : i32
        %and3A_279 = arith.andi %ge3A_277, %lt3A_278 : i1
        %get3A_280 = arith.index_cast %add3A_275 : i32 to index
        %get3A_281 = tpu.vector_load %arg13[%get3A_280] {strides = array<i32>} : memref<144xi32, #tpu.memory_space<vmem>>, vector<16xi32>,
        %get3A_282 = vector.shape_cast %get3A_281 : vector<16xi32> to vector<16xi32>
        %slice3A_283 = vector.extract_strided_slice %get3A_282 {offsets = [0], sizes = [1], strides = [1]} : vector<16xi32> to vector<1xi32>
        %squeeze3A_284 = vector.extract %slice3A_283[0] : i32 from vector<1xi32>
        %sub3A_285 = arith.subi %squeeze3A_284, %mul3A_17 : i32
        %jit3A_286 = arith.constant 320 : i32
        %select_n3A_287 = arith.select %and3A_279, %sub3A_285, %jit3A_286 : i32
        %get3A_288 = arith.index_cast %add3A_275 : i32 to index
        %get3A_289 = tpu.vector_load %arg14[%get3A_288] {strides = array<i32>} : memref<144xf32, #tpu.memory_space<vmem>>, vector<16xf32>,
        %get3A_290 = vector.shape_cast %get3A_289 : vector<16xf32> to vector<16xf32>
        %slice3A_291 = vector.extract_strided_slice %get3A_290 {offsets = [0], sizes = [1], strides = [1]} : vector<16xf32> to vector<1xf32>
        %squeeze3A_292 = vector.extract %slice3A_291[0] : f32 from vector<1xf32>
        %get3A_293 = arith.index_cast %add3A_275 : i32 to index
        %get3A_294 = arith.constant 0 : index
        %get3A_295 = tpu.vector_load %arg15[%get3A_293, %get3A_294] {strides = array<i32>} : memref<128x128xf32, #tpu.memory_space<vmem>>, vector<1x16xf32>,
        %get3A_296 = vector.shape_cast %get3A_295 : vector<1x16xf32> to vector<16xf32>
        %get3A_297 = arith.index_cast %select_n3A_287 : i32 to index
        %get3A_298 = arith.constant 0 : index
        %get3A_299 = tpu.vector_load %arg16[%get3A_297, %get3A_298] {strides = array<i32>} : memref<328x64xf32, #tpu.memory_space<vmem>>, vector<1x16xf32>,
        %get3A_300 = vector.shape_cast %get3A_299 : vector<1x16xf32> to vector<16xf32>
        %add3A_301 = arith.addf %get3A_296, %get3A_300 : vector<16xf32>
        %mul3A_302 = vector.broadcast %squeeze3A_292 : f32 to vector<16xf32>
        %mul3A_303 = arith.mulf %mul3A_302, %get3A_2 : vector<16xf32>
        %add3A_304 = arith.addf %add3A_301, %mul3A_303 : vector<16xf32>
        %max3A_305 = arith.constant 0.000000e+00 : f32
        %max3A_306 = vector.broadcast %max3A_305 : f32 to vector<16xf32>
        %max3A_307 = arith.maximumf %add3A_304, %max3A_306 : vector<16xf32>
        %swap3A_308 = arith.index_cast %select_n3A_287 : i32 to index
        %swap3A_309 = arith.constant 0 : index
        %swap3A_310 = tpu.vector_load %arg17[%swap3A_308, %swap3A_309] {strides = array<i32>} : memref<328x64xf32, #tpu.memory_space<vmem>>, vector<1x16xf32>,
        %swap3A_311 = vector.shape_cast %swap3A_310 : vector<1x16xf32> to vector<16xf32>
        %swap3A_312 = vector.shape_cast %max3A_307 : vector<16xf32> to vector<1x16xf32>
        tpu.vector_store %arg17[%swap3A_308, %swap3A_309], %swap3A_312 {add = true, strides = array<i32>} : memref<328x64xf32, #tpu.memory_space<vmem>>, vector<1x16xf32>,
        %get3A_313 = arith.index_cast %add3A_275 : i32 to index
        %get3A_314 = arith.constant 16 : index
        %get3A_315 = tpu.vector_load %arg15[%get3A_313, %get3A_314] {strides = array<i32>} : memref<128x128xf32, #tpu.memory_space<vmem>>, vector<1x16xf32>,
        %get3A_316 = vector.shape_cast %get3A_315 : vector<1x16xf32> to vector<16xf32>
        %get3A_317 = arith.index_cast %select_n3A_287 : i32 to index
        %get3A_318 = arith.constant 16 : index
        %get3A_319 = tpu.vector_load %arg16[%get3A_317, %get3A_318] {strides = array<i32>} : memref<328x64xf32, #tpu.memory_space<vmem>>, vector<1x16xf32>,
        %get3A_320 = vector.shape_cast %get3A_319 : vector<1x16xf32> to vector<16xf32>
        %add3A_321 = arith.addf %get3A_316, %get3A_320 : vector<16xf32>
        %mul3A_322 = vector.broadcast %squeeze3A_292 : f32 to vector<16xf32>
        %mul3A_323 = arith.mulf %mul3A_322, %get3A_5 : vector<16xf32>
        %add3A_324 = arith.addf %add3A_321, %mul3A_323 : vector<16xf32>
        %max3A_325 = arith.constant 0.000000e+00 : f32
        %max3A_326 = vector.broadcast %max3A_325 : f32 to vector<16xf32>
        %max3A_327 = arith.maximumf %add3A_324, %max3A_326 : vector<16xf32>
        %swap3A_328 = arith.index_cast %select_n3A_287 : i32 to index
        %swap3A_329 = arith.constant 16 : index
        %swap3A_330 = tpu.vector_load %arg17[%swap3A_328, %swap3A_329] {strides = array<i32>} : memref<328x64xf32, #tpu.memory_space<vmem>>, vector<1x16xf32>,
        %swap3A_331 = vector.shape_cast %swap3A_330 : vector<1x16xf32> to vector<16xf32>
        %swap3A_332 = vector.shape_cast %max3A_327 : vector<16xf32> to vector<1x16xf32>
        tpu.vector_store %arg17[%swap3A_328, %swap3A_329], %swap3A_332 {add = true, strides = array<i32>} : memref<328x64xf32, #tpu.memory_space<vmem>>, vector<1x16xf32>,
        %get3A_333 = arith.index_cast %add3A_275 : i32 to index
        %get3A_334 = arith.constant 32 : index
        %get3A_335 = tpu.vector_load %arg15[%get3A_333, %get3A_334] {strides = array<i32>} : memref<128x128xf32, #tpu.memory_space<vmem>>, vector<1x16xf32>,
        %get3A_336 = vector.shape_cast %get3A_335 : vector<1x16xf32> to vector<16xf32>
        %get3A_337 = arith.index_cast %select_n3A_287 : i32 to index
        %get3A_338 = arith.constant 32 : index
        %get3A_339 = tpu.vector_load %arg16[%get3A_337, %get3A_338] {strides = array<i32>} : memref<328x64xf32, #tpu.memory_space<vmem>>, vector<1x16xf32>,
        %get3A_340 = vector.shape_cast %get3A_339 : vector<1x16xf32> to vector<16xf32>
        %add3A_341 = arith.addf %get3A_336, %get3A_340 : vector<16xf32>
        %mul3A_342 = vector.broadcast %squeeze3A_292 : f32 to vector<16xf32>
        %mul3A_343 = arith.mulf %mul3A_342, %get3A_8 : vector<16xf32>
        %add3A_344 = arith.addf %add3A_341, %mul3A_343 : vector<16xf32>
        %max3A_345 = arith.constant 0.000000e+00 : f32
        %max3A_346 = vector.broadcast %max3A_345 : f32 to vector<16xf32>
        %max3A_347 = arith.maximumf %add3A_344, %max3A_346 : vector<16xf32>
        %swap3A_348 = arith.index_cast %select_n3A_287 : i32 to index
        %swap3A_349 = arith.constant 32 : index
        %swap3A_350 = tpu.vector_load %arg17[%swap3A_348, %swap3A_349] {strides = array<i32>} : memref<328x64xf32, #tpu.memory_space<vmem>>, vector<1x16xf32>,
        %swap3A_351 = vector.shape_cast %swap3A_350 : vector<1x16xf32> to vector<16xf32>
        %swap3A_352 = vector.shape_cast %max3A_347 : vector<16xf32> to vector<1x16xf32>
        tpu.vector_store %arg17[%swap3A_348, %swap3A_349], %swap3A_352 {add = true, strides = array<i32>} : memref<328x64xf32, #tpu.memory_space<vmem>>, vector<1x16xf32>,
        %get3A_353 = arith.index_cast %add3A_275 : i32 to index
        %get3A_354 = arith.constant 48 : index
        %get3A_355 = tpu.vector_load %arg15[%get3A_353, %get3A_354] {strides = array<i32>} : memref<128x128xf32, #tpu.memory_space<vmem>>, vector<1x16xf32>,
        %get3A_356 = vector.shape_cast %get3A_355 : vector<1x16xf32> to vector<16xf32>
        %get3A_357 = arith.index_cast %select_n3A_287 : i32 to index
        %get3A_358 = arith.constant 48 : index
        %get3A_359 = tpu.vector_load %arg16[%get3A_357, %get3A_358] {strides = array<i32>} : memref<328x64xf32, #tpu.memory_space<vmem>>, vector<1x16xf32>,
        %get3A_360 = vector.shape_cast %get3A_359 : vector<1x16xf32> to vector<16xf32>
        %add3A_361 = arith.addf %get3A_356, %get3A_360 : vector<16xf32>
        %mul3A_362 = vector.broadcast %squeeze3A_292 : f32 to vector<16xf32>
        %mul3A_363 = arith.mulf %mul3A_362, %get3A_11 : vector<16xf32>
        %add3A_364 = arith.addf %add3A_361, %mul3A_363 : vector<16xf32>
        %max3A_365 = arith.constant 0.000000e+00 : f32
        %max3A_366 = vector.broadcast %max3A_365 : f32 to vector<16xf32>
        %max3A_367 = arith.maximumf %add3A_364, %max3A_366 : vector<16xf32>
        %swap3A_368 = arith.index_cast %select_n3A_287 : i32 to index
        %swap3A_369 = arith.constant 48 : index
        %swap3A_370 = tpu.vector_load %arg17[%swap3A_368, %swap3A_369] {strides = array<i32>} : memref<328x64xf32, #tpu.memory_space<vmem>>, vector<1x16xf32>,
        %swap3A_371 = vector.shape_cast %swap3A_370 : vector<1x16xf32> to vector<16xf32>
        %swap3A_372 = vector.shape_cast %max3A_367 : vector<16xf32> to vector<1x16xf32>
        tpu.vector_store %arg17[%swap3A_368, %swap3A_369], %swap3A_372 {add = true, strides = array<i32>} : memref<328x64xf32, #tpu.memory_space<vmem>>, vector<1x16xf32>,
        %scan3A_373 = arith.constant 0 : i32
        scf.yield %scan3A_373 : i32
      }
      %scan3A_171 = arith.constant 64 : i32
      %while3A_172 = arith.constant 0 : i32
      scf.yield %while3A_172 : i32
    }
    "tpu.region"() ({
      %run_scoped3A = tpu.sem_alloc : memref<!tpu.dma_semaphore, #tpu.memory_space<semaphore_mem>>
      %dma_start3A = arith.constant 0 : i32
      %dma_start3A_157 = arith.constant 0 : i32
      %dma_start3A_158 = tpu.memref_slice %arg17[%dma_start3A, %dma_start3A_157] : memref<328x64xf32, #tpu.memory_space<vmem>> -> memref<320x64xf32, #tpu.memory_space<vmem>>
      %dma_start3A_159 = arith.constant 0 : i32
      %dma_start3A_160 = tpu.memref_slice %arg10[%mul3A_17, %dma_start3A_159] : memref<20480x64xf32, #tpu.memory_space<hbm>> -> memref<320x64xf32, #tpu.memory_space<hbm>>
      %dma_start3A_161 = arith.constant 0 : i32
      %dma_start3A_162 = tpu.memref_slice %arg10[%mul3A_17, %dma_start3A_161] : memref<20480x64xf32, #tpu.memory_space<hbm>> -> memref<320x64xf32, #tpu.memory_space<hbm>>
      %dma_start3A_163 = arith.constant 0 : i32
      %dma_start3A_164 = arith.constant 0 : i32
      %dma_start3A_165 = tpu.memref_slice %arg17[%dma_start3A_163, %dma_start3A_164] : memref<328x64xf32, #tpu.memory_space<vmem>> -> memref<320x64xf32, #tpu.memory_space<vmem>>
      tpu.enqueue_dma source(%dma_start3A_165 : memref<320x64xf32, #tpu.memory_space<vmem>>) target(%dma_start3A_162 : memref<320x64xf32, #tpu.memory_space<hbm>>) target_semaphore(%run_scoped3A : memref<!tpu.dma_semaphore, #tpu.memory_space<semaphore_mem>>)
      %dma_wait3A = arith.constant 0 : i32
      %dma_wait3A_166 = arith.constant 0 : i32
      %dma_wait3A_167 = tpu.memref_slice %arg17[%dma_wait3A, %dma_wait3A_166] : memref<328x64xf32, #tpu.memory_space<vmem>> -> memref<320x64xf32, #tpu.memory_space<vmem>>
      %dma_wait3A_168 = arith.constant 0 : i32
      %dma_wait3A_169 = tpu.memref_slice %arg10[%mul3A_17, %dma_wait3A_168] : memref<20480x64xf32, #tpu.memory_space<hbm>> -> memref<320x64xf32, #tpu.memory_space<hbm>>
      %dma_wait3A_170 = arith.constant 0 : i32
      %dma_wait3A_171 = tpu.memref_slice %arg10[%mul3A_17, %dma_wait3A_170] : memref<20480x64xf32, #tpu.memory_space<hbm>> -> memref<320x64xf32, #tpu.memory_space<hbm>>
      %dma_wait3A_172 = arith.constant 0 : i32
      %dma_wait3A_173 = arith.constant 0 : i32
      %dma_wait3A_174 = tpu.memref_slice %arg17[%dma_wait3A_172, %dma_wait3A_173] : memref<328x64xf32, #tpu.memory_space<vmem>> -> memref<320x64xf32, #tpu.memory_space<vmem>>
      tpu.wait_dma2 semaphore(%run_scoped3A : memref<!tpu.dma_semaphore, #tpu.memory_space<semaphore_mem>>) src(%dma_wait3A_174 : memref<320x64xf32, #tpu.memory_space<vmem>>) dst(%dma_wait3A_171 : memref<320x64xf32, #tpu.memory_space<hbm>>)
      tpu.yield
    }) : () -> ()
    %mul3A_79 = arith.constant 2 : i32
    %mul3A_80 = arith.muli %add3A, %mul3A_79 : i32
    %add3A_81 = arith.constant 1 : i32
    %add3A_82 = arith.addi %mul3A_80, %add3A_81 : i32
    %mul3A_83 = arith.constant 320 : i32
    %mul3A_84 = arith.muli %add3A_82, %mul3A_83 : i32
    "tpu.region"() ({
      %run_scoped3A = tpu.sem_alloc : memref<!tpu.dma_semaphore, #tpu.memory_space<semaphore_mem>>
      tpu.enqueue_dma source(%arg8 : memref<328x64xf32, #tpu.memory_space<hbm>>) target(%arg17 : memref<328x64xf32, #tpu.memory_space<vmem>>) target_semaphore(%run_scoped3A : memref<!tpu.dma_semaphore, #tpu.memory_space<semaphore_mem>>)
      tpu.wait_dma2 semaphore(%run_scoped3A : memref<!tpu.dma_semaphore, #tpu.memory_space<semaphore_mem>>) src(%arg8 : memref<328x64xf32, #tpu.memory_space<hbm>>) dst(%arg17 : memref<328x64xf32, #tpu.memory_space<vmem>>)
      tpu.yield
    }) : () -> ()
    "tpu.region"() ({
      %run_scoped3A = tpu.sem_alloc : memref<!tpu.dma_semaphore, #tpu.memory_space<semaphore_mem>>
      %dma_start3A = arith.constant 0 : i32
      %dma_start3A_157 = arith.constant 0 : i32
      %dma_start3A_158 = tpu.memref_slice %arg16[%dma_start3A, %dma_start3A_157] : memref<328x64xf32, #tpu.memory_space<vmem>> -> memref<320x64xf32, #tpu.memory_space<vmem>>
      %dma_start3A_159 = arith.constant 0 : i32
      %dma_start3A_160 = tpu.memref_slice %arg3[%mul3A_84, %dma_start3A_159] : memref<20480x64xf32, #tpu.memory_space<hbm>> -> memref<320x64xf32, #tpu.memory_space<hbm>>
      %dma_start3A_161 = arith.constant 0 : i32
      %dma_start3A_162 = arith.constant 0 : i32
      %dma_start3A_163 = tpu.memref_slice %arg16[%dma_start3A_161, %dma_start3A_162] : memref<328x64xf32, #tpu.memory_space<vmem>> -> memref<320x64xf32, #tpu.memory_space<vmem>>
      %dma_start3A_164 = arith.constant 0 : i32
      %dma_start3A_165 = tpu.memref_slice %arg3[%mul3A_84, %dma_start3A_164] : memref<20480x64xf32, #tpu.memory_space<hbm>> -> memref<320x64xf32, #tpu.memory_space<hbm>>
      tpu.enqueue_dma source(%dma_start3A_165 : memref<320x64xf32, #tpu.memory_space<hbm>>) target(%dma_start3A_163 : memref<320x64xf32, #tpu.memory_space<vmem>>) target_semaphore(%run_scoped3A : memref<!tpu.dma_semaphore, #tpu.memory_space<semaphore_mem>>)
      %dma_wait3A = arith.constant 0 : i32
      %dma_wait3A_166 = arith.constant 0 : i32
      %dma_wait3A_167 = tpu.memref_slice %arg16[%dma_wait3A, %dma_wait3A_166] : memref<328x64xf32, #tpu.memory_space<vmem>> -> memref<320x64xf32, #tpu.memory_space<vmem>>
      %dma_wait3A_168 = arith.constant 0 : i32
      %dma_wait3A_169 = tpu.memref_slice %arg3[%mul3A_84, %dma_wait3A_168] : memref<20480x64xf32, #tpu.memory_space<hbm>> -> memref<320x64xf32, #tpu.memory_space<hbm>>
      %dma_wait3A_170 = arith.constant 0 : i32
      %dma_wait3A_171 = arith.constant 0 : i32
      %dma_wait3A_172 = tpu.memref_slice %arg16[%dma_wait3A_170, %dma_wait3A_171] : memref<328x64xf32, #tpu.memory_space<vmem>> -> memref<320x64xf32, #tpu.memory_space<vmem>>
      %dma_wait3A_173 = arith.constant 0 : i32
      %dma_wait3A_174 = tpu.memref_slice %arg3[%mul3A_84, %dma_wait3A_173] : memref<20480x64xf32, #tpu.memory_space<hbm>> -> memref<320x64xf32, #tpu.memory_space<hbm>>
      tpu.wait_dma2 semaphore(%run_scoped3A : memref<!tpu.dma_semaphore, #tpu.memory_space<semaphore_mem>>) src(%dma_wait3A_174 : memref<320x64xf32, #tpu.memory_space<hbm>>) dst(%dma_wait3A_172 : memref<320x64xf32, #tpu.memory_space<vmem>>)
      tpu.yield
    }) : () -> ()
    %get3A_85 = arith.index_cast %add3A_82 : i32 to index
    %get3A_86 = tpu.vector_load %arg11[%get3A_85] {strides = array<i32>} : memref<80xi32, #tpu.memory_space<vmem>>, vector<16xi32>,
    %get3A_87 = vector.shape_cast %get3A_86 : vector<16xi32> to vector<16xi32>
    %slice3A_88 = vector.extract_strided_slice %get3A_87 {offsets = [0], sizes = [1], strides = [1]} : vector<16xi32> to vector<1xi32>
    %squeeze3A_89 = vector.extract %slice3A_88[0] : i32 from vector<1xi32>
    %slice3A_90 = vector.extract_strided_slice %get3A_87 {offsets = [1], sizes = [1], strides = [1]} : vector<16xi32> to vector<1xi32>
    %squeeze3A_91 = vector.extract %slice3A_90[0] : i32 from vector<1xi32>
    %jit3A_92 = arith.constant 128 : i32
    %div3A_93 = arith.divsi %squeeze3A_89, %jit3A_92 : i32
    %sign3A_94 = arith.constant 0 : i32
    %sign3A_95 = arith.cmpi sgt, %squeeze3A_89, %sign3A_94 : i32
    %sign3A_96 = arith.extui %sign3A_95 : i1 to i32
    %sign3A_97 = arith.constant 0 : i32
    %sign3A_98 = arith.cmpi slt, %squeeze3A_89, %sign3A_97 : i32
    %sign3A_99 = arith.extui %sign3A_98 : i1 to i32
    %sign3A_100 = arith.subi %sign3A_96, %sign3A_99 : i32
    %sign3A_101 = arith.constant 0 : i32
    %sign3A_102 = arith.cmpi sgt, %jit3A_92, %sign3A_101 : i32
    %sign3A_103 = arith.extui %sign3A_102 : i1 to i32
    %sign3A_104 = arith.constant 0 : i32
    %sign3A_105 = arith.cmpi slt, %jit3A_92, %sign3A_104 : i32
    %sign3A_106 = arith.extui %sign3A_105 : i1 to i32
    %sign3A_107 = arith.subi %sign3A_103, %sign3A_106 : i32
    %ne3A_108 = arith.cmpi ne, %sign3A_100, %sign3A_107 : i32
    %rem3A_109 = arith.remsi %squeeze3A_89, %jit3A_92 : i32
    %ne3A_110 = arith.constant 0 : i32
    %ne3A_111 = arith.cmpi ne, %rem3A_109, %ne3A_110 : i32
    %and3A_112 = arith.andi %ne3A_108, %ne3A_111 : i1
    %sub3A_113 = arith.constant 1 : i32
    %sub3A_114 = arith.subi %div3A_93, %sub3A_113 : i32
    %select_n3A_115 = arith.select %and3A_112, %sub3A_114, %div3A_93 : i32
    %mul3A_116 = arith.constant 128 : i32
    %mul3A_117 = arith.muli %select_n3A_115, %mul3A_116 : i32
    %sub3A_118 = arith.subi %squeeze3A_91, %mul3A_117 : i32
    %add3A_119 = arith.constant 127 : i32
    %add3A_120 = arith.addi %sub3A_118, %add3A_119 : i32
    %jit3A_121 = arith.constant 128 : i32
    %div3A_122 = arith.divsi %add3A_120, %jit3A_121 : i32
    %sign3A_123 = arith.constant 0 : i32
    %sign3A_124 = arith.cmpi sgt, %add3A_120, %sign3A_123 : i32
    %sign3A_125 = arith.extui %sign3A_124 : i1 to i32
    %sign3A_126 = arith.constant 0 : i32
    %sign3A_127 = arith.cmpi slt, %add3A_120, %sign3A_126 : i32
    %sign3A_128 = arith.extui %sign3A_127 : i1 to i32
    %sign3A_129 = arith.subi %sign3A_125, %sign3A_128 : i32
    %sign3A_130 = arith.constant 0 : i32
    %sign3A_131 = arith.cmpi sgt, %jit3A_121, %sign3A_130 : i32
    %sign3A_132 = arith.extui %sign3A_131 : i1 to i32
    %sign3A_133 = arith.constant 0 : i32
    %sign3A_134 = arith.cmpi slt, %jit3A_121, %sign3A_133 : i32
    %sign3A_135 = arith.extui %sign3A_134 : i1 to i32
    %sign3A_136 = arith.subi %sign3A_132, %sign3A_135 : i32
    %ne3A_137 = arith.cmpi ne, %sign3A_129, %sign3A_136 : i32
    %rem3A_138 = arith.remsi %add3A_120, %jit3A_121 : i32
    %ne3A_139 = arith.constant 0 : i32
    %ne3A_140 = arith.cmpi ne, %rem3A_138, %ne3A_139 : i32
    %and3A_141 = arith.andi %ne3A_137, %ne3A_140 : i1
    %sub3A_142 = arith.constant 1 : i32
    %sub3A_143 = arith.subi %div3A_122, %sub3A_142 : i32
    %select_n3A_144 = arith.select %and3A_141, %sub3A_143, %div3A_122 : i32
    %while3A_145 = arith.constant 0 : i32
    %while3A_146 = arith.constant 0 : i32
    %while3A_147 = arith.subi %select_n3A_144, %while3A_145 : i32
    %while3A_148 = arith.addi %while3A_145, %while3A_147 : i32
    %while3A_149 = arith.constant 1 : i32
    %while3A_150 = arith.divsi %while3A_147, %while3A_149 : i32
    %while3A_151 = arith.muli %while3A_150, %while3A_149 : i32
    %while3A_152 = arith.addi %while3A_145, %while3A_151 : i32
    %while3A_153 = arith.constant 1 : i32
    %while3A_154 = scf.for %while3A_157 = %while3A_145 to %while3A_152 step %while3A_153 iter_args(%while3A_158 = %while3A_146) -> (i32)  : i32 {
      %mul3A_159 = arith.constant 128 : i32
      %mul3A_160 = arith.muli %while3A_157, %mul3A_159 : i32
      %add3A_161 = arith.addi %mul3A_117, %mul3A_160 : i32
      "tpu.region"() ({
        %run_scoped3A = tpu.sem_alloc : memref<!tpu.dma_semaphore, #tpu.memory_space<semaphore_mem>>
        %dma_start3A_173 = tpu.memref_slice %arg4[%add3A_161] : memref<44288xi32, #tpu.memory_space<hbm>> -> memref<128xi32, #tpu.memory_space<hbm>>
        %dma_start3A_174 = tpu.memref_slice %arg4[%add3A_161] : memref<44288xi32, #tpu.memory_space<hbm>> -> memref<128xi32, #tpu.memory_space<hbm>>
        tpu.enqueue_dma source(%dma_start3A_174 : memref<128xi32, #tpu.memory_space<hbm>>) target(%arg12 : memref<128xi32, #tpu.memory_space<vmem>>) target_semaphore(%run_scoped3A : memref<!tpu.dma_semaphore, #tpu.memory_space<semaphore_mem>>)
        %dma_wait3A_175 = tpu.memref_slice %arg4[%add3A_161] : memref<44288xi32, #tpu.memory_space<hbm>> -> memref<128xi32, #tpu.memory_space<hbm>>
        %dma_wait3A_176 = tpu.memref_slice %arg4[%add3A_161] : memref<44288xi32, #tpu.memory_space<hbm>> -> memref<128xi32, #tpu.memory_space<hbm>>
        tpu.wait_dma2 semaphore(%run_scoped3A : memref<!tpu.dma_semaphore, #tpu.memory_space<semaphore_mem>>) src(%dma_wait3A_176 : memref<128xi32, #tpu.memory_space<hbm>>) dst(%arg12 : memref<128xi32, #tpu.memory_space<vmem>>)
        tpu.yield
      }) : () -> ()
      "tpu.region"() ({
        %run_scoped3A = tpu.sem_alloc : memref<!tpu.dma_semaphore, #tpu.memory_space<semaphore_mem>>
        %dma_start3A_173 = arith.constant 0 : i32
        %dma_start3A_174 = tpu.memref_slice %arg13[%dma_start3A_173] : memref<144xi32, #tpu.memory_space<vmem>> -> memref<128xi32, #tpu.memory_space<vmem>>
        %dma_start3A_175 = tpu.memref_slice %arg5[%add3A_161] : memref<44288xi32, #tpu.memory_space<hbm>> -> memref<128xi32, #tpu.memory_space<hbm>>
        %dma_start3A_176 = arith.constant 0 : i32
        %dma_start3A_177 = tpu.memref_slice %arg13[%dma_start3A_176] : memref<144xi32, #tpu.memory_space<vmem>> -> memref<128xi32, #tpu.memory_space<vmem>>
        %dma_start3A_178 = tpu.memref_slice %arg5[%add3A_161] : memref<44288xi32, #tpu.memory_space<hbm>> -> memref<128xi32, #tpu.memory_space<hbm>>
        tpu.enqueue_dma source(%dma_start3A_178 : memref<128xi32, #tpu.memory_space<hbm>>) target(%dma_start3A_177 : memref<128xi32, #tpu.memory_space<vmem>>) target_semaphore(%run_scoped3A : memref<!tpu.dma_semaphore, #tpu.memory_space<semaphore_mem>>)
        %dma_wait3A_179 = arith.constant 0 : i32
        %dma_wait3A_180 = tpu.memref_slice %arg13[%dma_wait3A_179] : memref<144xi32, #tpu.memory_space<vmem>> -> memref<128xi32, #tpu.memory_space<vmem>>
        %dma_wait3A_181 = tpu.memref_slice %arg5[%add3A_161] : memref<44288xi32, #tpu.memory_space<hbm>> -> memref<128xi32, #tpu.memory_space<hbm>>
        %dma_wait3A_182 = arith.constant 0 : i32
        %dma_wait3A_183 = tpu.memref_slice %arg13[%dma_wait3A_182] : memref<144xi32, #tpu.memory_space<vmem>> -> memref<128xi32, #tpu.memory_space<vmem>>
        %dma_wait3A_184 = tpu.memref_slice %arg5[%add3A_161] : memref<44288xi32, #tpu.memory_space<hbm>> -> memref<128xi32, #tpu.memory_space<hbm>>
        tpu.wait_dma2 semaphore(%run_scoped3A : memref<!tpu.dma_semaphore, #tpu.memory_space<semaphore_mem>>) src(%dma_wait3A_184 : memref<128xi32, #tpu.memory_space<hbm>>) dst(%dma_wait3A_183 : memref<128xi32, #tpu.memory_space<vmem>>)
        tpu.yield
      }) : () -> ()
      "tpu.region"() ({
        %run_scoped3A = tpu.sem_alloc : memref<!tpu.dma_semaphore, #tpu.memory_space<semaphore_mem>>
        %dma_start3A_173 = arith.constant 0 : i32
        %dma_start3A_174 = tpu.memref_slice %arg14[%dma_start3A_173] : memref<144xf32, #tpu.memory_space<vmem>> -> memref<128xf32, #tpu.memory_space<vmem>>
        %dma_start3A_175 = tpu.memref_slice %arg6[%add3A_161] : memref<44288xf32, #tpu.memory_space<hbm>> -> memref<128xf32, #tpu.memory_space<hbm>>
        %dma_start3A_176 = arith.constant 0 : i32
        %dma_start3A_177 = tpu.memref_slice %arg14[%dma_start3A_176] : memref<144xf32, #tpu.memory_space<vmem>> -> memref<128xf32, #tpu.memory_space<vmem>>
        %dma_start3A_178 = tpu.memref_slice %arg6[%add3A_161] : memref<44288xf32, #tpu.memory_space<hbm>> -> memref<128xf32, #tpu.memory_space<hbm>>
        tpu.enqueue_dma source(%dma_start3A_178 : memref<128xf32, #tpu.memory_space<hbm>>) target(%dma_start3A_177 : memref<128xf32, #tpu.memory_space<vmem>>) target_semaphore(%run_scoped3A : memref<!tpu.dma_semaphore, #tpu.memory_space<semaphore_mem>>)
        %dma_wait3A_179 = arith.constant 0 : i32
        %dma_wait3A_180 = tpu.memref_slice %arg14[%dma_wait3A_179] : memref<144xf32, #tpu.memory_space<vmem>> -> memref<128xf32, #tpu.memory_space<vmem>>
        %dma_wait3A_181 = tpu.memref_slice %arg6[%add3A_161] : memref<44288xf32, #tpu.memory_space<hbm>> -> memref<128xf32, #tpu.memory_space<hbm>>
        %dma_wait3A_182 = arith.constant 0 : i32
        %dma_wait3A_183 = tpu.memref_slice %arg14[%dma_wait3A_182] : memref<144xf32, #tpu.memory_space<vmem>> -> memref<128xf32, #tpu.memory_space<vmem>>
        %dma_wait3A_184 = tpu.memref_slice %arg6[%add3A_161] : memref<44288xf32, #tpu.memory_space<hbm>> -> memref<128xf32, #tpu.memory_space<hbm>>
        tpu.wait_dma2 semaphore(%run_scoped3A : memref<!tpu.dma_semaphore, #tpu.memory_space<semaphore_mem>>) src(%dma_wait3A_184 : memref<128xf32, #tpu.memory_space<hbm>>) dst(%dma_wait3A_183 : memref<128xf32, #tpu.memory_space<vmem>>)
        tpu.yield
      }) : () -> ()
      %dma_start3A = arith.constant 0 : i32
      %dma_start3A_162 = arith.constant 0 : i32
      %dma_start3A_163 = tpu.memref_slice %arg2[%dma_start3A, %dma_start3A_162] : memref<20480x128xf32, #tpu.memory_space<hbm>> -> memref<20480x128xf32, #tpu.memory_space<hbm>>
      tpu.enqueue_indirect_dma source(%dma_start3A_163 : memref<20480x128xf32, #tpu.memory_space<hbm>>) target(%arg15 : memref<128x128xf32, #tpu.memory_space<vmem>>) offsets(%arg12 : memref<128xi32, #tpu.memory_space<vmem>>) semaphore(%arg19 : memref<!tpu.dma_semaphore, #tpu.memory_space<semaphore_mem>>)
      %dma_wait3A = arith.constant 0 : i32
      %dma_wait3A_164 = arith.constant 0 : i32
      %dma_wait3A_165 = tpu.memref_slice %arg2[%dma_wait3A, %dma_wait3A_164] : memref<20480x128xf32, #tpu.memory_space<hbm>> -> memref<20480x128xf32, #tpu.memory_space<hbm>>
      tpu.wait_indirect_dma semaphore(%arg19 : memref<!tpu.dma_semaphore, #tpu.memory_space<semaphore_mem>>) src(%dma_wait3A_165 : memref<20480x128xf32, #tpu.memory_space<hbm>>) dst(%arg15 : memref<128x128xf32, #tpu.memory_space<vmem>>)
      %scan3A = arith.constant 0 : i32
      %scan3A_166 = arith.constant 0 : i32
      %scan3A_167 = arith.constant 64 : i32
      %scan3A_168 = arith.addi %scan3A_166, %scan3A_167 : i32
      %scan3A_169 = arith.constant 1 : i32
      %scan3A_170 = scf.for %scan3A_173 = %scan3A_166 to %scan3A_168 step %scan3A_169 iter_args(%scan3A_174 = %scan3A) -> (i32)  : i32 {
        %mul3A_175 = arith.constant 2 : i32
        %mul3A_176 = arith.muli %scan3A_173, %mul3A_175 : i32
        %add3A_177 = arith.constant 0 : i32
        %add3A_178 = arith.addi %mul3A_176, %add3A_177 : i32
        %add3A_179 = arith.addi %add3A_161, %add3A_178 : i32
        %ge3A = arith.cmpi sge, %add3A_179, %squeeze3A_89 : i32
        %lt3A = arith.cmpi slt, %add3A_179, %squeeze3A_91 : i32
        %and3A_180 = arith.andi %ge3A, %lt3A : i1
        %get3A_181 = arith.index_cast %add3A_178 : i32 to index
        %get3A_182 = tpu.vector_load %arg13[%get3A_181] {strides = array<i32>} : memref<144xi32, #tpu.memory_space<vmem>>, vector<16xi32>,
        %get3A_183 = vector.shape_cast %get3A_182 : vector<16xi32> to vector<16xi32>
        %slice3A_184 = vector.extract_strided_slice %get3A_183 {offsets = [0], sizes = [1], strides = [1]} : vector<16xi32> to vector<1xi32>
        %squeeze3A_185 = vector.extract %slice3A_184[0] : i32 from vector<1xi32>
        %sub3A_186 = arith.subi %squeeze3A_185, %mul3A_84 : i32
        %jit3A_187 = arith.constant 320 : i32
        %select_n3A_188 = arith.select %and3A_180, %sub3A_186, %jit3A_187 : i32
        %get3A_189 = arith.index_cast %add3A_178 : i32 to index
        %get3A_190 = tpu.vector_load %arg14[%get3A_189] {strides = array<i32>} : memref<144xf32, #tpu.memory_space<vmem>>, vector<16xf32>,
        %get3A_191 = vector.shape_cast %get3A_190 : vector<16xf32> to vector<16xf32>
        %slice3A_192 = vector.extract_strided_slice %get3A_191 {offsets = [0], sizes = [1], strides = [1]} : vector<16xf32> to vector<1xf32>
        %squeeze3A_193 = vector.extract %slice3A_192[0] : f32 from vector<1xf32>
        %get3A_194 = arith.index_cast %add3A_178 : i32 to index
        %get3A_195 = arith.constant 0 : index
        %get3A_196 = tpu.vector_load %arg15[%get3A_194, %get3A_195] {strides = array<i32>} : memref<128x128xf32, #tpu.memory_space<vmem>>, vector<1x16xf32>,
        %get3A_197 = vector.shape_cast %get3A_196 : vector<1x16xf32> to vector<16xf32>
        %get3A_198 = arith.index_cast %select_n3A_188 : i32 to index
        %get3A_199 = arith.constant 0 : index
        %get3A_200 = tpu.vector_load %arg16[%get3A_198, %get3A_199] {strides = array<i32>} : memref<328x64xf32, #tpu.memory_space<vmem>>, vector<1x16xf32>,
        %get3A_201 = vector.shape_cast %get3A_200 : vector<1x16xf32> to vector<16xf32>
        %add3A_202 = arith.addf %get3A_197, %get3A_201 : vector<16xf32>
        %mul3A_203 = vector.broadcast %squeeze3A_193 : f32 to vector<16xf32>
        %mul3A_204 = arith.mulf %mul3A_203, %get3A_2 : vector<16xf32>
        %add3A_205 = arith.addf %add3A_202, %mul3A_204 : vector<16xf32>
        %max3A = arith.constant 0.000000e+00 : f32
        %max3A_206 = vector.broadcast %max3A : f32 to vector<16xf32>
        %max3A_207 = arith.maximumf %add3A_205, %max3A_206 : vector<16xf32>
        %swap3A = arith.index_cast %select_n3A_188 : i32 to index
        %swap3A_208 = arith.constant 0 : index
        %swap3A_209 = tpu.vector_load %arg17[%swap3A, %swap3A_208] {strides = array<i32>} : memref<328x64xf32, #tpu.memory_space<vmem>>, vector<1x16xf32>,
        %swap3A_210 = vector.shape_cast %swap3A_209 : vector<1x16xf32> to vector<16xf32>
        %swap3A_211 = vector.shape_cast %max3A_207 : vector<16xf32> to vector<1x16xf32>
        tpu.vector_store %arg17[%swap3A, %swap3A_208], %swap3A_211 {add = true, strides = array<i32>} : memref<328x64xf32, #tpu.memory_space<vmem>>, vector<1x16xf32>,
        %get3A_212 = arith.index_cast %add3A_178 : i32 to index
        %get3A_213 = arith.constant 16 : index
        %get3A_214 = tpu.vector_load %arg15[%get3A_212, %get3A_213] {strides = array<i32>} : memref<128x128xf32, #tpu.memory_space<vmem>>, vector<1x16xf32>,
        %get3A_215 = vector.shape_cast %get3A_214 : vector<1x16xf32> to vector<16xf32>
        %get3A_216 = arith.index_cast %select_n3A_188 : i32 to index
        %get3A_217 = arith.constant 16 : index
        %get3A_218 = tpu.vector_load %arg16[%get3A_216, %get3A_217] {strides = array<i32>} : memref<328x64xf32, #tpu.memory_space<vmem>>, vector<1x16xf32>,
        %get3A_219 = vector.shape_cast %get3A_218 : vector<1x16xf32> to vector<16xf32>
        %add3A_220 = arith.addf %get3A_215, %get3A_219 : vector<16xf32>
        %mul3A_221 = vector.broadcast %squeeze3A_193 : f32 to vector<16xf32>
        %mul3A_222 = arith.mulf %mul3A_221, %get3A_5 : vector<16xf32>
        %add3A_223 = arith.addf %add3A_220, %mul3A_222 : vector<16xf32>
        %max3A_224 = arith.constant 0.000000e+00 : f32
        %max3A_225 = vector.broadcast %max3A_224 : f32 to vector<16xf32>
        %max3A_226 = arith.maximumf %add3A_223, %max3A_225 : vector<16xf32>
        %swap3A_227 = arith.index_cast %select_n3A_188 : i32 to index
        %swap3A_228 = arith.constant 16 : index
        %swap3A_229 = tpu.vector_load %arg17[%swap3A_227, %swap3A_228] {strides = array<i32>} : memref<328x64xf32, #tpu.memory_space<vmem>>, vector<1x16xf32>,
        %swap3A_230 = vector.shape_cast %swap3A_229 : vector<1x16xf32> to vector<16xf32>
        %swap3A_231 = vector.shape_cast %max3A_226 : vector<16xf32> to vector<1x16xf32>
        tpu.vector_store %arg17[%swap3A_227, %swap3A_228], %swap3A_231 {add = true, strides = array<i32>} : memref<328x64xf32, #tpu.memory_space<vmem>>, vector<1x16xf32>,
        %get3A_232 = arith.index_cast %add3A_178 : i32 to index
        %get3A_233 = arith.constant 32 : index
        %get3A_234 = tpu.vector_load %arg15[%get3A_232, %get3A_233] {strides = array<i32>} : memref<128x128xf32, #tpu.memory_space<vmem>>, vector<1x16xf32>,
        %get3A_235 = vector.shape_cast %get3A_234 : vector<1x16xf32> to vector<16xf32>
        %get3A_236 = arith.index_cast %select_n3A_188 : i32 to index
        %get3A_237 = arith.constant 32 : index
        %get3A_238 = tpu.vector_load %arg16[%get3A_236, %get3A_237] {strides = array<i32>} : memref<328x64xf32, #tpu.memory_space<vmem>>, vector<1x16xf32>,
        %get3A_239 = vector.shape_cast %get3A_238 : vector<1x16xf32> to vector<16xf32>
        %add3A_240 = arith.addf %get3A_235, %get3A_239 : vector<16xf32>
        %mul3A_241 = vector.broadcast %squeeze3A_193 : f32 to vector<16xf32>
        %mul3A_242 = arith.mulf %mul3A_241, %get3A_8 : vector<16xf32>
        %add3A_243 = arith.addf %add3A_240, %mul3A_242 : vector<16xf32>
        %max3A_244 = arith.constant 0.000000e+00 : f32
        %max3A_245 = vector.broadcast %max3A_244 : f32 to vector<16xf32>
        %max3A_246 = arith.maximumf %add3A_243, %max3A_245 : vector<16xf32>
        %swap3A_247 = arith.index_cast %select_n3A_188 : i32 to index
        %swap3A_248 = arith.constant 32 : index
        %swap3A_249 = tpu.vector_load %arg17[%swap3A_247, %swap3A_248] {strides = array<i32>} : memref<328x64xf32, #tpu.memory_space<vmem>>, vector<1x16xf32>,
        %swap3A_250 = vector.shape_cast %swap3A_249 : vector<1x16xf32> to vector<16xf32>
        %swap3A_251 = vector.shape_cast %max3A_246 : vector<16xf32> to vector<1x16xf32>
        tpu.vector_store %arg17[%swap3A_247, %swap3A_248], %swap3A_251 {add = true, strides = array<i32>} : memref<328x64xf32, #tpu.memory_space<vmem>>, vector<1x16xf32>,
        %get3A_252 = arith.index_cast %add3A_178 : i32 to index
        %get3A_253 = arith.constant 48 : index
        %get3A_254 = tpu.vector_load %arg15[%get3A_252, %get3A_253] {strides = array<i32>} : memref<128x128xf32, #tpu.memory_space<vmem>>, vector<1x16xf32>,
        %get3A_255 = vector.shape_cast %get3A_254 : vector<1x16xf32> to vector<16xf32>
        %get3A_256 = arith.index_cast %select_n3A_188 : i32 to index
        %get3A_257 = arith.constant 48 : index
        %get3A_258 = tpu.vector_load %arg16[%get3A_256, %get3A_257] {strides = array<i32>} : memref<328x64xf32, #tpu.memory_space<vmem>>, vector<1x16xf32>,
        %get3A_259 = vector.shape_cast %get3A_258 : vector<1x16xf32> to vector<16xf32>
        %add3A_260 = arith.addf %get3A_255, %get3A_259 : vector<16xf32>
        %mul3A_261 = vector.broadcast %squeeze3A_193 : f32 to vector<16xf32>
        %mul3A_262 = arith.mulf %mul3A_261, %get3A_11 : vector<16xf32>
        %add3A_263 = arith.addf %add3A_260, %mul3A_262 : vector<16xf32>
        %max3A_264 = arith.constant 0.000000e+00 : f32
        %max3A_265 = vector.broadcast %max3A_264 : f32 to vector<16xf32>
        %max3A_266 = arith.maximumf %add3A_263, %max3A_265 : vector<16xf32>
        %swap3A_267 = arith.index_cast %select_n3A_188 : i32 to index
        %swap3A_268 = arith.constant 48 : index
        %swap3A_269 = tpu.vector_load %arg17[%swap3A_267, %swap3A_268] {strides = array<i32>} : memref<328x64xf32, #tpu.memory_space<vmem>>, vector<1x16xf32>,
        %swap3A_270 = vector.shape_cast %swap3A_269 : vector<1x16xf32> to vector<16xf32>
        %swap3A_271 = vector.shape_cast %max3A_266 : vector<16xf32> to vector<1x16xf32>
        tpu.vector_store %arg17[%swap3A_267, %swap3A_268], %swap3A_271 {add = true, strides = array<i32>} : memref<328x64xf32, #tpu.memory_space<vmem>>, vector<1x16xf32>,
        %mul3A_272 = arith.constant 2 : i32
        %mul3A_273 = arith.muli %scan3A_173, %mul3A_272 : i32
        %add3A_274 = arith.constant 1 : i32
        %add3A_275 = arith.addi %mul3A_273, %add3A_274 : i32
        %add3A_276 = arith.addi %add3A_161, %add3A_275 : i32
        %ge3A_277 = arith.cmpi sge, %add3A_276, %squeeze3A_89 : i32
        %lt3A_278 = arith.cmpi slt, %add3A_276, %squeeze3A_91 : i32
        %and3A_279 = arith.andi %ge3A_277, %lt3A_278 : i1
        %get3A_280 = arith.index_cast %add3A_275 : i32 to index
        %get3A_281 = tpu.vector_load %arg13[%get3A_280] {strides = array<i32>} : memref<144xi32, #tpu.memory_space<vmem>>, vector<16xi32>,
        %get3A_282 = vector.shape_cast %get3A_281 : vector<16xi32> to vector<16xi32>
        %slice3A_283 = vector.extract_strided_slice %get3A_282 {offsets = [0], sizes = [1], strides = [1]} : vector<16xi32> to vector<1xi32>
        %squeeze3A_284 = vector.extract %slice3A_283[0] : i32 from vector<1xi32>
        %sub3A_285 = arith.subi %squeeze3A_284, %mul3A_84 : i32
        %jit3A_286 = arith.constant 320 : i32
        %select_n3A_287 = arith.select %and3A_279, %sub3A_285, %jit3A_286 : i32
        %get3A_288 = arith.index_cast %add3A_275 : i32 to index
        %get3A_289 = tpu.vector_load %arg14[%get3A_288] {strides = array<i32>} : memref<144xf32, #tpu.memory_space<vmem>>, vector<16xf32>,
        %get3A_290 = vector.shape_cast %get3A_289 : vector<16xf32> to vector<16xf32>
        %slice3A_291 = vector.extract_strided_slice %get3A_290 {offsets = [0], sizes = [1], strides = [1]} : vector<16xf32> to vector<1xf32>
        %squeeze3A_292 = vector.extract %slice3A_291[0] : f32 from vector<1xf32>
        %get3A_293 = arith.index_cast %add3A_275 : i32 to index
        %get3A_294 = arith.constant 0 : index
        %get3A_295 = tpu.vector_load %arg15[%get3A_293, %get3A_294] {strides = array<i32>} : memref<128x128xf32, #tpu.memory_space<vmem>>, vector<1x16xf32>,
        %get3A_296 = vector.shape_cast %get3A_295 : vector<1x16xf32> to vector<16xf32>
        %get3A_297 = arith.index_cast %select_n3A_287 : i32 to index
        %get3A_298 = arith.constant 0 : index
        %get3A_299 = tpu.vector_load %arg16[%get3A_297, %get3A_298] {strides = array<i32>} : memref<328x64xf32, #tpu.memory_space<vmem>>, vector<1x16xf32>,
        %get3A_300 = vector.shape_cast %get3A_299 : vector<1x16xf32> to vector<16xf32>
        %add3A_301 = arith.addf %get3A_296, %get3A_300 : vector<16xf32>
        %mul3A_302 = vector.broadcast %squeeze3A_292 : f32 to vector<16xf32>
        %mul3A_303 = arith.mulf %mul3A_302, %get3A_2 : vector<16xf32>
        %add3A_304 = arith.addf %add3A_301, %mul3A_303 : vector<16xf32>
        %max3A_305 = arith.constant 0.000000e+00 : f32
        %max3A_306 = vector.broadcast %max3A_305 : f32 to vector<16xf32>
        %max3A_307 = arith.maximumf %add3A_304, %max3A_306 : vector<16xf32>
        %swap3A_308 = arith.index_cast %select_n3A_287 : i32 to index
        %swap3A_309 = arith.constant 0 : index
        %swap3A_310 = tpu.vector_load %arg17[%swap3A_308, %swap3A_309] {strides = array<i32>} : memref<328x64xf32, #tpu.memory_space<vmem>>, vector<1x16xf32>,
        %swap3A_311 = vector.shape_cast %swap3A_310 : vector<1x16xf32> to vector<16xf32>
        %swap3A_312 = vector.shape_cast %max3A_307 : vector<16xf32> to vector<1x16xf32>
        tpu.vector_store %arg17[%swap3A_308, %swap3A_309], %swap3A_312 {add = true, strides = array<i32>} : memref<328x64xf32, #tpu.memory_space<vmem>>, vector<1x16xf32>,
        %get3A_313 = arith.index_cast %add3A_275 : i32 to index
        %get3A_314 = arith.constant 16 : index
        %get3A_315 = tpu.vector_load %arg15[%get3A_313, %get3A_314] {strides = array<i32>} : memref<128x128xf32, #tpu.memory_space<vmem>>, vector<1x16xf32>,
        %get3A_316 = vector.shape_cast %get3A_315 : vector<1x16xf32> to vector<16xf32>
        %get3A_317 = arith.index_cast %select_n3A_287 : i32 to index
        %get3A_318 = arith.constant 16 : index
        %get3A_319 = tpu.vector_load %arg16[%get3A_317, %get3A_318] {strides = array<i32>} : memref<328x64xf32, #tpu.memory_space<vmem>>, vector<1x16xf32>,
        %get3A_320 = vector.shape_cast %get3A_319 : vector<1x16xf32> to vector<16xf32>
        %add3A_321 = arith.addf %get3A_316, %get3A_320 : vector<16xf32>
        %mul3A_322 = vector.broadcast %squeeze3A_292 : f32 to vector<16xf32>
        %mul3A_323 = arith.mulf %mul3A_322, %get3A_5 : vector<16xf32>
        %add3A_324 = arith.addf %add3A_321, %mul3A_323 : vector<16xf32>
        %max3A_325 = arith.constant 0.000000e+00 : f32
        %max3A_326 = vector.broadcast %max3A_325 : f32 to vector<16xf32>
        %max3A_327 = arith.maximumf %add3A_324, %max3A_326 : vector<16xf32>
        %swap3A_328 = arith.index_cast %select_n3A_287 : i32 to index
        %swap3A_329 = arith.constant 16 : index
        %swap3A_330 = tpu.vector_load %arg17[%swap3A_328, %swap3A_329] {strides = array<i32>} : memref<328x64xf32, #tpu.memory_space<vmem>>, vector<1x16xf32>,
        %swap3A_331 = vector.shape_cast %swap3A_330 : vector<1x16xf32> to vector<16xf32>
        %swap3A_332 = vector.shape_cast %max3A_327 : vector<16xf32> to vector<1x16xf32>
        tpu.vector_store %arg17[%swap3A_328, %swap3A_329], %swap3A_332 {add = true, strides = array<i32>} : memref<328x64xf32, #tpu.memory_space<vmem>>, vector<1x16xf32>,
        %get3A_333 = arith.index_cast %add3A_275 : i32 to index
        %get3A_334 = arith.constant 32 : index
        %get3A_335 = tpu.vector_load %arg15[%get3A_333, %get3A_334] {strides = array<i32>} : memref<128x128xf32, #tpu.memory_space<vmem>>, vector<1x16xf32>,
        %get3A_336 = vector.shape_cast %get3A_335 : vector<1x16xf32> to vector<16xf32>
        %get3A_337 = arith.index_cast %select_n3A_287 : i32 to index
        %get3A_338 = arith.constant 32 : index
        %get3A_339 = tpu.vector_load %arg16[%get3A_337, %get3A_338] {strides = array<i32>} : memref<328x64xf32, #tpu.memory_space<vmem>>, vector<1x16xf32>,
        %get3A_340 = vector.shape_cast %get3A_339 : vector<1x16xf32> to vector<16xf32>
        %add3A_341 = arith.addf %get3A_336, %get3A_340 : vector<16xf32>
        %mul3A_342 = vector.broadcast %squeeze3A_292 : f32 to vector<16xf32>
        %mul3A_343 = arith.mulf %mul3A_342, %get3A_8 : vector<16xf32>
        %add3A_344 = arith.addf %add3A_341, %mul3A_343 : vector<16xf32>
        %max3A_345 = arith.constant 0.000000e+00 : f32
        %max3A_346 = vector.broadcast %max3A_345 : f32 to vector<16xf32>
        %max3A_347 = arith.maximumf %add3A_344, %max3A_346 : vector<16xf32>
        %swap3A_348 = arith.index_cast %select_n3A_287 : i32 to index
        %swap3A_349 = arith.constant 32 : index
        %swap3A_350 = tpu.vector_load %arg17[%swap3A_348, %swap3A_349] {strides = array<i32>} : memref<328x64xf32, #tpu.memory_space<vmem>>, vector<1x16xf32>,
        %swap3A_351 = vector.shape_cast %swap3A_350 : vector<1x16xf32> to vector<16xf32>
        %swap3A_352 = vector.shape_cast %max3A_347 : vector<16xf32> to vector<1x16xf32>
        tpu.vector_store %arg17[%swap3A_348, %swap3A_349], %swap3A_352 {add = true, strides = array<i32>} : memref<328x64xf32, #tpu.memory_space<vmem>>, vector<1x16xf32>,
        %get3A_353 = arith.index_cast %add3A_275 : i32 to index
        %get3A_354 = arith.constant 48 : index
        %get3A_355 = tpu.vector_load %arg15[%get3A_353, %get3A_354] {strides = array<i32>} : memref<128x128xf32, #tpu.memory_space<vmem>>, vector<1x16xf32>,
        %get3A_356 = vector.shape_cast %get3A_355 : vector<1x16xf32> to vector<16xf32>
        %get3A_357 = arith.index_cast %select_n3A_287 : i32 to index
        %get3A_358 = arith.constant 48 : index
        %get3A_359 = tpu.vector_load %arg16[%get3A_357, %get3A_358] {strides = array<i32>} : memref<328x64xf32, #tpu.memory_space<vmem>>, vector<1x16xf32>,
        %get3A_360 = vector.shape_cast %get3A_359 : vector<1x16xf32> to vector<16xf32>
        %add3A_361 = arith.addf %get3A_356, %get3A_360 : vector<16xf32>
        %mul3A_362 = vector.broadcast %squeeze3A_292 : f32 to vector<16xf32>
        %mul3A_363 = arith.mulf %mul3A_362, %get3A_11 : vector<16xf32>
        %add3A_364 = arith.addf %add3A_361, %mul3A_363 : vector<16xf32>
        %max3A_365 = arith.constant 0.000000e+00 : f32
        %max3A_366 = vector.broadcast %max3A_365 : f32 to vector<16xf32>
        %max3A_367 = arith.maximumf %add3A_364, %max3A_366 : vector<16xf32>
        %swap3A_368 = arith.index_cast %select_n3A_287 : i32 to index
        %swap3A_369 = arith.constant 48 : index
        %swap3A_370 = tpu.vector_load %arg17[%swap3A_368, %swap3A_369] {strides = array<i32>} : memref<328x64xf32, #tpu.memory_space<vmem>>, vector<1x16xf32>,
        %swap3A_371 = vector.shape_cast %swap3A_370 : vector<1x16xf32> to vector<16xf32>
        %swap3A_372 = vector.shape_cast %max3A_367 : vector<16xf32> to vector<1x16xf32>
        tpu.vector_store %arg17[%swap3A_368, %swap3A_369], %swap3A_372 {add = true, strides = array<i32>} : memref<328x64xf32, #tpu.memory_space<vmem>>, vector<1x16xf32>,
        %scan3A_373 = arith.constant 0 : i32
        scf.yield %scan3A_373 : i32
      }
      %scan3A_171 = arith.constant 64 : i32
      %while3A_172 = arith.constant 0 : i32
      scf.yield %while3A_172 : i32
    }
    %while3A_155 = arith.constant 1 : i32
    %while3A_156 = scf.for %while3A_157 = %while3A_152 to %while3A_148 step %while3A_155 iter_args(%while3A_158 = %while3A_154) -> (i32)  : i32 {
      %mul3A_159 = arith.constant 128 : i32
      %mul3A_160 = arith.muli %while3A_157, %mul3A_159 : i32
      %add3A_161 = arith.addi %mul3A_117, %mul3A_160 : i32
      "tpu.region"() ({
        %run_scoped3A = tpu.sem_alloc : memref<!tpu.dma_semaphore, #tpu.memory_space<semaphore_mem>>
        %dma_start3A_173 = tpu.memref_slice %arg4[%add3A_161] : memref<44288xi32, #tpu.memory_space<hbm>> -> memref<128xi32, #tpu.memory_space<hbm>>
        %dma_start3A_174 = tpu.memref_slice %arg4[%add3A_161] : memref<44288xi32, #tpu.memory_space<hbm>> -> memref<128xi32, #tpu.memory_space<hbm>>
        tpu.enqueue_dma source(%dma_start3A_174 : memref<128xi32, #tpu.memory_space<hbm>>) target(%arg12 : memref<128xi32, #tpu.memory_space<vmem>>) target_semaphore(%run_scoped3A : memref<!tpu.dma_semaphore, #tpu.memory_space<semaphore_mem>>)
        %dma_wait3A_175 = tpu.memref_slice %arg4[%add3A_161] : memref<44288xi32, #tpu.memory_space<hbm>> -> memref<128xi32, #tpu.memory_space<hbm>>
        %dma_wait3A_176 = tpu.memref_slice %arg4[%add3A_161] : memref<44288xi32, #tpu.memory_space<hbm>> -> memref<128xi32, #tpu.memory_space<hbm>>
        tpu.wait_dma2 semaphore(%run_scoped3A : memref<!tpu.dma_semaphore, #tpu.memory_space<semaphore_mem>>) src(%dma_wait3A_176 : memref<128xi32, #tpu.memory_space<hbm>>) dst(%arg12 : memref<128xi32, #tpu.memory_space<vmem>>)
        tpu.yield
      }) : () -> ()
      "tpu.region"() ({
        %run_scoped3A = tpu.sem_alloc : memref<!tpu.dma_semaphore, #tpu.memory_space<semaphore_mem>>
        %dma_start3A_173 = arith.constant 0 : i32
        %dma_start3A_174 = tpu.memref_slice %arg13[%dma_start3A_173] : memref<144xi32, #tpu.memory_space<vmem>> -> memref<128xi32, #tpu.memory_space<vmem>>
        %dma_start3A_175 = tpu.memref_slice %arg5[%add3A_161] : memref<44288xi32, #tpu.memory_space<hbm>> -> memref<128xi32, #tpu.memory_space<hbm>>
        %dma_start3A_176 = arith.constant 0 : i32
        %dma_start3A_177 = tpu.memref_slice %arg13[%dma_start3A_176] : memref<144xi32, #tpu.memory_space<vmem>> -> memref<128xi32, #tpu.memory_space<vmem>>
        %dma_start3A_178 = tpu.memref_slice %arg5[%add3A_161] : memref<44288xi32, #tpu.memory_space<hbm>> -> memref<128xi32, #tpu.memory_space<hbm>>
        tpu.enqueue_dma source(%dma_start3A_178 : memref<128xi32, #tpu.memory_space<hbm>>) target(%dma_start3A_177 : memref<128xi32, #tpu.memory_space<vmem>>) target_semaphore(%run_scoped3A : memref<!tpu.dma_semaphore, #tpu.memory_space<semaphore_mem>>)
        %dma_wait3A_179 = arith.constant 0 : i32
        %dma_wait3A_180 = tpu.memref_slice %arg13[%dma_wait3A_179] : memref<144xi32, #tpu.memory_space<vmem>> -> memref<128xi32, #tpu.memory_space<vmem>>
        %dma_wait3A_181 = tpu.memref_slice %arg5[%add3A_161] : memref<44288xi32, #tpu.memory_space<hbm>> -> memref<128xi32, #tpu.memory_space<hbm>>
        %dma_wait3A_182 = arith.constant 0 : i32
        %dma_wait3A_183 = tpu.memref_slice %arg13[%dma_wait3A_182] : memref<144xi32, #tpu.memory_space<vmem>> -> memref<128xi32, #tpu.memory_space<vmem>>
        %dma_wait3A_184 = tpu.memref_slice %arg5[%add3A_161] : memref<44288xi32, #tpu.memory_space<hbm>> -> memref<128xi32, #tpu.memory_space<hbm>>
        tpu.wait_dma2 semaphore(%run_scoped3A : memref<!tpu.dma_semaphore, #tpu.memory_space<semaphore_mem>>) src(%dma_wait3A_184 : memref<128xi32, #tpu.memory_space<hbm>>) dst(%dma_wait3A_183 : memref<128xi32, #tpu.memory_space<vmem>>)
        tpu.yield
      }) : () -> ()
      "tpu.region"() ({
        %run_scoped3A = tpu.sem_alloc : memref<!tpu.dma_semaphore, #tpu.memory_space<semaphore_mem>>
        %dma_start3A_173 = arith.constant 0 : i32
        %dma_start3A_174 = tpu.memref_slice %arg14[%dma_start3A_173] : memref<144xf32, #tpu.memory_space<vmem>> -> memref<128xf32, #tpu.memory_space<vmem>>
        %dma_start3A_175 = tpu.memref_slice %arg6[%add3A_161] : memref<44288xf32, #tpu.memory_space<hbm>> -> memref<128xf32, #tpu.memory_space<hbm>>
        %dma_start3A_176 = arith.constant 0 : i32
        %dma_start3A_177 = tpu.memref_slice %arg14[%dma_start3A_176] : memref<144xf32, #tpu.memory_space<vmem>> -> memref<128xf32, #tpu.memory_space<vmem>>
        %dma_start3A_178 = tpu.memref_slice %arg6[%add3A_161] : memref<44288xf32, #tpu.memory_space<hbm>> -> memref<128xf32, #tpu.memory_space<hbm>>
        tpu.enqueue_dma source(%dma_start3A_178 : memref<128xf32, #tpu.memory_space<hbm>>) target(%dma_start3A_177 : memref<128xf32, #tpu.memory_space<vmem>>) target_semaphore(%run_scoped3A : memref<!tpu.dma_semaphore, #tpu.memory_space<semaphore_mem>>)
        %dma_wait3A_179 = arith.constant 0 : i32
        %dma_wait3A_180 = tpu.memref_slice %arg14[%dma_wait3A_179] : memref<144xf32, #tpu.memory_space<vmem>> -> memref<128xf32, #tpu.memory_space<vmem>>
        %dma_wait3A_181 = tpu.memref_slice %arg6[%add3A_161] : memref<44288xf32, #tpu.memory_space<hbm>> -> memref<128xf32, #tpu.memory_space<hbm>>
        %dma_wait3A_182 = arith.constant 0 : i32
        %dma_wait3A_183 = tpu.memref_slice %arg14[%dma_wait3A_182] : memref<144xf32, #tpu.memory_space<vmem>> -> memref<128xf32, #tpu.memory_space<vmem>>
        %dma_wait3A_184 = tpu.memref_slice %arg6[%add3A_161] : memref<44288xf32, #tpu.memory_space<hbm>> -> memref<128xf32, #tpu.memory_space<hbm>>
        tpu.wait_dma2 semaphore(%run_scoped3A : memref<!tpu.dma_semaphore, #tpu.memory_space<semaphore_mem>>) src(%dma_wait3A_184 : memref<128xf32, #tpu.memory_space<hbm>>) dst(%dma_wait3A_183 : memref<128xf32, #tpu.memory_space<vmem>>)
        tpu.yield
      }) : () -> ()
      %dma_start3A = arith.constant 0 : i32
      %dma_start3A_162 = arith.constant 0 : i32
      %dma_start3A_163 = tpu.memref_slice %arg2[%dma_start3A, %dma_start3A_162] : memref<20480x128xf32, #tpu.memory_space<hbm>> -> memref<20480x128xf32, #tpu.memory_space<hbm>>
      tpu.enqueue_indirect_dma source(%dma_start3A_163 : memref<20480x128xf32, #tpu.memory_space<hbm>>) target(%arg15 : memref<128x128xf32, #tpu.memory_space<vmem>>) offsets(%arg12 : memref<128xi32, #tpu.memory_space<vmem>>) semaphore(%arg19 : memref<!tpu.dma_semaphore, #tpu.memory_space<semaphore_mem>>)
      %dma_wait3A = arith.constant 0 : i32
      %dma_wait3A_164 = arith.constant 0 : i32
      %dma_wait3A_165 = tpu.memref_slice %arg2[%dma_wait3A, %dma_wait3A_164] : memref<20480x128xf32, #tpu.memory_space<hbm>> -> memref<20480x128xf32, #tpu.memory_space<hbm>>
      tpu.wait_indirect_dma semaphore(%arg19 : memref<!tpu.dma_semaphore, #tpu.memory_space<semaphore_mem>>) src(%dma_wait3A_165 : memref<20480x128xf32, #tpu.memory_space<hbm>>) dst(%arg15 : memref<128x128xf32, #tpu.memory_space<vmem>>)
      %scan3A = arith.constant 0 : i32
      %scan3A_166 = arith.constant 0 : i32
      %scan3A_167 = arith.constant 64 : i32
      %scan3A_168 = arith.addi %scan3A_166, %scan3A_167 : i32
      %scan3A_169 = arith.constant 1 : i32
      %scan3A_170 = scf.for %scan3A_173 = %scan3A_166 to %scan3A_168 step %scan3A_169 iter_args(%scan3A_174 = %scan3A) -> (i32)  : i32 {
        %mul3A_175 = arith.constant 2 : i32
        %mul3A_176 = arith.muli %scan3A_173, %mul3A_175 : i32
        %add3A_177 = arith.constant 0 : i32
        %add3A_178 = arith.addi %mul3A_176, %add3A_177 : i32
        %add3A_179 = arith.addi %add3A_161, %add3A_178 : i32
        %ge3A = arith.cmpi sge, %add3A_179, %squeeze3A_89 : i32
        %lt3A = arith.cmpi slt, %add3A_179, %squeeze3A_91 : i32
        %and3A_180 = arith.andi %ge3A, %lt3A : i1
        %get3A_181 = arith.index_cast %add3A_178 : i32 to index
        %get3A_182 = tpu.vector_load %arg13[%get3A_181] {strides = array<i32>} : memref<144xi32, #tpu.memory_space<vmem>>, vector<16xi32>,
        %get3A_183 = vector.shape_cast %get3A_182 : vector<16xi32> to vector<16xi32>
        %slice3A_184 = vector.extract_strided_slice %get3A_183 {offsets = [0], sizes = [1], strides = [1]} : vector<16xi32> to vector<1xi32>
        %squeeze3A_185 = vector.extract %slice3A_184[0] : i32 from vector<1xi32>
        %sub3A_186 = arith.subi %squeeze3A_185, %mul3A_84 : i32
        %jit3A_187 = arith.constant 320 : i32
        %select_n3A_188 = arith.select %and3A_180, %sub3A_186, %jit3A_187 : i32
        %get3A_189 = arith.index_cast %add3A_178 : i32 to index
        %get3A_190 = tpu.vector_load %arg14[%get3A_189] {strides = array<i32>} : memref<144xf32, #tpu.memory_space<vmem>>, vector<16xf32>,
        %get3A_191 = vector.shape_cast %get3A_190 : vector<16xf32> to vector<16xf32>
        %slice3A_192 = vector.extract_strided_slice %get3A_191 {offsets = [0], sizes = [1], strides = [1]} : vector<16xf32> to vector<1xf32>
        %squeeze3A_193 = vector.extract %slice3A_192[0] : f32 from vector<1xf32>
        %get3A_194 = arith.index_cast %add3A_178 : i32 to index
        %get3A_195 = arith.constant 0 : index
        %get3A_196 = tpu.vector_load %arg15[%get3A_194, %get3A_195] {strides = array<i32>} : memref<128x128xf32, #tpu.memory_space<vmem>>, vector<1x16xf32>,
        %get3A_197 = vector.shape_cast %get3A_196 : vector<1x16xf32> to vector<16xf32>
        %get3A_198 = arith.index_cast %select_n3A_188 : i32 to index
        %get3A_199 = arith.constant 0 : index
        %get3A_200 = tpu.vector_load %arg16[%get3A_198, %get3A_199] {strides = array<i32>} : memref<328x64xf32, #tpu.memory_space<vmem>>, vector<1x16xf32>,
        %get3A_201 = vector.shape_cast %get3A_200 : vector<1x16xf32> to vector<16xf32>
        %add3A_202 = arith.addf %get3A_197, %get3A_201 : vector<16xf32>
        %mul3A_203 = vector.broadcast %squeeze3A_193 : f32 to vector<16xf32>
        %mul3A_204 = arith.mulf %mul3A_203, %get3A_2 : vector<16xf32>
        %add3A_205 = arith.addf %add3A_202, %mul3A_204 : vector<16xf32>
        %max3A = arith.constant 0.000000e+00 : f32
        %max3A_206 = vector.broadcast %max3A : f32 to vector<16xf32>
        %max3A_207 = arith.maximumf %add3A_205, %max3A_206 : vector<16xf32>
        %swap3A = arith.index_cast %select_n3A_188 : i32 to index
        %swap3A_208 = arith.constant 0 : index
        %swap3A_209 = tpu.vector_load %arg17[%swap3A, %swap3A_208] {strides = array<i32>} : memref<328x64xf32, #tpu.memory_space<vmem>>, vector<1x16xf32>,
        %swap3A_210 = vector.shape_cast %swap3A_209 : vector<1x16xf32> to vector<16xf32>
        %swap3A_211 = vector.shape_cast %max3A_207 : vector<16xf32> to vector<1x16xf32>
        tpu.vector_store %arg17[%swap3A, %swap3A_208], %swap3A_211 {add = true, strides = array<i32>} : memref<328x64xf32, #tpu.memory_space<vmem>>, vector<1x16xf32>,
        %get3A_212 = arith.index_cast %add3A_178 : i32 to index
        %get3A_213 = arith.constant 16 : index
        %get3A_214 = tpu.vector_load %arg15[%get3A_212, %get3A_213] {strides = array<i32>} : memref<128x128xf32, #tpu.memory_space<vmem>>, vector<1x16xf32>,
        %get3A_215 = vector.shape_cast %get3A_214 : vector<1x16xf32> to vector<16xf32>
        %get3A_216 = arith.index_cast %select_n3A_188 : i32 to index
        %get3A_217 = arith.constant 16 : index
        %get3A_218 = tpu.vector_load %arg16[%get3A_216, %get3A_217] {strides = array<i32>} : memref<328x64xf32, #tpu.memory_space<vmem>>, vector<1x16xf32>,
        %get3A_219 = vector.shape_cast %get3A_218 : vector<1x16xf32> to vector<16xf32>
        %add3A_220 = arith.addf %get3A_215, %get3A_219 : vector<16xf32>
        %mul3A_221 = vector.broadcast %squeeze3A_193 : f32 to vector<16xf32>
        %mul3A_222 = arith.mulf %mul3A_221, %get3A_5 : vector<16xf32>
        %add3A_223 = arith.addf %add3A_220, %mul3A_222 : vector<16xf32>
        %max3A_224 = arith.constant 0.000000e+00 : f32
        %max3A_225 = vector.broadcast %max3A_224 : f32 to vector<16xf32>
        %max3A_226 = arith.maximumf %add3A_223, %max3A_225 : vector<16xf32>
        %swap3A_227 = arith.index_cast %select_n3A_188 : i32 to index
        %swap3A_228 = arith.constant 16 : index
        %swap3A_229 = tpu.vector_load %arg17[%swap3A_227, %swap3A_228] {strides = array<i32>} : memref<328x64xf32, #tpu.memory_space<vmem>>, vector<1x16xf32>,
        %swap3A_230 = vector.shape_cast %swap3A_229 : vector<1x16xf32> to vector<16xf32>
        %swap3A_231 = vector.shape_cast %max3A_226 : vector<16xf32> to vector<1x16xf32>
        tpu.vector_store %arg17[%swap3A_227, %swap3A_228], %swap3A_231 {add = true, strides = array<i32>} : memref<328x64xf32, #tpu.memory_space<vmem>>, vector<1x16xf32>,
        %get3A_232 = arith.index_cast %add3A_178 : i32 to index
        %get3A_233 = arith.constant 32 : index
        %get3A_234 = tpu.vector_load %arg15[%get3A_232, %get3A_233] {strides = array<i32>} : memref<128x128xf32, #tpu.memory_space<vmem>>, vector<1x16xf32>,
        %get3A_235 = vector.shape_cast %get3A_234 : vector<1x16xf32> to vector<16xf32>
        %get3A_236 = arith.index_cast %select_n3A_188 : i32 to index
        %get3A_237 = arith.constant 32 : index
        %get3A_238 = tpu.vector_load %arg16[%get3A_236, %get3A_237] {strides = array<i32>} : memref<328x64xf32, #tpu.memory_space<vmem>>, vector<1x16xf32>,
        %get3A_239 = vector.shape_cast %get3A_238 : vector<1x16xf32> to vector<16xf32>
        %add3A_240 = arith.addf %get3A_235, %get3A_239 : vector<16xf32>
        %mul3A_241 = vector.broadcast %squeeze3A_193 : f32 to vector<16xf32>
        %mul3A_242 = arith.mulf %mul3A_241, %get3A_8 : vector<16xf32>
        %add3A_243 = arith.addf %add3A_240, %mul3A_242 : vector<16xf32>
        %max3A_244 = arith.constant 0.000000e+00 : f32
        %max3A_245 = vector.broadcast %max3A_244 : f32 to vector<16xf32>
        %max3A_246 = arith.maximumf %add3A_243, %max3A_245 : vector<16xf32>
        %swap3A_247 = arith.index_cast %select_n3A_188 : i32 to index
        %swap3A_248 = arith.constant 32 : index
        %swap3A_249 = tpu.vector_load %arg17[%swap3A_247, %swap3A_248] {strides = array<i32>} : memref<328x64xf32, #tpu.memory_space<vmem>>, vector<1x16xf32>,
        %swap3A_250 = vector.shape_cast %swap3A_249 : vector<1x16xf32> to vector<16xf32>
        %swap3A_251 = vector.shape_cast %max3A_246 : vector<16xf32> to vector<1x16xf32>
        tpu.vector_store %arg17[%swap3A_247, %swap3A_248], %swap3A_251 {add = true, strides = array<i32>} : memref<328x64xf32, #tpu.memory_space<vmem>>, vector<1x16xf32>,
        %get3A_252 = arith.index_cast %add3A_178 : i32 to index
        %get3A_253 = arith.constant 48 : index
        %get3A_254 = tpu.vector_load %arg15[%get3A_252, %get3A_253] {strides = array<i32>} : memref<128x128xf32, #tpu.memory_space<vmem>>, vector<1x16xf32>,
        %get3A_255 = vector.shape_cast %get3A_254 : vector<1x16xf32> to vector<16xf32>
        %get3A_256 = arith.index_cast %select_n3A_188 : i32 to index
        %get3A_257 = arith.constant 48 : index
        %get3A_258 = tpu.vector_load %arg16[%get3A_256, %get3A_257] {strides = array<i32>} : memref<328x64xf32, #tpu.memory_space<vmem>>, vector<1x16xf32>,
        %get3A_259 = vector.shape_cast %get3A_258 : vector<1x16xf32> to vector<16xf32>
        %add3A_260 = arith.addf %get3A_255, %get3A_259 : vector<16xf32>
        %mul3A_261 = vector.broadcast %squeeze3A_193 : f32 to vector<16xf32>
        %mul3A_262 = arith.mulf %mul3A_261, %get3A_11 : vector<16xf32>
        %add3A_263 = arith.addf %add3A_260, %mul3A_262 : vector<16xf32>
        %max3A_264 = arith.constant 0.000000e+00 : f32
        %max3A_265 = vector.broadcast %max3A_264 : f32 to vector<16xf32>
        %max3A_266 = arith.maximumf %add3A_263, %max3A_265 : vector<16xf32>
        %swap3A_267 = arith.index_cast %select_n3A_188 : i32 to index
        %swap3A_268 = arith.constant 48 : index
        %swap3A_269 = tpu.vector_load %arg17[%swap3A_267, %swap3A_268] {strides = array<i32>} : memref<328x64xf32, #tpu.memory_space<vmem>>, vector<1x16xf32>,
        %swap3A_270 = vector.shape_cast %swap3A_269 : vector<1x16xf32> to vector<16xf32>
        %swap3A_271 = vector.shape_cast %max3A_266 : vector<16xf32> to vector<1x16xf32>
        tpu.vector_store %arg17[%swap3A_267, %swap3A_268], %swap3A_271 {add = true, strides = array<i32>} : memref<328x64xf32, #tpu.memory_space<vmem>>, vector<1x16xf32>,
        %mul3A_272 = arith.constant 2 : i32
        %mul3A_273 = arith.muli %scan3A_173, %mul3A_272 : i32
        %add3A_274 = arith.constant 1 : i32
        %add3A_275 = arith.addi %mul3A_273, %add3A_274 : i32
        %add3A_276 = arith.addi %add3A_161, %add3A_275 : i32
        %ge3A_277 = arith.cmpi sge, %add3A_276, %squeeze3A_89 : i32
        %lt3A_278 = arith.cmpi slt, %add3A_276, %squeeze3A_91 : i32
        %and3A_279 = arith.andi %ge3A_277, %lt3A_278 : i1
        %get3A_280 = arith.index_cast %add3A_275 : i32 to index
        %get3A_281 = tpu.vector_load %arg13[%get3A_280] {strides = array<i32>} : memref<144xi32, #tpu.memory_space<vmem>>, vector<16xi32>,
        %get3A_282 = vector.shape_cast %get3A_281 : vector<16xi32> to vector<16xi32>
        %slice3A_283 = vector.extract_strided_slice %get3A_282 {offsets = [0], sizes = [1], strides = [1]} : vector<16xi32> to vector<1xi32>
        %squeeze3A_284 = vector.extract %slice3A_283[0] : i32 from vector<1xi32>
        %sub3A_285 = arith.subi %squeeze3A_284, %mul3A_84 : i32
        %jit3A_286 = arith.constant 320 : i32
        %select_n3A_287 = arith.select %and3A_279, %sub3A_285, %jit3A_286 : i32
        %get3A_288 = arith.index_cast %add3A_275 : i32 to index
        %get3A_289 = tpu.vector_load %arg14[%get3A_288] {strides = array<i32>} : memref<144xf32, #tpu.memory_space<vmem>>, vector<16xf32>,
        %get3A_290 = vector.shape_cast %get3A_289 : vector<16xf32> to vector<16xf32>
        %slice3A_291 = vector.extract_strided_slice %get3A_290 {offsets = [0], sizes = [1], strides = [1]} : vector<16xf32> to vector<1xf32>
        %squeeze3A_292 = vector.extract %slice3A_291[0] : f32 from vector<1xf32>
        %get3A_293 = arith.index_cast %add3A_275 : i32 to index
        %get3A_294 = arith.constant 0 : index
        %get3A_295 = tpu.vector_load %arg15[%get3A_293, %get3A_294] {strides = array<i32>} : memref<128x128xf32, #tpu.memory_space<vmem>>, vector<1x16xf32>,
        %get3A_296 = vector.shape_cast %get3A_295 : vector<1x16xf32> to vector<16xf32>
        %get3A_297 = arith.index_cast %select_n3A_287 : i32 to index
        %get3A_298 = arith.constant 0 : index
        %get3A_299 = tpu.vector_load %arg16[%get3A_297, %get3A_298] {strides = array<i32>} : memref<328x64xf32, #tpu.memory_space<vmem>>, vector<1x16xf32>,
        %get3A_300 = vector.shape_cast %get3A_299 : vector<1x16xf32> to vector<16xf32>
        %add3A_301 = arith.addf %get3A_296, %get3A_300 : vector<16xf32>
        %mul3A_302 = vector.broadcast %squeeze3A_292 : f32 to vector<16xf32>
        %mul3A_303 = arith.mulf %mul3A_302, %get3A_2 : vector<16xf32>
        %add3A_304 = arith.addf %add3A_301, %mul3A_303 : vector<16xf32>
        %max3A_305 = arith.constant 0.000000e+00 : f32
        %max3A_306 = vector.broadcast %max3A_305 : f32 to vector<16xf32>
        %max3A_307 = arith.maximumf %add3A_304, %max3A_306 : vector<16xf32>
        %swap3A_308 = arith.index_cast %select_n3A_287 : i32 to index
        %swap3A_309 = arith.constant 0 : index
        %swap3A_310 = tpu.vector_load %arg17[%swap3A_308, %swap3A_309] {strides = array<i32>} : memref<328x64xf32, #tpu.memory_space<vmem>>, vector<1x16xf32>,
        %swap3A_311 = vector.shape_cast %swap3A_310 : vector<1x16xf32> to vector<16xf32>
        %swap3A_312 = vector.shape_cast %max3A_307 : vector<16xf32> to vector<1x16xf32>
        tpu.vector_store %arg17[%swap3A_308, %swap3A_309], %swap3A_312 {add = true, strides = array<i32>} : memref<328x64xf32, #tpu.memory_space<vmem>>, vector<1x16xf32>,
        %get3A_313 = arith.index_cast %add3A_275 : i32 to index
        %get3A_314 = arith.constant 16 : index
        %get3A_315 = tpu.vector_load %arg15[%get3A_313, %get3A_314] {strides = array<i32>} : memref<128x128xf32, #tpu.memory_space<vmem>>, vector<1x16xf32>,
        %get3A_316 = vector.shape_cast %get3A_315 : vector<1x16xf32> to vector<16xf32>
        %get3A_317 = arith.index_cast %select_n3A_287 : i32 to index
        %get3A_318 = arith.constant 16 : index
        %get3A_319 = tpu.vector_load %arg16[%get3A_317, %get3A_318] {strides = array<i32>} : memref<328x64xf32, #tpu.memory_space<vmem>>, vector<1x16xf32>,
        %get3A_320 = vector.shape_cast %get3A_319 : vector<1x16xf32> to vector<16xf32>
        %add3A_321 = arith.addf %get3A_316, %get3A_320 : vector<16xf32>
        %mul3A_322 = vector.broadcast %squeeze3A_292 : f32 to vector<16xf32>
        %mul3A_323 = arith.mulf %mul3A_322, %get3A_5 : vector<16xf32>
        %add3A_324 = arith.addf %add3A_321, %mul3A_323 : vector<16xf32>
        %max3A_325 = arith.constant 0.000000e+00 : f32
        %max3A_326 = vector.broadcast %max3A_325 : f32 to vector<16xf32>
        %max3A_327 = arith.maximumf %add3A_324, %max3A_326 : vector<16xf32>
        %swap3A_328 = arith.index_cast %select_n3A_287 : i32 to index
        %swap3A_329 = arith.constant 16 : index
        %swap3A_330 = tpu.vector_load %arg17[%swap3A_328, %swap3A_329] {strides = array<i32>} : memref<328x64xf32, #tpu.memory_space<vmem>>, vector<1x16xf32>,
        %swap3A_331 = vector.shape_cast %swap3A_330 : vector<1x16xf32> to vector<16xf32>
        %swap3A_332 = vector.shape_cast %max3A_327 : vector<16xf32> to vector<1x16xf32>
        tpu.vector_store %arg17[%swap3A_328, %swap3A_329], %swap3A_332 {add = true, strides = array<i32>} : memref<328x64xf32, #tpu.memory_space<vmem>>, vector<1x16xf32>,
        %get3A_333 = arith.index_cast %add3A_275 : i32 to index
        %get3A_334 = arith.constant 32 : index
        %get3A_335 = tpu.vector_load %arg15[%get3A_333, %get3A_334] {strides = array<i32>} : memref<128x128xf32, #tpu.memory_space<vmem>>, vector<1x16xf32>,
        %get3A_336 = vector.shape_cast %get3A_335 : vector<1x16xf32> to vector<16xf32>
        %get3A_337 = arith.index_cast %select_n3A_287 : i32 to index
        %get3A_338 = arith.constant 32 : index
        %get3A_339 = tpu.vector_load %arg16[%get3A_337, %get3A_338] {strides = array<i32>} : memref<328x64xf32, #tpu.memory_space<vmem>>, vector<1x16xf32>,
        %get3A_340 = vector.shape_cast %get3A_339 : vector<1x16xf32> to vector<16xf32>
        %add3A_341 = arith.addf %get3A_336, %get3A_340 : vector<16xf32>
        %mul3A_342 = vector.broadcast %squeeze3A_292 : f32 to vector<16xf32>
        %mul3A_343 = arith.mulf %mul3A_342, %get3A_8 : vector<16xf32>
        %add3A_344 = arith.addf %add3A_341, %mul3A_343 : vector<16xf32>
        %max3A_345 = arith.constant 0.000000e+00 : f32
        %max3A_346 = vector.broadcast %max3A_345 : f32 to vector<16xf32>
        %max3A_347 = arith.maximumf %add3A_344, %max3A_346 : vector<16xf32>
        %swap3A_348 = arith.index_cast %select_n3A_287 : i32 to index
        %swap3A_349 = arith.constant 32 : index
        %swap3A_350 = tpu.vector_load %arg17[%swap3A_348, %swap3A_349] {strides = array<i32>} : memref<328x64xf32, #tpu.memory_space<vmem>>, vector<1x16xf32>,
        %swap3A_351 = vector.shape_cast %swap3A_350 : vector<1x16xf32> to vector<16xf32>
        %swap3A_352 = vector.shape_cast %max3A_347 : vector<16xf32> to vector<1x16xf32>
        tpu.vector_store %arg17[%swap3A_348, %swap3A_349], %swap3A_352 {add = true, strides = array<i32>} : memref<328x64xf32, #tpu.memory_space<vmem>>, vector<1x16xf32>,
        %get3A_353 = arith.index_cast %add3A_275 : i32 to index
        %get3A_354 = arith.constant 48 : index
        %get3A_355 = tpu.vector_load %arg15[%get3A_353, %get3A_354] {strides = array<i32>} : memref<128x128xf32, #tpu.memory_space<vmem>>, vector<1x16xf32>,
        %get3A_356 = vector.shape_cast %get3A_355 : vector<1x16xf32> to vector<16xf32>
        %get3A_357 = arith.index_cast %select_n3A_287 : i32 to index
        %get3A_358 = arith.constant 48 : index
        %get3A_359 = tpu.vector_load %arg16[%get3A_357, %get3A_358] {strides = array<i32>} : memref<328x64xf32, #tpu.memory_space<vmem>>, vector<1x16xf32>,
        %get3A_360 = vector.shape_cast %get3A_359 : vector<1x16xf32> to vector<16xf32>
        %add3A_361 = arith.addf %get3A_356, %get3A_360 : vector<16xf32>
        %mul3A_362 = vector.broadcast %squeeze3A_292 : f32 to vector<16xf32>
        %mul3A_363 = arith.mulf %mul3A_362, %get3A_11 : vector<16xf32>
        %add3A_364 = arith.addf %add3A_361, %mul3A_363 : vector<16xf32>
        %max3A_365 = arith.constant 0.000000e+00 : f32
        %max3A_366 = vector.broadcast %max3A_365 : f32 to vector<16xf32>
        %max3A_367 = arith.maximumf %add3A_364, %max3A_366 : vector<16xf32>
        %swap3A_368 = arith.index_cast %select_n3A_287 : i32 to index
        %swap3A_369 = arith.constant 48 : index
        %swap3A_370 = tpu.vector_load %arg17[%swap3A_368, %swap3A_369] {strides = array<i32>} : memref<328x64xf32, #tpu.memory_space<vmem>>, vector<1x16xf32>,
        %swap3A_371 = vector.shape_cast %swap3A_370 : vector<1x16xf32> to vector<16xf32>
        %swap3A_372 = vector.shape_cast %max3A_367 : vector<16xf32> to vector<1x16xf32>
        tpu.vector_store %arg17[%swap3A_368, %swap3A_369], %swap3A_372 {add = true, strides = array<i32>} : memref<328x64xf32, #tpu.memory_space<vmem>>, vector<1x16xf32>,
        %scan3A_373 = arith.constant 0 : i32
        scf.yield %scan3A_373 : i32
      }
      %scan3A_171 = arith.constant 64 : i32
      %while3A_172 = arith.constant 0 : i32
      scf.yield %while3A_172 : i32
    }
    "tpu.region"() ({
      %run_scoped3A = tpu.sem_alloc : memref<!tpu.dma_semaphore, #tpu.memory_space<semaphore_mem>>
      %dma_start3A = arith.constant 0 : i32
      %dma_start3A_157 = arith.constant 0 : i32
      %dma_start3A_158 = tpu.memref_slice %arg17[%dma_start3A, %dma_start3A_157] : memref<328x64xf32, #tpu.memory_space<vmem>> -> memref<320x64xf32, #tpu.memory_space<vmem>>
      %dma_start3A_159 = arith.constant 0 : i32
      %dma_start3A_160 = tpu.memref_slice %arg10[%mul3A_84, %dma_start3A_159] : memref<20480x64xf32, #tpu.memory_space<hbm>> -> memref<320x64xf32, #tpu.memory_space<hbm>>
      %dma_start3A_161 = arith.constant 0 : i32
      %dma_start3A_162 = tpu.memref_slice %arg10[%mul3A_84, %dma_start3A_161] : memref<20480x64xf32, #tpu.memory_space<hbm>> -> memref<320x64xf32, #tpu.memory_space<hbm>>
      %dma_start3A_163 = arith.constant 0 : i32
      %dma_start3A_164 = arith.constant 0 : i32
      %dma_start3A_165 = tpu.memref_slice %arg17[%dma_start3A_163, %dma_start3A_164] : memref<328x64xf32, #tpu.memory_space<vmem>> -> memref<320x64xf32, #tpu.memory_space<vmem>>
      tpu.enqueue_dma source(%dma_start3A_165 : memref<320x64xf32, #tpu.memory_space<vmem>>) target(%dma_start3A_162 : memref<320x64xf32, #tpu.memory_space<hbm>>) target_semaphore(%run_scoped3A : memref<!tpu.dma_semaphore, #tpu.memory_space<semaphore_mem>>)
      %dma_wait3A = arith.constant 0 : i32
      %dma_wait3A_166 = arith.constant 0 : i32
      %dma_wait3A_167 = tpu.memref_slice %arg17[%dma_wait3A, %dma_wait3A_166] : memref<328x64xf32, #tpu.memory_space<vmem>> -> memref<320x64xf32, #tpu.memory_space<vmem>>
      %dma_wait3A_168 = arith.constant 0 : i32
      %dma_wait3A_169 = tpu.memref_slice %arg10[%mul3A_84, %dma_wait3A_168] : memref<20480x64xf32, #tpu.memory_space<hbm>> -> memref<320x64xf32, #tpu.memory_space<hbm>>
      %dma_wait3A_170 = arith.constant 0 : i32
      %dma_wait3A_171 = tpu.memref_slice %arg10[%mul3A_84, %dma_wait3A_170] : memref<20480x64xf32, #tpu.memory_space<hbm>> -> memref<320x64xf32, #tpu.memory_space<hbm>>
      %dma_wait3A_172 = arith.constant 0 : i32
      %dma_wait3A_173 = arith.constant 0 : i32
      %dma_wait3A_174 = tpu.memref_slice %arg17[%dma_wait3A_172, %dma_wait3A_173] : memref<328x64xf32, #tpu.memory_space<vmem>> -> memref<320x64xf32, #tpu.memory_space<vmem>>
      tpu.wait_dma2 semaphore(%run_scoped3A : memref<!tpu.dma_semaphore, #tpu.memory_space<semaphore_mem>>) src(%dma_wait3A_174 : memref<320x64xf32, #tpu.memory_space<vmem>>) dst(%dma_wait3A_171 : memref<320x64xf32, #tpu.memory_space<hbm>>)
      tpu.yield
    }) : () -> ()
    return
  }
}

#map = affine_map<(d0, d1) -> (0, 0)>
#map1 = affine_map<(d0, d1) -> (0)>
module attributes {stable_mosaic.version = 14 : i64} {
  func.func @assemble_kernel(%arg0: i32, %arg1: i32, %arg2: memref<20480x128xf32, #tpu.memory_space<hbm>>, %arg3: memref<20480x128xf32, #tpu.memory_space<hbm>>, %arg4: memref<2048xi32, #tpu.memory_space<hbm>>, %arg5: memref<2048xi32, #tpu.memory_space<hbm>>, %arg6: memref<64xf32, #tpu.memory_space<hbm>>, %arg7: memref<2048x128xf32, #tpu.memory_space<hbm>>, %arg8: memref<64xi32, #tpu.memory_space<vmem>>, %arg9: memref<64xi32, #tpu.memory_space<vmem>>, %arg10: memref<64x128xf32, #tpu.memory_space<vmem>>, %arg11: memref<64x128xf32, #tpu.memory_space<vmem>>, %arg12: memref<64x128xf32, #tpu.memory_space<vmem>>, %arg13: memref<64x128xf32, #tpu.memory_space<vmem>>, %arg14: memref<64xf32, #tpu.memory_space<vmem>>, %arg15: memref<64x128xf32, #tpu.memory_space<vmem>>, %arg16: memref<!tpu.dma_semaphore, #tpu.memory_space<semaphore_mem>>) attributes {dimension_semantics = [#tpu.dimension_semantics<core_parallel>, #tpu.dimension_semantics<subcore_parallel>], iteration_bounds = array<i64: 2, 16>, scalar_prefetch = 0 : i64, scratch_operands = 9 : i64, tpu.core_type = #tpu.core_type<sc_vector_subcore>, window_params = [{transform_indices = #map}, {transform_indices = #map}, {transform_indices = #map1}, {transform_indices = #map1}, {transform_indices = #map1}, {transform_indices = #map}]} {
    %mul3A = arith.constant 2 : i32
    %mul3A_0 = arith.muli %arg1, %mul3A : i32
    %add3A = arith.addi %mul3A_0, %arg0 : i32
    %mul3A_1 = arith.constant 64 : i32
    %mul3A_2 = arith.muli %add3A, %mul3A_1 : i32
    "tpu.region"() ({
      %run_scoped3A = tpu.sem_alloc : memref<!tpu.dma_semaphore, #tpu.memory_space<semaphore_mem>>
      %dma_start3A_54 = tpu.memref_slice %arg4[%mul3A_2] : memref<2048xi32, #tpu.memory_space<hbm>> -> memref<64xi32, #tpu.memory_space<hbm>>
      %dma_start3A_55 = tpu.memref_slice %arg4[%mul3A_2] : memref<2048xi32, #tpu.memory_space<hbm>> -> memref<64xi32, #tpu.memory_space<hbm>>
      tpu.enqueue_dma source(%dma_start3A_55 : memref<64xi32, #tpu.memory_space<hbm>>) target(%arg8 : memref<64xi32, #tpu.memory_space<vmem>>) target_semaphore(%run_scoped3A : memref<!tpu.dma_semaphore, #tpu.memory_space<semaphore_mem>>)
      %dma_wait3A_56 = tpu.memref_slice %arg4[%mul3A_2] : memref<2048xi32, #tpu.memory_space<hbm>> -> memref<64xi32, #tpu.memory_space<hbm>>
      %dma_wait3A_57 = tpu.memref_slice %arg4[%mul3A_2] : memref<2048xi32, #tpu.memory_space<hbm>> -> memref<64xi32, #tpu.memory_space<hbm>>
      tpu.wait_dma2 semaphore(%run_scoped3A : memref<!tpu.dma_semaphore, #tpu.memory_space<semaphore_mem>>) src(%dma_wait3A_57 : memref<64xi32, #tpu.memory_space<hbm>>) dst(%arg8 : memref<64xi32, #tpu.memory_space<vmem>>)
      tpu.yield
    }) : () -> ()
    "tpu.region"() ({
      %run_scoped3A = tpu.sem_alloc : memref<!tpu.dma_semaphore, #tpu.memory_space<semaphore_mem>>
      %dma_start3A_54 = tpu.memref_slice %arg5[%mul3A_2] : memref<2048xi32, #tpu.memory_space<hbm>> -> memref<64xi32, #tpu.memory_space<hbm>>
      %dma_start3A_55 = tpu.memref_slice %arg5[%mul3A_2] : memref<2048xi32, #tpu.memory_space<hbm>> -> memref<64xi32, #tpu.memory_space<hbm>>
      tpu.enqueue_dma source(%dma_start3A_55 : memref<64xi32, #tpu.memory_space<hbm>>) target(%arg9 : memref<64xi32, #tpu.memory_space<vmem>>) target_semaphore(%run_scoped3A : memref<!tpu.dma_semaphore, #tpu.memory_space<semaphore_mem>>)
      %dma_wait3A_56 = tpu.memref_slice %arg5[%mul3A_2] : memref<2048xi32, #tpu.memory_space<hbm>> -> memref<64xi32, #tpu.memory_space<hbm>>
      %dma_wait3A_57 = tpu.memref_slice %arg5[%mul3A_2] : memref<2048xi32, #tpu.memory_space<hbm>> -> memref<64xi32, #tpu.memory_space<hbm>>
      tpu.wait_dma2 semaphore(%run_scoped3A : memref<!tpu.dma_semaphore, #tpu.memory_space<semaphore_mem>>) src(%dma_wait3A_57 : memref<64xi32, #tpu.memory_space<hbm>>) dst(%arg9 : memref<64xi32, #tpu.memory_space<vmem>>)
      tpu.yield
    }) : () -> ()
    "tpu.region"() ({
      %run_scoped3A = tpu.sem_alloc : memref<!tpu.dma_semaphore, #tpu.memory_space<semaphore_mem>>
      tpu.enqueue_dma source(%arg6 : memref<64xf32, #tpu.memory_space<hbm>>) target(%arg14 : memref<64xf32, #tpu.memory_space<vmem>>) target_semaphore(%run_scoped3A : memref<!tpu.dma_semaphore, #tpu.memory_space<semaphore_mem>>)
      tpu.wait_dma2 semaphore(%run_scoped3A : memref<!tpu.dma_semaphore, #tpu.memory_space<semaphore_mem>>) src(%arg6 : memref<64xf32, #tpu.memory_space<hbm>>) dst(%arg14 : memref<64xf32, #tpu.memory_space<vmem>>)
      tpu.yield
    }) : () -> ()
    %dma_start3A = arith.constant 0 : i32
    %dma_start3A_3 = arith.constant 0 : i32
    %dma_start3A_4 = tpu.memref_slice %arg2[%dma_start3A, %dma_start3A_3] : memref<20480x128xf32, #tpu.memory_space<hbm>> -> memref<20480x128xf32, #tpu.memory_space<hbm>>
    tpu.enqueue_indirect_dma source(%dma_start3A_4 : memref<20480x128xf32, #tpu.memory_space<hbm>>) target(%arg10 : memref<64x128xf32, #tpu.memory_space<vmem>>) offsets(%arg8 : memref<64xi32, #tpu.memory_space<vmem>>) semaphore(%arg16 : memref<!tpu.dma_semaphore, #tpu.memory_space<semaphore_mem>>)
    %dma_wait3A = arith.constant 0 : i32
    %dma_wait3A_5 = arith.constant 0 : i32
    %dma_wait3A_6 = tpu.memref_slice %arg2[%dma_wait3A, %dma_wait3A_5] : memref<20480x128xf32, #tpu.memory_space<hbm>> -> memref<20480x128xf32, #tpu.memory_space<hbm>>
    tpu.wait_indirect_dma semaphore(%arg16 : memref<!tpu.dma_semaphore, #tpu.memory_space<semaphore_mem>>) src(%dma_wait3A_6 : memref<20480x128xf32, #tpu.memory_space<hbm>>) dst(%arg10 : memref<64x128xf32, #tpu.memory_space<vmem>>)
    %dma_start3A_7 = arith.constant 0 : i32
    %dma_start3A_8 = arith.constant 0 : i32
    %dma_start3A_9 = tpu.memref_slice %arg2[%dma_start3A_7, %dma_start3A_8] : memref<20480x128xf32, #tpu.memory_space<hbm>> -> memref<20480x128xf32, #tpu.memory_space<hbm>>
    tpu.enqueue_indirect_dma source(%dma_start3A_9 : memref<20480x128xf32, #tpu.memory_space<hbm>>) target(%arg11 : memref<64x128xf32, #tpu.memory_space<vmem>>) offsets(%arg9 : memref<64xi32, #tpu.memory_space<vmem>>) semaphore(%arg16 : memref<!tpu.dma_semaphore, #tpu.memory_space<semaphore_mem>>)
    %dma_wait3A_10 = arith.constant 0 : i32
    %dma_wait3A_11 = arith.constant 0 : i32
    %dma_wait3A_12 = tpu.memref_slice %arg2[%dma_wait3A_10, %dma_wait3A_11] : memref<20480x128xf32, #tpu.memory_space<hbm>> -> memref<20480x128xf32, #tpu.memory_space<hbm>>
    tpu.wait_indirect_dma semaphore(%arg16 : memref<!tpu.dma_semaphore, #tpu.memory_space<semaphore_mem>>) src(%dma_wait3A_12 : memref<20480x128xf32, #tpu.memory_space<hbm>>) dst(%arg11 : memref<64x128xf32, #tpu.memory_space<vmem>>)
    %dma_start3A_13 = arith.constant 0 : i32
    %dma_start3A_14 = arith.constant 0 : i32
    %dma_start3A_15 = tpu.memref_slice %arg3[%dma_start3A_13, %dma_start3A_14] : memref<20480x128xf32, #tpu.memory_space<hbm>> -> memref<20480x128xf32, #tpu.memory_space<hbm>>
    tpu.enqueue_indirect_dma source(%dma_start3A_15 : memref<20480x128xf32, #tpu.memory_space<hbm>>) target(%arg12 : memref<64x128xf32, #tpu.memory_space<vmem>>) offsets(%arg8 : memref<64xi32, #tpu.memory_space<vmem>>) semaphore(%arg16 : memref<!tpu.dma_semaphore, #tpu.memory_space<semaphore_mem>>)
    %dma_wait3A_16 = arith.constant 0 : i32
    %dma_wait3A_17 = arith.constant 0 : i32
    %dma_wait3A_18 = tpu.memref_slice %arg3[%dma_wait3A_16, %dma_wait3A_17] : memref<20480x128xf32, #tpu.memory_space<hbm>> -> memref<20480x128xf32, #tpu.memory_space<hbm>>
    tpu.wait_indirect_dma semaphore(%arg16 : memref<!tpu.dma_semaphore, #tpu.memory_space<semaphore_mem>>) src(%dma_wait3A_18 : memref<20480x128xf32, #tpu.memory_space<hbm>>) dst(%arg12 : memref<64x128xf32, #tpu.memory_space<vmem>>)
    %dma_start3A_19 = arith.constant 0 : i32
    %dma_start3A_20 = arith.constant 0 : i32
    %dma_start3A_21 = tpu.memref_slice %arg3[%dma_start3A_19, %dma_start3A_20] : memref<20480x128xf32, #tpu.memory_space<hbm>> -> memref<20480x128xf32, #tpu.memory_space<hbm>>
    tpu.enqueue_indirect_dma source(%dma_start3A_21 : memref<20480x128xf32, #tpu.memory_space<hbm>>) target(%arg13 : memref<64x128xf32, #tpu.memory_space<vmem>>) offsets(%arg9 : memref<64xi32, #tpu.memory_space<vmem>>) semaphore(%arg16 : memref<!tpu.dma_semaphore, #tpu.memory_space<semaphore_mem>>)
    %dma_wait3A_22 = arith.constant 0 : i32
    %dma_wait3A_23 = arith.constant 0 : i32
    %dma_wait3A_24 = tpu.memref_slice %arg3[%dma_wait3A_22, %dma_wait3A_23] : memref<20480x128xf32, #tpu.memory_space<hbm>> -> memref<20480x128xf32, #tpu.memory_space<hbm>>
    tpu.wait_indirect_dma semaphore(%arg16 : memref<!tpu.dma_semaphore, #tpu.memory_space<semaphore_mem>>) src(%dma_wait3A_24 : memref<20480x128xf32, #tpu.memory_space<hbm>>) dst(%arg13 : memref<64x128xf32, #tpu.memory_space<vmem>>)
    %get3A = arith.constant 0 : index
    %get3A_25 = tpu.vector_load %arg14[%get3A] {strides = array<i32>} : memref<64xf32, #tpu.memory_space<vmem>>, vector<16xf32>,
    %get3A_26 = vector.shape_cast %get3A_25 : vector<16xf32> to vector<16xf32>
    %mul3A_27 = arith.constant 9.990000e+02 : f32
    %mul3A_28 = vector.broadcast %mul3A_27 : f32 to vector<16xf32>
    %mul3A_29 = arith.mulf %get3A_26, %mul3A_28 : vector<16xf32>
    %get3A_30 = arith.constant 16 : index
    %get3A_31 = tpu.vector_load %arg14[%get3A_30] {strides = array<i32>} : memref<64xf32, #tpu.memory_space<vmem>>, vector<16xf32>,
    %get3A_32 = vector.shape_cast %get3A_31 : vector<16xf32> to vector<16xf32>
    %mul3A_33 = arith.constant 9.990000e+02 : f32
    %mul3A_34 = vector.broadcast %mul3A_33 : f32 to vector<16xf32>
    %mul3A_35 = arith.mulf %get3A_32, %mul3A_34 : vector<16xf32>
    %get3A_36 = arith.constant 32 : index
    %get3A_37 = tpu.vector_load %arg14[%get3A_36] {strides = array<i32>} : memref<64xf32, #tpu.memory_space<vmem>>, vector<16xf32>,
    %get3A_38 = vector.shape_cast %get3A_37 : vector<16xf32> to vector<16xf32>
    %mul3A_39 = arith.constant 9.990000e+02 : f32
    %mul3A_40 = vector.broadcast %mul3A_39 : f32 to vector<16xf32>
    %mul3A_41 = arith.mulf %get3A_38, %mul3A_40 : vector<16xf32>
    %get3A_42 = arith.constant 48 : index
    %get3A_43 = tpu.vector_load %arg14[%get3A_42] {strides = array<i32>} : memref<64xf32, #tpu.memory_space<vmem>>, vector<16xf32>,
    %get3A_44 = vector.shape_cast %get3A_43 : vector<16xf32> to vector<16xf32>
    %mul3A_45 = arith.constant 9.990000e+02 : f32
    %mul3A_46 = vector.broadcast %mul3A_45 : f32 to vector<16xf32>
    %mul3A_47 = arith.mulf %get3A_44, %mul3A_46 : vector<16xf32>
    %scan3A = arith.constant 0 : i32
    %scan3A_48 = arith.constant 0 : i32
    %scan3A_49 = arith.constant 64 : i32
    %scan3A_50 = arith.addi %scan3A_48, %scan3A_49 : i32
    %scan3A_51 = arith.constant 1 : i32
    %scan3A_52 = scf.for %scan3A_54 = %scan3A_48 to %scan3A_50 step %scan3A_51 iter_args(%scan3A_55 = %scan3A) -> (i32)  : i32 {
      %get3A_56 = arith.index_cast %scan3A_54 : i32 to index
      %get3A_57 = arith.constant 64 : index
      %get3A_58 = tpu.vector_load %arg12[%get3A_56, %get3A_57] {strides = array<i32>} : memref<64x128xf32, #tpu.memory_space<vmem>>, vector<1x16xf32>,
      %get3A_59 = vector.shape_cast %get3A_58 : vector<1x16xf32> to vector<16xf32>
      %swap3A = arith.index_cast %scan3A_54 : i32 to index
      %swap3A_60 = arith.constant 0 : index
      %swap3A_61 = tpu.vector_load %arg15[%swap3A, %swap3A_60] {strides = array<i32>} : memref<64x128xf32, #tpu.memory_space<vmem>>, vector<1x16xf32>,
      %swap3A_62 = vector.shape_cast %swap3A_61 : vector<1x16xf32> to vector<16xf32>
      %swap3A_63 = vector.shape_cast %get3A_59 : vector<16xf32> to vector<1x16xf32>
      tpu.vector_store %arg15[%swap3A, %swap3A_60], %swap3A_63 {strides = array<i32>} : memref<64x128xf32, #tpu.memory_space<vmem>>, vector<1x16xf32>,
      %get3A_64 = arith.index_cast %scan3A_54 : i32 to index
      %get3A_65 = arith.constant 64 : index
      %get3A_66 = tpu.vector_load %arg13[%get3A_64, %get3A_65] {strides = array<i32>} : memref<64x128xf32, #tpu.memory_space<vmem>>, vector<1x16xf32>,
      %get3A_67 = vector.shape_cast %get3A_66 : vector<1x16xf32> to vector<16xf32>
      %swap3A_68 = arith.index_cast %scan3A_54 : i32 to index
      %swap3A_69 = arith.constant 32 : index
      %swap3A_70 = tpu.vector_load %arg15[%swap3A_68, %swap3A_69] {strides = array<i32>} : memref<64x128xf32, #tpu.memory_space<vmem>>, vector<1x16xf32>,
      %swap3A_71 = vector.shape_cast %swap3A_70 : vector<1x16xf32> to vector<16xf32>
      %swap3A_72 = vector.shape_cast %get3A_67 : vector<16xf32> to vector<1x16xf32>
      tpu.vector_store %arg15[%swap3A_68, %swap3A_69], %swap3A_72 {strides = array<i32>} : memref<64x128xf32, #tpu.memory_space<vmem>>, vector<1x16xf32>,
      %get3A_73 = arith.index_cast %scan3A_54 : i32 to index
      %get3A_74 = arith.constant 80 : index
      %get3A_75 = tpu.vector_load %arg12[%get3A_73, %get3A_74] {strides = array<i32>} : memref<64x128xf32, #tpu.memory_space<vmem>>, vector<1x16xf32>,
      %get3A_76 = vector.shape_cast %get3A_75 : vector<1x16xf32> to vector<16xf32>
      %swap3A_77 = arith.index_cast %scan3A_54 : i32 to index
      %swap3A_78 = arith.constant 16 : index
      %swap3A_79 = tpu.vector_load %arg15[%swap3A_77, %swap3A_78] {strides = array<i32>} : memref<64x128xf32, #tpu.memory_space<vmem>>, vector<1x16xf32>,
      %swap3A_80 = vector.shape_cast %swap3A_79 : vector<1x16xf32> to vector<16xf32>
      %swap3A_81 = vector.shape_cast %get3A_76 : vector<16xf32> to vector<1x16xf32>
      tpu.vector_store %arg15[%swap3A_77, %swap3A_78], %swap3A_81 {strides = array<i32>} : memref<64x128xf32, #tpu.memory_space<vmem>>, vector<1x16xf32>,
      %get3A_82 = arith.index_cast %scan3A_54 : i32 to index
      %get3A_83 = arith.constant 80 : index
      %get3A_84 = tpu.vector_load %arg13[%get3A_82, %get3A_83] {strides = array<i32>} : memref<64x128xf32, #tpu.memory_space<vmem>>, vector<1x16xf32>,
      %get3A_85 = vector.shape_cast %get3A_84 : vector<1x16xf32> to vector<16xf32>
      %swap3A_86 = arith.index_cast %scan3A_54 : i32 to index
      %swap3A_87 = arith.constant 48 : index
      %swap3A_88 = tpu.vector_load %arg15[%swap3A_86, %swap3A_87] {strides = array<i32>} : memref<64x128xf32, #tpu.memory_space<vmem>>, vector<1x16xf32>,
      %swap3A_89 = vector.shape_cast %swap3A_88 : vector<1x16xf32> to vector<16xf32>
      %swap3A_90 = vector.shape_cast %get3A_85 : vector<16xf32> to vector<1x16xf32>
      tpu.vector_store %arg15[%swap3A_86, %swap3A_87], %swap3A_90 {strides = array<i32>} : memref<64x128xf32, #tpu.memory_space<vmem>>, vector<1x16xf32>,
      %get3A_91 = arith.index_cast %scan3A_54 : i32 to index
      %get3A_92 = arith.constant 0 : index
      %get3A_93 = tpu.vector_load %arg10[%get3A_91, %get3A_92] {strides = array<i32>} : memref<64x128xf32, #tpu.memory_space<vmem>>, vector<1x16xf32>,
      %get3A_94 = vector.shape_cast %get3A_93 : vector<1x16xf32> to vector<16xf32>
      %get3A_95 = arith.index_cast %scan3A_54 : i32 to index
      %get3A_96 = arith.constant 0 : index
      %get3A_97 = tpu.vector_load %arg13[%get3A_95, %get3A_96] {strides = array<i32>} : memref<64x128xf32, #tpu.memory_space<vmem>>, vector<1x16xf32>,
      %get3A_98 = vector.shape_cast %get3A_97 : vector<1x16xf32> to vector<16xf32>
      %add3A_99 = arith.addf %get3A_94, %get3A_98 : vector<16xf32>
      %add3A_100 = arith.addf %add3A_99, %mul3A_29 : vector<16xf32>
      %max3A = arith.constant 0.000000e+00 : f32
      %max3A_101 = vector.broadcast %max3A : f32 to vector<16xf32>
      %max3A_102 = arith.maximumf %add3A_100, %max3A_101 : vector<16xf32>
      %get3A_103 = arith.index_cast %scan3A_54 : i32 to index
      %get3A_104 = arith.constant 0 : index
      %get3A_105 = tpu.vector_load %arg11[%get3A_103, %get3A_104] {strides = array<i32>} : memref<64x128xf32, #tpu.memory_space<vmem>>, vector<1x16xf32>,
      %get3A_106 = vector.shape_cast %get3A_105 : vector<1x16xf32> to vector<16xf32>
      %get3A_107 = arith.index_cast %scan3A_54 : i32 to index
      %get3A_108 = arith.constant 0 : index
      %get3A_109 = tpu.vector_load %arg12[%get3A_107, %get3A_108] {strides = array<i32>} : memref<64x128xf32, #tpu.memory_space<vmem>>, vector<1x16xf32>,
      %get3A_110 = vector.shape_cast %get3A_109 : vector<1x16xf32> to vector<16xf32>
      %add3A_111 = arith.addf %get3A_106, %get3A_110 : vector<16xf32>
      %add3A_112 = arith.addf %add3A_111, %mul3A_29 : vector<16xf32>
      %max3A_113 = arith.constant 0.000000e+00 : f32
      %max3A_114 = vector.broadcast %max3A_113 : f32 to vector<16xf32>
      %max3A_115 = arith.maximumf %add3A_112, %max3A_114 : vector<16xf32>
      %add3A_116 = arith.addf %max3A_102, %max3A_115 : vector<16xf32>
      %swap3A_117 = arith.index_cast %scan3A_54 : i32 to index
      %swap3A_118 = arith.constant 64 : index
      %swap3A_119 = tpu.vector_load %arg15[%swap3A_117, %swap3A_118] {strides = array<i32>} : memref<64x128xf32, #tpu.memory_space<vmem>>, vector<1x16xf32>,
      %swap3A_120 = vector.shape_cast %swap3A_119 : vector<1x16xf32> to vector<16xf32>
      %swap3A_121 = vector.shape_cast %add3A_116 : vector<16xf32> to vector<1x16xf32>
      tpu.vector_store %arg15[%swap3A_117, %swap3A_118], %swap3A_121 {strides = array<i32>} : memref<64x128xf32, #tpu.memory_space<vmem>>, vector<1x16xf32>,
      %get3A_122 = arith.index_cast %scan3A_54 : i32 to index
      %get3A_123 = arith.constant 16 : index
      %get3A_124 = tpu.vector_load %arg10[%get3A_122, %get3A_123] {strides = array<i32>} : memref<64x128xf32, #tpu.memory_space<vmem>>, vector<1x16xf32>,
      %get3A_125 = vector.shape_cast %get3A_124 : vector<1x16xf32> to vector<16xf32>
      %get3A_126 = arith.index_cast %scan3A_54 : i32 to index
      %get3A_127 = arith.constant 16 : index
      %get3A_128 = tpu.vector_load %arg13[%get3A_126, %get3A_127] {strides = array<i32>} : memref<64x128xf32, #tpu.memory_space<vmem>>, vector<1x16xf32>,
      %get3A_129 = vector.shape_cast %get3A_128 : vector<1x16xf32> to vector<16xf32>
      %add3A_130 = arith.addf %get3A_125, %get3A_129 : vector<16xf32>
      %add3A_131 = arith.addf %add3A_130, %mul3A_35 : vector<16xf32>
      %max3A_132 = arith.constant 0.000000e+00 : f32
      %max3A_133 = vector.broadcast %max3A_132 : f32 to vector<16xf32>
      %max3A_134 = arith.maximumf %add3A_131, %max3A_133 : vector<16xf32>
      %get3A_135 = arith.index_cast %scan3A_54 : i32 to index
      %get3A_136 = arith.constant 16 : index
      %get3A_137 = tpu.vector_load %arg11[%get3A_135, %get3A_136] {strides = array<i32>} : memref<64x128xf32, #tpu.memory_space<vmem>>, vector<1x16xf32>,
      %get3A_138 = vector.shape_cast %get3A_137 : vector<1x16xf32> to vector<16xf32>
      %get3A_139 = arith.index_cast %scan3A_54 : i32 to index
      %get3A_140 = arith.constant 16 : index
      %get3A_141 = tpu.vector_load %arg12[%get3A_139, %get3A_140] {strides = array<i32>} : memref<64x128xf32, #tpu.memory_space<vmem>>, vector<1x16xf32>,
      %get3A_142 = vector.shape_cast %get3A_141 : vector<1x16xf32> to vector<16xf32>
      %add3A_143 = arith.addf %get3A_138, %get3A_142 : vector<16xf32>
      %add3A_144 = arith.addf %add3A_143, %mul3A_35 : vector<16xf32>
      %max3A_145 = arith.constant 0.000000e+00 : f32
      %max3A_146 = vector.broadcast %max3A_145 : f32 to vector<16xf32>
      %max3A_147 = arith.maximumf %add3A_144, %max3A_146 : vector<16xf32>
      %add3A_148 = arith.addf %max3A_134, %max3A_147 : vector<16xf32>
      %swap3A_149 = arith.index_cast %scan3A_54 : i32 to index
      %swap3A_150 = arith.constant 80 : index
      %swap3A_151 = tpu.vector_load %arg15[%swap3A_149, %swap3A_150] {strides = array<i32>} : memref<64x128xf32, #tpu.memory_space<vmem>>, vector<1x16xf32>,
      %swap3A_152 = vector.shape_cast %swap3A_151 : vector<1x16xf32> to vector<16xf32>
      %swap3A_153 = vector.shape_cast %add3A_148 : vector<16xf32> to vector<1x16xf32>
      tpu.vector_store %arg15[%swap3A_149, %swap3A_150], %swap3A_153 {strides = array<i32>} : memref<64x128xf32, #tpu.memory_space<vmem>>, vector<1x16xf32>,
      %get3A_154 = arith.index_cast %scan3A_54 : i32 to index
      %get3A_155 = arith.constant 32 : index
      %get3A_156 = tpu.vector_load %arg10[%get3A_154, %get3A_155] {strides = array<i32>} : memref<64x128xf32, #tpu.memory_space<vmem>>, vector<1x16xf32>,
      %get3A_157 = vector.shape_cast %get3A_156 : vector<1x16xf32> to vector<16xf32>
      %get3A_158 = arith.index_cast %scan3A_54 : i32 to index
      %get3A_159 = arith.constant 32 : index
      %get3A_160 = tpu.vector_load %arg13[%get3A_158, %get3A_159] {strides = array<i32>} : memref<64x128xf32, #tpu.memory_space<vmem>>, vector<1x16xf32>,
      %get3A_161 = vector.shape_cast %get3A_160 : vector<1x16xf32> to vector<16xf32>
      %add3A_162 = arith.addf %get3A_157, %get3A_161 : vector<16xf32>
      %add3A_163 = arith.addf %add3A_162, %mul3A_41 : vector<16xf32>
      %max3A_164 = arith.constant 0.000000e+00 : f32
      %max3A_165 = vector.broadcast %max3A_164 : f32 to vector<16xf32>
      %max3A_166 = arith.maximumf %add3A_163, %max3A_165 : vector<16xf32>
      %get3A_167 = arith.index_cast %scan3A_54 : i32 to index
      %get3A_168 = arith.constant 32 : index
      %get3A_169 = tpu.vector_load %arg11[%get3A_167, %get3A_168] {strides = array<i32>} : memref<64x128xf32, #tpu.memory_space<vmem>>, vector<1x16xf32>,
      %get3A_170 = vector.shape_cast %get3A_169 : vector<1x16xf32> to vector<16xf32>
      %get3A_171 = arith.index_cast %scan3A_54 : i32 to index
      %get3A_172 = arith.constant 32 : index
      %get3A_173 = tpu.vector_load %arg12[%get3A_171, %get3A_172] {strides = array<i32>} : memref<64x128xf32, #tpu.memory_space<vmem>>, vector<1x16xf32>,
      %get3A_174 = vector.shape_cast %get3A_173 : vector<1x16xf32> to vector<16xf32>
      %add3A_175 = arith.addf %get3A_170, %get3A_174 : vector<16xf32>
      %add3A_176 = arith.addf %add3A_175, %mul3A_41 : vector<16xf32>
      %max3A_177 = arith.constant 0.000000e+00 : f32
      %max3A_178 = vector.broadcast %max3A_177 : f32 to vector<16xf32>
      %max3A_179 = arith.maximumf %add3A_176, %max3A_178 : vector<16xf32>
      %add3A_180 = arith.addf %max3A_166, %max3A_179 : vector<16xf32>
      %swap3A_181 = arith.index_cast %scan3A_54 : i32 to index
      %swap3A_182 = arith.constant 96 : index
      %swap3A_183 = tpu.vector_load %arg15[%swap3A_181, %swap3A_182] {strides = array<i32>} : memref<64x128xf32, #tpu.memory_space<vmem>>, vector<1x16xf32>,
      %swap3A_184 = vector.shape_cast %swap3A_183 : vector<1x16xf32> to vector<16xf32>
      %swap3A_185 = vector.shape_cast %add3A_180 : vector<16xf32> to vector<1x16xf32>
      tpu.vector_store %arg15[%swap3A_181, %swap3A_182], %swap3A_185 {strides = array<i32>} : memref<64x128xf32, #tpu.memory_space<vmem>>, vector<1x16xf32>,
      %get3A_186 = arith.index_cast %scan3A_54 : i32 to index
      %get3A_187 = arith.constant 48 : index
      %get3A_188 = tpu.vector_load %arg10[%get3A_186, %get3A_187] {strides = array<i32>} : memref<64x128xf32, #tpu.memory_space<vmem>>, vector<1x16xf32>,
      %get3A_189 = vector.shape_cast %get3A_188 : vector<1x16xf32> to vector<16xf32>
      %get3A_190 = arith.index_cast %scan3A_54 : i32 to index
      %get3A_191 = arith.constant 48 : index
      %get3A_192 = tpu.vector_load %arg13[%get3A_190, %get3A_191] {strides = array<i32>} : memref<64x128xf32, #tpu.memory_space<vmem>>, vector<1x16xf32>,
      %get3A_193 = vector.shape_cast %get3A_192 : vector<1x16xf32> to vector<16xf32>
      %add3A_194 = arith.addf %get3A_189, %get3A_193 : vector<16xf32>
      %add3A_195 = arith.addf %add3A_194, %mul3A_47 : vector<16xf32>
      %max3A_196 = arith.constant 0.000000e+00 : f32
      %max3A_197 = vector.broadcast %max3A_196 : f32 to vector<16xf32>
      %max3A_198 = arith.maximumf %add3A_195, %max3A_197 : vector<16xf32>
      %get3A_199 = arith.index_cast %scan3A_54 : i32 to index
      %get3A_200 = arith.constant 48 : index
      %get3A_201 = tpu.vector_load %arg11[%get3A_199, %get3A_200] {strides = array<i32>} : memref<64x128xf32, #tpu.memory_space<vmem>>, vector<1x16xf32>,
      %get3A_202 = vector.shape_cast %get3A_201 : vector<1x16xf32> to vector<16xf32>
      %get3A_203 = arith.index_cast %scan3A_54 : i32 to index
      %get3A_204 = arith.constant 48 : index
      %get3A_205 = tpu.vector_load %arg12[%get3A_203, %get3A_204] {strides = array<i32>} : memref<64x128xf32, #tpu.memory_space<vmem>>, vector<1x16xf32>,
      %get3A_206 = vector.shape_cast %get3A_205 : vector<1x16xf32> to vector<16xf32>
      %add3A_207 = arith.addf %get3A_202, %get3A_206 : vector<16xf32>
      %add3A_208 = arith.addf %add3A_207, %mul3A_47 : vector<16xf32>
      %max3A_209 = arith.constant 0.000000e+00 : f32
      %max3A_210 = vector.broadcast %max3A_209 : f32 to vector<16xf32>
      %max3A_211 = arith.maximumf %add3A_208, %max3A_210 : vector<16xf32>
      %add3A_212 = arith.addf %max3A_198, %max3A_211 : vector<16xf32>
      %swap3A_213 = arith.index_cast %scan3A_54 : i32 to index
      %swap3A_214 = arith.constant 112 : index
      %swap3A_215 = tpu.vector_load %arg15[%swap3A_213, %swap3A_214] {strides = array<i32>} : memref<64x128xf32, #tpu.memory_space<vmem>>, vector<1x16xf32>,
      %swap3A_216 = vector.shape_cast %swap3A_215 : vector<1x16xf32> to vector<16xf32>
      %swap3A_217 = vector.shape_cast %add3A_212 : vector<16xf32> to vector<1x16xf32>
      tpu.vector_store %arg15[%swap3A_213, %swap3A_214], %swap3A_217 {strides = array<i32>} : memref<64x128xf32, #tpu.memory_space<vmem>>, vector<1x16xf32>,
      %scan3A_218 = arith.constant 0 : i32
      scf.yield %scan3A_218 : i32
    }
    %scan3A_53 = arith.constant 64 : i32
    "tpu.region"() ({
      %run_scoped3A = tpu.sem_alloc : memref<!tpu.dma_semaphore, #tpu.memory_space<semaphore_mem>>
      %dma_start3A_54 = arith.constant 0 : i32
      %dma_start3A_55 = tpu.memref_slice %arg7[%mul3A_2, %dma_start3A_54] : memref<2048x128xf32, #tpu.memory_space<hbm>> -> memref<64x128xf32, #tpu.memory_space<hbm>>
      %dma_start3A_56 = arith.constant 0 : i32
      %dma_start3A_57 = tpu.memref_slice %arg7[%mul3A_2, %dma_start3A_56] : memref<2048x128xf32, #tpu.memory_space<hbm>> -> memref<64x128xf32, #tpu.memory_space<hbm>>
      tpu.enqueue_dma source(%arg15 : memref<64x128xf32, #tpu.memory_space<vmem>>) target(%dma_start3A_57 : memref<64x128xf32, #tpu.memory_space<hbm>>) target_semaphore(%run_scoped3A : memref<!tpu.dma_semaphore, #tpu.memory_space<semaphore_mem>>)
      %dma_wait3A_58 = arith.constant 0 : i32
      %dma_wait3A_59 = tpu.memref_slice %arg7[%mul3A_2, %dma_wait3A_58] : memref<2048x128xf32, #tpu.memory_space<hbm>> -> memref<64x128xf32, #tpu.memory_space<hbm>>
      %dma_wait3A_60 = arith.constant 0 : i32
      %dma_wait3A_61 = tpu.memref_slice %arg7[%mul3A_2, %dma_wait3A_60] : memref<2048x128xf32, #tpu.memory_space<hbm>> -> memref<64x128xf32, #tpu.memory_space<hbm>>
      tpu.wait_dma2 semaphore(%run_scoped3A : memref<!tpu.dma_semaphore, #tpu.memory_space<semaphore_mem>>) src(%arg15 : memref<64x128xf32, #tpu.memory_space<vmem>>) dst(%dma_wait3A_61 : memref<64x128xf32, #tpu.memory_space<hbm>>)
      tpu.yield
    }) : () -> ()
    return
  }
}

#map = affine_map<(d0, d1) -> (0, 0)>
#map1 = affine_map<(d0, d1) -> (0)>
module attributes {stable_mosaic.version = 14 : i64} {
  func.func @edge_kernel(%arg0: i32, %arg1: i32, %arg2: memref<20480x128xf32, #tpu.memory_space<hbm>>, %arg3: memref<20480x64xf32, #tpu.memory_space<hbm>>, %arg4: memref<44288xi32, #tpu.memory_space<hbm>>, %arg5: memref<44288xi32, #tpu.memory_space<hbm>>, %arg6: memref<44288xf32, #tpu.memory_space<hbm>>, %arg7: memref<80xi32, #tpu.memory_space<hbm>>, %arg8: memref<328x64xf32, #tpu.memory_space<hbm>>, %arg9: memref<64xf32, #tpu.memory_space<hbm>>, %arg10: memref<20480x64xf32, #tpu.memory_space<hbm>>, %arg11: memref<80xi32, #tpu.memory_space<vmem>>, %arg12: memref<128xi32, #tpu.memory_space<vmem>>, %arg13: memref<144xi32, #tpu.memory_space<vmem>>, %arg14: memref<144xf32, #tpu.memory_space<vmem>>, %arg15: memref<128x128xf32, #tpu.memory_space<vmem>>, %arg16: memref<328x64xf32, #tpu.memory_space<vmem>>, %arg17: memref<328x64xf32, #tpu.memory_space<vmem>>, %arg18: memref<64xf32, #tpu.memory_space<vmem>>, %arg19: memref<!tpu.dma_semaphore, #tpu.memory_space<semaphore_mem>>) attributes {dimension_semantics = [#tpu.dimension_semantics<core_parallel>, #tpu.dimension_semantics<subcore_parallel>], iteration_bounds = array<i64: 2, 16>, scalar_prefetch = 0 : i64, scratch_operands = 9 : i64, tpu.core_type = #tpu.core_type<sc_vector_subcore>, window_params = [{transform_indices = #map}, {transform_indices = #map}, {transform_indices = #map1}, {transform_indices = #map1}, {transform_indices = #map1}, {transform_indices = #map1}, {transform_indices = #map}, {transform_indices = #map1}, {transform_indices = #map}]} {
    %mul3A = arith.constant 2 : i32
    %mul3A_0 = arith.muli %arg1, %mul3A : i32
    %add3A = arith.addi %mul3A_0, %arg0 : i32
    "tpu.region"() ({
      %run_scoped3A = tpu.sem_alloc : memref<!tpu.dma_semaphore, #tpu.memory_space<semaphore_mem>>
      tpu.enqueue_dma source(%arg7 : memref<80xi32, #tpu.memory_space<hbm>>) target(%arg11 : memref<80xi32, #tpu.memory_space<vmem>>) target_semaphore(%run_scoped3A : memref<!tpu.dma_semaphore, #tpu.memory_space<semaphore_mem>>)
      tpu.wait_dma2 semaphore(%run_scoped3A : memref<!tpu.dma_semaphore, #tpu.memory_space<semaphore_mem>>) src(%arg7 : memref<80xi32, #tpu.memory_space<hbm>>) dst(%arg11 : memref<80xi32, #tpu.memory_space<vmem>>)
      tpu.yield
    }) : () -> ()
    "tpu.region"() ({
      %run_scoped3A = tpu.sem_alloc : memref<!tpu.dma_semaphore, #tpu.memory_space<semaphore_mem>>
      tpu.enqueue_dma source(%arg9 : memref<64xf32, #tpu.memory_space<hbm>>) target(%arg18 : memref<64xf32, #tpu.memory_space<vmem>>) target_semaphore(%run_scoped3A : memref<!tpu.dma_semaphore, #tpu.memory_space<semaphore_mem>>)
      tpu.wait_dma2 semaphore(%run_scoped3A : memref<!tpu.dma_semaphore, #tpu.memory_space<semaphore_mem>>) src(%arg9 : memref<64xf32, #tpu.memory_space<hbm>>) dst(%arg18 : memref<64xf32, #tpu.memory_space<vmem>>)
      tpu.yield
    }) : () -> ()
    %get3A = arith.constant 0 : index
    %get3A_1 = tpu.vector_load %arg18[%get3A] {strides = array<i32>} : memref<64xf32, #tpu.memory_space<vmem>>, vector<16xf32>,
    %get3A_2 = vector.shape_cast %get3A_1 : vector<16xf32> to vector<16xf32>
    %get3A_3 = arith.constant 16 : index
    %get3A_4 = tpu.vector_load %arg18[%get3A_3] {strides = array<i32>} : memref<64xf32, #tpu.memory_space<vmem>>, vector<16xf32>,
    %get3A_5 = vector.shape_cast %get3A_4 : vector<16xf32> to vector<16xf32>
    %get3A_6 = arith.constant 32 : index
    %get3A_7 = tpu.vector_load %arg18[%get3A_6] {strides = array<i32>} : memref<64xf32, #tpu.memory_space<vmem>>, vector<16xf32>,
    %get3A_8 = vector.shape_cast %get3A_7 : vector<16xf32> to vector<16xf32>
    %get3A_9 = arith.constant 48 : index
    %get3A_10 = tpu.vector_load %arg18[%get3A_9] {strides = array<i32>} : memref<64xf32, #tpu.memory_space<vmem>>, vector<16xf32>,
    %get3A_11 = vector.shape_cast %get3A_10 : vector<16xf32> to vector<16xf32>
    %mul3A_12 = arith.constant 2 : i32
    %mul3A_13 = arith.muli %add3A, %mul3A_12 : i32
    %add3A_14 = arith.constant 0 : i32
    %add3A_15 = arith.addi %mul3A_13, %add3A_14 : i32
    %mul3A_16 = arith.constant 320 : i32
    %mul3A_17 = arith.muli %add3A_15, %mul3A_16 : i32
    "tpu.region"() ({
      %run_scoped3A = tpu.sem_alloc : memref<!tpu.dma_semaphore, #tpu.memory_space<semaphore_mem>>
      tpu.enqueue_dma source(%arg8 : memref<328x64xf32, #tpu.memory_space<hbm>>) target(%arg17 : memref<328x64xf32, #tpu.memory_space<vmem>>) target_semaphore(%run_scoped3A : memref<!tpu.dma_semaphore, #tpu.memory_space<semaphore_mem>>)
      tpu.wait_dma2 semaphore(%run_scoped3A : memref<!tpu.dma_semaphore, #tpu.memory_space<semaphore_mem>>) src(%arg8 : memref<328x64xf32, #tpu.memory_space<hbm>>) dst(%arg17 : memref<328x64xf32, #tpu.memory_space<vmem>>)
      tpu.yield
    }) : () -> ()
    "tpu.region"() ({
      %run_scoped3A = tpu.sem_alloc : memref<!tpu.dma_semaphore, #tpu.memory_space<semaphore_mem>>
      %dma_start3A = arith.constant 0 : i32
      %dma_start3A_157 = arith.constant 0 : i32
      %dma_start3A_158 = tpu.memref_slice %arg16[%dma_start3A, %dma_start3A_157] : memref<328x64xf32, #tpu.memory_space<vmem>> -> memref<320x64xf32, #tpu.memory_space<vmem>>
      %dma_start3A_159 = arith.constant 0 : i32
      %dma_start3A_160 = tpu.memref_slice %arg3[%mul3A_17, %dma_start3A_159] : memref<20480x64xf32, #tpu.memory_space<hbm>> -> memref<320x64xf32, #tpu.memory_space<hbm>>
      %dma_start3A_161 = arith.constant 0 : i32
      %dma_start3A_162 = arith.constant 0 : i32
      %dma_start3A_163 = tpu.memref_slice %arg16[%dma_start3A_161, %dma_start3A_162] : memref<328x64xf32, #tpu.memory_space<vmem>> -> memref<320x64xf32, #tpu.memory_space<vmem>>
      %dma_start3A_164 = arith.constant 0 : i32
      %dma_start3A_165 = tpu.memref_slice %arg3[%mul3A_17, %dma_start3A_164] : memref<20480x64xf32, #tpu.memory_space<hbm>> -> memref<320x64xf32, #tpu.memory_space<hbm>>
      tpu.enqueue_dma source(%dma_start3A_165 : memref<320x64xf32, #tpu.memory_space<hbm>>) target(%dma_start3A_163 : memref<320x64xf32, #tpu.memory_space<vmem>>) target_semaphore(%run_scoped3A : memref<!tpu.dma_semaphore, #tpu.memory_space<semaphore_mem>>)
      %dma_wait3A = arith.constant 0 : i32
      %dma_wait3A_166 = arith.constant 0 : i32
      %dma_wait3A_167 = tpu.memref_slice %arg16[%dma_wait3A, %dma_wait3A_166] : memref<328x64xf32, #tpu.memory_space<vmem>> -> memref<320x64xf32, #tpu.memory_space<vmem>>
      %dma_wait3A_168 = arith.constant 0 : i32
      %dma_wait3A_169 = tpu.memref_slice %arg3[%mul3A_17, %dma_wait3A_168] : memref<20480x64xf32, #tpu.memory_space<hbm>> -> memref<320x64xf32, #tpu.memory_space<hbm>>
      %dma_wait3A_170 = arith.constant 0 : i32
      %dma_wait3A_171 = arith.constant 0 : i32
      %dma_wait3A_172 = tpu.memref_slice %arg16[%dma_wait3A_170, %dma_wait3A_171] : memref<328x64xf32, #tpu.memory_space<vmem>> -> memref<320x64xf32, #tpu.memory_space<vmem>>
      %dma_wait3A_173 = arith.constant 0 : i32
      %dma_wait3A_174 = tpu.memref_slice %arg3[%mul3A_17, %dma_wait3A_173] : memref<20480x64xf32, #tpu.memory_space<hbm>> -> memref<320x64xf32, #tpu.memory_space<hbm>>
      tpu.wait_dma2 semaphore(%run_scoped3A : memref<!tpu.dma_semaphore, #tpu.memory_space<semaphore_mem>>) src(%dma_wait3A_174 : memref<320x64xf32, #tpu.memory_space<hbm>>) dst(%dma_wait3A_172 : memref<320x64xf32, #tpu.memory_space<vmem>>)
      tpu.yield
    }) : () -> ()
    %get3A_18 = arith.index_cast %add3A_15 : i32 to index
    %get3A_19 = tpu.vector_load %arg11[%get3A_18] {strides = array<i32>} : memref<80xi32, #tpu.memory_space<vmem>>, vector<16xi32>,
    %get3A_20 = vector.shape_cast %get3A_19 : vector<16xi32> to vector<16xi32>
    %slice3A = vector.extract_strided_slice %get3A_20 {offsets = [0], sizes = [1], strides = [1]} : vector<16xi32> to vector<1xi32>
    %squeeze3A = vector.extract %slice3A[0] : i32 from vector<1xi32>
    %slice3A_21 = vector.extract_strided_slice %get3A_20 {offsets = [1], sizes = [1], strides = [1]} : vector<16xi32> to vector<1xi32>
    %squeeze3A_22 = vector.extract %slice3A_21[0] : i32 from vector<1xi32>
    %jit3A = arith.constant 128 : i32
    %div3A = arith.divsi %squeeze3A, %jit3A : i32
    %sign3A = arith.constant 0 : i32
    %sign3A_23 = arith.cmpi sgt, %squeeze3A, %sign3A : i32
    %sign3A_24 = arith.extui %sign3A_23 : i1 to i32
    %sign3A_25 = arith.constant 0 : i32
    %sign3A_26 = arith.cmpi slt, %squeeze3A, %sign3A_25 : i32
    %sign3A_27 = arith.extui %sign3A_26 : i1 to i32
    %sign3A_28 = arith.subi %sign3A_24, %sign3A_27 : i32
    %sign3A_29 = arith.constant 0 : i32
    %sign3A_30 = arith.cmpi sgt, %jit3A, %sign3A_29 : i32
    %sign3A_31 = arith.extui %sign3A_30 : i1 to i32
    %sign3A_32 = arith.constant 0 : i32
    %sign3A_33 = arith.cmpi slt, %jit3A, %sign3A_32 : i32
    %sign3A_34 = arith.extui %sign3A_33 : i1 to i32
    %sign3A_35 = arith.subi %sign3A_31, %sign3A_34 : i32
    %ne3A = arith.cmpi ne, %sign3A_28, %sign3A_35 : i32
    %rem3A = arith.remsi %squeeze3A, %jit3A : i32
    %ne3A_36 = arith.constant 0 : i32
    %ne3A_37 = arith.cmpi ne, %rem3A, %ne3A_36 : i32
    %and3A = arith.andi %ne3A, %ne3A_37 : i1
    %sub3A = arith.constant 1 : i32
    %sub3A_38 = arith.subi %div3A, %sub3A : i32
    %select_n3A = arith.select %and3A, %sub3A_38, %div3A : i32
    %mul3A_39 = arith.constant 128 : i32
    %mul3A_40 = arith.muli %select_n3A, %mul3A_39 : i32
    %sub3A_41 = arith.subi %squeeze3A_22, %mul3A_40 : i32
    %add3A_42 = arith.constant 127 : i32
    %add3A_43 = arith.addi %sub3A_41, %add3A_42 : i32
    %jit3A_44 = arith.constant 128 : i32
    %div3A_45 = arith.divsi %add3A_43, %jit3A_44 : i32
    %sign3A_46 = arith.constant 0 : i32
    %sign3A_47 = arith.cmpi sgt, %add3A_43, %sign3A_46 : i32
    %sign3A_48 = arith.extui %sign3A_47 : i1 to i32
    %sign3A_49 = arith.constant 0 : i32
    %sign3A_50 = arith.cmpi slt, %add3A_43, %sign3A_49 : i32
    %sign3A_51 = arith.extui %sign3A_50 : i1 to i32
    %sign3A_52 = arith.subi %sign3A_48, %sign3A_51 : i32
    %sign3A_53 = arith.constant 0 : i32
    %sign3A_54 = arith.cmpi sgt, %jit3A_44, %sign3A_53 : i32
    %sign3A_55 = arith.extui %sign3A_54 : i1 to i32
    %sign3A_56 = arith.constant 0 : i32
    %sign3A_57 = arith.cmpi slt, %jit3A_44, %sign3A_56 : i32
    %sign3A_58 = arith.extui %sign3A_57 : i1 to i32
    %sign3A_59 = arith.subi %sign3A_55, %sign3A_58 : i32
    %ne3A_60 = arith.cmpi ne, %sign3A_52, %sign3A_59 : i32
    %rem3A_61 = arith.remsi %add3A_43, %jit3A_44 : i32
    %ne3A_62 = arith.constant 0 : i32
    %ne3A_63 = arith.cmpi ne, %rem3A_61, %ne3A_62 : i32
    %and3A_64 = arith.andi %ne3A_60, %ne3A_63 : i1
    %sub3A_65 = arith.constant 1 : i32
    %sub3A_66 = arith.subi %div3A_45, %sub3A_65 : i32
    %select_n3A_67 = arith.select %and3A_64, %sub3A_66, %div3A_45 : i32
    %while3A = arith.constant 0 : i32
    %while3A_68 = arith.constant 0 : i32
    %while3A_69 = arith.subi %select_n3A_67, %while3A : i32
    %while3A_70 = arith.addi %while3A, %while3A_69 : i32
    %while3A_71 = arith.constant 1 : i32
    %while3A_72 = arith.divsi %while3A_69, %while3A_71 : i32
    %while3A_73 = arith.muli %while3A_72, %while3A_71 : i32
    %while3A_74 = arith.addi %while3A, %while3A_73 : i32
    %while3A_75 = arith.constant 1 : i32
    %while3A_76 = scf.for %while3A_157 = %while3A to %while3A_74 step %while3A_75 iter_args(%while3A_158 = %while3A_68) -> (i32)  : i32 {
      %mul3A_159 = arith.constant 128 : i32
      %mul3A_160 = arith.muli %while3A_157, %mul3A_159 : i32
      %add3A_161 = arith.addi %mul3A_40, %mul3A_160 : i32
      "tpu.region"() ({
        %run_scoped3A = tpu.sem_alloc : memref<!tpu.dma_semaphore, #tpu.memory_space<semaphore_mem>>
        %dma_start3A_173 = tpu.memref_slice %arg4[%add3A_161] : memref<44288xi32, #tpu.memory_space<hbm>> -> memref<128xi32, #tpu.memory_space<hbm>>
        %dma_start3A_174 = tpu.memref_slice %arg4[%add3A_161] : memref<44288xi32, #tpu.memory_space<hbm>> -> memref<128xi32, #tpu.memory_space<hbm>>
        tpu.enqueue_dma source(%dma_start3A_174 : memref<128xi32, #tpu.memory_space<hbm>>) target(%arg12 : memref<128xi32, #tpu.memory_space<vmem>>) target_semaphore(%run_scoped3A : memref<!tpu.dma_semaphore, #tpu.memory_space<semaphore_mem>>)
        %dma_wait3A_175 = tpu.memref_slice %arg4[%add3A_161] : memref<44288xi32, #tpu.memory_space<hbm>> -> memref<128xi32, #tpu.memory_space<hbm>>
        %dma_wait3A_176 = tpu.memref_slice %arg4[%add3A_161] : memref<44288xi32, #tpu.memory_space<hbm>> -> memref<128xi32, #tpu.memory_space<hbm>>
        tpu.wait_dma2 semaphore(%run_scoped3A : memref<!tpu.dma_semaphore, #tpu.memory_space<semaphore_mem>>) src(%dma_wait3A_176 : memref<128xi32, #tpu.memory_space<hbm>>) dst(%arg12 : memref<128xi32, #tpu.memory_space<vmem>>)
        tpu.yield
      }) : () -> ()
      "tpu.region"() ({
        %run_scoped3A = tpu.sem_alloc : memref<!tpu.dma_semaphore, #tpu.memory_space<semaphore_mem>>
        %dma_start3A_173 = arith.constant 0 : i32
        %dma_start3A_174 = tpu.memref_slice %arg13[%dma_start3A_173] : memref<144xi32, #tpu.memory_space<vmem>> -> memref<128xi32, #tpu.memory_space<vmem>>
        %dma_start3A_175 = tpu.memref_slice %arg5[%add3A_161] : memref<44288xi32, #tpu.memory_space<hbm>> -> memref<128xi32, #tpu.memory_space<hbm>>
        %dma_start3A_176 = arith.constant 0 : i32
        %dma_start3A_177 = tpu.memref_slice %arg13[%dma_start3A_176] : memref<144xi32, #tpu.memory_space<vmem>> -> memref<128xi32, #tpu.memory_space<vmem>>
        %dma_start3A_178 = tpu.memref_slice %arg5[%add3A_161] : memref<44288xi32, #tpu.memory_space<hbm>> -> memref<128xi32, #tpu.memory_space<hbm>>
        tpu.enqueue_dma source(%dma_start3A_178 : memref<128xi32, #tpu.memory_space<hbm>>) target(%dma_start3A_177 : memref<128xi32, #tpu.memory_space<vmem>>) target_semaphore(%run_scoped3A : memref<!tpu.dma_semaphore, #tpu.memory_space<semaphore_mem>>)
        %dma_wait3A_179 = arith.constant 0 : i32
        %dma_wait3A_180 = tpu.memref_slice %arg13[%dma_wait3A_179] : memref<144xi32, #tpu.memory_space<vmem>> -> memref<128xi32, #tpu.memory_space<vmem>>
        %dma_wait3A_181 = tpu.memref_slice %arg5[%add3A_161] : memref<44288xi32, #tpu.memory_space<hbm>> -> memref<128xi32, #tpu.memory_space<hbm>>
        %dma_wait3A_182 = arith.constant 0 : i32
        %dma_wait3A_183 = tpu.memref_slice %arg13[%dma_wait3A_182] : memref<144xi32, #tpu.memory_space<vmem>> -> memref<128xi32, #tpu.memory_space<vmem>>
        %dma_wait3A_184 = tpu.memref_slice %arg5[%add3A_161] : memref<44288xi32, #tpu.memory_space<hbm>> -> memref<128xi32, #tpu.memory_space<hbm>>
        tpu.wait_dma2 semaphore(%run_scoped3A : memref<!tpu.dma_semaphore, #tpu.memory_space<semaphore_mem>>) src(%dma_wait3A_184 : memref<128xi32, #tpu.memory_space<hbm>>) dst(%dma_wait3A_183 : memref<128xi32, #tpu.memory_space<vmem>>)
        tpu.yield
      }) : () -> ()
      "tpu.region"() ({
        %run_scoped3A = tpu.sem_alloc : memref<!tpu.dma_semaphore, #tpu.memory_space<semaphore_mem>>
        %dma_start3A_173 = arith.constant 0 : i32
        %dma_start3A_174 = tpu.memref_slice %arg14[%dma_start3A_173] : memref<144xf32, #tpu.memory_space<vmem>> -> memref<128xf32, #tpu.memory_space<vmem>>
        %dma_start3A_175 = tpu.memref_slice %arg6[%add3A_161] : memref<44288xf32, #tpu.memory_space<hbm>> -> memref<128xf32, #tpu.memory_space<hbm>>
        %dma_start3A_176 = arith.constant 0 : i32
        %dma_start3A_177 = tpu.memref_slice %arg14[%dma_start3A_176] : memref<144xf32, #tpu.memory_space<vmem>> -> memref<128xf32, #tpu.memory_space<vmem>>
        %dma_start3A_178 = tpu.memref_slice %arg6[%add3A_161] : memref<44288xf32, #tpu.memory_space<hbm>> -> memref<128xf32, #tpu.memory_space<hbm>>
        tpu.enqueue_dma source(%dma_start3A_178 : memref<128xf32, #tpu.memory_space<hbm>>) target(%dma_start3A_177 : memref<128xf32, #tpu.memory_space<vmem>>) target_semaphore(%run_scoped3A : memref<!tpu.dma_semaphore, #tpu.memory_space<semaphore_mem>>)
        %dma_wait3A_179 = arith.constant 0 : i32
        %dma_wait3A_180 = tpu.memref_slice %arg14[%dma_wait3A_179] : memref<144xf32, #tpu.memory_space<vmem>> -> memref<128xf32, #tpu.memory_space<vmem>>
        %dma_wait3A_181 = tpu.memref_slice %arg6[%add3A_161] : memref<44288xf32, #tpu.memory_space<hbm>> -> memref<128xf32, #tpu.memory_space<hbm>>
        %dma_wait3A_182 = arith.constant 0 : i32
        %dma_wait3A_183 = tpu.memref_slice %arg14[%dma_wait3A_182] : memref<144xf32, #tpu.memory_space<vmem>> -> memref<128xf32, #tpu.memory_space<vmem>>
        %dma_wait3A_184 = tpu.memref_slice %arg6[%add3A_161] : memref<44288xf32, #tpu.memory_space<hbm>> -> memref<128xf32, #tpu.memory_space<hbm>>
        tpu.wait_dma2 semaphore(%run_scoped3A : memref<!tpu.dma_semaphore, #tpu.memory_space<semaphore_mem>>) src(%dma_wait3A_184 : memref<128xf32, #tpu.memory_space<hbm>>) dst(%dma_wait3A_183 : memref<128xf32, #tpu.memory_space<vmem>>)
        tpu.yield
      }) : () -> ()
      %dma_start3A = arith.constant 0 : i32
      %dma_start3A_162 = arith.constant 0 : i32
      %dma_start3A_163 = tpu.memref_slice %arg2[%dma_start3A, %dma_start3A_162] : memref<20480x128xf32, #tpu.memory_space<hbm>> -> memref<20480x128xf32, #tpu.memory_space<hbm>>
      tpu.enqueue_indirect_dma source(%dma_start3A_163 : memref<20480x128xf32, #tpu.memory_space<hbm>>) target(%arg15 : memref<128x128xf32, #tpu.memory_space<vmem>>) offsets(%arg12 : memref<128xi32, #tpu.memory_space<vmem>>) semaphore(%arg19 : memref<!tpu.dma_semaphore, #tpu.memory_space<semaphore_mem>>)
      %dma_wait3A = arith.constant 0 : i32
      %dma_wait3A_164 = arith.constant 0 : i32
      %dma_wait3A_165 = tpu.memref_slice %arg2[%dma_wait3A, %dma_wait3A_164] : memref<20480x128xf32, #tpu.memory_space<hbm>> -> memref<20480x128xf32, #tpu.memory_space<hbm>>
      tpu.wait_indirect_dma semaphore(%arg19 : memref<!tpu.dma_semaphore, #tpu.memory_space<semaphore_mem>>) src(%dma_wait3A_165 : memref<20480x128xf32, #tpu.memory_space<hbm>>) dst(%arg15 : memref<128x128xf32, #tpu.memory_space<vmem>>)
      %scan3A = arith.constant 0 : i32
      %scan3A_166 = arith.constant 0 : i32
      %scan3A_167 = arith.constant 64 : i32
      %scan3A_168 = arith.addi %scan3A_166, %scan3A_167 : i32
      %scan3A_169 = arith.constant 1 : i32
      %scan3A_170 = scf.for %scan3A_173 = %scan3A_166 to %scan3A_168 step %scan3A_169 iter_args(%scan3A_174 = %scan3A) -> (i32)  : i32 {
        %mul3A_175 = arith.constant 2 : i32
        %mul3A_176 = arith.muli %scan3A_173, %mul3A_175 : i32
        %add3A_177 = arith.constant 0 : i32
        %add3A_178 = arith.addi %mul3A_176, %add3A_177 : i32
        %add3A_179 = arith.addi %add3A_161, %add3A_178 : i32
        %ge3A = arith.cmpi sge, %add3A_179, %squeeze3A : i32
        %lt3A = arith.cmpi slt, %add3A_179, %squeeze3A_22 : i32
        %and3A_180 = arith.andi %ge3A, %lt3A : i1
        %get3A_181 = arith.index_cast %add3A_178 : i32 to index
        %get3A_182 = tpu.vector_load %arg13[%get3A_181] {strides = array<i32>} : memref<144xi32, #tpu.memory_space<vmem>>, vector<16xi32>,
        %get3A_183 = vector.shape_cast %get3A_182 : vector<16xi32> to vector<16xi32>
        %slice3A_184 = vector.extract_strided_slice %get3A_183 {offsets = [0], sizes = [1], strides = [1]} : vector<16xi32> to vector<1xi32>
        %squeeze3A_185 = vector.extract %slice3A_184[0] : i32 from vector<1xi32>
        %sub3A_186 = arith.subi %squeeze3A_185, %mul3A_17 : i32
        %jit3A_187 = arith.constant 320 : i32
        %select_n3A_188 = arith.select %and3A_180, %sub3A_186, %jit3A_187 : i32
        %get3A_189 = arith.index_cast %add3A_178 : i32 to index
        %get3A_190 = tpu.vector_load %arg14[%get3A_189] {strides = array<i32>} : memref<144xf32, #tpu.memory_space<vmem>>, vector<16xf32>,
        %get3A_191 = vector.shape_cast %get3A_190 : vector<16xf32> to vector<16xf32>
        %slice3A_192 = vector.extract_strided_slice %get3A_191 {offsets = [0], sizes = [1], strides = [1]} : vector<16xf32> to vector<1xf32>
        %squeeze3A_193 = vector.extract %slice3A_192[0] : f32 from vector<1xf32>
        %get3A_194 = arith.index_cast %add3A_178 : i32 to index
        %get3A_195 = arith.constant 0 : index
        %get3A_196 = tpu.vector_load %arg15[%get3A_194, %get3A_195] {strides = array<i32>} : memref<128x128xf32, #tpu.memory_space<vmem>>, vector<1x16xf32>,
        %get3A_197 = vector.shape_cast %get3A_196 : vector<1x16xf32> to vector<16xf32>
        %get3A_198 = arith.index_cast %select_n3A_188 : i32 to index
        %get3A_199 = arith.constant 0 : index
        %get3A_200 = tpu.vector_load %arg16[%get3A_198, %get3A_199] {strides = array<i32>} : memref<328x64xf32, #tpu.memory_space<vmem>>, vector<1x16xf32>,
        %get3A_201 = vector.shape_cast %get3A_200 : vector<1x16xf32> to vector<16xf32>
        %add3A_202 = arith.addf %get3A_197, %get3A_201 : vector<16xf32>
        %mul3A_203 = vector.broadcast %squeeze3A_193 : f32 to vector<16xf32>
        %mul3A_204 = arith.mulf %mul3A_203, %get3A_2 : vector<16xf32>
        %add3A_205 = arith.addf %add3A_202, %mul3A_204 : vector<16xf32>
        %max3A = arith.constant 0.000000e+00 : f32
        %max3A_206 = vector.broadcast %max3A : f32 to vector<16xf32>
        %max3A_207 = arith.maximumf %add3A_205, %max3A_206 : vector<16xf32>
        %swap3A = arith.index_cast %select_n3A_188 : i32 to index
        %swap3A_208 = arith.constant 0 : index
        %swap3A_209 = tpu.vector_load %arg17[%swap3A, %swap3A_208] {strides = array<i32>} : memref<328x64xf32, #tpu.memory_space<vmem>>, vector<1x16xf32>,
        %swap3A_210 = vector.shape_cast %swap3A_209 : vector<1x16xf32> to vector<16xf32>
        %swap3A_211 = vector.shape_cast %max3A_207 : vector<16xf32> to vector<1x16xf32>
        tpu.vector_store %arg17[%swap3A, %swap3A_208], %swap3A_211 {add = true, strides = array<i32>} : memref<328x64xf32, #tpu.memory_space<vmem>>, vector<1x16xf32>,
        %get3A_212 = arith.index_cast %add3A_178 : i32 to index
        %get3A_213 = arith.constant 16 : index
        %get3A_214 = tpu.vector_load %arg15[%get3A_212, %get3A_213] {strides = array<i32>} : memref<128x128xf32, #tpu.memory_space<vmem>>, vector<1x16xf32>,
        %get3A_215 = vector.shape_cast %get3A_214 : vector<1x16xf32> to vector<16xf32>
        %get3A_216 = arith.index_cast %select_n3A_188 : i32 to index
        %get3A_217 = arith.constant 16 : index
        %get3A_218 = tpu.vector_load %arg16[%get3A_216, %get3A_217] {strides = array<i32>} : memref<328x64xf32, #tpu.memory_space<vmem>>, vector<1x16xf32>,
        %get3A_219 = vector.shape_cast %get3A_218 : vector<1x16xf32> to vector<16xf32>
        %add3A_220 = arith.addf %get3A_215, %get3A_219 : vector<16xf32>
        %mul3A_221 = vector.broadcast %squeeze3A_193 : f32 to vector<16xf32>
        %mul3A_222 = arith.mulf %mul3A_221, %get3A_5 : vector<16xf32>
        %add3A_223 = arith.addf %add3A_220, %mul3A_222 : vector<16xf32>
        %max3A_224 = arith.constant 0.000000e+00 : f32
        %max3A_225 = vector.broadcast %max3A_224 : f32 to vector<16xf32>
        %max3A_226 = arith.maximumf %add3A_223, %max3A_225 : vector<16xf32>
        %swap3A_227 = arith.index_cast %select_n3A_188 : i32 to index
        %swap3A_228 = arith.constant 16 : index
        %swap3A_229 = tpu.vector_load %arg17[%swap3A_227, %swap3A_228] {strides = array<i32>} : memref<328x64xf32, #tpu.memory_space<vmem>>, vector<1x16xf32>,
        %swap3A_230 = vector.shape_cast %swap3A_229 : vector<1x16xf32> to vector<16xf32>
        %swap3A_231 = vector.shape_cast %max3A_226 : vector<16xf32> to vector<1x16xf32>
        tpu.vector_store %arg17[%swap3A_227, %swap3A_228], %swap3A_231 {add = true, strides = array<i32>} : memref<328x64xf32, #tpu.memory_space<vmem>>, vector<1x16xf32>,
        %get3A_232 = arith.index_cast %add3A_178 : i32 to index
        %get3A_233 = arith.constant 32 : index
        %get3A_234 = tpu.vector_load %arg15[%get3A_232, %get3A_233] {strides = array<i32>} : memref<128x128xf32, #tpu.memory_space<vmem>>, vector<1x16xf32>,
        %get3A_235 = vector.shape_cast %get3A_234 : vector<1x16xf32> to vector<16xf32>
        %get3A_236 = arith.index_cast %select_n3A_188 : i32 to index
        %get3A_237 = arith.constant 32 : index
        %get3A_238 = tpu.vector_load %arg16[%get3A_236, %get3A_237] {strides = array<i32>} : memref<328x64xf32, #tpu.memory_space<vmem>>, vector<1x16xf32>,
        %get3A_239 = vector.shape_cast %get3A_238 : vector<1x16xf32> to vector<16xf32>
        %add3A_240 = arith.addf %get3A_235, %get3A_239 : vector<16xf32>
        %mul3A_241 = vector.broadcast %squeeze3A_193 : f32 to vector<16xf32>
        %mul3A_242 = arith.mulf %mul3A_241, %get3A_8 : vector<16xf32>
        %add3A_243 = arith.addf %add3A_240, %mul3A_242 : vector<16xf32>
        %max3A_244 = arith.constant 0.000000e+00 : f32
        %max3A_245 = vector.broadcast %max3A_244 : f32 to vector<16xf32>
        %max3A_246 = arith.maximumf %add3A_243, %max3A_245 : vector<16xf32>
        %swap3A_247 = arith.index_cast %select_n3A_188 : i32 to index
        %swap3A_248 = arith.constant 32 : index
        %swap3A_249 = tpu.vector_load %arg17[%swap3A_247, %swap3A_248] {strides = array<i32>} : memref<328x64xf32, #tpu.memory_space<vmem>>, vector<1x16xf32>,
        %swap3A_250 = vector.shape_cast %swap3A_249 : vector<1x16xf32> to vector<16xf32>
        %swap3A_251 = vector.shape_cast %max3A_246 : vector<16xf32> to vector<1x16xf32>
        tpu.vector_store %arg17[%swap3A_247, %swap3A_248], %swap3A_251 {add = true, strides = array<i32>} : memref<328x64xf32, #tpu.memory_space<vmem>>, vector<1x16xf32>,
        %get3A_252 = arith.index_cast %add3A_178 : i32 to index
        %get3A_253 = arith.constant 48 : index
        %get3A_254 = tpu.vector_load %arg15[%get3A_252, %get3A_253] {strides = array<i32>} : memref<128x128xf32, #tpu.memory_space<vmem>>, vector<1x16xf32>,
        %get3A_255 = vector.shape_cast %get3A_254 : vector<1x16xf32> to vector<16xf32>
        %get3A_256 = arith.index_cast %select_n3A_188 : i32 to index
        %get3A_257 = arith.constant 48 : index
        %get3A_258 = tpu.vector_load %arg16[%get3A_256, %get3A_257] {strides = array<i32>} : memref<328x64xf32, #tpu.memory_space<vmem>>, vector<1x16xf32>,
        %get3A_259 = vector.shape_cast %get3A_258 : vector<1x16xf32> to vector<16xf32>
        %add3A_260 = arith.addf %get3A_255, %get3A_259 : vector<16xf32>
        %mul3A_261 = vector.broadcast %squeeze3A_193 : f32 to vector<16xf32>
        %mul3A_262 = arith.mulf %mul3A_261, %get3A_11 : vector<16xf32>
        %add3A_263 = arith.addf %add3A_260, %mul3A_262 : vector<16xf32>
        %max3A_264 = arith.constant 0.000000e+00 : f32
        %max3A_265 = vector.broadcast %max3A_264 : f32 to vector<16xf32>
        %max3A_266 = arith.maximumf %add3A_263, %max3A_265 : vector<16xf32>
        %swap3A_267 = arith.index_cast %select_n3A_188 : i32 to index
        %swap3A_268 = arith.constant 48 : index
        %swap3A_269 = tpu.vector_load %arg17[%swap3A_267, %swap3A_268] {strides = array<i32>} : memref<328x64xf32, #tpu.memory_space<vmem>>, vector<1x16xf32>,
        %swap3A_270 = vector.shape_cast %swap3A_269 : vector<1x16xf32> to vector<16xf32>
        %swap3A_271 = vector.shape_cast %max3A_266 : vector<16xf32> to vector<1x16xf32>
        tpu.vector_store %arg17[%swap3A_267, %swap3A_268], %swap3A_271 {add = true, strides = array<i32>} : memref<328x64xf32, #tpu.memory_space<vmem>>, vector<1x16xf32>,
        %mul3A_272 = arith.constant 2 : i32
        %mul3A_273 = arith.muli %scan3A_173, %mul3A_272 : i32
        %add3A_274 = arith.constant 1 : i32
        %add3A_275 = arith.addi %mul3A_273, %add3A_274 : i32
        %add3A_276 = arith.addi %add3A_161, %add3A_275 : i32
        %ge3A_277 = arith.cmpi sge, %add3A_276, %squeeze3A : i32
        %lt3A_278 = arith.cmpi slt, %add3A_276, %squeeze3A_22 : i32
        %and3A_279 = arith.andi %ge3A_277, %lt3A_278 : i1
        %get3A_280 = arith.index_cast %add3A_275 : i32 to index
        %get3A_281 = tpu.vector_load %arg13[%get3A_280] {strides = array<i32>} : memref<144xi32, #tpu.memory_space<vmem>>, vector<16xi32>,
        %get3A_282 = vector.shape_cast %get3A_281 : vector<16xi32> to vector<16xi32>
        %slice3A_283 = vector.extract_strided_slice %get3A_282 {offsets = [0], sizes = [1], strides = [1]} : vector<16xi32> to vector<1xi32>
        %squeeze3A_284 = vector.extract %slice3A_283[0] : i32 from vector<1xi32>
        %sub3A_285 = arith.subi %squeeze3A_284, %mul3A_17 : i32
        %jit3A_286 = arith.constant 320 : i32
        %select_n3A_287 = arith.select %and3A_279, %sub3A_285, %jit3A_286 : i32
        %get3A_288 = arith.index_cast %add3A_275 : i32 to index
        %get3A_289 = tpu.vector_load %arg14[%get3A_288] {strides = array<i32>} : memref<144xf32, #tpu.memory_space<vmem>>, vector<16xf32>,
        %get3A_290 = vector.shape_cast %get3A_289 : vector<16xf32> to vector<16xf32>
        %slice3A_291 = vector.extract_strided_slice %get3A_290 {offsets = [0], sizes = [1], strides = [1]} : vector<16xf32> to vector<1xf32>
        %squeeze3A_292 = vector.extract %slice3A_291[0] : f32 from vector<1xf32>
        %get3A_293 = arith.index_cast %add3A_275 : i32 to index
        %get3A_294 = arith.constant 0 : index
        %get3A_295 = tpu.vector_load %arg15[%get3A_293, %get3A_294] {strides = array<i32>} : memref<128x128xf32, #tpu.memory_space<vmem>>, vector<1x16xf32>,
        %get3A_296 = vector.shape_cast %get3A_295 : vector<1x16xf32> to vector<16xf32>
        %get3A_297 = arith.index_cast %select_n3A_287 : i32 to index
        %get3A_298 = arith.constant 0 : index
        %get3A_299 = tpu.vector_load %arg16[%get3A_297, %get3A_298] {strides = array<i32>} : memref<328x64xf32, #tpu.memory_space<vmem>>, vector<1x16xf32>,
        %get3A_300 = vector.shape_cast %get3A_299 : vector<1x16xf32> to vector<16xf32>
        %add3A_301 = arith.addf %get3A_296, %get3A_300 : vector<16xf32>
        %mul3A_302 = vector.broadcast %squeeze3A_292 : f32 to vector<16xf32>
        %mul3A_303 = arith.mulf %mul3A_302, %get3A_2 : vector<16xf32>
        %add3A_304 = arith.addf %add3A_301, %mul3A_303 : vector<16xf32>
        %max3A_305 = arith.constant 0.000000e+00 : f32
        %max3A_306 = vector.broadcast %max3A_305 : f32 to vector<16xf32>
        %max3A_307 = arith.maximumf %add3A_304, %max3A_306 : vector<16xf32>
        %swap3A_308 = arith.index_cast %select_n3A_287 : i32 to index
        %swap3A_309 = arith.constant 0 : index
        %swap3A_310 = tpu.vector_load %arg17[%swap3A_308, %swap3A_309] {strides = array<i32>} : memref<328x64xf32, #tpu.memory_space<vmem>>, vector<1x16xf32>,
        %swap3A_311 = vector.shape_cast %swap3A_310 : vector<1x16xf32> to vector<16xf32>
        %swap3A_312 = vector.shape_cast %max3A_307 : vector<16xf32> to vector<1x16xf32>
        tpu.vector_store %arg17[%swap3A_308, %swap3A_309], %swap3A_312 {add = true, strides = array<i32>} : memref<328x64xf32, #tpu.memory_space<vmem>>, vector<1x16xf32>,
        %get3A_313 = arith.index_cast %add3A_275 : i32 to index
        %get3A_314 = arith.constant 16 : index
        %get3A_315 = tpu.vector_load %arg15[%get3A_313, %get3A_314] {strides = array<i32>} : memref<128x128xf32, #tpu.memory_space<vmem>>, vector<1x16xf32>,
        %get3A_316 = vector.shape_cast %get3A_315 : vector<1x16xf32> to vector<16xf32>
        %get3A_317 = arith.index_cast %select_n3A_287 : i32 to index
        %get3A_318 = arith.constant 16 : index
        %get3A_319 = tpu.vector_load %arg16[%get3A_317, %get3A_318] {strides = array<i32>} : memref<328x64xf32, #tpu.memory_space<vmem>>, vector<1x16xf32>,
        %get3A_320 = vector.shape_cast %get3A_319 : vector<1x16xf32> to vector<16xf32>
        %add3A_321 = arith.addf %get3A_316, %get3A_320 : vector<16xf32>
        %mul3A_322 = vector.broadcast %squeeze3A_292 : f32 to vector<16xf32>
        %mul3A_323 = arith.mulf %mul3A_322, %get3A_5 : vector<16xf32>
        %add3A_324 = arith.addf %add3A_321, %mul3A_323 : vector<16xf32>
        %max3A_325 = arith.constant 0.000000e+00 : f32
        %max3A_326 = vector.broadcast %max3A_325 : f32 to vector<16xf32>
        %max3A_327 = arith.maximumf %add3A_324, %max3A_326 : vector<16xf32>
        %swap3A_328 = arith.index_cast %select_n3A_287 : i32 to index
        %swap3A_329 = arith.constant 16 : index
        %swap3A_330 = tpu.vector_load %arg17[%swap3A_328, %swap3A_329] {strides = array<i32>} : memref<328x64xf32, #tpu.memory_space<vmem>>, vector<1x16xf32>,
        %swap3A_331 = vector.shape_cast %swap3A_330 : vector<1x16xf32> to vector<16xf32>
        %swap3A_332 = vector.shape_cast %max3A_327 : vector<16xf32> to vector<1x16xf32>
        tpu.vector_store %arg17[%swap3A_328, %swap3A_329], %swap3A_332 {add = true, strides = array<i32>} : memref<328x64xf32, #tpu.memory_space<vmem>>, vector<1x16xf32>,
        %get3A_333 = arith.index_cast %add3A_275 : i32 to index
        %get3A_334 = arith.constant 32 : index
        %get3A_335 = tpu.vector_load %arg15[%get3A_333, %get3A_334] {strides = array<i32>} : memref<128x128xf32, #tpu.memory_space<vmem>>, vector<1x16xf32>,
        %get3A_336 = vector.shape_cast %get3A_335 : vector<1x16xf32> to vector<16xf32>
        %get3A_337 = arith.index_cast %select_n3A_287 : i32 to index
        %get3A_338 = arith.constant 32 : index
        %get3A_339 = tpu.vector_load %arg16[%get3A_337, %get3A_338] {strides = array<i32>} : memref<328x64xf32, #tpu.memory_space<vmem>>, vector<1x16xf32>,
        %get3A_340 = vector.shape_cast %get3A_339 : vector<1x16xf32> to vector<16xf32>
        %add3A_341 = arith.addf %get3A_336, %get3A_340 : vector<16xf32>
        %mul3A_342 = vector.broadcast %squeeze3A_292 : f32 to vector<16xf32>
        %mul3A_343 = arith.mulf %mul3A_342, %get3A_8 : vector<16xf32>
        %add3A_344 = arith.addf %add3A_341, %mul3A_343 : vector<16xf32>
        %max3A_345 = arith.constant 0.000000e+00 : f32
        %max3A_346 = vector.broadcast %max3A_345 : f32 to vector<16xf32>
        %max3A_347 = arith.maximumf %add3A_344, %max3A_346 : vector<16xf32>
        %swap3A_348 = arith.index_cast %select_n3A_287 : i32 to index
        %swap3A_349 = arith.constant 32 : index
        %swap3A_350 = tpu.vector_load %arg17[%swap3A_348, %swap3A_349] {strides = array<i32>} : memref<328x64xf32, #tpu.memory_space<vmem>>, vector<1x16xf32>,
        %swap3A_351 = vector.shape_cast %swap3A_350 : vector<1x16xf32> to vector<16xf32>
        %swap3A_352 = vector.shape_cast %max3A_347 : vector<16xf32> to vector<1x16xf32>
        tpu.vector_store %arg17[%swap3A_348, %swap3A_349], %swap3A_352 {add = true, strides = array<i32>} : memref<328x64xf32, #tpu.memory_space<vmem>>, vector<1x16xf32>,
        %get3A_353 = arith.index_cast %add3A_275 : i32 to index
        %get3A_354 = arith.constant 48 : index
        %get3A_355 = tpu.vector_load %arg15[%get3A_353, %get3A_354] {strides = array<i32>} : memref<128x128xf32, #tpu.memory_space<vmem>>, vector<1x16xf32>,
        %get3A_356 = vector.shape_cast %get3A_355 : vector<1x16xf32> to vector<16xf32>
        %get3A_357 = arith.index_cast %select_n3A_287 : i32 to index
        %get3A_358 = arith.constant 48 : index
        %get3A_359 = tpu.vector_load %arg16[%get3A_357, %get3A_358] {strides = array<i32>} : memref<328x64xf32, #tpu.memory_space<vmem>>, vector<1x16xf32>,
        %get3A_360 = vector.shape_cast %get3A_359 : vector<1x16xf32> to vector<16xf32>
        %add3A_361 = arith.addf %get3A_356, %get3A_360 : vector<16xf32>
        %mul3A_362 = vector.broadcast %squeeze3A_292 : f32 to vector<16xf32>
        %mul3A_363 = arith.mulf %mul3A_362, %get3A_11 : vector<16xf32>
        %add3A_364 = arith.addf %add3A_361, %mul3A_363 : vector<16xf32>
        %max3A_365 = arith.constant 0.000000e+00 : f32
        %max3A_366 = vector.broadcast %max3A_365 : f32 to vector<16xf32>
        %max3A_367 = arith.maximumf %add3A_364, %max3A_366 : vector<16xf32>
        %swap3A_368 = arith.index_cast %select_n3A_287 : i32 to index
        %swap3A_369 = arith.constant 48 : index
        %swap3A_370 = tpu.vector_load %arg17[%swap3A_368, %swap3A_369] {strides = array<i32>} : memref<328x64xf32, #tpu.memory_space<vmem>>, vector<1x16xf32>,
        %swap3A_371 = vector.shape_cast %swap3A_370 : vector<1x16xf32> to vector<16xf32>
        %swap3A_372 = vector.shape_cast %max3A_367 : vector<16xf32> to vector<1x16xf32>
        tpu.vector_store %arg17[%swap3A_368, %swap3A_369], %swap3A_372 {add = true, strides = array<i32>} : memref<328x64xf32, #tpu.memory_space<vmem>>, vector<1x16xf32>,
        %scan3A_373 = arith.constant 0 : i32
        scf.yield %scan3A_373 : i32
      }
      %scan3A_171 = arith.constant 64 : i32
      %while3A_172 = arith.constant 0 : i32
      scf.yield %while3A_172 : i32
    }
    %while3A_77 = arith.constant 1 : i32
    %while3A_78 = scf.for %while3A_157 = %while3A_74 to %while3A_70 step %while3A_77 iter_args(%while3A_158 = %while3A_76) -> (i32)  : i32 {
      %mul3A_159 = arith.constant 128 : i32
      %mul3A_160 = arith.muli %while3A_157, %mul3A_159 : i32
      %add3A_161 = arith.addi %mul3A_40, %mul3A_160 : i32
      "tpu.region"() ({
        %run_scoped3A = tpu.sem_alloc : memref<!tpu.dma_semaphore, #tpu.memory_space<semaphore_mem>>
        %dma_start3A_173 = tpu.memref_slice %arg4[%add3A_161] : memref<44288xi32, #tpu.memory_space<hbm>> -> memref<128xi32, #tpu.memory_space<hbm>>
        %dma_start3A_174 = tpu.memref_slice %arg4[%add3A_161] : memref<44288xi32, #tpu.memory_space<hbm>> -> memref<128xi32, #tpu.memory_space<hbm>>
        tpu.enqueue_dma source(%dma_start3A_174 : memref<128xi32, #tpu.memory_space<hbm>>) target(%arg12 : memref<128xi32, #tpu.memory_space<vmem>>) target_semaphore(%run_scoped3A : memref<!tpu.dma_semaphore, #tpu.memory_space<semaphore_mem>>)
        %dma_wait3A_175 = tpu.memref_slice %arg4[%add3A_161] : memref<44288xi32, #tpu.memory_space<hbm>> -> memref<128xi32, #tpu.memory_space<hbm>>
        %dma_wait3A_176 = tpu.memref_slice %arg4[%add3A_161] : memref<44288xi32, #tpu.memory_space<hbm>> -> memref<128xi32, #tpu.memory_space<hbm>>
        tpu.wait_dma2 semaphore(%run_scoped3A : memref<!tpu.dma_semaphore, #tpu.memory_space<semaphore_mem>>) src(%dma_wait3A_176 : memref<128xi32, #tpu.memory_space<hbm>>) dst(%arg12 : memref<128xi32, #tpu.memory_space<vmem>>)
        tpu.yield
      }) : () -> ()
      "tpu.region"() ({
        %run_scoped3A = tpu.sem_alloc : memref<!tpu.dma_semaphore, #tpu.memory_space<semaphore_mem>>
        %dma_start3A_173 = arith.constant 0 : i32
        %dma_start3A_174 = tpu.memref_slice %arg13[%dma_start3A_173] : memref<144xi32, #tpu.memory_space<vmem>> -> memref<128xi32, #tpu.memory_space<vmem>>
        %dma_start3A_175 = tpu.memref_slice %arg5[%add3A_161] : memref<44288xi32, #tpu.memory_space<hbm>> -> memref<128xi32, #tpu.memory_space<hbm>>
        %dma_start3A_176 = arith.constant 0 : i32
        %dma_start3A_177 = tpu.memref_slice %arg13[%dma_start3A_176] : memref<144xi32, #tpu.memory_space<vmem>> -> memref<128xi32, #tpu.memory_space<vmem>>
        %dma_start3A_178 = tpu.memref_slice %arg5[%add3A_161] : memref<44288xi32, #tpu.memory_space<hbm>> -> memref<128xi32, #tpu.memory_space<hbm>>
        tpu.enqueue_dma source(%dma_start3A_178 : memref<128xi32, #tpu.memory_space<hbm>>) target(%dma_start3A_177 : memref<128xi32, #tpu.memory_space<vmem>>) target_semaphore(%run_scoped3A : memref<!tpu.dma_semaphore, #tpu.memory_space<semaphore_mem>>)
        %dma_wait3A_179 = arith.constant 0 : i32
        %dma_wait3A_180 = tpu.memref_slice %arg13[%dma_wait3A_179] : memref<144xi32, #tpu.memory_space<vmem>> -> memref<128xi32, #tpu.memory_space<vmem>>
        %dma_wait3A_181 = tpu.memref_slice %arg5[%add3A_161] : memref<44288xi32, #tpu.memory_space<hbm>> -> memref<128xi32, #tpu.memory_space<hbm>>
        %dma_wait3A_182 = arith.constant 0 : i32
        %dma_wait3A_183 = tpu.memref_slice %arg13[%dma_wait3A_182] : memref<144xi32, #tpu.memory_space<vmem>> -> memref<128xi32, #tpu.memory_space<vmem>>
        %dma_wait3A_184 = tpu.memref_slice %arg5[%add3A_161] : memref<44288xi32, #tpu.memory_space<hbm>> -> memref<128xi32, #tpu.memory_space<hbm>>
        tpu.wait_dma2 semaphore(%run_scoped3A : memref<!tpu.dma_semaphore, #tpu.memory_space<semaphore_mem>>) src(%dma_wait3A_184 : memref<128xi32, #tpu.memory_space<hbm>>) dst(%dma_wait3A_183 : memref<128xi32, #tpu.memory_space<vmem>>)
        tpu.yield
      }) : () -> ()
      "tpu.region"() ({
        %run_scoped3A = tpu.sem_alloc : memref<!tpu.dma_semaphore, #tpu.memory_space<semaphore_mem>>
        %dma_start3A_173 = arith.constant 0 : i32
        %dma_start3A_174 = tpu.memref_slice %arg14[%dma_start3A_173] : memref<144xf32, #tpu.memory_space<vmem>> -> memref<128xf32, #tpu.memory_space<vmem>>
        %dma_start3A_175 = tpu.memref_slice %arg6[%add3A_161] : memref<44288xf32, #tpu.memory_space<hbm>> -> memref<128xf32, #tpu.memory_space<hbm>>
        %dma_start3A_176 = arith.constant 0 : i32
        %dma_start3A_177 = tpu.memref_slice %arg14[%dma_start3A_176] : memref<144xf32, #tpu.memory_space<vmem>> -> memref<128xf32, #tpu.memory_space<vmem>>
        %dma_start3A_178 = tpu.memref_slice %arg6[%add3A_161] : memref<44288xf32, #tpu.memory_space<hbm>> -> memref<128xf32, #tpu.memory_space<hbm>>
        tpu.enqueue_dma source(%dma_start3A_178 : memref<128xf32, #tpu.memory_space<hbm>>) target(%dma_start3A_177 : memref<128xf32, #tpu.memory_space<vmem>>) target_semaphore(%run_scoped3A : memref<!tpu.dma_semaphore, #tpu.memory_space<semaphore_mem>>)
        %dma_wait3A_179 = arith.constant 0 : i32
        %dma_wait3A_180 = tpu.memref_slice %arg14[%dma_wait3A_179] : memref<144xf32, #tpu.memory_space<vmem>> -> memref<128xf32, #tpu.memory_space<vmem>>
        %dma_wait3A_181 = tpu.memref_slice %arg6[%add3A_161] : memref<44288xf32, #tpu.memory_space<hbm>> -> memref<128xf32, #tpu.memory_space<hbm>>
        %dma_wait3A_182 = arith.constant 0 : i32
        %dma_wait3A_183 = tpu.memref_slice %arg14[%dma_wait3A_182] : memref<144xf32, #tpu.memory_space<vmem>> -> memref<128xf32, #tpu.memory_space<vmem>>
        %dma_wait3A_184 = tpu.memref_slice %arg6[%add3A_161] : memref<44288xf32, #tpu.memory_space<hbm>> -> memref<128xf32, #tpu.memory_space<hbm>>
        tpu.wait_dma2 semaphore(%run_scoped3A : memref<!tpu.dma_semaphore, #tpu.memory_space<semaphore_mem>>) src(%dma_wait3A_184 : memref<128xf32, #tpu.memory_space<hbm>>) dst(%dma_wait3A_183 : memref<128xf32, #tpu.memory_space<vmem>>)
        tpu.yield
      }) : () -> ()
      %dma_start3A = arith.constant 0 : i32
      %dma_start3A_162 = arith.constant 0 : i32
      %dma_start3A_163 = tpu.memref_slice %arg2[%dma_start3A, %dma_start3A_162] : memref<20480x128xf32, #tpu.memory_space<hbm>> -> memref<20480x128xf32, #tpu.memory_space<hbm>>
      tpu.enqueue_indirect_dma source(%dma_start3A_163 : memref<20480x128xf32, #tpu.memory_space<hbm>>) target(%arg15 : memref<128x128xf32, #tpu.memory_space<vmem>>) offsets(%arg12 : memref<128xi32, #tpu.memory_space<vmem>>) semaphore(%arg19 : memref<!tpu.dma_semaphore, #tpu.memory_space<semaphore_mem>>)
      %dma_wait3A = arith.constant 0 : i32
      %dma_wait3A_164 = arith.constant 0 : i32
      %dma_wait3A_165 = tpu.memref_slice %arg2[%dma_wait3A, %dma_wait3A_164] : memref<20480x128xf32, #tpu.memory_space<hbm>> -> memref<20480x128xf32, #tpu.memory_space<hbm>>
      tpu.wait_indirect_dma semaphore(%arg19 : memref<!tpu.dma_semaphore, #tpu.memory_space<semaphore_mem>>) src(%dma_wait3A_165 : memref<20480x128xf32, #tpu.memory_space<hbm>>) dst(%arg15 : memref<128x128xf32, #tpu.memory_space<vmem>>)
      %scan3A = arith.constant 0 : i32
      %scan3A_166 = arith.constant 0 : i32
      %scan3A_167 = arith.constant 64 : i32
      %scan3A_168 = arith.addi %scan3A_166, %scan3A_167 : i32
      %scan3A_169 = arith.constant 1 : i32
      %scan3A_170 = scf.for %scan3A_173 = %scan3A_166 to %scan3A_168 step %scan3A_169 iter_args(%scan3A_174 = %scan3A) -> (i32)  : i32 {
        %mul3A_175 = arith.constant 2 : i32
        %mul3A_176 = arith.muli %scan3A_173, %mul3A_175 : i32
        %add3A_177 = arith.constant 0 : i32
        %add3A_178 = arith.addi %mul3A_176, %add3A_177 : i32
        %add3A_179 = arith.addi %add3A_161, %add3A_178 : i32
        %ge3A = arith.cmpi sge, %add3A_179, %squeeze3A : i32
        %lt3A = arith.cmpi slt, %add3A_179, %squeeze3A_22 : i32
        %and3A_180 = arith.andi %ge3A, %lt3A : i1
        %get3A_181 = arith.index_cast %add3A_178 : i32 to index
        %get3A_182 = tpu.vector_load %arg13[%get3A_181] {strides = array<i32>} : memref<144xi32, #tpu.memory_space<vmem>>, vector<16xi32>,
        %get3A_183 = vector.shape_cast %get3A_182 : vector<16xi32> to vector<16xi32>
        %slice3A_184 = vector.extract_strided_slice %get3A_183 {offsets = [0], sizes = [1], strides = [1]} : vector<16xi32> to vector<1xi32>
        %squeeze3A_185 = vector.extract %slice3A_184[0] : i32 from vector<1xi32>
        %sub3A_186 = arith.subi %squeeze3A_185, %mul3A_17 : i32
        %jit3A_187 = arith.constant 320 : i32
        %select_n3A_188 = arith.select %and3A_180, %sub3A_186, %jit3A_187 : i32
        %get3A_189 = arith.index_cast %add3A_178 : i32 to index
        %get3A_190 = tpu.vector_load %arg14[%get3A_189] {strides = array<i32>} : memref<144xf32, #tpu.memory_space<vmem>>, vector<16xf32>,
        %get3A_191 = vector.shape_cast %get3A_190 : vector<16xf32> to vector<16xf32>
        %slice3A_192 = vector.extract_strided_slice %get3A_191 {offsets = [0], sizes = [1], strides = [1]} : vector<16xf32> to vector<1xf32>
        %squeeze3A_193 = vector.extract %slice3A_192[0] : f32 from vector<1xf32>
        %get3A_194 = arith.index_cast %add3A_178 : i32 to index
        %get3A_195 = arith.constant 0 : index
        %get3A_196 = tpu.vector_load %arg15[%get3A_194, %get3A_195] {strides = array<i32>} : memref<128x128xf32, #tpu.memory_space<vmem>>, vector<1x16xf32>,
        %get3A_197 = vector.shape_cast %get3A_196 : vector<1x16xf32> to vector<16xf32>
        %get3A_198 = arith.index_cast %select_n3A_188 : i32 to index
        %get3A_199 = arith.constant 0 : index
        %get3A_200 = tpu.vector_load %arg16[%get3A_198, %get3A_199] {strides = array<i32>} : memref<328x64xf32, #tpu.memory_space<vmem>>, vector<1x16xf32>,
        %get3A_201 = vector.shape_cast %get3A_200 : vector<1x16xf32> to vector<16xf32>
        %add3A_202 = arith.addf %get3A_197, %get3A_201 : vector<16xf32>
        %mul3A_203 = vector.broadcast %squeeze3A_193 : f32 to vector<16xf32>
        %mul3A_204 = arith.mulf %mul3A_203, %get3A_2 : vector<16xf32>
        %add3A_205 = arith.addf %add3A_202, %mul3A_204 : vector<16xf32>
        %max3A = arith.constant 0.000000e+00 : f32
        %max3A_206 = vector.broadcast %max3A : f32 to vector<16xf32>
        %max3A_207 = arith.maximumf %add3A_205, %max3A_206 : vector<16xf32>
        %swap3A = arith.index_cast %select_n3A_188 : i32 to index
        %swap3A_208 = arith.constant 0 : index
        %swap3A_209 = tpu.vector_load %arg17[%swap3A, %swap3A_208] {strides = array<i32>} : memref<328x64xf32, #tpu.memory_space<vmem>>, vector<1x16xf32>,
        %swap3A_210 = vector.shape_cast %swap3A_209 : vector<1x16xf32> to vector<16xf32>
        %swap3A_211 = vector.shape_cast %max3A_207 : vector<16xf32> to vector<1x16xf32>
        tpu.vector_store %arg17[%swap3A, %swap3A_208], %swap3A_211 {add = true, strides = array<i32>} : memref<328x64xf32, #tpu.memory_space<vmem>>, vector<1x16xf32>,
        %get3A_212 = arith.index_cast %add3A_178 : i32 to index
        %get3A_213 = arith.constant 16 : index
        %get3A_214 = tpu.vector_load %arg15[%get3A_212, %get3A_213] {strides = array<i32>} : memref<128x128xf32, #tpu.memory_space<vmem>>, vector<1x16xf32>,
        %get3A_215 = vector.shape_cast %get3A_214 : vector<1x16xf32> to vector<16xf32>
        %get3A_216 = arith.index_cast %select_n3A_188 : i32 to index
        %get3A_217 = arith.constant 16 : index
        %get3A_218 = tpu.vector_load %arg16[%get3A_216, %get3A_217] {strides = array<i32>} : memref<328x64xf32, #tpu.memory_space<vmem>>, vector<1x16xf32>,
        %get3A_219 = vector.shape_cast %get3A_218 : vector<1x16xf32> to vector<16xf32>
        %add3A_220 = arith.addf %get3A_215, %get3A_219 : vector<16xf32>
        %mul3A_221 = vector.broadcast %squeeze3A_193 : f32 to vector<16xf32>
        %mul3A_222 = arith.mulf %mul3A_221, %get3A_5 : vector<16xf32>
        %add3A_223 = arith.addf %add3A_220, %mul3A_222 : vector<16xf32>
        %max3A_224 = arith.constant 0.000000e+00 : f32
        %max3A_225 = vector.broadcast %max3A_224 : f32 to vector<16xf32>
        %max3A_226 = arith.maximumf %add3A_223, %max3A_225 : vector<16xf32>
        %swap3A_227 = arith.index_cast %select_n3A_188 : i32 to index
        %swap3A_228 = arith.constant 16 : index
        %swap3A_229 = tpu.vector_load %arg17[%swap3A_227, %swap3A_228] {strides = array<i32>} : memref<328x64xf32, #tpu.memory_space<vmem>>, vector<1x16xf32>,
        %swap3A_230 = vector.shape_cast %swap3A_229 : vector<1x16xf32> to vector<16xf32>
        %swap3A_231 = vector.shape_cast %max3A_226 : vector<16xf32> to vector<1x16xf32>
        tpu.vector_store %arg17[%swap3A_227, %swap3A_228], %swap3A_231 {add = true, strides = array<i32>} : memref<328x64xf32, #tpu.memory_space<vmem>>, vector<1x16xf32>,
        %get3A_232 = arith.index_cast %add3A_178 : i32 to index
        %get3A_233 = arith.constant 32 : index
        %get3A_234 = tpu.vector_load %arg15[%get3A_232, %get3A_233] {strides = array<i32>} : memref<128x128xf32, #tpu.memory_space<vmem>>, vector<1x16xf32>,
        %get3A_235 = vector.shape_cast %get3A_234 : vector<1x16xf32> to vector<16xf32>
        %get3A_236 = arith.index_cast %select_n3A_188 : i32 to index
        %get3A_237 = arith.constant 32 : index
        %get3A_238 = tpu.vector_load %arg16[%get3A_236, %get3A_237] {strides = array<i32>} : memref<328x64xf32, #tpu.memory_space<vmem>>, vector<1x16xf32>,
        %get3A_239 = vector.shape_cast %get3A_238 : vector<1x16xf32> to vector<16xf32>
        %add3A_240 = arith.addf %get3A_235, %get3A_239 : vector<16xf32>
        %mul3A_241 = vector.broadcast %squeeze3A_193 : f32 to vector<16xf32>
        %mul3A_242 = arith.mulf %mul3A_241, %get3A_8 : vector<16xf32>
        %add3A_243 = arith.addf %add3A_240, %mul3A_242 : vector<16xf32>
        %max3A_244 = arith.constant 0.000000e+00 : f32
        %max3A_245 = vector.broadcast %max3A_244 : f32 to vector<16xf32>
        %max3A_246 = arith.maximumf %add3A_243, %max3A_245 : vector<16xf32>
        %swap3A_247 = arith.index_cast %select_n3A_188 : i32 to index
        %swap3A_248 = arith.constant 32 : index
        %swap3A_249 = tpu.vector_load %arg17[%swap3A_247, %swap3A_248] {strides = array<i32>} : memref<328x64xf32, #tpu.memory_space<vmem>>, vector<1x16xf32>,
        %swap3A_250 = vector.shape_cast %swap3A_249 : vector<1x16xf32> to vector<16xf32>
        %swap3A_251 = vector.shape_cast %max3A_246 : vector<16xf32> to vector<1x16xf32>
        tpu.vector_store %arg17[%swap3A_247, %swap3A_248], %swap3A_251 {add = true, strides = array<i32>} : memref<328x64xf32, #tpu.memory_space<vmem>>, vector<1x16xf32>,
        %get3A_252 = arith.index_cast %add3A_178 : i32 to index
        %get3A_253 = arith.constant 48 : index
        %get3A_254 = tpu.vector_load %arg15[%get3A_252, %get3A_253] {strides = array<i32>} : memref<128x128xf32, #tpu.memory_space<vmem>>, vector<1x16xf32>,
        %get3A_255 = vector.shape_cast %get3A_254 : vector<1x16xf32> to vector<16xf32>
        %get3A_256 = arith.index_cast %select_n3A_188 : i32 to index
        %get3A_257 = arith.constant 48 : index
        %get3A_258 = tpu.vector_load %arg16[%get3A_256, %get3A_257] {strides = array<i32>} : memref<328x64xf32, #tpu.memory_space<vmem>>, vector<1x16xf32>,
        %get3A_259 = vector.shape_cast %get3A_258 : vector<1x16xf32> to vector<16xf32>
        %add3A_260 = arith.addf %get3A_255, %get3A_259 : vector<16xf32>
        %mul3A_261 = vector.broadcast %squeeze3A_193 : f32 to vector<16xf32>
        %mul3A_262 = arith.mulf %mul3A_261, %get3A_11 : vector<16xf32>
        %add3A_263 = arith.addf %add3A_260, %mul3A_262 : vector<16xf32>
        %max3A_264 = arith.constant 0.000000e+00 : f32
        %max3A_265 = vector.broadcast %max3A_264 : f32 to vector<16xf32>
        %max3A_266 = arith.maximumf %add3A_263, %max3A_265 : vector<16xf32>
        %swap3A_267 = arith.index_cast %select_n3A_188 : i32 to index
        %swap3A_268 = arith.constant 48 : index
        %swap3A_269 = tpu.vector_load %arg17[%swap3A_267, %swap3A_268] {strides = array<i32>} : memref<328x64xf32, #tpu.memory_space<vmem>>, vector<1x16xf32>,
        %swap3A_270 = vector.shape_cast %swap3A_269 : vector<1x16xf32> to vector<16xf32>
        %swap3A_271 = vector.shape_cast %max3A_266 : vector<16xf32> to vector<1x16xf32>
        tpu.vector_store %arg17[%swap3A_267, %swap3A_268], %swap3A_271 {add = true, strides = array<i32>} : memref<328x64xf32, #tpu.memory_space<vmem>>, vector<1x16xf32>,
        %mul3A_272 = arith.constant 2 : i32
        %mul3A_273 = arith.muli %scan3A_173, %mul3A_272 : i32
        %add3A_274 = arith.constant 1 : i32
        %add3A_275 = arith.addi %mul3A_273, %add3A_274 : i32
        %add3A_276 = arith.addi %add3A_161, %add3A_275 : i32
        %ge3A_277 = arith.cmpi sge, %add3A_276, %squeeze3A : i32
        %lt3A_278 = arith.cmpi slt, %add3A_276, %squeeze3A_22 : i32
        %and3A_279 = arith.andi %ge3A_277, %lt3A_278 : i1
        %get3A_280 = arith.index_cast %add3A_275 : i32 to index
        %get3A_281 = tpu.vector_load %arg13[%get3A_280] {strides = array<i32>} : memref<144xi32, #tpu.memory_space<vmem>>, vector<16xi32>,
        %get3A_282 = vector.shape_cast %get3A_281 : vector<16xi32> to vector<16xi32>
        %slice3A_283 = vector.extract_strided_slice %get3A_282 {offsets = [0], sizes = [1], strides = [1]} : vector<16xi32> to vector<1xi32>
        %squeeze3A_284 = vector.extract %slice3A_283[0] : i32 from vector<1xi32>
        %sub3A_285 = arith.subi %squeeze3A_284, %mul3A_17 : i32
        %jit3A_286 = arith.constant 320 : i32
        %select_n3A_287 = arith.select %and3A_279, %sub3A_285, %jit3A_286 : i32
        %get3A_288 = arith.index_cast %add3A_275 : i32 to index
        %get3A_289 = tpu.vector_load %arg14[%get3A_288] {strides = array<i32>} : memref<144xf32, #tpu.memory_space<vmem>>, vector<16xf32>,
        %get3A_290 = vector.shape_cast %get3A_289 : vector<16xf32> to vector<16xf32>
        %slice3A_291 = vector.extract_strided_slice %get3A_290 {offsets = [0], sizes = [1], strides = [1]} : vector<16xf32> to vector<1xf32>
        %squeeze3A_292 = vector.extract %slice3A_291[0] : f32 from vector<1xf32>
        %get3A_293 = arith.index_cast %add3A_275 : i32 to index
        %get3A_294 = arith.constant 0 : index
        %get3A_295 = tpu.vector_load %arg15[%get3A_293, %get3A_294] {strides = array<i32>} : memref<128x128xf32, #tpu.memory_space<vmem>>, vector<1x16xf32>,
        %get3A_296 = vector.shape_cast %get3A_295 : vector<1x16xf32> to vector<16xf32>
        %get3A_297 = arith.index_cast %select_n3A_287 : i32 to index
        %get3A_298 = arith.constant 0 : index
        %get3A_299 = tpu.vector_load %arg16[%get3A_297, %get3A_298] {strides = array<i32>} : memref<328x64xf32, #tpu.memory_space<vmem>>, vector<1x16xf32>,
        %get3A_300 = vector.shape_cast %get3A_299 : vector<1x16xf32> to vector<16xf32>
        %add3A_301 = arith.addf %get3A_296, %get3A_300 : vector<16xf32>
        %mul3A_302 = vector.broadcast %squeeze3A_292 : f32 to vector<16xf32>
        %mul3A_303 = arith.mulf %mul3A_302, %get3A_2 : vector<16xf32>
        %add3A_304 = arith.addf %add3A_301, %mul3A_303 : vector<16xf32>
        %max3A_305 = arith.constant 0.000000e+00 : f32
        %max3A_306 = vector.broadcast %max3A_305 : f32 to vector<16xf32>
        %max3A_307 = arith.maximumf %add3A_304, %max3A_306 : vector<16xf32>
        %swap3A_308 = arith.index_cast %select_n3A_287 : i32 to index
        %swap3A_309 = arith.constant 0 : index
        %swap3A_310 = tpu.vector_load %arg17[%swap3A_308, %swap3A_309] {strides = array<i32>} : memref<328x64xf32, #tpu.memory_space<vmem>>, vector<1x16xf32>,
        %swap3A_311 = vector.shape_cast %swap3A_310 : vector<1x16xf32> to vector<16xf32>
        %swap3A_312 = vector.shape_cast %max3A_307 : vector<16xf32> to vector<1x16xf32>
        tpu.vector_store %arg17[%swap3A_308, %swap3A_309], %swap3A_312 {add = true, strides = array<i32>} : memref<328x64xf32, #tpu.memory_space<vmem>>, vector<1x16xf32>,
        %get3A_313 = arith.index_cast %add3A_275 : i32 to index
        %get3A_314 = arith.constant 16 : index
        %get3A_315 = tpu.vector_load %arg15[%get3A_313, %get3A_314] {strides = array<i32>} : memref<128x128xf32, #tpu.memory_space<vmem>>, vector<1x16xf32>,
        %get3A_316 = vector.shape_cast %get3A_315 : vector<1x16xf32> to vector<16xf32>
        %get3A_317 = arith.index_cast %select_n3A_287 : i32 to index
        %get3A_318 = arith.constant 16 : index
        %get3A_319 = tpu.vector_load %arg16[%get3A_317, %get3A_318] {strides = array<i32>} : memref<328x64xf32, #tpu.memory_space<vmem>>, vector<1x16xf32>,
        %get3A_320 = vector.shape_cast %get3A_319 : vector<1x16xf32> to vector<16xf32>
        %add3A_321 = arith.addf %get3A_316, %get3A_320 : vector<16xf32>
        %mul3A_322 = vector.broadcast %squeeze3A_292 : f32 to vector<16xf32>
        %mul3A_323 = arith.mulf %mul3A_322, %get3A_5 : vector<16xf32>
        %add3A_324 = arith.addf %add3A_321, %mul3A_323 : vector<16xf32>
        %max3A_325 = arith.constant 0.000000e+00 : f32
        %max3A_326 = vector.broadcast %max3A_325 : f32 to vector<16xf32>
        %max3A_327 = arith.maximumf %add3A_324, %max3A_326 : vector<16xf32>
        %swap3A_328 = arith.index_cast %select_n3A_287 : i32 to index
        %swap3A_329 = arith.constant 16 : index
        %swap3A_330 = tpu.vector_load %arg17[%swap3A_328, %swap3A_329] {strides = array<i32>} : memref<328x64xf32, #tpu.memory_space<vmem>>, vector<1x16xf32>,
        %swap3A_331 = vector.shape_cast %swap3A_330 : vector<1x16xf32> to vector<16xf32>
        %swap3A_332 = vector.shape_cast %max3A_327 : vector<16xf32> to vector<1x16xf32>
        tpu.vector_store %arg17[%swap3A_328, %swap3A_329], %swap3A_332 {add = true, strides = array<i32>} : memref<328x64xf32, #tpu.memory_space<vmem>>, vector<1x16xf32>,
        %get3A_333 = arith.index_cast %add3A_275 : i32 to index
        %get3A_334 = arith.constant 32 : index
        %get3A_335 = tpu.vector_load %arg15[%get3A_333, %get3A_334] {strides = array<i32>} : memref<128x128xf32, #tpu.memory_space<vmem>>, vector<1x16xf32>,
        %get3A_336 = vector.shape_cast %get3A_335 : vector<1x16xf32> to vector<16xf32>
        %get3A_337 = arith.index_cast %select_n3A_287 : i32 to index
        %get3A_338 = arith.constant 32 : index
        %get3A_339 = tpu.vector_load %arg16[%get3A_337, %get3A_338] {strides = array<i32>} : memref<328x64xf32, #tpu.memory_space<vmem>>, vector<1x16xf32>,
        %get3A_340 = vector.shape_cast %get3A_339 : vector<1x16xf32> to vector<16xf32>
        %add3A_341 = arith.addf %get3A_336, %get3A_340 : vector<16xf32>
        %mul3A_342 = vector.broadcast %squeeze3A_292 : f32 to vector<16xf32>
        %mul3A_343 = arith.mulf %mul3A_342, %get3A_8 : vector<16xf32>
        %add3A_344 = arith.addf %add3A_341, %mul3A_343 : vector<16xf32>
        %max3A_345 = arith.constant 0.000000e+00 : f32
        %max3A_346 = vector.broadcast %max3A_345 : f32 to vector<16xf32>
        %max3A_347 = arith.maximumf %add3A_344, %max3A_346 : vector<16xf32>
        %swap3A_348 = arith.index_cast %select_n3A_287 : i32 to index
        %swap3A_349 = arith.constant 32 : index
        %swap3A_350 = tpu.vector_load %arg17[%swap3A_348, %swap3A_349] {strides = array<i32>} : memref<328x64xf32, #tpu.memory_space<vmem>>, vector<1x16xf32>,
        %swap3A_351 = vector.shape_cast %swap3A_350 : vector<1x16xf32> to vector<16xf32>
        %swap3A_352 = vector.shape_cast %max3A_347 : vector<16xf32> to vector<1x16xf32>
        tpu.vector_store %arg17[%swap3A_348, %swap3A_349], %swap3A_352 {add = true, strides = array<i32>} : memref<328x64xf32, #tpu.memory_space<vmem>>, vector<1x16xf32>,
        %get3A_353 = arith.index_cast %add3A_275 : i32 to index
        %get3A_354 = arith.constant 48 : index
        %get3A_355 = tpu.vector_load %arg15[%get3A_353, %get3A_354] {strides = array<i32>} : memref<128x128xf32, #tpu.memory_space<vmem>>, vector<1x16xf32>,
        %get3A_356 = vector.shape_cast %get3A_355 : vector<1x16xf32> to vector<16xf32>
        %get3A_357 = arith.index_cast %select_n3A_287 : i32 to index
        %get3A_358 = arith.constant 48 : index
        %get3A_359 = tpu.vector_load %arg16[%get3A_357, %get3A_358] {strides = array<i32>} : memref<328x64xf32, #tpu.memory_space<vmem>>, vector<1x16xf32>,
        %get3A_360 = vector.shape_cast %get3A_359 : vector<1x16xf32> to vector<16xf32>
        %add3A_361 = arith.addf %get3A_356, %get3A_360 : vector<16xf32>
        %mul3A_362 = vector.broadcast %squeeze3A_292 : f32 to vector<16xf32>
        %mul3A_363 = arith.mulf %mul3A_362, %get3A_11 : vector<16xf32>
        %add3A_364 = arith.addf %add3A_361, %mul3A_363 : vector<16xf32>
        %max3A_365 = arith.constant 0.000000e+00 : f32
        %max3A_366 = vector.broadcast %max3A_365 : f32 to vector<16xf32>
        %max3A_367 = arith.maximumf %add3A_364, %max3A_366 : vector<16xf32>
        %swap3A_368 = arith.index_cast %select_n3A_287 : i32 to index
        %swap3A_369 = arith.constant 48 : index
        %swap3A_370 = tpu.vector_load %arg17[%swap3A_368, %swap3A_369] {strides = array<i32>} : memref<328x64xf32, #tpu.memory_space<vmem>>, vector<1x16xf32>,
        %swap3A_371 = vector.shape_cast %swap3A_370 : vector<1x16xf32> to vector<16xf32>
        %swap3A_372 = vector.shape_cast %max3A_367 : vector<16xf32> to vector<1x16xf32>
        tpu.vector_store %arg17[%swap3A_368, %swap3A_369], %swap3A_372 {add = true, strides = array<i32>} : memref<328x64xf32, #tpu.memory_space<vmem>>, vector<1x16xf32>,
        %scan3A_373 = arith.constant 0 : i32
        scf.yield %scan3A_373 : i32
      }
      %scan3A_171 = arith.constant 64 : i32
      %while3A_172 = arith.constant 0 : i32
      scf.yield %while3A_172 : i32
    }
    "tpu.region"() ({
      %run_scoped3A = tpu.sem_alloc : memref<!tpu.dma_semaphore, #tpu.memory_space<semaphore_mem>>
      %dma_start3A = arith.constant 0 : i32
      %dma_start3A_157 = arith.constant 0 : i32
      %dma_start3A_158 = tpu.memref_slice %arg17[%dma_start3A, %dma_start3A_157] : memref<328x64xf32, #tpu.memory_space<vmem>> -> memref<320x64xf32, #tpu.memory_space<vmem>>
      %dma_start3A_159 = arith.constant 0 : i32
      %dma_start3A_160 = tpu.memref_slice %arg10[%mul3A_17, %dma_start3A_159] : memref<20480x64xf32, #tpu.memory_space<hbm>> -> memref<320x64xf32, #tpu.memory_space<hbm>>
      %dma_start3A_161 = arith.constant 0 : i32
      %dma_start3A_162 = tpu.memref_slice %arg10[%mul3A_17, %dma_start3A_161] : memref<20480x64xf32, #tpu.memory_space<hbm>> -> memref<320x64xf32, #tpu.memory_space<hbm>>
      %dma_start3A_163 = arith.constant 0 : i32
      %dma_start3A_164 = arith.constant 0 : i32
      %dma_start3A_165 = tpu.memref_slice %arg17[%dma_start3A_163, %dma_start3A_164] : memref<328x64xf32, #tpu.memory_space<vmem>> -> memref<320x64xf32, #tpu.memory_space<vmem>>
      tpu.enqueue_dma source(%dma_start3A_165 : memref<320x64xf32, #tpu.memory_space<vmem>>) target(%dma_start3A_162 : memref<320x64xf32, #tpu.memory_space<hbm>>) target_semaphore(%run_scoped3A : memref<!tpu.dma_semaphore, #tpu.memory_space<semaphore_mem>>)
      %dma_wait3A = arith.constant 0 : i32
      %dma_wait3A_166 = arith.constant 0 : i32
      %dma_wait3A_167 = tpu.memref_slice %arg17[%dma_wait3A, %dma_wait3A_166] : memref<328x64xf32, #tpu.memory_space<vmem>> -> memref<320x64xf32, #tpu.memory_space<vmem>>
      %dma_wait3A_168 = arith.constant 0 : i32
      %dma_wait3A_169 = tpu.memref_slice %arg10[%mul3A_17, %dma_wait3A_168] : memref<20480x64xf32, #tpu.memory_space<hbm>> -> memref<320x64xf32, #tpu.memory_space<hbm>>
      %dma_wait3A_170 = arith.constant 0 : i32
      %dma_wait3A_171 = tpu.memref_slice %arg10[%mul3A_17, %dma_wait3A_170] : memref<20480x64xf32, #tpu.memory_space<hbm>> -> memref<320x64xf32, #tpu.memory_space<hbm>>
      %dma_wait3A_172 = arith.constant 0 : i32
      %dma_wait3A_173 = arith.constant 0 : i32
      %dma_wait3A_174 = tpu.memref_slice %arg17[%dma_wait3A_172, %dma_wait3A_173] : memref<328x64xf32, #tpu.memory_space<vmem>> -> memref<320x64xf32, #tpu.memory_space<vmem>>
      tpu.wait_dma2 semaphore(%run_scoped3A : memref<!tpu.dma_semaphore, #tpu.memory_space<semaphore_mem>>) src(%dma_wait3A_174 : memref<320x64xf32, #tpu.memory_space<vmem>>) dst(%dma_wait3A_171 : memref<320x64xf32, #tpu.memory_space<hbm>>)
      tpu.yield
    }) : () -> ()
    %mul3A_79 = arith.constant 2 : i32
    %mul3A_80 = arith.muli %add3A, %mul3A_79 : i32
    %add3A_81 = arith.constant 1 : i32
    %add3A_82 = arith.addi %mul3A_80, %add3A_81 : i32
    %mul3A_83 = arith.constant 320 : i32
    %mul3A_84 = arith.muli %add3A_82, %mul3A_83 : i32
    "tpu.region"() ({
      %run_scoped3A = tpu.sem_alloc : memref<!tpu.dma_semaphore, #tpu.memory_space<semaphore_mem>>
      tpu.enqueue_dma source(%arg8 : memref<328x64xf32, #tpu.memory_space<hbm>>) target(%arg17 : memref<328x64xf32, #tpu.memory_space<vmem>>) target_semaphore(%run_scoped3A : memref<!tpu.dma_semaphore, #tpu.memory_space<semaphore_mem>>)
      tpu.wait_dma2 semaphore(%run_scoped3A : memref<!tpu.dma_semaphore, #tpu.memory_space<semaphore_mem>>) src(%arg8 : memref<328x64xf32, #tpu.memory_space<hbm>>) dst(%arg17 : memref<328x64xf32, #tpu.memory_space<vmem>>)
      tpu.yield
    }) : () -> ()
    "tpu.region"() ({
      %run_scoped3A = tpu.sem_alloc : memref<!tpu.dma_semaphore, #tpu.memory_space<semaphore_mem>>
      %dma_start3A = arith.constant 0 : i32
      %dma_start3A_157 = arith.constant 0 : i32
      %dma_start3A_158 = tpu.memref_slice %arg16[%dma_start3A, %dma_start3A_157] : memref<328x64xf32, #tpu.memory_space<vmem>> -> memref<320x64xf32, #tpu.memory_space<vmem>>
      %dma_start3A_159 = arith.constant 0 : i32
      %dma_start3A_160 = tpu.memref_slice %arg3[%mul3A_84, %dma_start3A_159] : memref<20480x64xf32, #tpu.memory_space<hbm>> -> memref<320x64xf32, #tpu.memory_space<hbm>>
      %dma_start3A_161 = arith.constant 0 : i32
      %dma_start3A_162 = arith.constant 0 : i32
      %dma_start3A_163 = tpu.memref_slice %arg16[%dma_start3A_161, %dma_start3A_162] : memref<328x64xf32, #tpu.memory_space<vmem>> -> memref<320x64xf32, #tpu.memory_space<vmem>>
      %dma_start3A_164 = arith.constant 0 : i32
      %dma_start3A_165 = tpu.memref_slice %arg3[%mul3A_84, %dma_start3A_164] : memref<20480x64xf32, #tpu.memory_space<hbm>> -> memref<320x64xf32, #tpu.memory_space<hbm>>
      tpu.enqueue_dma source(%dma_start3A_165 : memref<320x64xf32, #tpu.memory_space<hbm>>) target(%dma_start3A_163 : memref<320x64xf32, #tpu.memory_space<vmem>>) target_semaphore(%run_scoped3A : memref<!tpu.dma_semaphore, #tpu.memory_space<semaphore_mem>>)
      %dma_wait3A = arith.constant 0 : i32
      %dma_wait3A_166 = arith.constant 0 : i32
      %dma_wait3A_167 = tpu.memref_slice %arg16[%dma_wait3A, %dma_wait3A_166] : memref<328x64xf32, #tpu.memory_space<vmem>> -> memref<320x64xf32, #tpu.memory_space<vmem>>
      %dma_wait3A_168 = arith.constant 0 : i32
      %dma_wait3A_169 = tpu.memref_slice %arg3[%mul3A_84, %dma_wait3A_168] : memref<20480x64xf32, #tpu.memory_space<hbm>> -> memref<320x64xf32, #tpu.memory_space<hbm>>
      %dma_wait3A_170 = arith.constant 0 : i32
      %dma_wait3A_171 = arith.constant 0 : i32
      %dma_wait3A_172 = tpu.memref_slice %arg16[%dma_wait3A_170, %dma_wait3A_171] : memref<328x64xf32, #tpu.memory_space<vmem>> -> memref<320x64xf32, #tpu.memory_space<vmem>>
      %dma_wait3A_173 = arith.constant 0 : i32
      %dma_wait3A_174 = tpu.memref_slice %arg3[%mul3A_84, %dma_wait3A_173] : memref<20480x64xf32, #tpu.memory_space<hbm>> -> memref<320x64xf32, #tpu.memory_space<hbm>>
      tpu.wait_dma2 semaphore(%run_scoped3A : memref<!tpu.dma_semaphore, #tpu.memory_space<semaphore_mem>>) src(%dma_wait3A_174 : memref<320x64xf32, #tpu.memory_space<hbm>>) dst(%dma_wait3A_172 : memref<320x64xf32, #tpu.memory_space<vmem>>)
      tpu.yield
    }) : () -> ()
    %get3A_85 = arith.index_cast %add3A_82 : i32 to index
    %get3A_86 = tpu.vector_load %arg11[%get3A_85] {strides = array<i32>} : memref<80xi32, #tpu.memory_space<vmem>>, vector<16xi32>,
    %get3A_87 = vector.shape_cast %get3A_86 : vector<16xi32> to vector<16xi32>
    %slice3A_88 = vector.extract_strided_slice %get3A_87 {offsets = [0], sizes = [1], strides = [1]} : vector<16xi32> to vector<1xi32>
    %squeeze3A_89 = vector.extract %slice3A_88[0] : i32 from vector<1xi32>
    %slice3A_90 = vector.extract_strided_slice %get3A_87 {offsets = [1], sizes = [1], strides = [1]} : vector<16xi32> to vector<1xi32>
    %squeeze3A_91 = vector.extract %slice3A_90[0] : i32 from vector<1xi32>
    %jit3A_92 = arith.constant 128 : i32
    %div3A_93 = arith.divsi %squeeze3A_89, %jit3A_92 : i32
    %sign3A_94 = arith.constant 0 : i32
    %sign3A_95 = arith.cmpi sgt, %squeeze3A_89, %sign3A_94 : i32
    %sign3A_96 = arith.extui %sign3A_95 : i1 to i32
    %sign3A_97 = arith.constant 0 : i32
    %sign3A_98 = arith.cmpi slt, %squeeze3A_89, %sign3A_97 : i32
    %sign3A_99 = arith.extui %sign3A_98 : i1 to i32
    %sign3A_100 = arith.subi %sign3A_96, %sign3A_99 : i32
    %sign3A_101 = arith.constant 0 : i32
    %sign3A_102 = arith.cmpi sgt, %jit3A_92, %sign3A_101 : i32
    %sign3A_103 = arith.extui %sign3A_102 : i1 to i32
    %sign3A_104 = arith.constant 0 : i32
    %sign3A_105 = arith.cmpi slt, %jit3A_92, %sign3A_104 : i32
    %sign3A_106 = arith.extui %sign3A_105 : i1 to i32
    %sign3A_107 = arith.subi %sign3A_103, %sign3A_106 : i32
    %ne3A_108 = arith.cmpi ne, %sign3A_100, %sign3A_107 : i32
    %rem3A_109 = arith.remsi %squeeze3A_89, %jit3A_92 : i32
    %ne3A_110 = arith.constant 0 : i32
    %ne3A_111 = arith.cmpi ne, %rem3A_109, %ne3A_110 : i32
    %and3A_112 = arith.andi %ne3A_108, %ne3A_111 : i1
    %sub3A_113 = arith.constant 1 : i32
    %sub3A_114 = arith.subi %div3A_93, %sub3A_113 : i32
    %select_n3A_115 = arith.select %and3A_112, %sub3A_114, %div3A_93 : i32
    %mul3A_116 = arith.constant 128 : i32
    %mul3A_117 = arith.muli %select_n3A_115, %mul3A_116 : i32
    %sub3A_118 = arith.subi %squeeze3A_91, %mul3A_117 : i32
    %add3A_119 = arith.constant 127 : i32
    %add3A_120 = arith.addi %sub3A_118, %add3A_119 : i32
    %jit3A_121 = arith.constant 128 : i32
    %div3A_122 = arith.divsi %add3A_120, %jit3A_121 : i32
    %sign3A_123 = arith.constant 0 : i32
    %sign3A_124 = arith.cmpi sgt, %add3A_120, %sign3A_123 : i32
    %sign3A_125 = arith.extui %sign3A_124 : i1 to i32
    %sign3A_126 = arith.constant 0 : i32
    %sign3A_127 = arith.cmpi slt, %add3A_120, %sign3A_126 : i32
    %sign3A_128 = arith.extui %sign3A_127 : i1 to i32
    %sign3A_129 = arith.subi %sign3A_125, %sign3A_128 : i32
    %sign3A_130 = arith.constant 0 : i32
    %sign3A_131 = arith.cmpi sgt, %jit3A_121, %sign3A_130 : i32
    %sign3A_132 = arith.extui %sign3A_131 : i1 to i32
    %sign3A_133 = arith.constant 0 : i32
    %sign3A_134 = arith.cmpi slt, %jit3A_121, %sign3A_133 : i32
    %sign3A_135 = arith.extui %sign3A_134 : i1 to i32
    %sign3A_136 = arith.subi %sign3A_132, %sign3A_135 : i32
    %ne3A_137 = arith.cmpi ne, %sign3A_129, %sign3A_136 : i32
    %rem3A_138 = arith.remsi %add3A_120, %jit3A_121 : i32
    %ne3A_139 = arith.constant 0 : i32
    %ne3A_140 = arith.cmpi ne, %rem3A_138, %ne3A_139 : i32
    %and3A_141 = arith.andi %ne3A_137, %ne3A_140 : i1
    %sub3A_142 = arith.constant 1 : i32
    %sub3A_143 = arith.subi %div3A_122, %sub3A_142 : i32
    %select_n3A_144 = arith.select %and3A_141, %sub3A_143, %div3A_122 : i32
    %while3A_145 = arith.constant 0 : i32
    %while3A_146 = arith.constant 0 : i32
    %while3A_147 = arith.subi %select_n3A_144, %while3A_145 : i32
    %while3A_148 = arith.addi %while3A_145, %while3A_147 : i32
    %while3A_149 = arith.constant 1 : i32
    %while3A_150 = arith.divsi %while3A_147, %while3A_149 : i32
    %while3A_151 = arith.muli %while3A_150, %while3A_149 : i32
    %while3A_152 = arith.addi %while3A_145, %while3A_151 : i32
    %while3A_153 = arith.constant 1 : i32
    %while3A_154 = scf.for %while3A_157 = %while3A_145 to %while3A_152 step %while3A_153 iter_args(%while3A_158 = %while3A_146) -> (i32)  : i32 {
      %mul3A_159 = arith.constant 128 : i32
      %mul3A_160 = arith.muli %while3A_157, %mul3A_159 : i32
      %add3A_161 = arith.addi %mul3A_117, %mul3A_160 : i32
      "tpu.region"() ({
        %run_scoped3A = tpu.sem_alloc : memref<!tpu.dma_semaphore, #tpu.memory_space<semaphore_mem>>
        %dma_start3A_173 = tpu.memref_slice %arg4[%add3A_161] : memref<44288xi32, #tpu.memory_space<hbm>> -> memref<128xi32, #tpu.memory_space<hbm>>
        %dma_start3A_174 = tpu.memref_slice %arg4[%add3A_161] : memref<44288xi32, #tpu.memory_space<hbm>> -> memref<128xi32, #tpu.memory_space<hbm>>
        tpu.enqueue_dma source(%dma_start3A_174 : memref<128xi32, #tpu.memory_space<hbm>>) target(%arg12 : memref<128xi32, #tpu.memory_space<vmem>>) target_semaphore(%run_scoped3A : memref<!tpu.dma_semaphore, #tpu.memory_space<semaphore_mem>>)
        %dma_wait3A_175 = tpu.memref_slice %arg4[%add3A_161] : memref<44288xi32, #tpu.memory_space<hbm>> -> memref<128xi32, #tpu.memory_space<hbm>>
        %dma_wait3A_176 = tpu.memref_slice %arg4[%add3A_161] : memref<44288xi32, #tpu.memory_space<hbm>> -> memref<128xi32, #tpu.memory_space<hbm>>
        tpu.wait_dma2 semaphore(%run_scoped3A : memref<!tpu.dma_semaphore, #tpu.memory_space<semaphore_mem>>) src(%dma_wait3A_176 : memref<128xi32, #tpu.memory_space<hbm>>) dst(%arg12 : memref<128xi32, #tpu.memory_space<vmem>>)
        tpu.yield
      }) : () -> ()
      "tpu.region"() ({
        %run_scoped3A = tpu.sem_alloc : memref<!tpu.dma_semaphore, #tpu.memory_space<semaphore_mem>>
        %dma_start3A_173 = arith.constant 0 : i32
        %dma_start3A_174 = tpu.memref_slice %arg13[%dma_start3A_173] : memref<144xi32, #tpu.memory_space<vmem>> -> memref<128xi32, #tpu.memory_space<vmem>>
        %dma_start3A_175 = tpu.memref_slice %arg5[%add3A_161] : memref<44288xi32, #tpu.memory_space<hbm>> -> memref<128xi32, #tpu.memory_space<hbm>>
        %dma_start3A_176 = arith.constant 0 : i32
        %dma_start3A_177 = tpu.memref_slice %arg13[%dma_start3A_176] : memref<144xi32, #tpu.memory_space<vmem>> -> memref<128xi32, #tpu.memory_space<vmem>>
        %dma_start3A_178 = tpu.memref_slice %arg5[%add3A_161] : memref<44288xi32, #tpu.memory_space<hbm>> -> memref<128xi32, #tpu.memory_space<hbm>>
        tpu.enqueue_dma source(%dma_start3A_178 : memref<128xi32, #tpu.memory_space<hbm>>) target(%dma_start3A_177 : memref<128xi32, #tpu.memory_space<vmem>>) target_semaphore(%run_scoped3A : memref<!tpu.dma_semaphore, #tpu.memory_space<semaphore_mem>>)
        %dma_wait3A_179 = arith.constant 0 : i32
        %dma_wait3A_180 = tpu.memref_slice %arg13[%dma_wait3A_179] : memref<144xi32, #tpu.memory_space<vmem>> -> memref<128xi32, #tpu.memory_space<vmem>>
        %dma_wait3A_181 = tpu.memref_slice %arg5[%add3A_161] : memref<44288xi32, #tpu.memory_space<hbm>> -> memref<128xi32, #tpu.memory_space<hbm>>
        %dma_wait3A_182 = arith.constant 0 : i32
        %dma_wait3A_183 = tpu.memref_slice %arg13[%dma_wait3A_182] : memref<144xi32, #tpu.memory_space<vmem>> -> memref<128xi32, #tpu.memory_space<vmem>>
        %dma_wait3A_184 = tpu.memref_slice %arg5[%add3A_161] : memref<44288xi32, #tpu.memory_space<hbm>> -> memref<128xi32, #tpu.memory_space<hbm>>
        tpu.wait_dma2 semaphore(%run_scoped3A : memref<!tpu.dma_semaphore, #tpu.memory_space<semaphore_mem>>) src(%dma_wait3A_184 : memref<128xi32, #tpu.memory_space<hbm>>) dst(%dma_wait3A_183 : memref<128xi32, #tpu.memory_space<vmem>>)
        tpu.yield
      }) : () -> ()
      "tpu.region"() ({
        %run_scoped3A = tpu.sem_alloc : memref<!tpu.dma_semaphore, #tpu.memory_space<semaphore_mem>>
        %dma_start3A_173 = arith.constant 0 : i32
        %dma_start3A_174 = tpu.memref_slice %arg14[%dma_start3A_173] : memref<144xf32, #tpu.memory_space<vmem>> -> memref<128xf32, #tpu.memory_space<vmem>>
        %dma_start3A_175 = tpu.memref_slice %arg6[%add3A_161] : memref<44288xf32, #tpu.memory_space<hbm>> -> memref<128xf32, #tpu.memory_space<hbm>>
        %dma_start3A_176 = arith.constant 0 : i32
        %dma_start3A_177 = tpu.memref_slice %arg14[%dma_start3A_176] : memref<144xf32, #tpu.memory_space<vmem>> -> memref<128xf32, #tpu.memory_space<vmem>>
        %dma_start3A_178 = tpu.memref_slice %arg6[%add3A_161] : memref<44288xf32, #tpu.memory_space<hbm>> -> memref<128xf32, #tpu.memory_space<hbm>>
        tpu.enqueue_dma source(%dma_start3A_178 : memref<128xf32, #tpu.memory_space<hbm>>) target(%dma_start3A_177 : memref<128xf32, #tpu.memory_space<vmem>>) target_semaphore(%run_scoped3A : memref<!tpu.dma_semaphore, #tpu.memory_space<semaphore_mem>>)
        %dma_wait3A_179 = arith.constant 0 : i32
        %dma_wait3A_180 = tpu.memref_slice %arg14[%dma_wait3A_179] : memref<144xf32, #tpu.memory_space<vmem>> -> memref<128xf32, #tpu.memory_space<vmem>>
        %dma_wait3A_181 = tpu.memref_slice %arg6[%add3A_161] : memref<44288xf32, #tpu.memory_space<hbm>> -> memref<128xf32, #tpu.memory_space<hbm>>
        %dma_wait3A_182 = arith.constant 0 : i32
        %dma_wait3A_183 = tpu.memref_slice %arg14[%dma_wait3A_182] : memref<144xf32, #tpu.memory_space<vmem>> -> memref<128xf32, #tpu.memory_space<vmem>>
        %dma_wait3A_184 = tpu.memref_slice %arg6[%add3A_161] : memref<44288xf32, #tpu.memory_space<hbm>> -> memref<128xf32, #tpu.memory_space<hbm>>
        tpu.wait_dma2 semaphore(%run_scoped3A : memref<!tpu.dma_semaphore, #tpu.memory_space<semaphore_mem>>) src(%dma_wait3A_184 : memref<128xf32, #tpu.memory_space<hbm>>) dst(%dma_wait3A_183 : memref<128xf32, #tpu.memory_space<vmem>>)
        tpu.yield
      }) : () -> ()
      %dma_start3A = arith.constant 0 : i32
      %dma_start3A_162 = arith.constant 0 : i32
      %dma_start3A_163 = tpu.memref_slice %arg2[%dma_start3A, %dma_start3A_162] : memref<20480x128xf32, #tpu.memory_space<hbm>> -> memref<20480x128xf32, #tpu.memory_space<hbm>>
      tpu.enqueue_indirect_dma source(%dma_start3A_163 : memref<20480x128xf32, #tpu.memory_space<hbm>>) target(%arg15 : memref<128x128xf32, #tpu.memory_space<vmem>>) offsets(%arg12 : memref<128xi32, #tpu.memory_space<vmem>>) semaphore(%arg19 : memref<!tpu.dma_semaphore, #tpu.memory_space<semaphore_mem>>)
      %dma_wait3A = arith.constant 0 : i32
      %dma_wait3A_164 = arith.constant 0 : i32
      %dma_wait3A_165 = tpu.memref_slice %arg2[%dma_wait3A, %dma_wait3A_164] : memref<20480x128xf32, #tpu.memory_space<hbm>> -> memref<20480x128xf32, #tpu.memory_space<hbm>>
      tpu.wait_indirect_dma semaphore(%arg19 : memref<!tpu.dma_semaphore, #tpu.memory_space<semaphore_mem>>) src(%dma_wait3A_165 : memref<20480x128xf32, #tpu.memory_space<hbm>>) dst(%arg15 : memref<128x128xf32, #tpu.memory_space<vmem>>)
      %scan3A = arith.constant 0 : i32
      %scan3A_166 = arith.constant 0 : i32
      %scan3A_167 = arith.constant 64 : i32
      %scan3A_168 = arith.addi %scan3A_166, %scan3A_167 : i32
      %scan3A_169 = arith.constant 1 : i32
      %scan3A_170 = scf.for %scan3A_173 = %scan3A_166 to %scan3A_168 step %scan3A_169 iter_args(%scan3A_174 = %scan3A) -> (i32)  : i32 {
        %mul3A_175 = arith.constant 2 : i32
        %mul3A_176 = arith.muli %scan3A_173, %mul3A_175 : i32
        %add3A_177 = arith.constant 0 : i32
        %add3A_178 = arith.addi %mul3A_176, %add3A_177 : i32
        %add3A_179 = arith.addi %add3A_161, %add3A_178 : i32
        %ge3A = arith.cmpi sge, %add3A_179, %squeeze3A_89 : i32
        %lt3A = arith.cmpi slt, %add3A_179, %squeeze3A_91 : i32
        %and3A_180 = arith.andi %ge3A, %lt3A : i1
        %get3A_181 = arith.index_cast %add3A_178 : i32 to index
        %get3A_182 = tpu.vector_load %arg13[%get3A_181] {strides = array<i32>} : memref<144xi32, #tpu.memory_space<vmem>>, vector<16xi32>,
        %get3A_183 = vector.shape_cast %get3A_182 : vector<16xi32> to vector<16xi32>
        %slice3A_184 = vector.extract_strided_slice %get3A_183 {offsets = [0], sizes = [1], strides = [1]} : vector<16xi32> to vector<1xi32>
        %squeeze3A_185 = vector.extract %slice3A_184[0] : i32 from vector<1xi32>
        %sub3A_186 = arith.subi %squeeze3A_185, %mul3A_84 : i32
        %jit3A_187 = arith.constant 320 : i32
        %select_n3A_188 = arith.select %and3A_180, %sub3A_186, %jit3A_187 : i32
        %get3A_189 = arith.index_cast %add3A_178 : i32 to index
        %get3A_190 = tpu.vector_load %arg14[%get3A_189] {strides = array<i32>} : memref<144xf32, #tpu.memory_space<vmem>>, vector<16xf32>,
        %get3A_191 = vector.shape_cast %get3A_190 : vector<16xf32> to vector<16xf32>
        %slice3A_192 = vector.extract_strided_slice %get3A_191 {offsets = [0], sizes = [1], strides = [1]} : vector<16xf32> to vector<1xf32>
        %squeeze3A_193 = vector.extract %slice3A_192[0] : f32 from vector<1xf32>
        %get3A_194 = arith.index_cast %add3A_178 : i32 to index
        %get3A_195 = arith.constant 0 : index
        %get3A_196 = tpu.vector_load %arg15[%get3A_194, %get3A_195] {strides = array<i32>} : memref<128x128xf32, #tpu.memory_space<vmem>>, vector<1x16xf32>,
        %get3A_197 = vector.shape_cast %get3A_196 : vector<1x16xf32> to vector<16xf32>
        %get3A_198 = arith.index_cast %select_n3A_188 : i32 to index
        %get3A_199 = arith.constant 0 : index
        %get3A_200 = tpu.vector_load %arg16[%get3A_198, %get3A_199] {strides = array<i32>} : memref<328x64xf32, #tpu.memory_space<vmem>>, vector<1x16xf32>,
        %get3A_201 = vector.shape_cast %get3A_200 : vector<1x16xf32> to vector<16xf32>
        %add3A_202 = arith.addf %get3A_197, %get3A_201 : vector<16xf32>
        %mul3A_203 = vector.broadcast %squeeze3A_193 : f32 to vector<16xf32>
        %mul3A_204 = arith.mulf %mul3A_203, %get3A_2 : vector<16xf32>
        %add3A_205 = arith.addf %add3A_202, %mul3A_204 : vector<16xf32>
        %max3A = arith.constant 0.000000e+00 : f32
        %max3A_206 = vector.broadcast %max3A : f32 to vector<16xf32>
        %max3A_207 = arith.maximumf %add3A_205, %max3A_206 : vector<16xf32>
        %swap3A = arith.index_cast %select_n3A_188 : i32 to index
        %swap3A_208 = arith.constant 0 : index
        %swap3A_209 = tpu.vector_load %arg17[%swap3A, %swap3A_208] {strides = array<i32>} : memref<328x64xf32, #tpu.memory_space<vmem>>, vector<1x16xf32>,
        %swap3A_210 = vector.shape_cast %swap3A_209 : vector<1x16xf32> to vector<16xf32>
        %swap3A_211 = vector.shape_cast %max3A_207 : vector<16xf32> to vector<1x16xf32>
        tpu.vector_store %arg17[%swap3A, %swap3A_208], %swap3A_211 {add = true, strides = array<i32>} : memref<328x64xf32, #tpu.memory_space<vmem>>, vector<1x16xf32>,
        %get3A_212 = arith.index_cast %add3A_178 : i32 to index
        %get3A_213 = arith.constant 16 : index
        %get3A_214 = tpu.vector_load %arg15[%get3A_212, %get3A_213] {strides = array<i32>} : memref<128x128xf32, #tpu.memory_space<vmem>>, vector<1x16xf32>,
        %get3A_215 = vector.shape_cast %get3A_214 : vector<1x16xf32> to vector<16xf32>
        %get3A_216 = arith.index_cast %select_n3A_188 : i32 to index
        %get3A_217 = arith.constant 16 : index
        %get3A_218 = tpu.vector_load %arg16[%get3A_216, %get3A_217] {strides = array<i32>} : memref<328x64xf32, #tpu.memory_space<vmem>>, vector<1x16xf32>,
        %get3A_219 = vector.shape_cast %get3A_218 : vector<1x16xf32> to vector<16xf32>
        %add3A_220 = arith.addf %get3A_215, %get3A_219 : vector<16xf32>
        %mul3A_221 = vector.broadcast %squeeze3A_193 : f32 to vector<16xf32>
        %mul3A_222 = arith.mulf %mul3A_221, %get3A_5 : vector<16xf32>
        %add3A_223 = arith.addf %add3A_220, %mul3A_222 : vector<16xf32>
        %max3A_224 = arith.constant 0.000000e+00 : f32
        %max3A_225 = vector.broadcast %max3A_224 : f32 to vector<16xf32>
        %max3A_226 = arith.maximumf %add3A_223, %max3A_225 : vector<16xf32>
        %swap3A_227 = arith.index_cast %select_n3A_188 : i32 to index
        %swap3A_228 = arith.constant 16 : index
        %swap3A_229 = tpu.vector_load %arg17[%swap3A_227, %swap3A_228] {strides = array<i32>} : memref<328x64xf32, #tpu.memory_space<vmem>>, vector<1x16xf32>,
        %swap3A_230 = vector.shape_cast %swap3A_229 : vector<1x16xf32> to vector<16xf32>
        %swap3A_231 = vector.shape_cast %max3A_226 : vector<16xf32> to vector<1x16xf32>
        tpu.vector_store %arg17[%swap3A_227, %swap3A_228], %swap3A_231 {add = true, strides = array<i32>} : memref<328x64xf32, #tpu.memory_space<vmem>>, vector<1x16xf32>,
        %get3A_232 = arith.index_cast %add3A_178 : i32 to index
        %get3A_233 = arith.constant 32 : index
        %get3A_234 = tpu.vector_load %arg15[%get3A_232, %get3A_233] {strides = array<i32>} : memref<128x128xf32, #tpu.memory_space<vmem>>, vector<1x16xf32>,
        %get3A_235 = vector.shape_cast %get3A_234 : vector<1x16xf32> to vector<16xf32>
        %get3A_236 = arith.index_cast %select_n3A_188 : i32 to index
        %get3A_237 = arith.constant 32 : index
        %get3A_238 = tpu.vector_load %arg16[%get3A_236, %get3A_237] {strides = array<i32>} : memref<328x64xf32, #tpu.memory_space<vmem>>, vector<1x16xf32>,
        %get3A_239 = vector.shape_cast %get3A_238 : vector<1x16xf32> to vector<16xf32>
        %add3A_240 = arith.addf %get3A_235, %get3A_239 : vector<16xf32>
        %mul3A_241 = vector.broadcast %squeeze3A_193 : f32 to vector<16xf32>
        %mul3A_242 = arith.mulf %mul3A_241, %get3A_8 : vector<16xf32>
        %add3A_243 = arith.addf %add3A_240, %mul3A_242 : vector<16xf32>
        %max3A_244 = arith.constant 0.000000e+00 : f32
        %max3A_245 = vector.broadcast %max3A_244 : f32 to vector<16xf32>
        %max3A_246 = arith.maximumf %add3A_243, %max3A_245 : vector<16xf32>
        %swap3A_247 = arith.index_cast %select_n3A_188 : i32 to index
        %swap3A_248 = arith.constant 32 : index
        %swap3A_249 = tpu.vector_load %arg17[%swap3A_247, %swap3A_248] {strides = array<i32>} : memref<328x64xf32, #tpu.memory_space<vmem>>, vector<1x16xf32>,
        %swap3A_250 = vector.shape_cast %swap3A_249 : vector<1x16xf32> to vector<16xf32>
        %swap3A_251 = vector.shape_cast %max3A_246 : vector<16xf32> to vector<1x16xf32>
        tpu.vector_store %arg17[%swap3A_247, %swap3A_248], %swap3A_251 {add = true, strides = array<i32>} : memref<328x64xf32, #tpu.memory_space<vmem>>, vector<1x16xf32>,
        %get3A_252 = arith.index_cast %add3A_178 : i32 to index
        %get3A_253 = arith.constant 48 : index
        %get3A_254 = tpu.vector_load %arg15[%get3A_252, %get3A_253] {strides = array<i32>} : memref<128x128xf32, #tpu.memory_space<vmem>>, vector<1x16xf32>,
        %get3A_255 = vector.shape_cast %get3A_254 : vector<1x16xf32> to vector<16xf32>
        %get3A_256 = arith.index_cast %select_n3A_188 : i32 to index
        %get3A_257 = arith.constant 48 : index
        %get3A_258 = tpu.vector_load %arg16[%get3A_256, %get3A_257] {strides = array<i32>} : memref<328x64xf32, #tpu.memory_space<vmem>>, vector<1x16xf32>,
        %get3A_259 = vector.shape_cast %get3A_258 : vector<1x16xf32> to vector<16xf32>
        %add3A_260 = arith.addf %get3A_255, %get3A_259 : vector<16xf32>
        %mul3A_261 = vector.broadcast %squeeze3A_193 : f32 to vector<16xf32>
        %mul3A_262 = arith.mulf %mul3A_261, %get3A_11 : vector<16xf32>
        %add3A_263 = arith.addf %add3A_260, %mul3A_262 : vector<16xf32>
        %max3A_264 = arith.constant 0.000000e+00 : f32
        %max3A_265 = vector.broadcast %max3A_264 : f32 to vector<16xf32>
        %max3A_266 = arith.maximumf %add3A_263, %max3A_265 : vector<16xf32>
        %swap3A_267 = arith.index_cast %select_n3A_188 : i32 to index
        %swap3A_268 = arith.constant 48 : index
        %swap3A_269 = tpu.vector_load %arg17[%swap3A_267, %swap3A_268] {strides = array<i32>} : memref<328x64xf32, #tpu.memory_space<vmem>>, vector<1x16xf32>,
        %swap3A_270 = vector.shape_cast %swap3A_269 : vector<1x16xf32> to vector<16xf32>
        %swap3A_271 = vector.shape_cast %max3A_266 : vector<16xf32> to vector<1x16xf32>
        tpu.vector_store %arg17[%swap3A_267, %swap3A_268], %swap3A_271 {add = true, strides = array<i32>} : memref<328x64xf32, #tpu.memory_space<vmem>>, vector<1x16xf32>,
        %mul3A_272 = arith.constant 2 : i32
        %mul3A_273 = arith.muli %scan3A_173, %mul3A_272 : i32
        %add3A_274 = arith.constant 1 : i32
        %add3A_275 = arith.addi %mul3A_273, %add3A_274 : i32
        %add3A_276 = arith.addi %add3A_161, %add3A_275 : i32
        %ge3A_277 = arith.cmpi sge, %add3A_276, %squeeze3A_89 : i32
        %lt3A_278 = arith.cmpi slt, %add3A_276, %squeeze3A_91 : i32
        %and3A_279 = arith.andi %ge3A_277, %lt3A_278 : i1
        %get3A_280 = arith.index_cast %add3A_275 : i32 to index
        %get3A_281 = tpu.vector_load %arg13[%get3A_280] {strides = array<i32>} : memref<144xi32, #tpu.memory_space<vmem>>, vector<16xi32>,
        %get3A_282 = vector.shape_cast %get3A_281 : vector<16xi32> to vector<16xi32>
        %slice3A_283 = vector.extract_strided_slice %get3A_282 {offsets = [0], sizes = [1], strides = [1]} : vector<16xi32> to vector<1xi32>
        %squeeze3A_284 = vector.extract %slice3A_283[0] : i32 from vector<1xi32>
        %sub3A_285 = arith.subi %squeeze3A_284, %mul3A_84 : i32
        %jit3A_286 = arith.constant 320 : i32
        %select_n3A_287 = arith.select %and3A_279, %sub3A_285, %jit3A_286 : i32
        %get3A_288 = arith.index_cast %add3A_275 : i32 to index
        %get3A_289 = tpu.vector_load %arg14[%get3A_288] {strides = array<i32>} : memref<144xf32, #tpu.memory_space<vmem>>, vector<16xf32>,
        %get3A_290 = vector.shape_cast %get3A_289 : vector<16xf32> to vector<16xf32>
        %slice3A_291 = vector.extract_strided_slice %get3A_290 {offsets = [0], sizes = [1], strides = [1]} : vector<16xf32> to vector<1xf32>
        %squeeze3A_292 = vector.extract %slice3A_291[0] : f32 from vector<1xf32>
        %get3A_293 = arith.index_cast %add3A_275 : i32 to index
        %get3A_294 = arith.constant 0 : index
        %get3A_295 = tpu.vector_load %arg15[%get3A_293, %get3A_294] {strides = array<i32>} : memref<128x128xf32, #tpu.memory_space<vmem>>, vector<1x16xf32>,
        %get3A_296 = vector.shape_cast %get3A_295 : vector<1x16xf32> to vector<16xf32>
        %get3A_297 = arith.index_cast %select_n3A_287 : i32 to index
        %get3A_298 = arith.constant 0 : index
        %get3A_299 = tpu.vector_load %arg16[%get3A_297, %get3A_298] {strides = array<i32>} : memref<328x64xf32, #tpu.memory_space<vmem>>, vector<1x16xf32>,
        %get3A_300 = vector.shape_cast %get3A_299 : vector<1x16xf32> to vector<16xf32>
        %add3A_301 = arith.addf %get3A_296, %get3A_300 : vector<16xf32>
        %mul3A_302 = vector.broadcast %squeeze3A_292 : f32 to vector<16xf32>
        %mul3A_303 = arith.mulf %mul3A_302, %get3A_2 : vector<16xf32>
        %add3A_304 = arith.addf %add3A_301, %mul3A_303 : vector<16xf32>
        %max3A_305 = arith.constant 0.000000e+00 : f32
        %max3A_306 = vector.broadcast %max3A_305 : f32 to vector<16xf32>
        %max3A_307 = arith.maximumf %add3A_304, %max3A_306 : vector<16xf32>
        %swap3A_308 = arith.index_cast %select_n3A_287 : i32 to index
        %swap3A_309 = arith.constant 0 : index
        %swap3A_310 = tpu.vector_load %arg17[%swap3A_308, %swap3A_309] {strides = array<i32>} : memref<328x64xf32, #tpu.memory_space<vmem>>, vector<1x16xf32>,
        %swap3A_311 = vector.shape_cast %swap3A_310 : vector<1x16xf32> to vector<16xf32>
        %swap3A_312 = vector.shape_cast %max3A_307 : vector<16xf32> to vector<1x16xf32>
        tpu.vector_store %arg17[%swap3A_308, %swap3A_309], %swap3A_312 {add = true, strides = array<i32>} : memref<328x64xf32, #tpu.memory_space<vmem>>, vector<1x16xf32>,
        %get3A_313 = arith.index_cast %add3A_275 : i32 to index
        %get3A_314 = arith.constant 16 : index
        %get3A_315 = tpu.vector_load %arg15[%get3A_313, %get3A_314] {strides = array<i32>} : memref<128x128xf32, #tpu.memory_space<vmem>>, vector<1x16xf32>,
        %get3A_316 = vector.shape_cast %get3A_315 : vector<1x16xf32> to vector<16xf32>
        %get3A_317 = arith.index_cast %select_n3A_287 : i32 to index
        %get3A_318 = arith.constant 16 : index
        %get3A_319 = tpu.vector_load %arg16[%get3A_317, %get3A_318] {strides = array<i32>} : memref<328x64xf32, #tpu.memory_space<vmem>>, vector<1x16xf32>,
        %get3A_320 = vector.shape_cast %get3A_319 : vector<1x16xf32> to vector<16xf32>
        %add3A_321 = arith.addf %get3A_316, %get3A_320 : vector<16xf32>
        %mul3A_322 = vector.broadcast %squeeze3A_292 : f32 to vector<16xf32>
        %mul3A_323 = arith.mulf %mul3A_322, %get3A_5 : vector<16xf32>
        %add3A_324 = arith.addf %add3A_321, %mul3A_323 : vector<16xf32>
        %max3A_325 = arith.constant 0.000000e+00 : f32
        %max3A_326 = vector.broadcast %max3A_325 : f32 to vector<16xf32>
        %max3A_327 = arith.maximumf %add3A_324, %max3A_326 : vector<16xf32>
        %swap3A_328 = arith.index_cast %select_n3A_287 : i32 to index
        %swap3A_329 = arith.constant 16 : index
        %swap3A_330 = tpu.vector_load %arg17[%swap3A_328, %swap3A_329] {strides = array<i32>} : memref<328x64xf32, #tpu.memory_space<vmem>>, vector<1x16xf32>,
        %swap3A_331 = vector.shape_cast %swap3A_330 : vector<1x16xf32> to vector<16xf32>
        %swap3A_332 = vector.shape_cast %max3A_327 : vector<16xf32> to vector<1x16xf32>
        tpu.vector_store %arg17[%swap3A_328, %swap3A_329], %swap3A_332 {add = true, strides = array<i32>} : memref<328x64xf32, #tpu.memory_space<vmem>>, vector<1x16xf32>,
        %get3A_333 = arith.index_cast %add3A_275 : i32 to index
        %get3A_334 = arith.constant 32 : index
        %get3A_335 = tpu.vector_load %arg15[%get3A_333, %get3A_334] {strides = array<i32>} : memref<128x128xf32, #tpu.memory_space<vmem>>, vector<1x16xf32>,
        %get3A_336 = vector.shape_cast %get3A_335 : vector<1x16xf32> to vector<16xf32>
        %get3A_337 = arith.index_cast %select_n3A_287 : i32 to index
        %get3A_338 = arith.constant 32 : index
        %get3A_339 = tpu.vector_load %arg16[%get3A_337, %get3A_338] {strides = array<i32>} : memref<328x64xf32, #tpu.memory_space<vmem>>, vector<1x16xf32>,
        %get3A_340 = vector.shape_cast %get3A_339 : vector<1x16xf32> to vector<16xf32>
        %add3A_341 = arith.addf %get3A_336, %get3A_340 : vector<16xf32>
        %mul3A_342 = vector.broadcast %squeeze3A_292 : f32 to vector<16xf32>
        %mul3A_343 = arith.mulf %mul3A_342, %get3A_8 : vector<16xf32>
        %add3A_344 = arith.addf %add3A_341, %mul3A_343 : vector<16xf32>
        %max3A_345 = arith.constant 0.000000e+00 : f32
        %max3A_346 = vector.broadcast %max3A_345 : f32 to vector<16xf32>
        %max3A_347 = arith.maximumf %add3A_344, %max3A_346 : vector<16xf32>
        %swap3A_348 = arith.index_cast %select_n3A_287 : i32 to index
        %swap3A_349 = arith.constant 32 : index
        %swap3A_350 = tpu.vector_load %arg17[%swap3A_348, %swap3A_349] {strides = array<i32>} : memref<328x64xf32, #tpu.memory_space<vmem>>, vector<1x16xf32>,
        %swap3A_351 = vector.shape_cast %swap3A_350 : vector<1x16xf32> to vector<16xf32>
        %swap3A_352 = vector.shape_cast %max3A_347 : vector<16xf32> to vector<1x16xf32>
        tpu.vector_store %arg17[%swap3A_348, %swap3A_349], %swap3A_352 {add = true, strides = array<i32>} : memref<328x64xf32, #tpu.memory_space<vmem>>, vector<1x16xf32>,
        %get3A_353 = arith.index_cast %add3A_275 : i32 to index
        %get3A_354 = arith.constant 48 : index
        %get3A_355 = tpu.vector_load %arg15[%get3A_353, %get3A_354] {strides = array<i32>} : memref<128x128xf32, #tpu.memory_space<vmem>>, vector<1x16xf32>,
        %get3A_356 = vector.shape_cast %get3A_355 : vector<1x16xf32> to vector<16xf32>
        %get3A_357 = arith.index_cast %select_n3A_287 : i32 to index
        %get3A_358 = arith.constant 48 : index
        %get3A_359 = tpu.vector_load %arg16[%get3A_357, %get3A_358] {strides = array<i32>} : memref<328x64xf32, #tpu.memory_space<vmem>>, vector<1x16xf32>,
        %get3A_360 = vector.shape_cast %get3A_359 : vector<1x16xf32> to vector<16xf32>
        %add3A_361 = arith.addf %get3A_356, %get3A_360 : vector<16xf32>
        %mul3A_362 = vector.broadcast %squeeze3A_292 : f32 to vector<16xf32>
        %mul3A_363 = arith.mulf %mul3A_362, %get3A_11 : vector<16xf32>
        %add3A_364 = arith.addf %add3A_361, %mul3A_363 : vector<16xf32>
        %max3A_365 = arith.constant 0.000000e+00 : f32
        %max3A_366 = vector.broadcast %max3A_365 : f32 to vector<16xf32>
        %max3A_367 = arith.maximumf %add3A_364, %max3A_366 : vector<16xf32>
        %swap3A_368 = arith.index_cast %select_n3A_287 : i32 to index
        %swap3A_369 = arith.constant 48 : index
        %swap3A_370 = tpu.vector_load %arg17[%swap3A_368, %swap3A_369] {strides = array<i32>} : memref<328x64xf32, #tpu.memory_space<vmem>>, vector<1x16xf32>,
        %swap3A_371 = vector.shape_cast %swap3A_370 : vector<1x16xf32> to vector<16xf32>
        %swap3A_372 = vector.shape_cast %max3A_367 : vector<16xf32> to vector<1x16xf32>
        tpu.vector_store %arg17[%swap3A_368, %swap3A_369], %swap3A_372 {add = true, strides = array<i32>} : memref<328x64xf32, #tpu.memory_space<vmem>>, vector<1x16xf32>,
        %scan3A_373 = arith.constant 0 : i32
        scf.yield %scan3A_373 : i32
      }
      %scan3A_171 = arith.constant 64 : i32
      %while3A_172 = arith.constant 0 : i32
      scf.yield %while3A_172 : i32
    }
    %while3A_155 = arith.constant 1 : i32
    %while3A_156 = scf.for %while3A_157 = %while3A_152 to %while3A_148 step %while3A_155 iter_args(%while3A_158 = %while3A_154) -> (i32)  : i32 {
      %mul3A_159 = arith.constant 128 : i32
      %mul3A_160 = arith.muli %while3A_157, %mul3A_159 : i32
      %add3A_161 = arith.addi %mul3A_117, %mul3A_160 : i32
      "tpu.region"() ({
        %run_scoped3A = tpu.sem_alloc : memref<!tpu.dma_semaphore, #tpu.memory_space<semaphore_mem>>
        %dma_start3A_173 = tpu.memref_slice %arg4[%add3A_161] : memref<44288xi32, #tpu.memory_space<hbm>> -> memref<128xi32, #tpu.memory_space<hbm>>
        %dma_start3A_174 = tpu.memref_slice %arg4[%add3A_161] : memref<44288xi32, #tpu.memory_space<hbm>> -> memref<128xi32, #tpu.memory_space<hbm>>
        tpu.enqueue_dma source(%dma_start3A_174 : memref<128xi32, #tpu.memory_space<hbm>>) target(%arg12 : memref<128xi32, #tpu.memory_space<vmem>>) target_semaphore(%run_scoped3A : memref<!tpu.dma_semaphore, #tpu.memory_space<semaphore_mem>>)
        %dma_wait3A_175 = tpu.memref_slice %arg4[%add3A_161] : memref<44288xi32, #tpu.memory_space<hbm>> -> memref<128xi32, #tpu.memory_space<hbm>>
        %dma_wait3A_176 = tpu.memref_slice %arg4[%add3A_161] : memref<44288xi32, #tpu.memory_space<hbm>> -> memref<128xi32, #tpu.memory_space<hbm>>
        tpu.wait_dma2 semaphore(%run_scoped3A : memref<!tpu.dma_semaphore, #tpu.memory_space<semaphore_mem>>) src(%dma_wait3A_176 : memref<128xi32, #tpu.memory_space<hbm>>) dst(%arg12 : memref<128xi32, #tpu.memory_space<vmem>>)
        tpu.yield
      }) : () -> ()
      "tpu.region"() ({
        %run_scoped3A = tpu.sem_alloc : memref<!tpu.dma_semaphore, #tpu.memory_space<semaphore_mem>>
        %dma_start3A_173 = arith.constant 0 : i32
        %dma_start3A_174 = tpu.memref_slice %arg13[%dma_start3A_173] : memref<144xi32, #tpu.memory_space<vmem>> -> memref<128xi32, #tpu.memory_space<vmem>>
        %dma_start3A_175 = tpu.memref_slice %arg5[%add3A_161] : memref<44288xi32, #tpu.memory_space<hbm>> -> memref<128xi32, #tpu.memory_space<hbm>>
        %dma_start3A_176 = arith.constant 0 : i32
        %dma_start3A_177 = tpu.memref_slice %arg13[%dma_start3A_176] : memref<144xi32, #tpu.memory_space<vmem>> -> memref<128xi32, #tpu.memory_space<vmem>>
        %dma_start3A_178 = tpu.memref_slice %arg5[%add3A_161] : memref<44288xi32, #tpu.memory_space<hbm>> -> memref<128xi32, #tpu.memory_space<hbm>>
        tpu.enqueue_dma source(%dma_start3A_178 : memref<128xi32, #tpu.memory_space<hbm>>) target(%dma_start3A_177 : memref<128xi32, #tpu.memory_space<vmem>>) target_semaphore(%run_scoped3A : memref<!tpu.dma_semaphore, #tpu.memory_space<semaphore_mem>>)
        %dma_wait3A_179 = arith.constant 0 : i32
        %dma_wait3A_180 = tpu.memref_slice %arg13[%dma_wait3A_179] : memref<144xi32, #tpu.memory_space<vmem>> -> memref<128xi32, #tpu.memory_space<vmem>>
        %dma_wait3A_181 = tpu.memref_slice %arg5[%add3A_161] : memref<44288xi32, #tpu.memory_space<hbm>> -> memref<128xi32, #tpu.memory_space<hbm>>
        %dma_wait3A_182 = arith.constant 0 : i32
        %dma_wait3A_183 = tpu.memref_slice %arg13[%dma_wait3A_182] : memref<144xi32, #tpu.memory_space<vmem>> -> memref<128xi32, #tpu.memory_space<vmem>>
        %dma_wait3A_184 = tpu.memref_slice %arg5[%add3A_161] : memref<44288xi32, #tpu.memory_space<hbm>> -> memref<128xi32, #tpu.memory_space<hbm>>
        tpu.wait_dma2 semaphore(%run_scoped3A : memref<!tpu.dma_semaphore, #tpu.memory_space<semaphore_mem>>) src(%dma_wait3A_184 : memref<128xi32, #tpu.memory_space<hbm>>) dst(%dma_wait3A_183 : memref<128xi32, #tpu.memory_space<vmem>>)
        tpu.yield
      }) : () -> ()
      "tpu.region"() ({
        %run_scoped3A = tpu.sem_alloc : memref<!tpu.dma_semaphore, #tpu.memory_space<semaphore_mem>>
        %dma_start3A_173 = arith.constant 0 : i32
        %dma_start3A_174 = tpu.memref_slice %arg14[%dma_start3A_173] : memref<144xf32, #tpu.memory_space<vmem>> -> memref<128xf32, #tpu.memory_space<vmem>>
        %dma_start3A_175 = tpu.memref_slice %arg6[%add3A_161] : memref<44288xf32, #tpu.memory_space<hbm>> -> memref<128xf32, #tpu.memory_space<hbm>>
        %dma_start3A_176 = arith.constant 0 : i32
        %dma_start3A_177 = tpu.memref_slice %arg14[%dma_start3A_176] : memref<144xf32, #tpu.memory_space<vmem>> -> memref<128xf32, #tpu.memory_space<vmem>>
        %dma_start3A_178 = tpu.memref_slice %arg6[%add3A_161] : memref<44288xf32, #tpu.memory_space<hbm>> -> memref<128xf32, #tpu.memory_space<hbm>>
        tpu.enqueue_dma source(%dma_start3A_178 : memref<128xf32, #tpu.memory_space<hbm>>) target(%dma_start3A_177 : memref<128xf32, #tpu.memory_space<vmem>>) target_semaphore(%run_scoped3A : memref<!tpu.dma_semaphore, #tpu.memory_space<semaphore_mem>>)
        %dma_wait3A_179 = arith.constant 0 : i32
        %dma_wait3A_180 = tpu.memref_slice %arg14[%dma_wait3A_179] : memref<144xf32, #tpu.memory_space<vmem>> -> memref<128xf32, #tpu.memory_space<vmem>>
        %dma_wait3A_181 = tpu.memref_slice %arg6[%add3A_161] : memref<44288xf32, #tpu.memory_space<hbm>> -> memref<128xf32, #tpu.memory_space<hbm>>
        %dma_wait3A_182 = arith.constant 0 : i32
        %dma_wait3A_183 = tpu.memref_slice %arg14[%dma_wait3A_182] : memref<144xf32, #tpu.memory_space<vmem>> -> memref<128xf32, #tpu.memory_space<vmem>>
        %dma_wait3A_184 = tpu.memref_slice %arg6[%add3A_161] : memref<44288xf32, #tpu.memory_space<hbm>> -> memref<128xf32, #tpu.memory_space<hbm>>
        tpu.wait_dma2 semaphore(%run_scoped3A : memref<!tpu.dma_semaphore, #tpu.memory_space<semaphore_mem>>) src(%dma_wait3A_184 : memref<128xf32, #tpu.memory_space<hbm>>) dst(%dma_wait3A_183 : memref<128xf32, #tpu.memory_space<vmem>>)
        tpu.yield
      }) : () -> ()
      %dma_start3A = arith.constant 0 : i32
      %dma_start3A_162 = arith.constant 0 : i32
      %dma_start3A_163 = tpu.memref_slice %arg2[%dma_start3A, %dma_start3A_162] : memref<20480x128xf32, #tpu.memory_space<hbm>> -> memref<20480x128xf32, #tpu.memory_space<hbm>>
      tpu.enqueue_indirect_dma source(%dma_start3A_163 : memref<20480x128xf32, #tpu.memory_space<hbm>>) target(%arg15 : memref<128x128xf32, #tpu.memory_space<vmem>>) offsets(%arg12 : memref<128xi32, #tpu.memory_space<vmem>>) semaphore(%arg19 : memref<!tpu.dma_semaphore, #tpu.memory_space<semaphore_mem>>)
      %dma_wait3A = arith.constant 0 : i32
      %dma_wait3A_164 = arith.constant 0 : i32
      %dma_wait3A_165 = tpu.memref_slice %arg2[%dma_wait3A, %dma_wait3A_164] : memref<20480x128xf32, #tpu.memory_space<hbm>> -> memref<20480x128xf32, #tpu.memory_space<hbm>>
      tpu.wait_indirect_dma semaphore(%arg19 : memref<!tpu.dma_semaphore, #tpu.memory_space<semaphore_mem>>) src(%dma_wait3A_165 : memref<20480x128xf32, #tpu.memory_space<hbm>>) dst(%arg15 : memref<128x128xf32, #tpu.memory_space<vmem>>)
      %scan3A = arith.constant 0 : i32
      %scan3A_166 = arith.constant 0 : i32
      %scan3A_167 = arith.constant 64 : i32
      %scan3A_168 = arith.addi %scan3A_166, %scan3A_167 : i32
      %scan3A_169 = arith.constant 1 : i32
      %scan3A_170 = scf.for %scan3A_173 = %scan3A_166 to %scan3A_168 step %scan3A_169 iter_args(%scan3A_174 = %scan3A) -> (i32)  : i32 {
        %mul3A_175 = arith.constant 2 : i32
        %mul3A_176 = arith.muli %scan3A_173, %mul3A_175 : i32
        %add3A_177 = arith.constant 0 : i32
        %add3A_178 = arith.addi %mul3A_176, %add3A_177 : i32
        %add3A_179 = arith.addi %add3A_161, %add3A_178 : i32
        %ge3A = arith.cmpi sge, %add3A_179, %squeeze3A_89 : i32
        %lt3A = arith.cmpi slt, %add3A_179, %squeeze3A_91 : i32
        %and3A_180 = arith.andi %ge3A, %lt3A : i1
        %get3A_181 = arith.index_cast %add3A_178 : i32 to index
        %get3A_182 = tpu.vector_load %arg13[%get3A_181] {strides = array<i32>} : memref<144xi32, #tpu.memory_space<vmem>>, vector<16xi32>,
        %get3A_183 = vector.shape_cast %get3A_182 : vector<16xi32> to vector<16xi32>
        %slice3A_184 = vector.extract_strided_slice %get3A_183 {offsets = [0], sizes = [1], strides = [1]} : vector<16xi32> to vector<1xi32>
        %squeeze3A_185 = vector.extract %slice3A_184[0] : i32 from vector<1xi32>
        %sub3A_186 = arith.subi %squeeze3A_185, %mul3A_84 : i32
        %jit3A_187 = arith.constant 320 : i32
        %select_n3A_188 = arith.select %and3A_180, %sub3A_186, %jit3A_187 : i32
        %get3A_189 = arith.index_cast %add3A_178 : i32 to index
        %get3A_190 = tpu.vector_load %arg14[%get3A_189] {strides = array<i32>} : memref<144xf32, #tpu.memory_space<vmem>>, vector<16xf32>,
        %get3A_191 = vector.shape_cast %get3A_190 : vector<16xf32> to vector<16xf32>
        %slice3A_192 = vector.extract_strided_slice %get3A_191 {offsets = [0], sizes = [1], strides = [1]} : vector<16xf32> to vector<1xf32>
        %squeeze3A_193 = vector.extract %slice3A_192[0] : f32 from vector<1xf32>
        %get3A_194 = arith.index_cast %add3A_178 : i32 to index
        %get3A_195 = arith.constant 0 : index
        %get3A_196 = tpu.vector_load %arg15[%get3A_194, %get3A_195] {strides = array<i32>} : memref<128x128xf32, #tpu.memory_space<vmem>>, vector<1x16xf32>,
        %get3A_197 = vector.shape_cast %get3A_196 : vector<1x16xf32> to vector<16xf32>
        %get3A_198 = arith.index_cast %select_n3A_188 : i32 to index
        %get3A_199 = arith.constant 0 : index
        %get3A_200 = tpu.vector_load %arg16[%get3A_198, %get3A_199] {strides = array<i32>} : memref<328x64xf32, #tpu.memory_space<vmem>>, vector<1x16xf32>,
        %get3A_201 = vector.shape_cast %get3A_200 : vector<1x16xf32> to vector<16xf32>
        %add3A_202 = arith.addf %get3A_197, %get3A_201 : vector<16xf32>
        %mul3A_203 = vector.broadcast %squeeze3A_193 : f32 to vector<16xf32>
        %mul3A_204 = arith.mulf %mul3A_203, %get3A_2 : vector<16xf32>
        %add3A_205 = arith.addf %add3A_202, %mul3A_204 : vector<16xf32>
        %max3A = arith.constant 0.000000e+00 : f32
        %max3A_206 = vector.broadcast %max3A : f32 to vector<16xf32>
        %max3A_207 = arith.maximumf %add3A_205, %max3A_206 : vector<16xf32>
        %swap3A = arith.index_cast %select_n3A_188 : i32 to index
        %swap3A_208 = arith.constant 0 : index
        %swap3A_209 = tpu.vector_load %arg17[%swap3A, %swap3A_208] {strides = array<i32>} : memref<328x64xf32, #tpu.memory_space<vmem>>, vector<1x16xf32>,
        %swap3A_210 = vector.shape_cast %swap3A_209 : vector<1x16xf32> to vector<16xf32>
        %swap3A_211 = vector.shape_cast %max3A_207 : vector<16xf32> to vector<1x16xf32>
        tpu.vector_store %arg17[%swap3A, %swap3A_208], %swap3A_211 {add = true, strides = array<i32>} : memref<328x64xf32, #tpu.memory_space<vmem>>, vector<1x16xf32>,
        %get3A_212 = arith.index_cast %add3A_178 : i32 to index
        %get3A_213 = arith.constant 16 : index
        %get3A_214 = tpu.vector_load %arg15[%get3A_212, %get3A_213] {strides = array<i32>} : memref<128x128xf32, #tpu.memory_space<vmem>>, vector<1x16xf32>,
        %get3A_215 = vector.shape_cast %get3A_214 : vector<1x16xf32> to vector<16xf32>
        %get3A_216 = arith.index_cast %select_n3A_188 : i32 to index
        %get3A_217 = arith.constant 16 : index
        %get3A_218 = tpu.vector_load %arg16[%get3A_216, %get3A_217] {strides = array<i32>} : memref<328x64xf32, #tpu.memory_space<vmem>>, vector<1x16xf32>,
        %get3A_219 = vector.shape_cast %get3A_218 : vector<1x16xf32> to vector<16xf32>
        %add3A_220 = arith.addf %get3A_215, %get3A_219 : vector<16xf32>
        %mul3A_221 = vector.broadcast %squeeze3A_193 : f32 to vector<16xf32>
        %mul3A_222 = arith.mulf %mul3A_221, %get3A_5 : vector<16xf32>
        %add3A_223 = arith.addf %add3A_220, %mul3A_222 : vector<16xf32>
        %max3A_224 = arith.constant 0.000000e+00 : f32
        %max3A_225 = vector.broadcast %max3A_224 : f32 to vector<16xf32>
        %max3A_226 = arith.maximumf %add3A_223, %max3A_225 : vector<16xf32>
        %swap3A_227 = arith.index_cast %select_n3A_188 : i32 to index
        %swap3A_228 = arith.constant 16 : index
        %swap3A_229 = tpu.vector_load %arg17[%swap3A_227, %swap3A_228] {strides = array<i32>} : memref<328x64xf32, #tpu.memory_space<vmem>>, vector<1x16xf32>,
        %swap3A_230 = vector.shape_cast %swap3A_229 : vector<1x16xf32> to vector<16xf32>
        %swap3A_231 = vector.shape_cast %max3A_226 : vector<16xf32> to vector<1x16xf32>
        tpu.vector_store %arg17[%swap3A_227, %swap3A_228], %swap3A_231 {add = true, strides = array<i32>} : memref<328x64xf32, #tpu.memory_space<vmem>>, vector<1x16xf32>,
        %get3A_232 = arith.index_cast %add3A_178 : i32 to index
        %get3A_233 = arith.constant 32 : index
        %get3A_234 = tpu.vector_load %arg15[%get3A_232, %get3A_233] {strides = array<i32>} : memref<128x128xf32, #tpu.memory_space<vmem>>, vector<1x16xf32>,
        %get3A_235 = vector.shape_cast %get3A_234 : vector<1x16xf32> to vector<16xf32>
        %get3A_236 = arith.index_cast %select_n3A_188 : i32 to index
        %get3A_237 = arith.constant 32 : index
        %get3A_238 = tpu.vector_load %arg16[%get3A_236, %get3A_237] {strides = array<i32>} : memref<328x64xf32, #tpu.memory_space<vmem>>, vector<1x16xf32>,
        %get3A_239 = vector.shape_cast %get3A_238 : vector<1x16xf32> to vector<16xf32>
        %add3A_240 = arith.addf %get3A_235, %get3A_239 : vector<16xf32>
        %mul3A_241 = vector.broadcast %squeeze3A_193 : f32 to vector<16xf32>
        %mul3A_242 = arith.mulf %mul3A_241, %get3A_8 : vector<16xf32>
        %add3A_243 = arith.addf %add3A_240, %mul3A_242 : vector<16xf32>
        %max3A_244 = arith.constant 0.000000e+00 : f32
        %max3A_245 = vector.broadcast %max3A_244 : f32 to vector<16xf32>
        %max3A_246 = arith.maximumf %add3A_243, %max3A_245 : vector<16xf32>
        %swap3A_247 = arith.index_cast %select_n3A_188 : i32 to index
        %swap3A_248 = arith.constant 32 : index
        %swap3A_249 = tpu.vector_load %arg17[%swap3A_247, %swap3A_248] {strides = array<i32>} : memref<328x64xf32, #tpu.memory_space<vmem>>, vector<1x16xf32>,
        %swap3A_250 = vector.shape_cast %swap3A_249 : vector<1x16xf32> to vector<16xf32>
        %swap3A_251 = vector.shape_cast %max3A_246 : vector<16xf32> to vector<1x16xf32>
        tpu.vector_store %arg17[%swap3A_247, %swap3A_248], %swap3A_251 {add = true, strides = array<i32>} : memref<328x64xf32, #tpu.memory_space<vmem>>, vector<1x16xf32>,
        %get3A_252 = arith.index_cast %add3A_178 : i32 to index
        %get3A_253 = arith.constant 48 : index
        %get3A_254 = tpu.vector_load %arg15[%get3A_252, %get3A_253] {strides = array<i32>} : memref<128x128xf32, #tpu.memory_space<vmem>>, vector<1x16xf32>,
        %get3A_255 = vector.shape_cast %get3A_254 : vector<1x16xf32> to vector<16xf32>
        %get3A_256 = arith.index_cast %select_n3A_188 : i32 to index
        %get3A_257 = arith.constant 48 : index
        %get3A_258 = tpu.vector_load %arg16[%get3A_256, %get3A_257] {strides = array<i32>} : memref<328x64xf32, #tpu.memory_space<vmem>>, vector<1x16xf32>,
        %get3A_259 = vector.shape_cast %get3A_258 : vector<1x16xf32> to vector<16xf32>
        %add3A_260 = arith.addf %get3A_255, %get3A_259 : vector<16xf32>
        %mul3A_261 = vector.broadcast %squeeze3A_193 : f32 to vector<16xf32>
        %mul3A_262 = arith.mulf %mul3A_261, %get3A_11 : vector<16xf32>
        %add3A_263 = arith.addf %add3A_260, %mul3A_262 : vector<16xf32>
        %max3A_264 = arith.constant 0.000000e+00 : f32
        %max3A_265 = vector.broadcast %max3A_264 : f32 to vector<16xf32>
        %max3A_266 = arith.maximumf %add3A_263, %max3A_265 : vector<16xf32>
        %swap3A_267 = arith.index_cast %select_n3A_188 : i32 to index
        %swap3A_268 = arith.constant 48 : index
        %swap3A_269 = tpu.vector_load %arg17[%swap3A_267, %swap3A_268] {strides = array<i32>} : memref<328x64xf32, #tpu.memory_space<vmem>>, vector<1x16xf32>,
        %swap3A_270 = vector.shape_cast %swap3A_269 : vector<1x16xf32> to vector<16xf32>
        %swap3A_271 = vector.shape_cast %max3A_266 : vector<16xf32> to vector<1x16xf32>
        tpu.vector_store %arg17[%swap3A_267, %swap3A_268], %swap3A_271 {add = true, strides = array<i32>} : memref<328x64xf32, #tpu.memory_space<vmem>>, vector<1x16xf32>,
        %mul3A_272 = arith.constant 2 : i32
        %mul3A_273 = arith.muli %scan3A_173, %mul3A_272 : i32
        %add3A_274 = arith.constant 1 : i32
        %add3A_275 = arith.addi %mul3A_273, %add3A_274 : i32
        %add3A_276 = arith.addi %add3A_161, %add3A_275 : i32
        %ge3A_277 = arith.cmpi sge, %add3A_276, %squeeze3A_89 : i32
        %lt3A_278 = arith.cmpi slt, %add3A_276, %squeeze3A_91 : i32
        %and3A_279 = arith.andi %ge3A_277, %lt3A_278 : i1
        %get3A_280 = arith.index_cast %add3A_275 : i32 to index
        %get3A_281 = tpu.vector_load %arg13[%get3A_280] {strides = array<i32>} : memref<144xi32, #tpu.memory_space<vmem>>, vector<16xi32>,
        %get3A_282 = vector.shape_cast %get3A_281 : vector<16xi32> to vector<16xi32>
        %slice3A_283 = vector.extract_strided_slice %get3A_282 {offsets = [0], sizes = [1], strides = [1]} : vector<16xi32> to vector<1xi32>
        %squeeze3A_284 = vector.extract %slice3A_283[0] : i32 from vector<1xi32>
        %sub3A_285 = arith.subi %squeeze3A_284, %mul3A_84 : i32
        %jit3A_286 = arith.constant 320 : i32
        %select_n3A_287 = arith.select %and3A_279, %sub3A_285, %jit3A_286 : i32
        %get3A_288 = arith.index_cast %add3A_275 : i32 to index
        %get3A_289 = tpu.vector_load %arg14[%get3A_288] {strides = array<i32>} : memref<144xf32, #tpu.memory_space<vmem>>, vector<16xf32>,
        %get3A_290 = vector.shape_cast %get3A_289 : vector<16xf32> to vector<16xf32>
        %slice3A_291 = vector.extract_strided_slice %get3A_290 {offsets = [0], sizes = [1], strides = [1]} : vector<16xf32> to vector<1xf32>
        %squeeze3A_292 = vector.extract %slice3A_291[0] : f32 from vector<1xf32>
        %get3A_293 = arith.index_cast %add3A_275 : i32 to index
        %get3A_294 = arith.constant 0 : index
        %get3A_295 = tpu.vector_load %arg15[%get3A_293, %get3A_294] {strides = array<i32>} : memref<128x128xf32, #tpu.memory_space<vmem>>, vector<1x16xf32>,
        %get3A_296 = vector.shape_cast %get3A_295 : vector<1x16xf32> to vector<16xf32>
        %get3A_297 = arith.index_cast %select_n3A_287 : i32 to index
        %get3A_298 = arith.constant 0 : index
        %get3A_299 = tpu.vector_load %arg16[%get3A_297, %get3A_298] {strides = array<i32>} : memref<328x64xf32, #tpu.memory_space<vmem>>, vector<1x16xf32>,
        %get3A_300 = vector.shape_cast %get3A_299 : vector<1x16xf32> to vector<16xf32>
        %add3A_301 = arith.addf %get3A_296, %get3A_300 : vector<16xf32>
        %mul3A_302 = vector.broadcast %squeeze3A_292 : f32 to vector<16xf32>
        %mul3A_303 = arith.mulf %mul3A_302, %get3A_2 : vector<16xf32>
        %add3A_304 = arith.addf %add3A_301, %mul3A_303 : vector<16xf32>
        %max3A_305 = arith.constant 0.000000e+00 : f32
        %max3A_306 = vector.broadcast %max3A_305 : f32 to vector<16xf32>
        %max3A_307 = arith.maximumf %add3A_304, %max3A_306 : vector<16xf32>
        %swap3A_308 = arith.index_cast %select_n3A_287 : i32 to index
        %swap3A_309 = arith.constant 0 : index
        %swap3A_310 = tpu.vector_load %arg17[%swap3A_308, %swap3A_309] {strides = array<i32>} : memref<328x64xf32, #tpu.memory_space<vmem>>, vector<1x16xf32>,
        %swap3A_311 = vector.shape_cast %swap3A_310 : vector<1x16xf32> to vector<16xf32>
        %swap3A_312 = vector.shape_cast %max3A_307 : vector<16xf32> to vector<1x16xf32>
        tpu.vector_store %arg17[%swap3A_308, %swap3A_309], %swap3A_312 {add = true, strides = array<i32>} : memref<328x64xf32, #tpu.memory_space<vmem>>, vector<1x16xf32>,
        %get3A_313 = arith.index_cast %add3A_275 : i32 to index
        %get3A_314 = arith.constant 16 : index
        %get3A_315 = tpu.vector_load %arg15[%get3A_313, %get3A_314] {strides = array<i32>} : memref<128x128xf32, #tpu.memory_space<vmem>>, vector<1x16xf32>,
        %get3A_316 = vector.shape_cast %get3A_315 : vector<1x16xf32> to vector<16xf32>
        %get3A_317 = arith.index_cast %select_n3A_287 : i32 to index
        %get3A_318 = arith.constant 16 : index
        %get3A_319 = tpu.vector_load %arg16[%get3A_317, %get3A_318] {strides = array<i32>} : memref<328x64xf32, #tpu.memory_space<vmem>>, vector<1x16xf32>,
        %get3A_320 = vector.shape_cast %get3A_319 : vector<1x16xf32> to vector<16xf32>
        %add3A_321 = arith.addf %get3A_316, %get3A_320 : vector<16xf32>
        %mul3A_322 = vector.broadcast %squeeze3A_292 : f32 to vector<16xf32>
        %mul3A_323 = arith.mulf %mul3A_322, %get3A_5 : vector<16xf32>
        %add3A_324 = arith.addf %add3A_321, %mul3A_323 : vector<16xf32>
        %max3A_325 = arith.constant 0.000000e+00 : f32
        %max3A_326 = vector.broadcast %max3A_325 : f32 to vector<16xf32>
        %max3A_327 = arith.maximumf %add3A_324, %max3A_326 : vector<16xf32>
        %swap3A_328 = arith.index_cast %select_n3A_287 : i32 to index
        %swap3A_329 = arith.constant 16 : index
        %swap3A_330 = tpu.vector_load %arg17[%swap3A_328, %swap3A_329] {strides = array<i32>} : memref<328x64xf32, #tpu.memory_space<vmem>>, vector<1x16xf32>,
        %swap3A_331 = vector.shape_cast %swap3A_330 : vector<1x16xf32> to vector<16xf32>
        %swap3A_332 = vector.shape_cast %max3A_327 : vector<16xf32> to vector<1x16xf32>
        tpu.vector_store %arg17[%swap3A_328, %swap3A_329], %swap3A_332 {add = true, strides = array<i32>} : memref<328x64xf32, #tpu.memory_space<vmem>>, vector<1x16xf32>,
        %get3A_333 = arith.index_cast %add3A_275 : i32 to index
        %get3A_334 = arith.constant 32 : index
        %get3A_335 = tpu.vector_load %arg15[%get3A_333, %get3A_334] {strides = array<i32>} : memref<128x128xf32, #tpu.memory_space<vmem>>, vector<1x16xf32>,
        %get3A_336 = vector.shape_cast %get3A_335 : vector<1x16xf32> to vector<16xf32>
        %get3A_337 = arith.index_cast %select_n3A_287 : i32 to index
        %get3A_338 = arith.constant 32 : index
        %get3A_339 = tpu.vector_load %arg16[%get3A_337, %get3A_338] {strides = array<i32>} : memref<328x64xf32, #tpu.memory_space<vmem>>, vector<1x16xf32>,
        %get3A_340 = vector.shape_cast %get3A_339 : vector<1x16xf32> to vector<16xf32>
        %add3A_341 = arith.addf %get3A_336, %get3A_340 : vector<16xf32>
        %mul3A_342 = vector.broadcast %squeeze3A_292 : f32 to vector<16xf32>
        %mul3A_343 = arith.mulf %mul3A_342, %get3A_8 : vector<16xf32>
        %add3A_344 = arith.addf %add3A_341, %mul3A_343 : vector<16xf32>
        %max3A_345 = arith.constant 0.000000e+00 : f32
        %max3A_346 = vector.broadcast %max3A_345 : f32 to vector<16xf32>
        %max3A_347 = arith.maximumf %add3A_344, %max3A_346 : vector<16xf32>
        %swap3A_348 = arith.index_cast %select_n3A_287 : i32 to index
        %swap3A_349 = arith.constant 32 : index
        %swap3A_350 = tpu.vector_load %arg17[%swap3A_348, %swap3A_349] {strides = array<i32>} : memref<328x64xf32, #tpu.memory_space<vmem>>, vector<1x16xf32>,
        %swap3A_351 = vector.shape_cast %swap3A_350 : vector<1x16xf32> to vector<16xf32>
        %swap3A_352 = vector.shape_cast %max3A_347 : vector<16xf32> to vector<1x16xf32>
        tpu.vector_store %arg17[%swap3A_348, %swap3A_349], %swap3A_352 {add = true, strides = array<i32>} : memref<328x64xf32, #tpu.memory_space<vmem>>, vector<1x16xf32>,
        %get3A_353 = arith.index_cast %add3A_275 : i32 to index
        %get3A_354 = arith.constant 48 : index
        %get3A_355 = tpu.vector_load %arg15[%get3A_353, %get3A_354] {strides = array<i32>} : memref<128x128xf32, #tpu.memory_space<vmem>>, vector<1x16xf32>,
        %get3A_356 = vector.shape_cast %get3A_355 : vector<1x16xf32> to vector<16xf32>
        %get3A_357 = arith.index_cast %select_n3A_287 : i32 to index
        %get3A_358 = arith.constant 48 : index
        %get3A_359 = tpu.vector_load %arg16[%get3A_357, %get3A_358] {strides = array<i32>} : memref<328x64xf32, #tpu.memory_space<vmem>>, vector<1x16xf32>,
        %get3A_360 = vector.shape_cast %get3A_359 : vector<1x16xf32> to vector<16xf32>
        %add3A_361 = arith.addf %get3A_356, %get3A_360 : vector<16xf32>
        %mul3A_362 = vector.broadcast %squeeze3A_292 : f32 to vector<16xf32>
        %mul3A_363 = arith.mulf %mul3A_362, %get3A_11 : vector<16xf32>
        %add3A_364 = arith.addf %add3A_361, %mul3A_363 : vector<16xf32>
        %max3A_365 = arith.constant 0.000000e+00 : f32
        %max3A_366 = vector.broadcast %max3A_365 : f32 to vector<16xf32>
        %max3A_367 = arith.maximumf %add3A_364, %max3A_366 : vector<16xf32>
        %swap3A_368 = arith.index_cast %select_n3A_287 : i32 to index
        %swap3A_369 = arith.constant 48 : index
        %swap3A_370 = tpu.vector_load %arg17[%swap3A_368, %swap3A_369] {strides = array<i32>} : memref<328x64xf32, #tpu.memory_space<vmem>>, vector<1x16xf32>,
        %swap3A_371 = vector.shape_cast %swap3A_370 : vector<1x16xf32> to vector<16xf32>
        %swap3A_372 = vector.shape_cast %max3A_367 : vector<16xf32> to vector<1x16xf32>
        tpu.vector_store %arg17[%swap3A_368, %swap3A_369], %swap3A_372 {add = true, strides = array<i32>} : memref<328x64xf32, #tpu.memory_space<vmem>>, vector<1x16xf32>,
        %scan3A_373 = arith.constant 0 : i32
        scf.yield %scan3A_373 : i32
      }
      %scan3A_171 = arith.constant 64 : i32
      %while3A_172 = arith.constant 0 : i32
      scf.yield %while3A_172 : i32
    }
    "tpu.region"() ({
      %run_scoped3A = tpu.sem_alloc : memref<!tpu.dma_semaphore, #tpu.memory_space<semaphore_mem>>
      %dma_start3A = arith.constant 0 : i32
      %dma_start3A_157 = arith.constant 0 : i32
      %dma_start3A_158 = tpu.memref_slice %arg17[%dma_start3A, %dma_start3A_157] : memref<328x64xf32, #tpu.memory_space<vmem>> -> memref<320x64xf32, #tpu.memory_space<vmem>>
      %dma_start3A_159 = arith.constant 0 : i32
      %dma_start3A_160 = tpu.memref_slice %arg10[%mul3A_84, %dma_start3A_159] : memref<20480x64xf32, #tpu.memory_space<hbm>> -> memref<320x64xf32, #tpu.memory_space<hbm>>
      %dma_start3A_161 = arith.constant 0 : i32
      %dma_start3A_162 = tpu.memref_slice %arg10[%mul3A_84, %dma_start3A_161] : memref<20480x64xf32, #tpu.memory_space<hbm>> -> memref<320x64xf32, #tpu.memory_space<hbm>>
      %dma_start3A_163 = arith.constant 0 : i32
      %dma_start3A_164 = arith.constant 0 : i32
      %dma_start3A_165 = tpu.memref_slice %arg17[%dma_start3A_163, %dma_start3A_164] : memref<328x64xf32, #tpu.memory_space<vmem>> -> memref<320x64xf32, #tpu.memory_space<vmem>>
      tpu.enqueue_dma source(%dma_start3A_165 : memref<320x64xf32, #tpu.memory_space<vmem>>) target(%dma_start3A_162 : memref<320x64xf32, #tpu.memory_space<hbm>>) target_semaphore(%run_scoped3A : memref<!tpu.dma_semaphore, #tpu.memory_space<semaphore_mem>>)
      %dma_wait3A = arith.constant 0 : i32
      %dma_wait3A_166 = arith.constant 0 : i32
      %dma_wait3A_167 = tpu.memref_slice %arg17[%dma_wait3A, %dma_wait3A_166] : memref<328x64xf32, #tpu.memory_space<vmem>> -> memref<320x64xf32, #tpu.memory_space<vmem>>
      %dma_wait3A_168 = arith.constant 0 : i32
      %dma_wait3A_169 = tpu.memref_slice %arg10[%mul3A_84, %dma_wait3A_168] : memref<20480x64xf32, #tpu.memory_space<hbm>> -> memref<320x64xf32, #tpu.memory_space<hbm>>
      %dma_wait3A_170 = arith.constant 0 : i32
      %dma_wait3A_171 = tpu.memref_slice %arg10[%mul3A_84, %dma_wait3A_170] : memref<20480x64xf32, #tpu.memory_space<hbm>> -> memref<320x64xf32, #tpu.memory_space<hbm>>
      %dma_wait3A_172 = arith.constant 0 : i32
      %dma_wait3A_173 = arith.constant 0 : i32
      %dma_wait3A_174 = tpu.memref_slice %arg17[%dma_wait3A_172, %dma_wait3A_173] : memref<328x64xf32, #tpu.memory_space<vmem>> -> memref<320x64xf32, #tpu.memory_space<vmem>>
      tpu.wait_dma2 semaphore(%run_scoped3A : memref<!tpu.dma_semaphore, #tpu.memory_space<semaphore_mem>>) src(%dma_wait3A_174 : memref<320x64xf32, #tpu.memory_space<vmem>>) dst(%dma_wait3A_171 : memref<320x64xf32, #tpu.memory_space<hbm>>)
      tpu.yield
    }) : () -> ()
    return
  }
}

module attributes {stable_mosaic.version = 14 : i64} {
  func.func @_cn_body(%arg0: i32, %arg1: memref<2560x5xf32, #tpu.memory_space<vmem>>, %arg2: memref<5x32xf32, #tpu.memory_space<vmem>>, %arg3: memref<1x32xf32, #tpu.memory_space<vmem>>, %arg4: memref<2560x32xf32, #tpu.memory_space<vmem>>) attributes {dimension_semantics = [#tpu.dimension_semantics<arbitrary>], iteration_bounds = array<i64: 8>, scalar_prefetch = 0 : i64, scratch_operands = 0 : i64, tpu.core_type = #tpu.core_type<tc>, window_params = [{transform_indices = @transform_0, window_bounds = array<i64: 2560, 5>}, {pipeline_mode = #tpu.pipeline_mode<synchronous>, transform_indices = @transform_1, window_bounds = array<i64: 5, 32>}, {pipeline_mode = #tpu.pipeline_mode<synchronous>, transform_indices = @transform_2, window_bounds = array<i64: 1, 32>}, {transform_indices = @transform_3, window_bounds = array<i64: 2560, 32>}]} {
    %get3A = arith.constant 0 : index
    %get3A_0 = arith.constant 0 : index
    %get3A_1 = vector.load %arg1[%get3A, %get3A_0] : memref<2560x5xf32, #tpu.memory_space<vmem>>, vector<2560x5xf32>
    %get3A_2 = arith.constant 0 : index
    %get3A_3 = arith.constant 0 : index
    %get3A_4 = vector.load %arg2[%get3A_2, %get3A_3] : memref<5x32xf32, #tpu.memory_space<vmem>>, vector<5x32xf32>
    %dot_general3A = arith.constant dense<0.000000e+00> : vector<2560x32xf32>
    %dot_general3A_5 = tpu.matmul %get3A_1, %get3A_4, %dot_general3A {dimension_numbers = #tpu.dot_dimension_numbers<[1], [0], [0], [1], [0, 0, 1, 1], [], []>, transpose_lhs_hint = false} : vector<2560x5xf32>, vector<5x32xf32>, vector<2560x32xf32> -> vector<2560x32xf32>
    %get3A_6 = arith.constant 0 : index
    %get3A_7 = arith.constant 0 : index
    %get3A_8 = vector.load %arg3[%get3A_6, %get3A_7] : memref<1x32xf32, #tpu.memory_space<vmem>>, vector<1x32xf32>
    %add3A = vector.broadcast %get3A_8 : vector<1x32xf32> to vector<2560x32xf32>
    %add3A_9 = arith.addf %dot_general3A_5, %add3A : vector<2560x32xf32>
    %swap3A = arith.constant 0 : index
    %swap3A_10 = arith.constant 0 : index
    %swap3A_11 = vector.load %arg4[%swap3A, %swap3A_10] : memref<2560x32xf32, #tpu.memory_space<vmem>>, vector<2560x32xf32>
    tpu.vector_store %arg4[%swap3A, %swap3A_10], %add3A_9 {strides = array<i32>} : memref<2560x32xf32, #tpu.memory_space<vmem>>, vector<2560x32xf32>,
    return
  }
  func.func @transform_0(%arg0: i32) -> (i32, i32) {
    %c0_i32 = arith.constant 0 : i32
    %c0_i32_0 = arith.constant 0 : i32
    return %arg0, %c0_i32 : i32, i32
  }
  func.func @transform_1(%arg0: i32) -> (i32, i32) {
    %c0_i32 = arith.constant 0 : i32
    %c0_i32_0 = arith.constant 0 : i32
    %c0_i32_1 = arith.constant 0 : i32
    return %c0_i32, %c0_i32_0 : i32, i32
  }
  func.func @transform_2(%arg0: i32) -> (i32, i32) {
    %c0_i32 = arith.constant 0 : i32
    %c0_i32_0 = arith.constant 0 : i32
    %c0_i32_1 = arith.constant 0 : i32
    return %c0_i32, %c0_i32_0 : i32, i32
  }
  func.func @transform_3(%arg0: i32) -> (i32, i32) {
    %c0_i32 = arith.constant 0 : i32
    %c0_i32_0 = arith.constant 0 : i32
    return %arg0, %c0_i32 : i32, i32
  }
}

module attributes {stable_mosaic.version = 14 : i64} {
  func.func @_node_body(%arg0: i32, %arg1: memref<2560x64xf32, #tpu.memory_space<vmem>>, %arg2: memref<2560x32xf32, #tpu.memory_space<vmem>>, %arg3: memref<64x32xf32, #tpu.memory_space<vmem>>, %arg4: memref<32x128xf32, #tpu.memory_space<vmem>>, %arg5: memref<32x64xf32, #tpu.memory_space<vmem>>, %arg6: memref<1x64xf32, #tpu.memory_space<vmem>>, %arg7: memref<2560x128xf32, #tpu.memory_space<vmem>>, %arg8: memref<2560x64xf32, #tpu.memory_space<vmem>>, %arg9: memref<2560x32xf32, #tpu.memory_space<vmem>>) attributes {dimension_semantics = [#tpu.dimension_semantics<arbitrary>], iteration_bounds = array<i64: 8>, scalar_prefetch = 0 : i64, scratch_operands = 0 : i64, tpu.core_type = #tpu.core_type<tc>, window_params = [{transform_indices = @transform_0, window_bounds = array<i64: 2560, 64>}, {transform_indices = @transform_1, window_bounds = array<i64: 2560, 32>}, {pipeline_mode = #tpu.pipeline_mode<synchronous>, transform_indices = @transform_2, window_bounds = array<i64: 64, 32>}, {pipeline_mode = #tpu.pipeline_mode<synchronous>, transform_indices = @transform_3, window_bounds = array<i64: 32, 128>}, {pipeline_mode = #tpu.pipeline_mode<synchronous>, transform_indices = @transform_4, window_bounds = array<i64: 32, 64>}, {pipeline_mode = #tpu.pipeline_mode<synchronous>, transform_indices = @transform_5, window_bounds = array<i64: 1, 64>}, {transform_indices = @transform_6, window_bounds = array<i64: 2560, 128>}, {transform_indices = @transform_7, window_bounds = array<i64: 2560, 64>}, {transform_indices = @transform_8, window_bounds = array<i64: 2560, 32>}]} {
    %get3A = arith.constant 0 : index
    %get3A_0 = arith.constant 0 : index
    %get3A_1 = vector.load %arg1[%get3A, %get3A_0] : memref<2560x64xf32, #tpu.memory_space<vmem>>, vector<2560x64xf32>
    %get3A_2 = arith.constant 0 : index
    %get3A_3 = arith.constant 0 : index
    %get3A_4 = vector.load %arg3[%get3A_2, %get3A_3] : memref<64x32xf32, #tpu.memory_space<vmem>>, vector<64x32xf32>
    %dot_general3A = arith.constant dense<0.000000e+00> : vector<2560x32xf32>
    %dot_general3A_5 = tpu.matmul %get3A_1, %get3A_4, %dot_general3A {dimension_numbers = #tpu.dot_dimension_numbers<[1], [0], [0], [1], [0, 0, 1, 1], [], []>, transpose_lhs_hint = false} : vector<2560x64xf32>, vector<64x32xf32>, vector<2560x32xf32> -> vector<2560x32xf32>
    %get3A_6 = arith.constant 0 : index
    %get3A_7 = arith.constant 0 : index
    %get3A_8 = vector.load %arg2[%get3A_6, %get3A_7] : memref<2560x32xf32, #tpu.memory_space<vmem>>, vector<2560x32xf32>
    %add3A = arith.addf %dot_general3A_5, %get3A_8 : vector<2560x32xf32>
    %max3A = arith.constant 0.000000e+00 : f32
    %max3A_9 = vector.broadcast %max3A : f32 to vector<2560x32xf32>
    %max3A_10 = arith.maximumf %add3A, %max3A_9 : vector<2560x32xf32>
    %swap3A = arith.constant 0 : index
    %swap3A_11 = arith.constant 0 : index
    %swap3A_12 = vector.load %arg9[%swap3A, %swap3A_11] : memref<2560x32xf32, #tpu.memory_space<vmem>>, vector<2560x32xf32>
    tpu.vector_store %arg9[%swap3A, %swap3A_11], %max3A_10 {strides = array<i32>} : memref<2560x32xf32, #tpu.memory_space<vmem>>, vector<2560x32xf32>,
    %get3A_13 = arith.constant 0 : index
    %get3A_14 = arith.constant 0 : index
    %get3A_15 = vector.load %arg4[%get3A_13, %get3A_14] : memref<32x128xf32, #tpu.memory_space<vmem>>, vector<32x128xf32>
    %dot_general3A_16 = arith.constant dense<0.000000e+00> : vector<2560x128xf32>
    %dot_general3A_17 = tpu.matmul %max3A_10, %get3A_15, %dot_general3A_16 {dimension_numbers = #tpu.dot_dimension_numbers<[1], [0], [0], [1], [0, 0, 1, 1], [], []>, transpose_lhs_hint = false} : vector<2560x32xf32>, vector<32x128xf32>, vector<2560x128xf32> -> vector<2560x128xf32>
    %swap3A_18 = arith.constant 0 : index
    %swap3A_19 = arith.constant 0 : index
    %swap3A_20 = vector.load %arg7[%swap3A_18, %swap3A_19] : memref<2560x128xf32, #tpu.memory_space<vmem>>, vector<2560x128xf32>
    tpu.vector_store %arg7[%swap3A_18, %swap3A_19], %dot_general3A_17 {strides = array<i32>} : memref<2560x128xf32, #tpu.memory_space<vmem>>, vector<2560x128xf32>,
    %get3A_21 = arith.constant 0 : index
    %get3A_22 = arith.constant 0 : index
    %get3A_23 = vector.load %arg5[%get3A_21, %get3A_22] : memref<32x64xf32, #tpu.memory_space<vmem>>, vector<32x64xf32>
    %dot_general3A_24 = arith.constant dense<0.000000e+00> : vector<2560x64xf32>
    %dot_general3A_25 = tpu.matmul %max3A_10, %get3A_23, %dot_general3A_24 {dimension_numbers = #tpu.dot_dimension_numbers<[1], [0], [0], [1], [0, 0, 1, 1], [], []>, transpose_lhs_hint = false} : vector<2560x32xf32>, vector<32x64xf32>, vector<2560x64xf32> -> vector<2560x64xf32>
    %get3A_26 = arith.constant 0 : index
    %get3A_27 = arith.constant 0 : index
    %get3A_28 = vector.load %arg6[%get3A_26, %get3A_27] : memref<1x64xf32, #tpu.memory_space<vmem>>, vector<1x64xf32>
    %add3A_29 = vector.broadcast %get3A_28 : vector<1x64xf32> to vector<2560x64xf32>
    %add3A_30 = arith.addf %dot_general3A_25, %add3A_29 : vector<2560x64xf32>
    %swap3A_31 = arith.constant 0 : index
    %swap3A_32 = arith.constant 0 : index
    %swap3A_33 = vector.load %arg8[%swap3A_31, %swap3A_32] : memref<2560x64xf32, #tpu.memory_space<vmem>>, vector<2560x64xf32>
    tpu.vector_store %arg8[%swap3A_31, %swap3A_32], %add3A_30 {strides = array<i32>} : memref<2560x64xf32, #tpu.memory_space<vmem>>, vector<2560x64xf32>,
    return
  }
  func.func @transform_0(%arg0: i32) -> (i32, i32) {
    %c0_i32 = arith.constant 0 : i32
    %c0_i32_0 = arith.constant 0 : i32
    return %arg0, %c0_i32 : i32, i32
  }
  func.func @transform_1(%arg0: i32) -> (i32, i32) {
    %c0_i32 = arith.constant 0 : i32
    %c0_i32_0 = arith.constant 0 : i32
    return %arg0, %c0_i32 : i32, i32
  }
  func.func @transform_2(%arg0: i32) -> (i32, i32) {
    %c0_i32 = arith.constant 0 : i32
    %c0_i32_0 = arith.constant 0 : i32
    %c0_i32_1 = arith.constant 0 : i32
    return %c0_i32, %c0_i32_0 : i32, i32
  }
  func.func @transform_3(%arg0: i32) -> (i32, i32) {
    %c0_i32 = arith.constant 0 : i32
    %c0_i32_0 = arith.constant 0 : i32
    %c0_i32_1 = arith.constant 0 : i32
    return %c0_i32, %c0_i32_0 : i32, i32
  }
  func.func @transform_4(%arg0: i32) -> (i32, i32) {
    %c0_i32 = arith.constant 0 : i32
    %c0_i32_0 = arith.constant 0 : i32
    %c0_i32_1 = arith.constant 0 : i32
    return %c0_i32, %c0_i32_0 : i32, i32
  }
  func.func @transform_5(%arg0: i32) -> (i32, i32) {
    %c0_i32 = arith.constant 0 : i32
    %c0_i32_0 = arith.constant 0 : i32
    %c0_i32_1 = arith.constant 0 : i32
    return %c0_i32, %c0_i32_0 : i32, i32
  }
  func.func @transform_6(%arg0: i32) -> (i32, i32) {
    %c0_i32 = arith.constant 0 : i32
    %c0_i32_0 = arith.constant 0 : i32
    return %arg0, %c0_i32 : i32, i32
  }
  func.func @transform_7(%arg0: i32) -> (i32, i32) {
    %c0_i32 = arith.constant 0 : i32
    %c0_i32_0 = arith.constant 0 : i32
    return %arg0, %c0_i32 : i32, i32
  }
  func.func @transform_8(%arg0: i32) -> (i32, i32) {
    %c0_i32 = arith.constant 0 : i32
    %c0_i32_0 = arith.constant 0 : i32
    return %arg0, %c0_i32 : i32, i32
  }
}

module attributes {stable_mosaic.version = 14 : i64} {
  func.func @_node_body(%arg0: i32, %arg1: memref<2560x64xf32, #tpu.memory_space<vmem>>, %arg2: memref<2560x32xf32, #tpu.memory_space<vmem>>, %arg3: memref<64x32xf32, #tpu.memory_space<vmem>>, %arg4: memref<32x128xf32, #tpu.memory_space<vmem>>, %arg5: memref<32x64xf32, #tpu.memory_space<vmem>>, %arg6: memref<1x64xf32, #tpu.memory_space<vmem>>, %arg7: memref<2560x128xf32, #tpu.memory_space<vmem>>, %arg8: memref<2560x64xf32, #tpu.memory_space<vmem>>, %arg9: memref<2560x32xf32, #tpu.memory_space<vmem>>) attributes {dimension_semantics = [#tpu.dimension_semantics<arbitrary>], iteration_bounds = array<i64: 8>, scalar_prefetch = 0 : i64, scratch_operands = 0 : i64, tpu.core_type = #tpu.core_type<tc>, window_params = [{transform_indices = @transform_0, window_bounds = array<i64: 2560, 64>}, {transform_indices = @transform_1, window_bounds = array<i64: 2560, 32>}, {pipeline_mode = #tpu.pipeline_mode<synchronous>, transform_indices = @transform_2, window_bounds = array<i64: 64, 32>}, {pipeline_mode = #tpu.pipeline_mode<synchronous>, transform_indices = @transform_3, window_bounds = array<i64: 32, 128>}, {pipeline_mode = #tpu.pipeline_mode<synchronous>, transform_indices = @transform_4, window_bounds = array<i64: 32, 64>}, {pipeline_mode = #tpu.pipeline_mode<synchronous>, transform_indices = @transform_5, window_bounds = array<i64: 1, 64>}, {transform_indices = @transform_6, window_bounds = array<i64: 2560, 128>}, {transform_indices = @transform_7, window_bounds = array<i64: 2560, 64>}, {transform_indices = @transform_8, window_bounds = array<i64: 2560, 32>}]} {
    %get3A = arith.constant 0 : index
    %get3A_0 = arith.constant 0 : index
    %get3A_1 = vector.load %arg1[%get3A, %get3A_0] : memref<2560x64xf32, #tpu.memory_space<vmem>>, vector<2560x64xf32>
    %get3A_2 = arith.constant 0 : index
    %get3A_3 = arith.constant 0 : index
    %get3A_4 = vector.load %arg3[%get3A_2, %get3A_3] : memref<64x32xf32, #tpu.memory_space<vmem>>, vector<64x32xf32>
    %dot_general3A = arith.constant dense<0.000000e+00> : vector<2560x32xf32>
    %dot_general3A_5 = tpu.matmul %get3A_1, %get3A_4, %dot_general3A {dimension_numbers = #tpu.dot_dimension_numbers<[1], [0], [0], [1], [0, 0, 1, 1], [], []>, transpose_lhs_hint = false} : vector<2560x64xf32>, vector<64x32xf32>, vector<2560x32xf32> -> vector<2560x32xf32>
    %get3A_6 = arith.constant 0 : index
    %get3A_7 = arith.constant 0 : index
    %get3A_8 = vector.load %arg2[%get3A_6, %get3A_7] : memref<2560x32xf32, #tpu.memory_space<vmem>>, vector<2560x32xf32>
    %add3A = arith.addf %dot_general3A_5, %get3A_8 : vector<2560x32xf32>
    %max3A = arith.constant 0.000000e+00 : f32
    %max3A_9 = vector.broadcast %max3A : f32 to vector<2560x32xf32>
    %max3A_10 = arith.maximumf %add3A, %max3A_9 : vector<2560x32xf32>
    %swap3A = arith.constant 0 : index
    %swap3A_11 = arith.constant 0 : index
    %swap3A_12 = vector.load %arg9[%swap3A, %swap3A_11] : memref<2560x32xf32, #tpu.memory_space<vmem>>, vector<2560x32xf32>
    tpu.vector_store %arg9[%swap3A, %swap3A_11], %max3A_10 {strides = array<i32>} : memref<2560x32xf32, #tpu.memory_space<vmem>>, vector<2560x32xf32>,
    %get3A_13 = arith.constant 0 : index
    %get3A_14 = arith.constant 0 : index
    %get3A_15 = vector.load %arg4[%get3A_13, %get3A_14] : memref<32x128xf32, #tpu.memory_space<vmem>>, vector<32x128xf32>
    %dot_general3A_16 = arith.constant dense<0.000000e+00> : vector<2560x128xf32>
    %dot_general3A_17 = tpu.matmul %max3A_10, %get3A_15, %dot_general3A_16 {dimension_numbers = #tpu.dot_dimension_numbers<[1], [0], [0], [1], [0, 0, 1, 1], [], []>, transpose_lhs_hint = false} : vector<2560x32xf32>, vector<32x128xf32>, vector<2560x128xf32> -> vector<2560x128xf32>
    %swap3A_18 = arith.constant 0 : index
    %swap3A_19 = arith.constant 0 : index
    %swap3A_20 = vector.load %arg7[%swap3A_18, %swap3A_19] : memref<2560x128xf32, #tpu.memory_space<vmem>>, vector<2560x128xf32>
    tpu.vector_store %arg7[%swap3A_18, %swap3A_19], %dot_general3A_17 {strides = array<i32>} : memref<2560x128xf32, #tpu.memory_space<vmem>>, vector<2560x128xf32>,
    %get3A_21 = arith.constant 0 : index
    %get3A_22 = arith.constant 0 : index
    %get3A_23 = vector.load %arg5[%get3A_21, %get3A_22] : memref<32x64xf32, #tpu.memory_space<vmem>>, vector<32x64xf32>
    %dot_general3A_24 = arith.constant dense<0.000000e+00> : vector<2560x64xf32>
    %dot_general3A_25 = tpu.matmul %max3A_10, %get3A_23, %dot_general3A_24 {dimension_numbers = #tpu.dot_dimension_numbers<[1], [0], [0], [1], [0, 0, 1, 1], [], []>, transpose_lhs_hint = false} : vector<2560x32xf32>, vector<32x64xf32>, vector<2560x64xf32> -> vector<2560x64xf32>
    %get3A_26 = arith.constant 0 : index
    %get3A_27 = arith.constant 0 : index
    %get3A_28 = vector.load %arg6[%get3A_26, %get3A_27] : memref<1x64xf32, #tpu.memory_space<vmem>>, vector<1x64xf32>
    %add3A_29 = vector.broadcast %get3A_28 : vector<1x64xf32> to vector<2560x64xf32>
    %add3A_30 = arith.addf %dot_general3A_25, %add3A_29 : vector<2560x64xf32>
    %swap3A_31 = arith.constant 0 : index
    %swap3A_32 = arith.constant 0 : index
    %swap3A_33 = vector.load %arg8[%swap3A_31, %swap3A_32] : memref<2560x64xf32, #tpu.memory_space<vmem>>, vector<2560x64xf32>
    tpu.vector_store %arg8[%swap3A_31, %swap3A_32], %add3A_30 {strides = array<i32>} : memref<2560x64xf32, #tpu.memory_space<vmem>>, vector<2560x64xf32>,
    return
  }
  func.func @transform_0(%arg0: i32) -> (i32, i32) {
    %c0_i32 = arith.constant 0 : i32
    %c0_i32_0 = arith.constant 0 : i32
    return %arg0, %c0_i32 : i32, i32
  }
  func.func @transform_1(%arg0: i32) -> (i32, i32) {
    %c0_i32 = arith.constant 0 : i32
    %c0_i32_0 = arith.constant 0 : i32
    return %arg0, %c0_i32 : i32, i32
  }
  func.func @transform_2(%arg0: i32) -> (i32, i32) {
    %c0_i32 = arith.constant 0 : i32
    %c0_i32_0 = arith.constant 0 : i32
    %c0_i32_1 = arith.constant 0 : i32
    return %c0_i32, %c0_i32_0 : i32, i32
  }
  func.func @transform_3(%arg0: i32) -> (i32, i32) {
    %c0_i32 = arith.constant 0 : i32
    %c0_i32_0 = arith.constant 0 : i32
    %c0_i32_1 = arith.constant 0 : i32
    return %c0_i32, %c0_i32_0 : i32, i32
  }
  func.func @transform_4(%arg0: i32) -> (i32, i32) {
    %c0_i32 = arith.constant 0 : i32
    %c0_i32_0 = arith.constant 0 : i32
    %c0_i32_1 = arith.constant 0 : i32
    return %c0_i32, %c0_i32_0 : i32, i32
  }
  func.func @transform_5(%arg0: i32) -> (i32, i32) {
    %c0_i32 = arith.constant 0 : i32
    %c0_i32_0 = arith.constant 0 : i32
    %c0_i32_1 = arith.constant 0 : i32
    return %c0_i32, %c0_i32_0 : i32, i32
  }
  func.func @transform_6(%arg0: i32) -> (i32, i32) {
    %c0_i32 = arith.constant 0 : i32
    %c0_i32_0 = arith.constant 0 : i32
    return %arg0, %c0_i32 : i32, i32
  }
  func.func @transform_7(%arg0: i32) -> (i32, i32) {
    %c0_i32 = arith.constant 0 : i32
    %c0_i32_0 = arith.constant 0 : i32
    return %arg0, %c0_i32 : i32, i32
  }
  func.func @transform_8(%arg0: i32) -> (i32, i32) {
    %c0_i32 = arith.constant 0 : i32
    %c0_i32_0 = arith.constant 0 : i32
    return %arg0, %c0_i32 : i32, i32
  }
}

module attributes {stable_mosaic.version = 14 : i64} {
  func.func @_pack_body(%arg0: i32, %arg1: memref<2560x64xf32, #tpu.memory_space<vmem>>, %arg2: memref<2560x32xf32, #tpu.memory_space<vmem>>, %arg3: memref<2560x128xf32, #tpu.memory_space<vmem>>) attributes {dimension_semantics = [#tpu.dimension_semantics<arbitrary>], iteration_bounds = array<i64: 8>, scalar_prefetch = 0 : i64, scratch_operands = 0 : i64, tpu.core_type = #tpu.core_type<tc>, window_params = [{transform_indices = @transform_0, window_bounds = array<i64: 2560, 64>}, {transform_indices = @transform_1, window_bounds = array<i64: 2560, 32>}, {transform_indices = @transform_2, window_bounds = array<i64: 2560, 128>}]} {
    %get3A = arith.constant 0 : index
    %get3A_0 = arith.constant 0 : index
    %get3A_1 = vector.load %arg1[%get3A, %get3A_0] : memref<2560x64xf32, #tpu.memory_space<vmem>>, vector<2560x64xf32>
    %get3A_2 = arith.constant 0 : index
    %get3A_3 = arith.constant 0 : index
    %get3A_4 = vector.load %arg2[%get3A_2, %get3A_3] : memref<2560x32xf32, #tpu.memory_space<vmem>>, vector<2560x32xf32>
    %broadcast_in_dim3A = arith.constant 0.000000e+00 : f32
    %broadcast_in_dim3A_5 = vector.broadcast %broadcast_in_dim3A : f32 to vector<2560x32xf32>
    %concatenate3A = tpu.concatenate %get3A_1, %get3A_4, %broadcast_in_dim3A_5 in 1 : vector<2560x64xf32>, vector<2560x32xf32>, vector<2560x32xf32> -> vector<2560x128xf32>
    %swap3A = arith.constant 0 : index
    %swap3A_6 = arith.constant 0 : index
    %swap3A_7 = vector.load %arg3[%swap3A, %swap3A_6] : memref<2560x128xf32, #tpu.memory_space<vmem>>, vector<2560x128xf32>
    tpu.vector_store %arg3[%swap3A, %swap3A_6], %concatenate3A {strides = array<i32>} : memref<2560x128xf32, #tpu.memory_space<vmem>>, vector<2560x128xf32>,
    return
  }
  func.func @transform_0(%arg0: i32) -> (i32, i32) {
    %c0_i32 = arith.constant 0 : i32
    %c0_i32_0 = arith.constant 0 : i32
    return %arg0, %c0_i32 : i32, i32
  }
  func.func @transform_1(%arg0: i32) -> (i32, i32) {
    %c0_i32 = arith.constant 0 : i32
    %c0_i32_0 = arith.constant 0 : i32
    return %arg0, %c0_i32 : i32, i32
  }
  func.func @transform_2(%arg0: i32) -> (i32, i32) {
    %c0_i32 = arith.constant 0 : i32
    %c0_i32_0 = arith.constant 0 : i32
    return %arg0, %c0_i32 : i32, i32
  }
}

module attributes {stable_mosaic.version = 14 : i64} {
  func.func @_mlp_body(%arg0: memref<2048x128xf32, #tpu.memory_space<vmem>>, %arg1: memref<128x128xf32, #tpu.memory_space<vmem>>, %arg2: memref<128xf32, #tpu.memory_space<vmem>>, %arg3: memref<128x256xf32, #tpu.memory_space<vmem>>, %arg4: memref<256xf32, #tpu.memory_space<vmem>>, %arg5: memref<256x256xf32, #tpu.memory_space<vmem>>, %arg6: memref<256xf32, #tpu.memory_space<vmem>>, %arg7: memref<256x128xf32, #tpu.memory_space<vmem>>, %arg8: memref<128xf32, #tpu.memory_space<vmem>>, %arg9: memref<128x64xf32, #tpu.memory_space<vmem>>, %arg10: memref<64xf32, #tpu.memory_space<vmem>>, %arg11: memref<64x4xf32, #tpu.memory_space<vmem>>, %arg12: memref<4xf32, #tpu.memory_space<vmem>>, %arg13: memref<2048x1xi32, #tpu.memory_space<vmem>>) attributes {dimension_semantics = [], scalar_prefetch = 0 : i64, scratch_operands = 0 : i64, tpu.core_type = #tpu.core_type<tc>} {
    %get3A = arith.constant 0 : index
    %get3A_0 = arith.constant 0 : index
    %get3A_1 = vector.load %arg0[%get3A, %get3A_0] : memref<2048x128xf32, #tpu.memory_space<vmem>>, vector<2048x128xf32>
    %get3A_2 = arith.constant 0 : index
    %get3A_3 = arith.constant 0 : index
    %get3A_4 = vector.load %arg1[%get3A_2, %get3A_3] : memref<128x128xf32, #tpu.memory_space<vmem>>, vector<128x128xf32>
    %dot_general3A = arith.constant dense<0.000000e+00> : vector<2048x128xf32>
    %dot_general3A_5 = tpu.matmul %get3A_1, %get3A_4, %dot_general3A {dimension_numbers = #tpu.dot_dimension_numbers<[1], [0], [0], [1], [0, 0, 1, 1], [], []>, transpose_lhs_hint = false} : vector<2048x128xf32>, vector<128x128xf32>, vector<2048x128xf32> -> vector<2048x128xf32>
    %get3A_6 = arith.constant 0 : index
    %get3A_7 = vector.load %arg2[%get3A_6] : memref<128xf32, #tpu.memory_space<vmem>>, vector<128xf32>
    %broadcast_in_dim3A = vector.shape_cast %get3A_7 : vector<128xf32> to vector<1x128xf32>
    %add3A = vector.broadcast %broadcast_in_dim3A : vector<1x128xf32> to vector<2048x128xf32>
    %add3A_8 = arith.addf %dot_general3A_5, %add3A : vector<2048x128xf32>
    %max3A = arith.constant 0.000000e+00 : f32
    %max3A_9 = vector.broadcast %max3A : f32 to vector<2048x128xf32>
    %max3A_10 = arith.maximumf %add3A_8, %max3A_9 : vector<2048x128xf32>
    %get3A_11 = arith.constant 0 : index
    %get3A_12 = arith.constant 0 : index
    %get3A_13 = vector.load %arg3[%get3A_11, %get3A_12] : memref<128x256xf32, #tpu.memory_space<vmem>>, vector<128x256xf32>
    %dot_general3A_14 = arith.constant dense<0.000000e+00> : vector<2048x256xf32>
    %dot_general3A_15 = tpu.matmul %max3A_10, %get3A_13, %dot_general3A_14 {dimension_numbers = #tpu.dot_dimension_numbers<[1], [0], [0], [1], [0, 0, 1, 1], [], []>, transpose_lhs_hint = false} : vector<2048x128xf32>, vector<128x256xf32>, vector<2048x256xf32> -> vector<2048x256xf32>
    %get3A_16 = arith.constant 0 : index
    %get3A_17 = vector.load %arg4[%get3A_16] : memref<256xf32, #tpu.memory_space<vmem>>, vector<256xf32>
    %broadcast_in_dim3A_18 = vector.shape_cast %get3A_17 : vector<256xf32> to vector<1x256xf32>
    %add3A_19 = vector.broadcast %broadcast_in_dim3A_18 : vector<1x256xf32> to vector<2048x256xf32>
    %add3A_20 = arith.addf %dot_general3A_15, %add3A_19 : vector<2048x256xf32>
    %max3A_21 = arith.constant 0.000000e+00 : f32
    %max3A_22 = vector.broadcast %max3A_21 : f32 to vector<2048x256xf32>
    %max3A_23 = arith.maximumf %add3A_20, %max3A_22 : vector<2048x256xf32>
    %get3A_24 = arith.constant 0 : index
    %get3A_25 = arith.constant 0 : index
    %get3A_26 = vector.load %arg5[%get3A_24, %get3A_25] : memref<256x256xf32, #tpu.memory_space<vmem>>, vector<256x256xf32>
    %dot_general3A_27 = arith.constant dense<0.000000e+00> : vector<2048x256xf32>
    %dot_general3A_28 = tpu.matmul %max3A_23, %get3A_26, %dot_general3A_27 {dimension_numbers = #tpu.dot_dimension_numbers<[1], [0], [0], [1], [0, 0, 1, 1], [], []>, transpose_lhs_hint = false} : vector<2048x256xf32>, vector<256x256xf32>, vector<2048x256xf32> -> vector<2048x256xf32>
    %get3A_29 = arith.constant 0 : index
    %get3A_30 = vector.load %arg6[%get3A_29] : memref<256xf32, #tpu.memory_space<vmem>>, vector<256xf32>
    %broadcast_in_dim3A_31 = vector.shape_cast %get3A_30 : vector<256xf32> to vector<1x256xf32>
    %add3A_32 = vector.broadcast %broadcast_in_dim3A_31 : vector<1x256xf32> to vector<2048x256xf32>
    %add3A_33 = arith.addf %dot_general3A_28, %add3A_32 : vector<2048x256xf32>
    %max3A_34 = arith.constant 0.000000e+00 : f32
    %max3A_35 = vector.broadcast %max3A_34 : f32 to vector<2048x256xf32>
    %max3A_36 = arith.maximumf %add3A_33, %max3A_35 : vector<2048x256xf32>
    %get3A_37 = arith.constant 0 : index
    %get3A_38 = arith.constant 0 : index
    %get3A_39 = vector.load %arg7[%get3A_37, %get3A_38] : memref<256x128xf32, #tpu.memory_space<vmem>>, vector<256x128xf32>
    %dot_general3A_40 = arith.constant dense<0.000000e+00> : vector<2048x128xf32>
    %dot_general3A_41 = tpu.matmul %max3A_36, %get3A_39, %dot_general3A_40 {dimension_numbers = #tpu.dot_dimension_numbers<[1], [0], [0], [1], [0, 0, 1, 1], [], []>, transpose_lhs_hint = false} : vector<2048x256xf32>, vector<256x128xf32>, vector<2048x128xf32> -> vector<2048x128xf32>
    %get3A_42 = arith.constant 0 : index
    %get3A_43 = vector.load %arg8[%get3A_42] : memref<128xf32, #tpu.memory_space<vmem>>, vector<128xf32>
    %broadcast_in_dim3A_44 = vector.shape_cast %get3A_43 : vector<128xf32> to vector<1x128xf32>
    %add3A_45 = vector.broadcast %broadcast_in_dim3A_44 : vector<1x128xf32> to vector<2048x128xf32>
    %add3A_46 = arith.addf %dot_general3A_41, %add3A_45 : vector<2048x128xf32>
    %max3A_47 = arith.constant 0.000000e+00 : f32
    %max3A_48 = vector.broadcast %max3A_47 : f32 to vector<2048x128xf32>
    %max3A_49 = arith.maximumf %add3A_46, %max3A_48 : vector<2048x128xf32>
    %get3A_50 = arith.constant 0 : index
    %get3A_51 = arith.constant 0 : index
    %get3A_52 = vector.load %arg9[%get3A_50, %get3A_51] : memref<128x64xf32, #tpu.memory_space<vmem>>, vector<128x64xf32>
    %dot_general3A_53 = arith.constant dense<0.000000e+00> : vector<2048x64xf32>
    %dot_general3A_54 = tpu.matmul %max3A_49, %get3A_52, %dot_general3A_53 {dimension_numbers = #tpu.dot_dimension_numbers<[1], [0], [0], [1], [0, 0, 1, 1], [], []>, transpose_lhs_hint = false} : vector<2048x128xf32>, vector<128x64xf32>, vector<2048x64xf32> -> vector<2048x64xf32>
    %get3A_55 = arith.constant 0 : index
    %get3A_56 = vector.load %arg10[%get3A_55] : memref<64xf32, #tpu.memory_space<vmem>>, vector<64xf32>
    %broadcast_in_dim3A_57 = vector.shape_cast %get3A_56 : vector<64xf32> to vector<1x64xf32>
    %add3A_58 = vector.broadcast %broadcast_in_dim3A_57 : vector<1x64xf32> to vector<2048x64xf32>
    %add3A_59 = arith.addf %dot_general3A_54, %add3A_58 : vector<2048x64xf32>
    %max3A_60 = arith.constant 0.000000e+00 : f32
    %max3A_61 = vector.broadcast %max3A_60 : f32 to vector<2048x64xf32>
    %max3A_62 = arith.maximumf %add3A_59, %max3A_61 : vector<2048x64xf32>
    %get3A_63 = arith.constant 0 : index
    %get3A_64 = arith.constant 0 : index
    %get3A_65 = vector.load %arg11[%get3A_63, %get3A_64] : memref<64x4xf32, #tpu.memory_space<vmem>>, vector<64x4xf32>
    %dot_general3A_66 = arith.constant dense<0.000000e+00> : vector<2048x4xf32>
    %dot_general3A_67 = tpu.matmul %max3A_62, %get3A_65, %dot_general3A_66 {dimension_numbers = #tpu.dot_dimension_numbers<[1], [0], [0], [1], [0, 0, 1, 1], [], []>, transpose_lhs_hint = false} : vector<2048x64xf32>, vector<64x4xf32>, vector<2048x4xf32> -> vector<2048x4xf32>
    %get3A_68 = arith.constant 0 : index
    %get3A_69 = vector.load %arg12[%get3A_68] : memref<4xf32, #tpu.memory_space<vmem>>, vector<4xf32>
    %broadcast_in_dim3A_70 = vector.shape_cast %get3A_69 : vector<4xf32> to vector<1x4xf32>
    %add3A_71 = vector.broadcast %broadcast_in_dim3A_70 : vector<1x4xf32> to vector<2048x4xf32>
    %add3A_72 = arith.addf %dot_general3A_67, %add3A_71 : vector<2048x4xf32>
    %slice3A = vector.extract_strided_slice %add3A_72 {offsets = [0, 0], sizes = [2048, 1], strides = [1, 1]} : vector<2048x4xf32> to vector<2048x1xf32>
    %broadcast_in_dim3A_73 = arith.constant 0 : i32
    %broadcast_in_dim3A_74 = vector.broadcast %broadcast_in_dim3A_73 : i32 to vector<2048x1xi32>
    %slice3A_75 = vector.extract_strided_slice %add3A_72 {offsets = [0, 1], sizes = [2048, 1], strides = [1, 1]} : vector<2048x4xf32> to vector<2048x1xf32>
    %gt3A = arith.cmpf ogt, %slice3A_75, %slice3A : vector<2048x1xf32>
    %jit3A = arith.constant 1 : i32
    %broadcast_in_dim3A_76 = vector.broadcast %jit3A : i32 to vector<2048x1xi32>
    %select_n3A = arith.select %gt3A, %broadcast_in_dim3A_76, %broadcast_in_dim3A_74 : vector<2048x1xi1>, vector<2048x1xi32>
    %select_n3A_77 = arith.select %gt3A, %slice3A_75, %slice3A : vector<2048x1xi1>, vector<2048x1xf32>
    %slice3A_78 = vector.extract_strided_slice %add3A_72 {offsets = [0, 2], sizes = [2048, 1], strides = [1, 1]} : vector<2048x4xf32> to vector<2048x1xf32>
    %gt3A_79 = arith.cmpf ogt, %slice3A_78, %select_n3A_77 : vector<2048x1xf32>
    %jit3A_80 = arith.constant 2 : i32
    %broadcast_in_dim3A_81 = vector.broadcast %jit3A_80 : i32 to vector<2048x1xi32>
    %select_n3A_82 = arith.select %gt3A_79, %broadcast_in_dim3A_81, %select_n3A : vector<2048x1xi1>, vector<2048x1xi32>
    %select_n3A_83 = arith.select %gt3A_79, %slice3A_78, %select_n3A_77 : vector<2048x1xi1>, vector<2048x1xf32>
    %slice3A_84 = vector.extract_strided_slice %add3A_72 {offsets = [0, 3], sizes = [2048, 1], strides = [1, 1]} : vector<2048x4xf32> to vector<2048x1xf32>
    %gt3A_85 = arith.cmpf ogt, %slice3A_84, %select_n3A_83 : vector<2048x1xf32>
    %jit3A_86 = arith.constant 3 : i32
    %broadcast_in_dim3A_87 = vector.broadcast %jit3A_86 : i32 to vector<2048x1xi32>
    %select_n3A_88 = arith.select %gt3A_85, %broadcast_in_dim3A_87, %select_n3A_82 : vector<2048x1xi1>, vector<2048x1xi32>
    %swap3A = arith.constant 0 : index
    %swap3A_89 = arith.constant 0 : index
    %swap3A_90 = vector.load %arg13[%swap3A, %swap3A_89] : memref<2048x1xi32, #tpu.memory_space<vmem>>, vector<2048x1xi32>
    tpu.vector_store %arg13[%swap3A, %swap3A_89], %select_n3A_88 {strides = array<i32>} : memref<2048x1xi32, #tpu.memory_space<vmem>>, vector<2048x1xi32>,
    return
  }
}

</mosaic_0001>

<sc_bundles>
// kernel: closed_call.16.cloned.1.call-start
scs
__scs_entry_jumppad:
0x0: {  	(pc) =	sbr.rel $0x88, $3  }
0x1: {  	(tag) =	ssettag $0x0;
	lr =	simm.s32 $0x1  }
0x2: {  	[smem:$0x3F8A] =	sst lr;
	_ =	strace $0xD0000000  }
0x3: {  	_ = 	snop  }
0x4: {  	_ = 	snop  }
0x5: {  	_ = 	snop  }
0x6: {  	_ = 	snop  }
0x7: {  	_ = 	snop  }
__scs_overlays_trampoline_lowered:
0x8: {  	[smem:$0x3F99] =	sst s0  }
0x9: {  	[smem:$0x3F9A] =	sst s1  }
0xa: {  	[smem:$0x3F9B] =	sst s2  }
0xb: {  	[smem:$0x3F9C] =	sst s3  }
0xc: {  	[smem:$0x3F9D] =	sst s4  }
0xd: {  	[smem:$0x3F9E] =	sst s5  }
0xe: {  	[smem:$0x3F9F] =	sst s6  }
0xf: {  	[smem:$0x3FA0] =	sst s7  }
0x10: {  	[smem:$0x3FA1] =	sst s8  }
0x11: {  	[smem:$0x3FA2] =	sst s9;
	s0 =	simm.s32 @!p0 $0x0  }
0x12: {  	s1 =	sld [smem:$0x3F88];
	s0 =	simm.s32 @p0 $0x1  }
0x13: {  	[smem:$0x3FA3] =	sst s0;
	s0 =	simm.s32 @!p1 $0x0  }
0x14: {  	s2 =	sld [smem:$0x3F87];
	s0 =	simm.s32 @p1 $0x1  }
0x15: {  	[smem:$0x3FA4] =	sst s0;
	s0 =	simm.s32 @!p2 $0x0  }
0x16: {  	s3 =	sld [smem:$0x3FDB];
	s0 =	simm.s32 @p2 $0x1  }
0x17: {  	s4 =	simm.s32 $0x1BF5;
	[smem:$0x3FA6] =	sst s0  }
0x18: {  	s0 =	sld [smem:$0x3F89];
	_ =	swait.ge [sflag:s4], $0x0  }
0x19: {  	s7 =	sld [smem:$0x3F8A]  }
0x1a: {  	s8 =	sadd.s32 $0xFFFFE003, lr  }
0x1b: {  	s9 =	sadd.s32 $0xFFFFFEF7, lr;
	s5 =	simm.s32 $0xFFFFFFFF;
	p2 =	slt.u32 s8, $0xFFFFF086  }
0x1c: {  	p1 =	slt.u32 s9, $0xF7A;
	s5 =	simm.s32 @!p2 $0x0  }
0x1d: {  	s5 =	simm.s32 @p1 $0x1;
	p0 =	seq.s32 s7, s2  }
0x1e: {  	s7 =	smul.u32 @!p0 $0xF7A, s2;
	p2 =	seq.s32 @!p0 s5, $0x0  }
0x1f: {  	s9 =	smul.u32 $0xF7A, s1;
	s8 =	simm.s32 @!p0 $0x1BF5;
	p2 =	por !p2, p0  }
0x20: {  	[sflag:s8] =	ssyncset.s32 @!p0 $0xFFFFF086;
	s6 =	sadd.s32 @!p0 s3, s7;
	s7 =	simm.s32 @!p0 $0x108  }
0x21: {  	s3 =	sadd.s32 s3, s9;
	s6 =	sadd.s32 @!p0 $0x88, s6;
	s7 =	simm.s32 @p2 $0x1082  }
0x22: {  	[simem:s7], [sflag:s8] =	dma.local @!p0 [hbm:s6], $0xF7A  }
0x23: {  	s9 =	sor.u32 $0xD0000000, s2;
	s6 =	simm.s32 $0x108;
	_ =	swait.ge @!p0 [sflag:s8], $0x0  }
0x24: {  	s3 =	sadd.s32 $0x88, s3;
	s6 =	simm.s32 @!p1 $0x1082;
	[sflag:s4] =	ssyncset.s32 $0xFFFFF086  }
0x25: {  	[simem:s6], [sflag:s4] =	dma.local [hbm:s3], $0xF7A  }
0x26: {  	[smem:$0x3F8A] =	sst s1;
	(tag) =	ssettag s2;
	_ =	strace s9  }
0x27: {  	s1 =	sld [smem:$0x3F9A]  }
0x28: {  	s2 =	sld [smem:$0x3F9B]  }
0x29: {  	s4 =	sld [smem:$0x3F9D]  }
0x2a: {  	p0 =	seq.s32 s5, $0x0;
	s5 =	sld [smem:$0x3F9E]  }
0x2b: {  	s6 =	sld [smem:$0x3F9F]  }
0x2c: {  	s7 =	sld [smem:$0x3FA0]  }
0x2d: {  	s3 =	simm.s32 $0x108;
	s8 =	sld [smem:$0x3FA1]  }
0x2e: {  	s3 =	simm.s32 @!p0 $0x1082;
	s9 =	sld [smem:$0x3FA2]  }
0x2f: {  	lr =	sadd.s32 s0, s3;
	s0 =	sld [smem:$0x3F99]  }
0x30: {  	s3 =	sld [smem:$0x3F9C]  }
0x31: {  	[smem:$0x3FA5] =	sst s10  }
0x32: {  	s10 =	sld [smem:$0x3FA3];
	_ =	sdelay $0x3  }
0x33: {  	p0 =	seq.s32 s10, $0x1;
	s10 =	sld [smem:$0x3FA5];
	_ =	sdelay $0x3  }
0x34: {  	[smem:$0x3FA5] =	sst s10  }
0x35: {  	s10 =	sld [smem:$0x3FA4];
	_ =	sdelay $0x3  }
0x36: {  	p1 =	seq.s32 s10, $0x1;
	s10 =	sld [smem:$0x3FA5];
	_ =	sdelay $0x3  }
0x37: {  	[smem:$0x3FA5] =	sst s10  }
0x38: {  	s10 =	sld [smem:$0x3FA6]  }
0x39: {  	_ = 	snop;
	(pc) =	sbr.ind lr, $3  }
0x3a: {  	_ = 	snop  }
0x3b: {  	_ = 	snop  }
0x3c: {  	p2 =	seq.s32 s10, $0x1;
	s10 =	sld [smem:$0x3FA5]  }
0x3d: {  	_ =	shalt  }
0x3e: {  	_ =	shalt  }
0x3f: {  	_ =	shalt  }
0x40: {  	_ =	shalt  }
0x41: {  	_ =	shalt  }
0x42: {  	_ =	shalt  }
0x43: {  	_ =	shalt  }
0x44: {  	_ =	shalt  }
0x45: {  	_ =	shalt  }
0x46: {  	_ =	shalt  }
0x47: {  	_ =	shalt  }
0x48: {  	_ =	shalt  }
0x49: {  	_ =	shalt  }
0x4a: {  	_ =	shalt  }
0x4b: {  	_ =	shalt  }
0x4c: {  	_ =	shalt  }
0x4d: {  	_ =	shalt  }
0x4e: {  	_ =	shalt  }
0x4f: {  	_ =	shalt  }
0x50: {  	_ =	shalt  }
0x51: {  	_ =	shalt  }
0x52: {  	_ =	shalt  }
0x53: {  	_ =	shalt  }
0x54: {  	_ =	shalt  }
0x55: {  	_ =	shalt  }
0x56: {  	_ =	shalt  }
0x57: {  	_ =	shalt  }
0x58: {  	_ =	shalt  }
0x59: {  	_ =	shalt  }
0x5a: {  	_ =	shalt  }
0x5b: {  	_ =	shalt  }
0x5c: {  	_ =	shalt  }
0x5d: {  	_ =	shalt  }
0x5e: {  	_ =	shalt  }
0x5f: {  	_ =	shalt  }
0x60: {  	_ =	shalt  }
0x61: {  	_ =	shalt  }
0x62: {  	_ =	shalt  }
0x63: {  	_ =	shalt  }
0x64: {  	_ =	shalt  }
0x65: {  	_ =	shalt  }
0x66: {  	_ =	shalt  }
0x67: {  	_ =	shalt  }
0x68: {  	_ =	shalt  }
0x69: {  	_ =	shalt  }
0x6a: {  	_ =	shalt  }
0x6b: {  	_ =	shalt  }
0x6c: {  	_ =	shalt  }
0x6d: {  	_ =	shalt  }
0x6e: {  	_ =	shalt  }
0x6f: {  	_ =	shalt  }
0x70: {  	_ =	shalt  }
0x71: {  	_ =	shalt  }
0x72: {  	_ =	shalt  }
0x73: {  	_ =	shalt  }
0x74: {  	_ =	shalt  }
0x75: {  	_ =	shalt  }
0x76: {  	_ =	shalt  }
0x77: {  	_ =	shalt  }
0x78: {  	_ =	shalt  }
0x79: {  	_ =	shalt  }
0x7a: {  	_ =	shalt  }
0x7b: {  	_ =	shalt  }
0x7c: {  	_ =	shalt  }
0x7d: {  	_ =	shalt  }
0x7e: {  	_ =	shalt  }
0x7f: {  	_ =	shalt  }
0x80: {  	_ =	shalt  }
0x81: {  	_ =	shalt  }
0x82: {  	_ =	shalt  }
0x83: {  	_ =	shalt  }
0x84: {  	_ =	shalt  }
0x85: {  	_ =	shalt  }
0x86: {  	_ =	shalt  }
0x87: {  	_ =	shalt  }
.Lfunc_end0:
.L_simem_size_0:
called_computation.3_lowered:
.L_overlay_start_0:
0x88: {  	s2 =	sld [smem:$0x3FD9]  }
0x89: {  	s3 =	sld [smem:$0x3FFE];
	_ =	sdelay $0x1  }
0x8a: {  	s1 =	srdreg.scid  }
0x8b: {  	s0 =	sand.u32 $0x1, s1  }
0x8c: {  	s16 =	sshll.u32 s0, $0xA;
	s2 =	sadd.s32 s3, s2  }
0x8d: {  	s2 =	sadd.s32 s2, s16  }
0x8e: {  	[smem:$0x3FB1] =	sst s2  }
0x8f: {  	_ = 	snop  }
0x90: {  	(tm) =	ssettm $0x1  }
0x91: {  	s17 =	sld [smem:$0x3FFB];
	_ =	sdelay $0x3  }
0x92: {  	_ =	strace s17  }
0x93: {  	s2 =	sld [smem:$0x3FFC];
	_ =	sdelay $0x3  }
0x94: {  	_ =	strace s2  }
0x95: {  	s2 =	sld [smem:$0x3FFD];
	_ =	sdelay $0x3  }
0x96: {  	_ =	strace s2  }
0x97: {  	_ =	strace $0x8FFFFFFF  }
0x98: {  	s18 =	sld [smem:$0x3FDB];
	_ =	sdelay $0x1  }
0x99: {  	s19 =	simm.s32 $_scs_section_size  }
0x9a: {  	s4 =	simm.s32 $_size__tile_overlayer_lowered;
	s5 =	simm.s32 $_tile_overlayer_lowered  }
0x9b: {  	s22 =	simm.s32 $0x1BFF;
	s21 =	sshll.u32 s5, $0x1;
	s2 =	sadd.s32 s19, s18  }
0x9c: {  	s6 =	simm.s32 $0x0;
	s20 =	sshll.u32 s4, $0x1;
	s4 =	sadd.s32 s21, s2  }
0x9d: {  	[timem:s6], [sflag:s22] =	dma.local [hbm:s4], s20  }
0x9e: {  	_ =	swait.ge [sflag:s22], s20  }
0x9f: {  	s3 =	ssub.s32 $0x0, s20;
	[sflag:s22] =	ssyncset.done $0x0  }
0xa0: {  	[sflag:s22] =	ssyncadd.s32 s3;
	_ =	sdelay $0x1  }
0xa1: {  	s23 =	simm.s32 $0x1B8B  }
0xa2: {  	_ =	swait.ge [sflag:s23], $0x1  }
0xa3: {  	[sflag:s23] =	ssyncset.done $0x0  }
0xa4: {  	s25 =	simm.s32 $0x1B8E;
	s24 =	sld [smem:$0x3FFE];
	[sflag:s23] =	ssyncadd.s32 $0xFFFFFFFF  }
0xa5: {  	s26 =	simm.s32 $execute0_lowered;
	[smem:$0x3FD2] =	sst s25  }
0xa6: {  	s4 =	sshll.u32 s26, $0x1;
	_ =	strace $0x80000055;
	[dreg:$0x1] =	wrdreg $0xFFFFFFFF  }
0xa7: {  	s28 =	simm.s32 $_size_execute0_lowered;
	s2 =	sadd.s32 s2, s4;
	[dreg:$0x0] =	wrdreg $0x0  }
0xa8: {  	s4 =	sshll.u32 s28, $0x1;
	[dreg:$0x2] =	wrdreg s2  }
0xa9: {  	[dreg:$0x3] =	wrdreg s4  }
0xaa: {  	[dreg:$0x4] =	wrdreg $0xC0  }
0xab: {  	_ =	task [dreg:s6], $0x5FFFF  }
0xac: {  	[dreg:$0x1] =	wrdreg $0xFFFFFFFF  }
0xad: {  	[dreg:$0x0] =	wrdreg $0x60  }
0xae: {  	[dreg:$0x2] =	wrdreg s24  }
0xaf: {  	[dreg:$0x3] =	wrdreg $0x9  }
0xb0: {  	_ =	task.clear_ibuf [dreg:s6], $0x4FFFF;
	_ =	strace $0x90000055  }
0xb1: {  	s29 =	simm.s32 $0x9;
	_ =	strace $0x80000057  }
0xb2: {  	_ =	swait.ge [sflag:s29], $0x1  }
0xb3: {  	[sflag:s29] =	ssyncadd.s32 $0xFFFFFFFF  }
0xb4: {  	_ =	strace $0x90000057  }
0xb5: {  	_ =	sfence  }
0xb6: {  	s30 =	sld [smem:$0x0];
	_ =	sdelay $0x2  }
0xb7: {  	s31 =	sshll.u32 s1, $0xD;
	s1 =	sshrl.u32 s1, $0x2  }
0xb8: {  	s3 =	sand.u32 $0x4000, s31;
	s1 =	sadd.s32 s1, s30  }
0xb9: {  	s0 =	sor.u32 s3, s0;
	s1 =	sshll.u32 s1, $0x11  }
0xba: {  	s0 =	sor.u32 s1, s0  }
0xbb: {  	s0 =	sadd.s32 $0x8F2B, s0  }
0xbc: {  	[sflag:s0] =	ssyncadd.remote.s32 $0x1  }
0xbd: {  	_ =	sfence.sel $0xFFFF  }
0xbe: {  	[dreg:$0x0] =	wrdreg $0xFFFFFFFF;
	(pc) =	sbr.abs _section_cstart, $3  }
0xbf: {  	[dreg:$0x1] =	wrdreg $0xFFFFFFFF  }
0xc0: {  	_ =	task.clear_ibuf [dreg:s6], $0x2FFFF;
	_ =	strace $0x9FFFFFFF  }
0xc1: {  	(tm) =	ssettm $0x7FFFFFFF  }
tec
execute0_lowered:
.L_overlay_start_1:
0x0: {  	(tag) =	ssettag $0x1  }
0x1: {  	s0 =	rddreg [dreg:$0x0]  }
0x2: {  	s1 =	simm.s32 $0x0;
	s24 =	srdreg.scid;
	s9 =	stileid.u32  }
0x3: {  	s18 =	simm.s32 $0x2;
	s20 =	simm.s32 $0xE700;
	s17 =	simm.s32 $0x4300  }
0x4: {  	s22 =	simm.s32 $0x1;
	s23 =	simm.s32 $0x80;
	s28 =	simm.s32 $0x0  }
0x5: {  	[smem:$0x7FF] =	sst s1;
	s2 =	sadd.s32 $0xABA00, s0;
	s4 =	sadd.s32 $0x5BA00, s0  }
0x6: {  	s3 =	sadd.s32 $0x57600, s0;
	s5 =	sadd.s32 $0x5A400, s0;
	s6 =	sadd.s32 $0x5800, s0  }
0x7: {  	s7 =	sadd.s32 $0x7000, s0;
	s8 =	sadd.s32 $0x4200, s0;
	s9 =	sshll.u32 s9, $0x1  }
0x8: {  	_ =	strace $0x80000056;
	[dreg:$0x2] =	wrdreg s7;
	s7 =	sand.u32 $0x1, s24  }
0x9: {  	s10 =	sadd.s32 $0x3C00, s0;
	s25 =	ssub.s32 $0x2, s7;
	s7 =	sor.u32 s7, s9  }
0xa: {  	s0 =	sadd.s32 $0xFBA00, s0;
	[dreg:$0x3] =	wrdreg s10;
	s12 =	smul.u32 $0x2800, s7  }
0xb: {  	s24 =	simm.s32 $0x100;
	s26 =	sshrl.u32 s25, $0x1;
	s13 =	sshllo.u32 s7, $0x1  }
0xc: {  	s9 =	ssub.s32 s25, s26;
	s15 =	smul.u32 $0x1400, s13;
	s29 =	sadd.s32 s4, s12  }
.Ltmp0:
0xd: {  	s30 =	sadd.s32 s0, s12;
	[dreg:$0x4] =	wrdreg s29;
	(pc) =	sbr.rel .LBB2_1-.Ltmp0, $4  }
0xe: {  	s10 =	sshll.u32 s7, $0x1;
	s31 =	smax.u32 s9, $0x1;
	[dreg:$0x5] =	wrdreg s30  }
0xf: {  	s11 =	smul.u32 $0x280, s7;
	s4 =	sadd.s32 s4, s15;
	[dreg:$0x8] =	wrdreg s31  }
0x10: {  	s14 =	smul.u32 $0x140, s13;
	s0 =	sadd.s32 s0, s15;
	[dreg:$0x6] =	wrdreg s4  }
0x11: {  	s25 =	simm.s32 $0x200;
	s26 =	simm.s32 $0x300;
	[dreg:$0x7] =	wrdreg s0  }
.LBB2_9:
0x12: {  	s0 =	rddreg [dreg:$0x7]  }
0x13: {  	[hbm4b:s0+s1] =	stream.linear.scatter [tilespmem:s20], [sflag:$0x2], $0xA000, $0x38;
	[tilespmem:$0x18B80] =	vst v63  }
0x14: {  	_ =	swait.ge [sflag:s18], $0xA000  }
0x15: {  	s28 =	sadd.s32 $0x1, s28;
	s31 =	rddreg [dreg:$0x8]  }
0x16: {  	p0 =	sne.s32 s28, s31  }
.Ltmp1:
0x17: {  	_ = 	snop;
	(pc) =	sbr.rel @!p0 .LBB2_10-.Ltmp1, $3  }
0x18: {  	_ =	sdelay $0x1  }
0x19: {  	[sflag:s18] =	ssyncset.done $0x0  }
0x1a: {  	s17 =	simm.s32 $0x4300;
	[sflag:s18] =	ssyncadd.s32 $0xFFFF6000  }
.LBB2_1:
0x1b: {  	s0 =	rddreg [dreg:$0x2]  }
0x1c: {  	[tilespmem:s1], [sflag:$0x2] =	stream.linear.gather [hbm4b:s0+s1], $0x80, $0x38;
	[tilespmem:$0x18B80] =	vst v63  }
0x1d: {  	_ =	swait.ge [sflag:s18], $0x80  }
0x1e: {  	[sflag:s18] =	ssyncset.done $0x0  }
0x1f: {  	s4 =	simm.s32 $0x18B00;
	s9 =	rddreg [dreg:$0x3];
	[sflag:s18] =	ssyncadd.s32 $0xFFFFFF80  }
0x20: {  	[tilespmem:s4], [sflag:$0x2] =	stream.linear.gather [hbm4b:s9+s1], $0x80, $0x38;
	[tilespmem:$0x18B80] =	vst v63  }
0x21: {  	_ =	swait.ge [sflag:s18], $0x80  }
0x22: {  	[sflag:s18] =	ssyncset.done $0x0  }
0x23: {  	[sflag:s18] =	ssyncadd.s32 $0xFFFFFF80  }
0x24: {  	v0 =	vld [tilespmem:$0x18B00]  }
0x25: {  	v1 =	vld [tilespmem:$0x18B10]  }
0x26: {  	v2 =	vld [tilespmem:$0x18B20]  }
0x27: {  	v3 =	vld [tilespmem:$0x18B30];
	[tilespmem:s20], [sflag:$0x2] =	stream.linear.gather [hbm4b:s8+s1], $0xA400, $0x38  }
0x28: {  	_ =	swait.ge [sflag:s18], $0xA400  }
0x29: {  	[sflag:s18] =	ssyncset.done $0x0  }
0x2a: {  	s12 =	rddreg [dreg:$0x4];
	[sflag:s18] =	ssyncadd.s32 $0xFFFF5C00  }
0x2b: {  	[tilespmem:s17], [sflag:$0x2] =	stream.linear.gather [hbm4b:s12+s1], $0xA000, $0x38;
	[tilespmem:$0x18B80] =	vst v63  }
0x2c: {  	_ =	swait.ge [sflag:s18], $0xA000  }
0x2d: {  	[sflag:s18] =	ssyncset.done $0x0  }
0x2e: {  	[sflag:s18] =	ssyncadd.s32 $0xFFFF6000  }
0x2f: {  	v4 =	vld [tilespmem:s10+$0x0];
	_ =	sdelay $0x4  }
0x30: {  	(v2sf) =	vpush v4, $0x0;
	_ =	sdelay $0x6  }
0x31: {  	(v2sf) =	vpush v4, $0x1;
	_ =	sdelay $0x7  }
0x32: {  	s29 =	spop (v2sf)  }
0x33: {  	s13 =	sand.u32 $0x7F, s29  }
0x34: {  	s15 =	sshra.s32 s29, $0x1F;
	p0 =	slt.s32 s29, $0x1;
	p1 =	sne.s32 s13, $0x0  }
0x35: {  	s16 =	sshrl.u32 s15, $0x19;
	p0 =	por !p0, !p1  }
0x36: {  	s4 =	simm.s32 $0x1;
	s0 =	sadd.s32 s16, s29;
	p0 =	por !p0, !p0  }
0x37: {  	s0 =	sshra.s32 s0, $0x7;
	s4 =	simm.s32 @!p0 $0x0  }
0x38: {  	s30 =	ssub.s32 s0, s4  }
0x39: {  	s31 =	spop (v2sf);
	s0 =	sshll.u32 s30, $0x7  }
0x3a: {  	s19 =	ssub.s32 s31, s0  }
0x3b: {  	s4 =	sadd.s32 $0x7F, s19  }
0x3c: {  	s7 =	sand.u32 $0x7F, s4  }
0x3d: {  	s21 =	sshra.s32 s4, $0x1F;
	p6 =	slt.s32 s4, $0x1;
	p5 =	sne.s32 s7, $0x0  }
0x3e: {  	s7 =	sshrl.u32 s21, $0x19;
	p0 =	por !p6, !p5  }
0x3f: {  	s4 =	sadd.s32 s7, s4;
	s7 =	simm.s32 $0x1;
	p0 =	por !p0, !p0  }
0x40: {  	s4 =	sshra.s32 s4, $0x7;
	s7 =	simm.s32 @!p0 $0x0  }
0x41: {  	s4 =	ssub.s32 s4, s7  }
0x42: {  	p0 =	slt.s32 s4, $0x1  }
.Ltmp2:
0x43: {  	_ = 	snop;
	(pc) =	sbr.rel @p0 .LBB2_5-.Ltmp2, $2  }
0x44: {  	_ =	sdelay $0x2  }
0x45: {  	s19 =	simm.s32 $0x0  }
.LBB2_2:
0x46: {  	s7 =	sadd.s32 s30, s19  }
0x47: {  	s7 =	sshll.u32 s7, $0x4  }
0x48: {  	s7 =	sand.u32 $0x1FFFFFF0, s7  }
0x49: {  	s12 =	simm.s32 $0x0;
	s9 =	sadd.s32 s3, s7  }
0x4a: {  	[tilespmem:s23], [sflag:$0x2] =	stream.linear.gather [hbm4b:s9+s12], $0x80, $0x38;
	[tilespmem:$0x18B80] =	vst v63  }
0x4b: {  	_ =	swait.ge [sflag:s18], $0x80  }
0x4c: {  	[sflag:s18] =	ssyncset.done $0x0  }
0x4d: {  	s21 =	sadd.s32 s5, s7;
	[sflag:s18] =	ssyncadd.s32 $0xFFFFFF80  }
0x4e: {  	[tilespmem:s24], [sflag:$0x2] =	stream.linear.gather [hbm4b:s21+s12], $0x80, $0x38;
	[tilespmem:$0x18B80] =	vst v63  }
0x4f: {  	_ =	swait.ge [sflag:s18], $0x80  }
0x50: {  	[sflag:s18] =	ssyncset.done $0x0  }
0x51: {  	s7 =	sadd.s32 s6, s7;
	[sflag:s18] =	ssyncadd.s32 $0xFFFFFF80  }
0x52: {  	[tilespmem:s25], [sflag:$0x2] =	stream.linear.gather [hbm4b:s7+s12], $0x80, $0x38;
	[tilespmem:$0x18B80] =	vst v63  }
0x53: {  	_ =	swait.ge [sflag:s18], $0x80  }
0x54: {  	[sflag:s18] =	ssyncset.done $0x0  }
0x55: {  	[sflag:s18] =	ssyncadd.s32 $0xFFFFFF80  }
0x56: {  	[tilespmem:s26], [sflag:$0x1] =	stream.indirect.gather [hbm4b:s2+s23], $0x80, s23, s23, $0xb8;
	[tilespmem:$0x18B80] =	vst v63  }
0x57: {  	_ =	swait.ge [sflag:s22], $0x4000  }
0x58: {  	[sflag:s22] =	ssyncset.done $0x0  }
0x59: {  	s9 =	simm.s32 $0x0;
	[sflag:s22] =	ssyncadd.s32 $0xFFFFC000  }
0x5a: {  	v4 =	vld [tilespmem:s9+$0x100];
	_ =	sdelay $0x4  }
0x5b: {  	(v2sf) =	vpush v4, $0x0;
	_ =	sdelay $0xe  }
0x5c: {  	s13 =	spop (v2sf)  }
0x5d: {  	s15 =	ssub.s32 s13, s11  }
0x5e: {  	p0 =	slt.s32 s0, s31;
	s12 =	sshll.u32 s15, $0x7  }
0x5f: {  	s16 =	simm.s32 $0x380;
	p1 =	sge.s32 s0, s29;
	v5 =	vld.msk [tilespmem:s9+$0x200 ss:$0x0], $0xffff;
	s12 =	simm.s32 @!p0 $0xA000  }
0x60: {  	v4 =	vld [tilespmem:s16+$0xFFFFFF80];
	s12 =	simm.s32 @!p1 $0xA000  }
0x61: {  	v6 =	vld [tilespmem:s12+$0x4300];
	_ =	sdelay $0x4  }
0x62: {  	v4 =	vadd.f32 v6, v4;
	v6 =	vmul.f32 v5, v0;
	_ =	sdelay $0x1  }
0x63: {  	v4 =	vadd.f32 v4, v6;
	_ =	sdelay $0x1  }
0x64: {  	v6 =	vld [tilespmem:s12+$0x4310];
	v4 =	vmax.f32 v4, $0.0e+00  }
0x65: {  	[tilespmem:s12+$0xE700] =	vst.add.f32.msk $0xffff, v4  }
0x66: {  	v4 =	vld [tilespmem:s16+$0xFFFFFF90];
	_ =	sdelay $0x4  }
0x67: {  	v4 =	vadd.f32 v6, v4;
	v6 =	vmul.f32 v5, v1;
	_ =	sdelay $0x1  }
0x68: {  	v4 =	vadd.f32 v4, v6;
	_ =	sdelay $0x1  }
0x69: {  	v6 =	vld [tilespmem:s12+$0x4320];
	v4 =	vmax.f32 v4, $0.0e+00  }
0x6a: {  	[tilespmem:s12+$0xE710] =	vst.add.f32.msk $0xffff, v4  }
0x6b: {  	v4 =	vld [tilespmem:s16+$0xFFFFFFA0];
	_ =	sdelay $0x4  }
0x6c: {  	v4 =	vadd.f32 v6, v4;
	v6 =	vmul.f32 v5, v2;
	_ =	sdelay $0x1  }
0x6d: {  	v4 =	vadd.f32 v4, v6;
	_ =	sdelay $0x1  }
0x6e: {  	v6 =	vld [tilespmem:s12+$0x4330];
	v4 =	vmax.f32 v4, $0.0e+00  }
0x6f: {  	[tilespmem:s12+$0xE720] =	vst.add.f32.msk $0xffff, v4  }
0x70: {  	v4 =	vld [tilespmem:s16+$0xFFFFFFB0];
	_ =	sdelay $0x4  }
0x71: {  	v5 =	vmul.f32 v5, v3;
	v4 =	vadd.f32 v6, v4;
	_ =	sdelay $0x1  }
0x72: {  	v4 =	vadd.f32 v4, v5;
	_ =	sdelay $0x1  }
0x73: {  	v4 =	vmax.f32 v4, $0.0e+00  }
0x74: {  	[tilespmem:s12+$0xE730] =	vst.add.f32.msk $0xffff, v4  }
0x75: {  	v4 =	vld [tilespmem:s9+$0x101];
	_ =	sdelay $0x4  }
0x76: {  	(v2sf) =	vpush v4, $0x0;
	_ =	sdelay $0xe  }
0x77: {  	s21 =	spop (v2sf)  }
0x78: {  	s15 =	sadd.s32 $0x1, s0;
	s12 =	ssub.s32 s21, s11  }
0x79: {  	p0 =	slt.s32 s15, s31;
	s13 =	sshll.u32 s12, $0x7  }
0x7a: {  	p1 =	sge.s32 s15, s29;
	v5 =	vld [tilespmem:s16+$0x0];
	s13 =	simm.s32 @!p0 $0xA000  }
0x7b: {  	v4 =	vld.msk [tilespmem:s9+$0x201 ss:$0x0], $0xffff;
	s13 =	simm.s32 @!p1 $0xA000  }
0x7c: {  	v6 =	vld [tilespmem:s13+$0x4300];
	_ =	sdelay $0x4  }
0x7d: {  	v5 =	vadd.f32 v6, v5;
	v6 =	vmul.f32 v4, v0;
	_ =	sdelay $0x1  }
0x7e: {  	v5 =	vadd.f32 v5, v6;
	_ =	sdelay $0x1  }
0x7f: {  	v7 =	vld [tilespmem:s13+$0x4310];
	v5 =	vmax.f32 v5, $0.0e+00  }
0x80: {  	[tilespmem:s13+$0xE700] =	vst.add.f32.msk $0xffff, v5  }
0x81: {  	v5 =	vld [tilespmem:s16+$0x10];
	_ =	sdelay $0x4  }
0x82: {  	v5 =	vadd.f32 v7, v5;
	v7 =	vmul.f32 v4, v1;
	_ =	sdelay $0x1  }
0x83: {  	v5 =	vadd.f32 v5, v7;
	_ =	sdelay $0x1  }
0x84: {  	v6 =	vld [tilespmem:s13+$0x4320];
	v5 =	vmax.f32 v5, $0.0e+00  }
0x85: {  	[tilespmem:s13+$0xE710] =	vst.add.f32.msk $0xffff, v5  }
0x86: {  	v5 =	vld [tilespmem:s16+$0x20];
	_ =	sdelay $0x4  }
0x87: {  	v5 =	vadd.f32 v6, v5;
	v6 =	vmul.f32 v4, v2;
	_ =	sdelay $0x1  }
0x88: {  	v5 =	vadd.f32 v5, v6;
	_ =	sdelay $0x1  }
0x89: {  	v8 =	vld [tilespmem:s13+$0x4330];
	v5 =	vmax.f32 v5, $0.0e+00  }
0x8a: {  	[tilespmem:s13+$0xE720] =	vst.add.f32.msk $0xffff, v5  }
0x8b: {  	v5 =	vld [tilespmem:s16+$0x30];
	_ =	sdelay $0x4  }
0x8c: {  	v4 =	vmul.f32 v4, v3;
	v5 =	vadd.f32 v8, v5;
	_ =	sdelay $0x1  }
0x8d: {  	v4 =	vadd.f32 v5, v4  }
0x8e: {  	s7 =	simm.s32 $0x480  }
0x8f: {  	s9 =	smov.u32 s0;
	s21 =	simm.s32 $0x8;
	s16 =	simm.s32 $0x10;
	v4 =	vmax.f32 v4, $0.0e+00  }
.LBB2_3:
0x90: {  	s15 =	sshra.s32 s21, $0x2  }
0x91: {  	[tilespmem:s13+$0xE730] =	vst.add.f32.msk $0xffff, v4;
	s9 =	sadd.s32 $0x2, s9;
	s21 =	smov.u32 s16;
	s12 =	sadd.s32 $0x8, s16  }
0x92: {  	p0 =	sne.s32 s16, $0x1F8;
	v4 =	vld [tilespmem:s15+$0x100];
	_ =	sdelay $0x4  }
0x93: {  	(v2sf) =	vpush v4, $0x0;
	_ =	sdelay $0xe  }
0x94: {  	s13 =	spop (v2sf)  }
0x95: {  	s13 =	ssub.s32 s13, s11  }
0x96: {  	p1 =	slt.s32 s9, s31;
	s13 =	sshll.u32 s13, $0x7  }
0x97: {  	p2 =	sge.s32 s9, s29;
	v4 =	vld [tilespmem:s7+$0xFFFFFF80];
	s13 =	simm.s32 @!p1 $0xA000  }
0x98: {  	s13 =	simm.s32 @!p2 $0xA000;
	v5 =	vld.msk [tilespmem:s15+$0x200 ss:$0x0], $0xffff  }
0x99: {  	v6 =	vld [tilespmem:s13+$0x4300];
	_ =	sdelay $0x4  }
0x9a: {  	v4 =	vadd.f32 v6, v4;
	v6 =	vmul.f32 v5, v0;
	_ =	sdelay $0x1  }
0x9b: {  	v4 =	vadd.f32 v4, v6;
	_ =	sdelay $0x1  }
0x9c: {  	v4 =	vmax.f32 v4, $0.0e+00;
	v6 =	vld [tilespmem:s13+$0x4310]  }
0x9d: {  	[tilespmem:s13+$0xE700] =	vst.add.f32.msk $0xffff, v4  }
0x9e: {  	v4 =	vld [tilespmem:s7+$0xFFFFFF90];
	_ =	sdelay $0x4  }
0x9f: {  	v4 =	vadd.f32 v6, v4;
	v6 =	vmul.f32 v5, v1;
	_ =	sdelay $0x1  }
0xa0: {  	v4 =	vadd.f32 v4, v6;
	_ =	sdelay $0x1  }
0xa1: {  	v4 =	vmax.f32 v4, $0.0e+00;
	v6 =	vld [tilespmem:s13+$0x4320]  }
0xa2: {  	[tilespmem:s13+$0xE710] =	vst.add.f32.msk $0xffff, v4  }
0xa3: {  	v4 =	vld [tilespmem:s7+$0xFFFFFFA0];
	_ =	sdelay $0x4  }
0xa4: {  	v4 =	vadd.f32 v6, v4;
	v6 =	vmul.f32 v5, v2;
	_ =	sdelay $0x1  }
0xa5: {  	v4 =	vadd.f32 v4, v6;
	_ =	sdelay $0x1  }
0xa6: {  	v4 =	vmax.f32 v4, $0.0e+00;
	v6 =	vld [tilespmem:s13+$0x4330]  }
0xa7: {  	[tilespmem:s13+$0xE720] =	vst.add.f32.msk $0xffff, v4  }
0xa8: {  	v4 =	vld [tilespmem:s7+$0xFFFFFFB0];
	_ =	sdelay $0x4  }
0xa9: {  	v5 =	vmul.f32 v5, v3;
	v4 =	vadd.f32 v6, v4;
	_ =	sdelay $0x1  }
0xaa: {  	v4 =	vadd.f32 v4, v5;
	_ =	sdelay $0x1  }
0xab: {  	v4 =	vmax.f32 v4, $0.0e+00  }
0xac: {  	[tilespmem:s13+$0xE730] =	vst.add.f32.msk $0xffff, v4  }
0xad: {  	v4 =	vld [tilespmem:s15+$0x101]  }
0xae: {  	v5 =	vld.msk [tilespmem:s15+$0x201 ss:$0x0], $0xffff;
	_ =	sdelay $0x3  }
0xaf: {  	(v2sf) =	vpush v4, $0x0;
	_ =	sdelay $0xe  }
0xb0: {  	s13 =	spop (v2sf)  }
0xb1: {  	s15 =	sadd.s32 $0x1, s9;
	s13 =	ssub.s32 s13, s11  }
0xb2: {  	p1 =	slt.s32 s15, s31;
	s13 =	sshll.u32 s13, $0x7  }
0xb3: {  	p2 =	sge.s32 s15, s29;
	s13 =	simm.s32 @!p1 $0xA000  }
0xb4: {  	v4 =	vld [tilespmem:s7+$0x0];
	s13 =	simm.s32 @!p2 $0xA000  }
0xb5: {  	v6 =	vld [tilespmem:s13+$0x4300]  }
0xb6: {  	v7 =	vld [tilespmem:s13+$0x4310]  }
0xb7: {  	v8 =	vld [tilespmem:s13+$0x4320]  }
0xb8: {  	v9 =	vld [tilespmem:s13+$0x4330];
	_ =	sdelay $0x1  }
0xb9: {  	v4 =	vadd.f32 v6, v4;
	v6 =	vmul.f32 v5, v0;
	_ =	sdelay $0x1  }
0xba: {  	v4 =	vadd.f32 v4, v6;
	_ =	sdelay $0x1  }
0xbb: {  	v4 =	vmax.f32 v4, $0.0e+00  }
0xbc: {  	[tilespmem:s13+$0xE700] =	vst.add.f32.msk $0xffff, v4  }
0xbd: {  	v4 =	vld [tilespmem:s7+$0x10];
	_ =	sdelay $0x4  }
0xbe: {  	v6 =	vmul.f32 v5, v1;
	v4 =	vadd.f32 v7, v4;
	_ =	sdelay $0x1  }
0xbf: {  	v4 =	vadd.f32 v4, v6;
	_ =	sdelay $0x1  }
0xc0: {  	v4 =	vmax.f32 v4, $0.0e+00  }
0xc1: {  	[tilespmem:s13+$0xE710] =	vst.add.f32.msk $0xffff, v4  }
0xc2: {  	v4 =	vld [tilespmem:s7+$0x20];
	_ =	sdelay $0x4  }
0xc3: {  	v6 =	vmul.f32 v5, v2;
	v4 =	vadd.f32 v8, v4;
	_ =	sdelay $0x1  }
0xc4: {  	v4 =	vadd.f32 v4, v6;
	_ =	sdelay $0x1  }
0xc5: {  	v4 =	vmax.f32 v4, $0.0e+00  }
0xc6: {  	[tilespmem:s13+$0xE720] =	vst.add.f32.msk $0xffff, v4  }
0xc7: {  	v4 =	vld [tilespmem:s7+$0x30];
	_ =	sdelay $0x4  }
.Ltmp3:
0xc8: {  	v5 =	vmul.f32 v5, v3;
	v4 =	vadd.f32 v9, v4;
	(pc) =	sbr.rel @p0 .LBB2_3-.Ltmp3, $3  }
0xc9: {  	_ = 	snop  }
0xca: {  	v4 =	vadd.f32 v4, v5;
	_ =	sdelay $0x1  }
0xcb: {  	s16 =	smov.u32 s12;
	s7 =	sadd.s32 $0x100, s7;
	v4 =	vmax.f32 v4, $0.0e+00  }
0xcc: {  	s12 =	sshra.s32 s21, $0x2;
	[tilespmem:s13+$0xE730] =	vst.add.f32.msk $0xffff, v4  }
0xcd: {  	v4 =	vld [tilespmem:s12+$0x100];
	_ =	sdelay $0x4  }
0xce: {  	(v2sf) =	vpush v4, $0x0;
	_ =	sdelay $0xe  }
0xcf: {  	s16 =	spop (v2sf)  }
0xd0: {  	s9 =	sadd.s32 $0x2, s9;
	s13 =	ssub.s32 s16, s11  }
0xd1: {  	p0 =	slt.s32 s9, s31;
	s13 =	sshll.u32 s13, $0x7  }
0xd2: {  	p1 =	sge.s32 s9, s29;
	v5 =	vld.msk [tilespmem:s12+$0x200 ss:$0x0], $0xffff;
	s13 =	simm.s32 @!p0 $0xA000  }
0xd3: {  	v4 =	vld [tilespmem:s7+$0xFFFFFF80];
	s13 =	simm.s32 @!p1 $0xA000  }
0xd4: {  	v6 =	vld [tilespmem:s13+$0x4300];
	_ =	sdelay $0x4  }
0xd5: {  	v53 =	vmul.f32 v5, v0;
	v4 =	vadd.f32 v6, v4;
	_ =	sdelay $0x1  }
0xd6: {  	v4 =	vadd.f32 v4, v53;
	_ =	sdelay $0x1  }
0xd7: {  	v54 =	vld [tilespmem:s13+$0x4310];
	v4 =	vmax.f32 v4, $0.0e+00  }
0xd8: {  	[tilespmem:s13+$0xE700] =	vst.add.f32.msk $0xffff, v4  }
0xd9: {  	v4 =	vld [tilespmem:s7+$0xFFFFFF90];
	_ =	sdelay $0x4  }
0xda: {  	v55 =	vmul.f32 v5, v1;
	v4 =	vadd.f32 v54, v4;
	_ =	sdelay $0x1  }
0xdb: {  	v4 =	vadd.f32 v4, v55;
	_ =	sdelay $0x1  }
0xdc: {  	v56 =	vld [tilespmem:s13+$0x4320];
	v4 =	vmax.f32 v4, $0.0e+00  }
0xdd: {  	[tilespmem:s13+$0xE710] =	vst.add.f32.msk $0xffff, v4  }
0xde: {  	v4 =	vld [tilespmem:s7+$0xFFFFFFA0];
	_ =	sdelay $0x4  }
0xdf: {  	v57 =	vmul.f32 v5, v2;
	v4 =	vadd.f32 v56, v4;
	_ =	sdelay $0x1  }
0xe0: {  	v4 =	vadd.f32 v4, v57;
	_ =	sdelay $0x1  }
0xe1: {  	v58 =	vld [tilespmem:s13+$0x4330];
	v4 =	vmax.f32 v4, $0.0e+00  }
0xe2: {  	[tilespmem:s13+$0xE720] =	vst.add.f32.msk $0xffff, v4  }
0xe3: {  	v4 =	vld [tilespmem:s7+$0xFFFFFFB0];
	_ =	sdelay $0x4  }
0xe4: {  	v5 =	vmul.f32 v5, v3;
	v4 =	vadd.f32 v58, v4;
	_ =	sdelay $0x1  }
0xe5: {  	v4 =	vadd.f32 v4, v5;
	_ =	sdelay $0x1  }
0xe6: {  	v4 =	vmax.f32 v4, $0.0e+00  }
0xe7: {  	[tilespmem:s13+$0xE730] =	vst.add.f32.msk $0xffff, v4  }
0xe8: {  	v4 =	vld [tilespmem:s12+$0x101];
	_ =	sdelay $0x4  }
0xe9: {  	(v2sf) =	vpush v4, $0x0;
	_ =	sdelay $0xe  }
0xea: {  	s21 =	spop (v2sf)  }
0xeb: {  	s9 =	sadd.s32 $0x1, s9;
	s13 =	ssub.s32 s21, s11  }
0xec: {  	p0 =	slt.s32 s9, s31;
	s13 =	sshll.u32 s13, $0x7  }
0xed: {  	p1 =	sge.s32 s9, s29;
	v5 =	vld [tilespmem:s7+$0x0];
	s13 =	simm.s32 @!p0 $0xA000  }
0xee: {  	v4 =	vld.msk [tilespmem:s12+$0x201 ss:$0x0], $0xffff;
	s13 =	simm.s32 @!p1 $0xA000  }
0xef: {  	v59 =	vld [tilespmem:s13+$0x4300];
	_ =	sdelay $0x4  }
0xf0: {  	v60 =	vmul.f32 v4, v0;
	v5 =	vadd.f32 v59, v5;
	_ =	sdelay $0x1  }
0xf1: {  	v5 =	vadd.f32 v5, v60;
	_ =	sdelay $0x1  }
0xf2: {  	v7 =	vld [tilespmem:s13+$0x4310];
	v5 =	vmax.f32 v5, $0.0e+00  }
0xf3: {  	[tilespmem:s13+$0xE700] =	vst.add.f32.msk $0xffff, v5  }
0xf4: {  	v5 =	vld [tilespmem:s7+$0x10];
	_ =	sdelay $0x4  }
0xf5: {  	v62 =	vmul.f32 v4, v1;
	v5 =	vadd.f32 v7, v5;
	_ =	sdelay $0x1  }
0xf6: {  	v5 =	vadd.f32 v5, v62;
	_ =	sdelay $0x1  }
0xf7: {  	v61 =	vld [tilespmem:s13+$0x4320];
	v5 =	vmax.f32 v5, $0.0e+00  }
0xf8: {  	[tilespmem:s13+$0xE710] =	vst.add.f32.msk $0xffff, v5  }
0xf9: {  	v5 =	vld [tilespmem:s7+$0x20];
	_ =	sdelay $0x4  }
0xfa: {  	v63 =	vmul.f32 v4, v2;
	v5 =	vadd.f32 v61, v5;
	_ =	sdelay $0x1  }
0xfb: {  	v5 =	vadd.f32 v5, v63;
	_ =	sdelay $0x1  }
0xfc: {  	v8 =	vld [tilespmem:s13+$0x4330];
	v5 =	vmax.f32 v5, $0.0e+00  }
0xfd: {  	[tilespmem:s13+$0xE720] =	vst.add.f32.msk $0xffff, v5  }
0xfe: {  	v5 =	vld [tilespmem:s7+$0x30];
	_ =	sdelay $0x3  }
0xff: {  	s19 =	sadd.s32 $0x1, s19  }
0x100: {  	v4 =	vmul.f32 v4, v3;
	p0 =	sne.s32 s19, s4;
	v5 =	vadd.f32 v8, v5  }
.Ltmp4:
0x101: {  	_ = 	snop;
	(pc) =	sbr.rel @p0 .LBB2_2-.Ltmp4, $3  }
0x102: {  	v4 =	vadd.f32 v5, v4;
	_ =	sdelay $0x1  }
0x103: {  	v4 =	vmax.f32 v4, $0.0e+00  }
0x104: {  	s0 =	sadd.s32 $0x80, s0;
	[tilespmem:s13+$0xE730] =	vst.add.f32.msk $0xffff, v4  }
.LBB2_5:
0x105: {  	s29 =	simm.s32 $0x0;
	s0 =	rddreg [dreg:$0x5]  }
0x106: {  	[hbm4b:s0+s29] =	stream.linear.scatter [tilespmem:s20], [sflag:$0x2], $0xA000, $0x38;
	[tilespmem:$0x18B80] =	vst v63  }
0x107: {  	_ =	swait.ge [sflag:s18], $0xA000  }
0x108: {  	[sflag:s18] =	ssyncset.done $0x0  }
0x109: {  	[sflag:s18] =	ssyncadd.s32 $0xFFFF6000  }
0x10a: {  	[tilespmem:s20], [sflag:$0x2] =	stream.linear.gather [hbm4b:s8+s29], $0xA400, $0x38;
	[tilespmem:$0x18B80] =	vst v63  }
0x10b: {  	_ =	swait.ge [sflag:s18], $0xA400  }
0x10c: {  	[sflag:s18] =	ssyncset.done $0x0  }
0x10d: {  	s13 =	rddreg [dreg:$0x6];
	[sflag:s18] =	ssyncadd.s32 $0xFFFF5C00  }
0x10e: {  	[tilespmem:s17], [sflag:$0x2] =	stream.linear.gather [hbm4b:s13+s29], $0xA000, $0x38;
	[tilespmem:$0x18B80] =	vst v63  }
0x10f: {  	_ =	swait.ge [sflag:s18], $0xA000  }
0x110: {  	[sflag:s18] =	ssyncset.done $0x0  }
0x111: {  	[sflag:s18] =	ssyncadd.s32 $0xFFFF6000  }
0x112: {  	v4 =	vld [tilespmem:s10+$0x1];
	_ =	sdelay $0x4  }
0x113: {  	(v2sf) =	vpush v4, $0x0;
	_ =	sdelay $0x6  }
0x114: {  	(v2sf) =	vpush v4, $0x1;
	_ =	sdelay $0x7  }
0x115: {  	s30 =	spop (v2sf)  }
0x116: {  	s15 =	sand.u32 $0x7F, s30  }
0x117: {  	s4 =	sshra.s32 s30, $0x1F;
	p0 =	slt.s32 s30, $0x1;
	p1 =	sne.s32 s15, $0x0  }
0x118: {  	s16 =	sshrl.u32 s4, $0x19;
	p0 =	por !p0, !p1  }
0x119: {  	s4 =	simm.s32 $0x1;
	s0 =	sadd.s32 s16, s30;
	p0 =	por !p0, !p0  }
0x11a: {  	s0 =	sshra.s32 s0, $0x7;
	s4 =	simm.s32 @!p0 $0x0  }
0x11b: {  	s31 =	ssub.s32 s0, s4  }
0x11c: {  	s0 =	spop (v2sf);
	s21 =	sshll.u32 s31, $0x7  }
0x11d: {  	s17 =	ssub.s32 s0, s21  }
0x11e: {  	s4 =	sadd.s32 $0x7F, s17  }
0x11f: {  	s7 =	sand.u32 $0x7F, s4  }
0x120: {  	s19 =	sshra.s32 s4, $0x1F;
	p6 =	slt.s32 s4, $0x1;
	p5 =	sne.s32 s7, $0x0  }
0x121: {  	s7 =	sshrl.u32 s19, $0x19;
	p0 =	por !p6, !p5  }
0x122: {  	s4 =	sadd.s32 s7, s4;
	s7 =	simm.s32 $0x1;
	p0 =	por !p0, !p0  }
0x123: {  	s4 =	sshra.s32 s4, $0x7;
	s7 =	simm.s32 @!p0 $0x0  }
0x124: {  	s19 =	ssub.s32 s4, s7  }
0x125: {  	p0 =	slt.s32 s19, $0x1  }
.Ltmp5:
0x126: {  	_ = 	snop;
	(pc) =	sbr.rel @p0 .LBB2_9-.Ltmp5, $2  }
0x127: {  	_ =	sdelay $0x2  }
0x128: {  	s7 =	simm.s32 $0x0  }
.LBB2_6:
0x129: {  	s4 =	sadd.s32 s31, s7  }
0x12a: {  	s4 =	sshll.u32 s4, $0x4  }
0x12b: {  	s4 =	sand.u32 $0x1FFFFFF0, s4  }
0x12c: {  	s9 =	sadd.s32 s3, s4  }
0x12d: {  	[tilespmem:s23], [sflag:$0x2] =	stream.linear.gather [hbm4b:s9+s29], $0x80, $0x38;
	[tilespmem:$0x18B80] =	vst v63  }
0x12e: {  	_ =	swait.ge [sflag:s18], $0x80  }
0x12f: {  	[sflag:s18] =	ssyncset.done $0x0  }
0x130: {  	s13 =	sadd.s32 s5, s4;
	[sflag:s18] =	ssyncadd.s32 $0xFFFFFF80  }
0x131: {  	[tilespmem:s24], [sflag:$0x2] =	stream.linear.gather [hbm4b:s13+s29], $0x80, $0x38;
	[tilespmem:$0x18B80] =	vst v63  }
0x132: {  	_ =	swait.ge [sflag:s18], $0x80  }
0x133: {  	[sflag:s18] =	ssyncset.done $0x0  }
0x134: {  	s4 =	sadd.s32 s6, s4;
	[sflag:s18] =	ssyncadd.s32 $0xFFFFFF80  }
0x135: {  	[tilespmem:s25], [sflag:$0x2] =	stream.linear.gather [hbm4b:s4+s29], $0x80, $0x38;
	[tilespmem:$0x18B80] =	vst v63  }
0x136: {  	_ =	swait.ge [sflag:s18], $0x80  }
0x137: {  	[sflag:s18] =	ssyncset.done $0x0  }
0x138: {  	[sflag:s18] =	ssyncadd.s32 $0xFFFFFF80  }
0x139: {  	[tilespmem:s26], [sflag:$0x1] =	stream.indirect.gather [hbm4b:s2+s23], $0x80, s23, s23, $0xb8;
	[tilespmem:$0x18B80] =	vst v63  }
0x13a: {  	_ =	swait.ge [sflag:s22], $0x4000  }
0x13b: {  	[sflag:s22] =	ssyncset.done $0x0  }
0x13c: {  	s9 =	simm.s32 $0x0;
	[sflag:s22] =	ssyncadd.s32 $0xFFFFC000  }
0x13d: {  	v4 =	vld [tilespmem:s9+$0x100];
	_ =	sdelay $0x4  }
0x13e: {  	(v2sf) =	vpush v4, $0x0;
	_ =	sdelay $0xe  }
0x13f: {  	s15 =	spop (v2sf)  }
0x140: {  	s12 =	ssub.s32 s15, s14  }
0x141: {  	p0 =	slt.s32 s21, s0;
	s12 =	sshll.u32 s12, $0x7  }
0x142: {  	s16 =	simm.s32 $0x380;
	p1 =	sge.s32 s21, s30;
	v5 =	vld.msk [tilespmem:s9+$0x200 ss:$0x0], $0xffff;
	s12 =	simm.s32 @!p0 $0xA000  }
0x143: {  	v4 =	vld [tilespmem:s16+$0xFFFFFF80];
	s12 =	simm.s32 @!p1 $0xA000  }
0x144: {  	v6 =	vld [tilespmem:s12+$0x4300];
	_ =	sdelay $0x4  }
0x145: {  	v4 =	vadd.f32 v6, v4;
	v6 =	vmul.f32 v5, v0;
	_ =	sdelay $0x1  }
0x146: {  	v4 =	vadd.f32 v4, v6;
	_ =	sdelay $0x1  }
0x147: {  	v6 =	vld [tilespmem:s12+$0x4310];
	v4 =	vmax.f32 v4, $0.0e+00  }
0x148: {  	[tilespmem:s12+$0xE700] =	vst.add.f32.msk $0xffff, v4  }
0x149: {  	v4 =	vld [tilespmem:s16+$0xFFFFFF90];
	_ =	sdelay $0x4  }
0x14a: {  	v4 =	vadd.f32 v6, v4;
	v6 =	vmul.f32 v5, v1;
	_ =	sdelay $0x1  }
0x14b: {  	v4 =	vadd.f32 v4, v6;
	_ =	sdelay $0x1  }
0x14c: {  	v6 =	vld [tilespmem:s12+$0x4320];
	v4 =	vmax.f32 v4, $0.0e+00  }
0x14d: {  	[tilespmem:s12+$0xE710] =	vst.add.f32.msk $0xffff, v4  }
0x14e: {  	v4 =	vld [tilespmem:s16+$0xFFFFFFA0];
	_ =	sdelay $0x4  }
0x14f: {  	v4 =	vadd.f32 v6, v4;
	v6 =	vmul.f32 v5, v2;
	_ =	sdelay $0x1  }
0x150: {  	v4 =	vadd.f32 v4, v6;
	_ =	sdelay $0x1  }
0x151: {  	v6 =	vld [tilespmem:s12+$0x4330];
	v4 =	vmax.f32 v4, $0.0e+00  }
0x152: {  	[tilespmem:s12+$0xE720] =	vst.add.f32.msk $0xffff, v4  }
0x153: {  	v4 =	vld [tilespmem:s16+$0xFFFFFFB0];
	_ =	sdelay $0x4  }
0x154: {  	v5 =	vmul.f32 v5, v3;
	v4 =	vadd.f32 v6, v4;
	_ =	sdelay $0x1  }
0x155: {  	v4 =	vadd.f32 v4, v5;
	_ =	sdelay $0x1  }
0x156: {  	v4 =	vmax.f32 v4, $0.0e+00  }
0x157: {  	[tilespmem:s12+$0xE730] =	vst.add.f32.msk $0xffff, v4  }
0x158: {  	v4 =	vld [tilespmem:s9+$0x101];
	_ =	sdelay $0x4  }
0x159: {  	(v2sf) =	vpush v4, $0x0;
	_ =	sdelay $0xe  }
0x15a: {  	s17 =	spop (v2sf)  }
0x15b: {  	s13 =	sadd.s32 $0x1, s21;
	s12 =	ssub.s32 s17, s14  }
0x15c: {  	p0 =	slt.s32 s13, s0;
	s15 =	sshll.u32 s12, $0x7  }
0x15d: {  	p1 =	sge.s32 s13, s30;
	v5 =	vld [tilespmem:s16+$0x0];
	s15 =	simm.s32 @!p0 $0xA000  }
0x15e: {  	v4 =	vld.msk [tilespmem:s9+$0x201 ss:$0x0], $0xffff;
	s15 =	simm.s32 @!p1 $0xA000  }
0x15f: {  	v6 =	vld [tilespmem:s15+$0x4300];
	_ =	sdelay $0x4  }
0x160: {  	v5 =	vadd.f32 v6, v5;
	v6 =	vmul.f32 v4, v0;
	_ =	sdelay $0x1  }
0x161: {  	v5 =	vadd.f32 v5, v6;
	_ =	sdelay $0x1  }
0x162: {  	v7 =	vld [tilespmem:s15+$0x4310];
	v5 =	vmax.f32 v5, $0.0e+00  }
0x163: {  	[tilespmem:s15+$0xE700] =	vst.add.f32.msk $0xffff, v5  }
0x164: {  	v5 =	vld [tilespmem:s16+$0x10];
	_ =	sdelay $0x4  }
0x165: {  	v5 =	vadd.f32 v7, v5;
	v7 =	vmul.f32 v4, v1;
	_ =	sdelay $0x1  }
0x166: {  	v5 =	vadd.f32 v5, v7;
	_ =	sdelay $0x1  }
0x167: {  	v6 =	vld [tilespmem:s15+$0x4320];
	v5 =	vmax.f32 v5, $0.0e+00  }
0x168: {  	[tilespmem:s15+$0xE710] =	vst.add.f32.msk $0xffff, v5  }
0x169: {  	v5 =	vld [tilespmem:s16+$0x20];
	_ =	sdelay $0x4  }
0x16a: {  	v5 =	vadd.f32 v6, v5;
	v6 =	vmul.f32 v4, v2;
	_ =	sdelay $0x1  }
0x16b: {  	v5 =	vadd.f32 v5, v6;
	_ =	sdelay $0x1  }
0x16c: {  	v8 =	vld [tilespmem:s15+$0x4330];
	v5 =	vmax.f32 v5, $0.0e+00  }
0x16d: {  	[tilespmem:s15+$0xE720] =	vst.add.f32.msk $0xffff, v5  }
0x16e: {  	v5 =	vld [tilespmem:s16+$0x30];
	_ =	sdelay $0x4  }
0x16f: {  	v4 =	vmul.f32 v4, v3;
	v5 =	vadd.f32 v8, v5;
	_ =	sdelay $0x1  }
0x170: {  	v4 =	vadd.f32 v5, v4  }
0x171: {  	s4 =	smov.u32 s21  }
0x172: {  	s13 =	simm.s32 $0x10;
	s9 =	simm.s32 $0x480;
	s12 =	simm.s32 $0x8;
	v4 =	vmax.f32 v4, $0.0e+00  }
.LBB2_7:
0x173: {  	s16 =	sshra.s32 s12, $0x2  }
0x174: {  	[tilespmem:s15+$0xE730] =	vst.add.f32.msk $0xffff, v4;
	s4 =	sadd.s32 $0x2, s4;
	s12 =	smov.u32 s13;
	s17 =	sadd.s32 $0x8, s13  }
0x175: {  	p0 =	sne.s32 s13, $0x1F8;
	v4 =	vld [tilespmem:s16+$0x100];
	_ =	sdelay $0x4  }
0x176: {  	(v2sf) =	vpush v4, $0x0;
	_ =	sdelay $0xe  }
0x177: {  	s13 =	spop (v2sf)  }
0x178: {  	s13 =	ssub.s32 s13, s14  }
0x179: {  	p1 =	slt.s32 s4, s0;
	s15 =	sshll.u32 s13, $0x7  }
0x17a: {  	p2 =	sge.s32 s4, s30;
	v4 =	vld [tilespmem:s9+$0xFFFFFF80];
	s15 =	simm.s32 @!p1 $0xA000  }
0x17b: {  	s15 =	simm.s32 @!p2 $0xA000;
	v5 =	vld.msk [tilespmem:s16+$0x200 ss:$0x0], $0xffff  }
0x17c: {  	v6 =	vld [tilespmem:s15+$0x4300];
	_ =	sdelay $0x4  }
0x17d: {  	v4 =	vadd.f32 v6, v4;
	v6 =	vmul.f32 v5, v0;
	_ =	sdelay $0x1  }
0x17e: {  	v4 =	vadd.f32 v4, v6;
	_ =	sdelay $0x1  }
0x17f: {  	v4 =	vmax.f32 v4, $0.0e+00;
	v6 =	vld [tilespmem:s15+$0x4310]  }
0x180: {  	[tilespmem:s15+$0xE700] =	vst.add.f32.msk $0xffff, v4  }
0x181: {  	v4 =	vld [tilespmem:s9+$0xFFFFFF90];
	_ =	sdelay $0x4  }
0x182: {  	v4 =	vadd.f32 v6, v4;
	v6 =	vmul.f32 v5, v1;
	_ =	sdelay $0x1  }
0x183: {  	v4 =	vadd.f32 v4, v6;
	_ =	sdelay $0x1  }
0x184: {  	v4 =	vmax.f32 v4, $0.0e+00;
	v6 =	vld [tilespmem:s15+$0x4320]  }
0x185: {  	[tilespmem:s15+$0xE710] =	vst.add.f32.msk $0xffff, v4  }
0x186: {  	v4 =	vld [tilespmem:s9+$0xFFFFFFA0];
	_ =	sdelay $0x4  }
0x187: {  	v4 =	vadd.f32 v6, v4;
	v6 =	vmul.f32 v5, v2;
	_ =	sdelay $0x1  }
0x188: {  	v4 =	vadd.f32 v4, v6;
	_ =	sdelay $0x1  }
0x189: {  	v4 =	vmax.f32 v4, $0.0e+00;
	v6 =	vld [tilespmem:s15+$0x4330]  }
0x18a: {  	[tilespmem:s15+$0xE720] =	vst.add.f32.msk $0xffff, v4  }
0x18b: {  	v4 =	vld [tilespmem:s9+$0xFFFFFFB0];
	_ =	sdelay $0x4  }
0x18c: {  	v5 =	vmul.f32 v5, v3;
	v4 =	vadd.f32 v6, v4;
	_ =	sdelay $0x1  }
0x18d: {  	v4 =	vadd.f32 v4, v5;
	_ =	sdelay $0x1  }
0x18e: {  	v4 =	vmax.f32 v4, $0.0e+00  }
0x18f: {  	[tilespmem:s15+$0xE730] =	vst.add.f32.msk $0xffff, v4  }
0x190: {  	v4 =	vld [tilespmem:s16+$0x101]  }
0x191: {  	v5 =	vld.msk [tilespmem:s16+$0x201 ss:$0x0], $0xffff;
	_ =	sdelay $0x3  }
0x192: {  	(v2sf) =	vpush v4, $0x0;
	_ =	sdelay $0xe  }
0x193: {  	s13 =	spop (v2sf)  }
0x194: {  	s16 =	sadd.s32 $0x1, s4;
	s13 =	ssub.s32 s13, s14  }
0x195: {  	p1 =	slt.s32 s16, s0;
	s15 =	sshll.u32 s13, $0x7  }
0x196: {  	p2 =	sge.s32 s16, s30;
	s15 =	simm.s32 @!p1 $0xA000  }
0x197: {  	v4 =	vld [tilespmem:s9+$0x0];
	s15 =	simm.s32 @!p2 $0xA000  }
0x198: {  	v6 =	vld [tilespmem:s15+$0x4300]  }
0x199: {  	v7 =	vld [tilespmem:s15+$0x4310]  }
0x19a: {  	v8 =	vld [tilespmem:s15+$0x4320]  }
0x19b: {  	v9 =	vld [tilespmem:s15+$0x4330];
	_ =	sdelay $0x1  }
0x19c: {  	v4 =	vadd.f32 v6, v4;
	v6 =	vmul.f32 v5, v0;
	_ =	sdelay $0x1  }
0x19d: {  	v4 =	vadd.f32 v4, v6;
	_ =	sdelay $0x1  }
0x19e: {  	v4 =	vmax.f32 v4, $0.0e+00  }
0x19f: {  	[tilespmem:s15+$0xE700] =	vst.add.f32.msk $0xffff, v4  }
0x1a0: {  	v4 =	vld [tilespmem:s9+$0x10];
	_ =	sdelay $0x4  }
0x1a1: {  	v6 =	vmul.f32 v5, v1;
	v4 =	vadd.f32 v7, v4;
	_ =	sdelay $0x1  }
0x1a2: {  	v4 =	vadd.f32 v4, v6;
	_ =	sdelay $0x1  }
0x1a3: {  	v4 =	vmax.f32 v4, $0.0e+00  }
0x1a4: {  	[tilespmem:s15+$0xE710] =	vst.add.f32.msk $0xffff, v4  }
0x1a5: {  	v4 =	vld [tilespmem:s9+$0x20];
	_ =	sdelay $0x4  }
0x1a6: {  	v6 =	vmul.f32 v5, v2;
	v4 =	vadd.f32 v8, v4;
	_ =	sdelay $0x1  }
0x1a7: {  	v4 =	vadd.f32 v4, v6;
	_ =	sdelay $0x1  }
0x1a8: {  	v4 =	vmax.f32 v4, $0.0e+00  }
0x1a9: {  	[tilespmem:s15+$0xE720] =	vst.add.f32.msk $0xffff, v4  }
0x1aa: {  	v4 =	vld [tilespmem:s9+$0x30];
	_ =	sdelay $0x4  }
.Ltmp6:
0x1ab: {  	v5 =	vmul.f32 v5, v3;
	v4 =	vadd.f32 v9, v4;
	(pc) =	sbr.rel @p0 .LBB2_7-.Ltmp6, $3  }
0x1ac: {  	_ = 	snop  }
0x1ad: {  	v4 =	vadd.f32 v4, v5;
	_ =	sdelay $0x1  }
0x1ae: {  	s13 =	smov.u32 s17;
	s9 =	sadd.s32 $0x100, s9;
	v4 =	vmax.f32 v4, $0.0e+00  }
0x1af: {  	s12 =	sshra.s32 s12, $0x2;
	[tilespmem:s15+$0xE730] =	vst.add.f32.msk $0xffff, v4  }
0x1b0: {  	v4 =	vld [tilespmem:s12+$0x100];
	_ =	sdelay $0x4  }
0x1b1: {  	(v2sf) =	vpush v4, $0x0;
	_ =	sdelay $0xe  }
0x1b2: {  	s13 =	spop (v2sf)  }
0x1b3: {  	s4 =	sadd.s32 $0x2, s4;
	s13 =	ssub.s32 s13, s14  }
0x1b4: {  	p0 =	slt.s32 s4, s0;
	s13 =	sshll.u32 s13, $0x7  }
0x1b5: {  	p1 =	sge.s32 s4, s30;
	v5 =	vld.msk [tilespmem:s12+$0x200 ss:$0x0], $0xffff;
	s13 =	simm.s32 @!p0 $0xA000  }
0x1b6: {  	v4 =	vld [tilespmem:s9+$0xFFFFFF80];
	s13 =	simm.s32 @!p1 $0xA000  }
0x1b7: {  	v6 =	vld [tilespmem:s13+$0x4300];
	_ =	sdelay $0x4  }
0x1b8: {  	v53 =	vmul.f32 v5, v0;
	v4 =	vadd.f32 v6, v4;
	_ =	sdelay $0x1  }
0x1b9: {  	v4 =	vadd.f32 v4, v53;
	_ =	sdelay $0x1  }
0x1ba: {  	v54 =	vld [tilespmem:s13+$0x4310];
	v4 =	vmax.f32 v4, $0.0e+00  }
0x1bb: {  	[tilespmem:s13+$0xE700] =	vst.add.f32.msk $0xffff, v4  }
0x1bc: {  	v4 =	vld [tilespmem:s9+$0xFFFFFF90];
	_ =	sdelay $0x4  }
0x1bd: {  	v55 =	vmul.f32 v5, v1;
	v4 =	vadd.f32 v54, v4;
	_ =	sdelay $0x1  }
0x1be: {  	v4 =	vadd.f32 v4, v55;
	_ =	sdelay $0x1  }
0x1bf: {  	v56 =	vld [tilespmem:s13+$0x4320];
	v4 =	vmax.f32 v4, $0.0e+00  }
0x1c0: {  	[tilespmem:s13+$0xE710] =	vst.add.f32.msk $0xffff, v4  }
0x1c1: {  	v4 =	vld [tilespmem:s9+$0xFFFFFFA0];
	_ =	sdelay $0x4  }
0x1c2: {  	v57 =	vmul.f32 v5, v2;
	v4 =	vadd.f32 v56, v4;
	_ =	sdelay $0x1  }
0x1c3: {  	v4 =	vadd.f32 v4, v57;
	_ =	sdelay $0x1  }
0x1c4: {  	v58 =	vld [tilespmem:s13+$0x4330];
	v4 =	vmax.f32 v4, $0.0e+00  }
0x1c5: {  	[tilespmem:s13+$0xE720] =	vst.add.f32.msk $0xffff, v4  }
0x1c6: {  	v4 =	vld [tilespmem:s9+$0xFFFFFFB0];
	_ =	sdelay $0x4  }
0x1c7: {  	v5 =	vmul.f32 v5, v3;
	v4 =	vadd.f32 v58, v4;
	_ =	sdelay $0x1  }
0x1c8: {  	v4 =	vadd.f32 v4, v5;
	_ =	sdelay $0x1  }
0x1c9: {  	v4 =	vmax.f32 v4, $0.0e+00  }
0x1ca: {  	[tilespmem:s13+$0xE730] =	vst.add.f32.msk $0xffff, v4  }
0x1cb: {  	v4 =	vld [tilespmem:s12+$0x101];
	_ =	sdelay $0x4  }
0x1cc: {  	(v2sf) =	vpush v4, $0x0;
	_ =	sdelay $0xe  }
0x1cd: {  	s17 =	spop (v2sf)  }
0x1ce: {  	s4 =	sadd.s32 $0x1, s4;
	s13 =	ssub.s32 s17, s14  }
0x1cf: {  	p0 =	slt.s32 s4, s0;
	s13 =	sshll.u32 s13, $0x7  }
0x1d0: {  	p1 =	sge.s32 s4, s30;
	v5 =	vld [tilespmem:s9+$0x0];
	s13 =	simm.s32 @!p0 $0xA000  }
0x1d1: {  	v4 =	vld.msk [tilespmem:s12+$0x201 ss:$0x0], $0xffff;
	s13 =	simm.s32 @!p1 $0xA000  }
0x1d2: {  	v59 =	vld [tilespmem:s13+$0x4300];
	_ =	sdelay $0x4  }
0x1d3: {  	v60 =	vmul.f32 v4, v0;
	v5 =	vadd.f32 v59, v5;
	_ =	sdelay $0x1  }
0x1d4: {  	v5 =	vadd.f32 v5, v60;
	_ =	sdelay $0x1  }
0x1d5: {  	v7 =	vld [tilespmem:s13+$0x4310];
	v5 =	vmax.f32 v5, $0.0e+00  }
0x1d6: {  	[tilespmem:s13+$0xE700] =	vst.add.f32.msk $0xffff, v5  }
0x1d7: {  	v5 =	vld [tilespmem:s9+$0x10];
	_ =	sdelay $0x4  }
0x1d8: {  	v62 =	vmul.f32 v4, v1;
	v5 =	vadd.f32 v7, v5;
	_ =	sdelay $0x1  }
0x1d9: {  	v5 =	vadd.f32 v5, v62;
	_ =	sdelay $0x1  }
0x1da: {  	v61 =	vld [tilespmem:s13+$0x4320];
	v5 =	vmax.f32 v5, $0.0e+00  }
0x1db: {  	[tilespmem:s13+$0xE710] =	vst.add.f32.msk $0xffff, v5  }
0x1dc: {  	v5 =	vld [tilespmem:s9+$0x20];
	_ =	sdelay $0x4  }
0x1dd: {  	v63 =	vmul.f32 v4, v2;
	v5 =	vadd.f32 v61, v5;
	_ =	sdelay $0x1  }
0x1de: {  	v5 =	vadd.f32 v5, v63;
	_ =	sdelay $0x1  }
0x1df: {  	v8 =	vld [tilespmem:s13+$0x4330];
	v5 =	vmax.f32 v5, $0.0e+00  }
0x1e0: {  	[tilespmem:s13+$0xE720] =	vst.add.f32.msk $0xffff, v5  }
0x1e1: {  	v5 =	vld [tilespmem:s9+$0x30];
	_ =	sdelay $0x3  }
0x1e2: {  	s7 =	sadd.s32 $0x1, s7  }
0x1e3: {  	v4 =	vmul.f32 v4, v3;
	p0 =	sne.s32 s7, s19;
	v5 =	vadd.f32 v8, v5  }
.Ltmp7:
0x1e4: {  	_ = 	snop;
	(pc) =	sbr.rel @p0 .LBB2_6-.Ltmp7, $4  }
.Ltmp8:
0x1e5: {  	v4 =	vadd.f32 v5, v4;
	(pc) =	sbr.rel @!p0 .LBB2_9-.Ltmp8, $4  }
0x1e6: {  	_ = 	snop  }
0x1e7: {  	v4 =	vmax.f32 v4, $0.0e+00  }
0x1e8: {  	s21 =	sadd.s32 $0x80, s21;
	[tilespmem:s13+$0xE730] =	vst.add.f32.msk $0xffff, v4  }
0x1e9: {  	_ = 	snop  }
.LBB2_10:
0x1ea: {  	_ =	sfence.sel $0x180000  }
0x1eb: {  	[bflag:$0x0] =	sbarrier.arrive $0xFFFF  }
0x1ec: {  	_ =	strace $0x90000056  }
0x1ed: {  	s0 =	stileid.u32;
	[bflag:$0x2] =	sbarrier.arrive $0xFFFF  }
0x1ee: {  	p0 =	sne.s32 s0, $0x0;
	s0 =	rddreg [dreg:$0x1]  }
0x1ef: {  	s0 =	sadd.s32 @!p0 $0x100000, s0  }
0x1f0: {  	[sflag:s0] =	ssyncadd.tile.s32 @!p0 $0x1;
	_ =	shalt  }
.Lfunc_end2:
_tile_overlayer_lowered:
.L_overlay_start_2:
0x1f1: {  	(tag) =	ssettag $0x2  }
0x1f2: {  	s0 =	rddreg [dreg:$0x0];
	s2 =	stileid.u32  }
0x1f3: {  	s1 =	rddreg [dreg:$0x1];
	p0 =	sne.s32 s2, $0x0  }
0x1f4: {  	s3 =	rddreg [dreg:$0x2];
	[bflag:$0x3] =	sbarrier.arrive $0xFFFF;
	s2 =	simm.s32 @!p0 $0x1C02  }
0x1f5: {  	[timem:s3], [sflag:s2] =	dma.local @!p0 [hbm:s0], s1  }
0x1f6: {  	s0 =	simm.s32 @!p0 $0x2  }
0x1f7: {  	_ =	swait.ge @!p0 [sflag:s0], s1  }
0x1f8: {  	s1 =	ssub.s32 @!p0 $0x0, s1;
	[sflag:s0] =	ssyncset.done @!p0 $0x0  }
0x1f9: {  	[sflag:s0] =	ssyncadd.s32 @!p0 s1  }
0x1fa: {  	[bflag:$0x3] =	sbarrier.arrive $0xFFFF  }
0x1fb: {  	_ =	shalt  }

// kernel: gather_offload_async_start.1
scs
__scs_entry_jumppad:
0x0: {  	(pc) =	sbr.rel $0x88, $3  }
0x1: {  	(tag) =	ssettag $0x0;
	lr =	simm.s32 $0x1  }
0x2: {  	[smem:$0x3F8A] =	sst lr;
	_ =	strace $0xD0000000  }
0x3: {  	_ = 	snop  }
0x4: {  	_ = 	snop  }
0x5: {  	_ = 	snop  }
0x6: {  	_ = 	snop  }
0x7: {  	_ = 	snop  }
__scs_overlays_trampoline_lowered:
0x8: {  	[smem:$0x3F99] =	sst s0  }
0x9: {  	[smem:$0x3F9A] =	sst s1  }
0xa: {  	[smem:$0x3F9B] =	sst s2  }
0xb: {  	[smem:$0x3F9C] =	sst s3  }
0xc: {  	[smem:$0x3F9D] =	sst s4  }
0xd: {  	[smem:$0x3F9E] =	sst s5  }
0xe: {  	[smem:$0x3F9F] =	sst s6  }
0xf: {  	[smem:$0x3FA0] =	sst s7  }
0x10: {  	[smem:$0x3FA1] =	sst s8  }
0x11: {  	[smem:$0x3FA2] =	sst s9;
	s0 =	simm.s32 @!p0 $0x0  }
0x12: {  	s1 =	sld [smem:$0x3F88];
	s0 =	simm.s32 @p0 $0x1  }
0x13: {  	[smem:$0x3FA3] =	sst s0;
	s0 =	simm.s32 @!p1 $0x0  }
0x14: {  	s2 =	sld [smem:$0x3F87];
	s0 =	simm.s32 @p1 $0x1  }
0x15: {  	[smem:$0x3FA4] =	sst s0;
	s0 =	simm.s32 @!p2 $0x0  }
0x16: {  	s3 =	sld [smem:$0x3FDB];
	s0 =	simm.s32 @p2 $0x1  }
0x17: {  	s4 =	simm.s32 $0x1BF5;
	[smem:$0x3FA6] =	sst s0  }
0x18: {  	s0 =	sld [smem:$0x3F89];
	_ =	swait.ge [sflag:s4], $0x0  }
0x19: {  	s7 =	sld [smem:$0x3F8A]  }
0x1a: {  	s8 =	sadd.s32 $0xFFFFE003, lr  }
0x1b: {  	s9 =	sadd.s32 $0xFFFFFEF7, lr;
	s5 =	simm.s32 $0xFFFFFFFF;
	p2 =	slt.u32 s8, $0xFFFFF086  }
0x1c: {  	p1 =	slt.u32 s9, $0xF7A;
	s5 =	simm.s32 @!p2 $0x0  }
0x1d: {  	s5 =	simm.s32 @p1 $0x1;
	p0 =	seq.s32 s7, s2  }
0x1e: {  	s7 =	smul.u32 @!p0 $0xF7A, s2;
	p2 =	seq.s32 @!p0 s5, $0x0  }
0x1f: {  	s9 =	smul.u32 $0xF7A, s1;
	s8 =	simm.s32 @!p0 $0x1BF5;
	p2 =	por !p2, p0  }
0x20: {  	[sflag:s8] =	ssyncset.s32 @!p0 $0xFFFFF086;
	s6 =	sadd.s32 @!p0 s3, s7;
	s7 =	simm.s32 @!p0 $0x108  }
0x21: {  	s3 =	sadd.s32 s3, s9;
	s6 =	sadd.s32 @!p0 $0x88, s6;
	s7 =	simm.s32 @p2 $0x1082  }
0x22: {  	[simem:s7], [sflag:s8] =	dma.local @!p0 [hbm:s6], $0xF7A  }
0x23: {  	s9 =	sor.u32 $0xD0000000, s2;
	s6 =	simm.s32 $0x108;
	_ =	swait.ge @!p0 [sflag:s8], $0x0  }
0x24: {  	s3 =	sadd.s32 $0x88, s3;
	s6 =	simm.s32 @!p1 $0x1082;
	[sflag:s4] =	ssyncset.s32 $0xFFFFF086  }
0x25: {  	[simem:s6], [sflag:s4] =	dma.local [hbm:s3], $0xF7A  }
0x26: {  	[smem:$0x3F8A] =	sst s1;
	(tag) =	ssettag s2;
	_ =	strace s9  }
0x27: {  	s1 =	sld [smem:$0x3F9A]  }
0x28: {  	s2 =	sld [smem:$0x3F9B]  }
0x29: {  	s4 =	sld [smem:$0x3F9D]  }
0x2a: {  	p0 =	seq.s32 s5, $0x0;
	s5 =	sld [smem:$0x3F9E]  }
0x2b: {  	s6 =	sld [smem:$0x3F9F]  }
0x2c: {  	s7 =	sld [smem:$0x3FA0]  }
0x2d: {  	s3 =	simm.s32 $0x108;
	s8 =	sld [smem:$0x3FA1]  }
0x2e: {  	s3 =	simm.s32 @!p0 $0x1082;
	s9 =	sld [smem:$0x3FA2]  }
0x2f: {  	lr =	sadd.s32 s0, s3;
	s0 =	sld [smem:$0x3F99]  }
0x30: {  	s3 =	sld [smem:$0x3F9C]  }
0x31: {  	[smem:$0x3FA5] =	sst s10  }
0x32: {  	s10 =	sld [smem:$0x3FA3];
	_ =	sdelay $0x3  }
0x33: {  	p0 =	seq.s32 s10, $0x1;
	s10 =	sld [smem:$0x3FA5];
	_ =	sdelay $0x3  }
0x34: {  	[smem:$0x3FA5] =	sst s10  }
0x35: {  	s10 =	sld [smem:$0x3FA4];
	_ =	sdelay $0x3  }
0x36: {  	p1 =	seq.s32 s10, $0x1;
	s10 =	sld [smem:$0x3FA5];
	_ =	sdelay $0x3  }
0x37: {  	[smem:$0x3FA5] =	sst s10  }
0x38: {  	s10 =	sld [smem:$0x3FA6]  }
0x39: {  	_ = 	snop;
	(pc) =	sbr.ind lr, $3  }
0x3a: {  	_ = 	snop  }
0x3b: {  	_ = 	snop  }
0x3c: {  	p2 =	seq.s32 s10, $0x1;
	s10 =	sld [smem:$0x3FA5]  }
0x3d: {  	_ =	shalt  }
0x3e: {  	_ =	shalt  }
0x3f: {  	_ =	shalt  }
0x40: {  	_ =	shalt  }
0x41: {  	_ =	shalt  }
0x42: {  	_ =	shalt  }
0x43: {  	_ =	shalt  }
0x44: {  	_ =	shalt  }
0x45: {  	_ =	shalt  }
0x46: {  	_ =	shalt  }
0x47: {  	_ =	shalt  }
0x48: {  	_ =	shalt  }
0x49: {  	_ =	shalt  }
0x4a: {  	_ =	shalt  }
0x4b: {  	_ =	shalt  }
0x4c: {  	_ =	shalt  }
0x4d: {  	_ =	shalt  }
0x4e: {  	_ =	shalt  }
0x4f: {  	_ =	shalt  }
0x50: {  	_ =	shalt  }
0x51: {  	_ =	shalt  }
0x52: {  	_ =	shalt  }
0x53: {  	_ =	shalt  }
0x54: {  	_ =	shalt  }
0x55: {  	_ =	shalt  }
0x56: {  	_ =	shalt  }
0x57: {  	_ =	shalt  }
0x58: {  	_ =	shalt  }
0x59: {  	_ =	shalt  }
0x5a: {  	_ =	shalt  }
0x5b: {  	_ =	shalt  }
0x5c: {  	_ =	shalt  }
0x5d: {  	_ =	shalt  }
0x5e: {  	_ =	shalt  }
0x5f: {  	_ =	shalt  }
0x60: {  	_ =	shalt  }
0x61: {  	_ =	shalt  }
0x62: {  	_ =	shalt  }
0x63: {  	_ =	shalt  }
0x64: {  	_ =	shalt  }
0x65: {  	_ =	shalt  }
0x66: {  	_ =	shalt  }
0x67: {  	_ =	shalt  }
0x68: {  	_ =	shalt  }
0x69: {  	_ =	shalt  }
0x6a: {  	_ =	shalt  }
0x6b: {  	_ =	shalt  }
0x6c: {  	_ =	shalt  }
0x6d: {  	_ =	shalt  }
0x6e: {  	_ =	shalt  }
0x6f: {  	_ =	shalt  }
0x70: {  	_ =	shalt  }
0x71: {  	_ =	shalt  }
0x72: {  	_ =	shalt  }
0x73: {  	_ =	shalt  }
0x74: {  	_ =	shalt  }
0x75: {  	_ =	shalt  }
0x76: {  	_ =	shalt  }
0x77: {  	_ =	shalt  }
0x78: {  	_ =	shalt  }
0x79: {  	_ =	shalt  }
0x7a: {  	_ =	shalt  }
0x7b: {  	_ =	shalt  }
0x7c: {  	_ =	shalt  }
0x7d: {  	_ =	shalt  }
0x7e: {  	_ =	shalt  }
0x7f: {  	_ =	shalt  }
0x80: {  	_ =	shalt  }
0x81: {  	_ =	shalt  }
0x82: {  	_ =	shalt  }
0x83: {  	_ =	shalt  }
0x84: {  	_ =	shalt  }
0x85: {  	_ =	shalt  }
0x86: {  	_ =	shalt  }
0x87: {  	_ =	shalt  }
.Lfunc_end0:
.L_simem_size_0:
called_computation.1_lowered:
.L_overlay_start_0:
0x88: {  	s2 =	sld [smem:$0x3FD9]  }
0x89: {  	s3 =	sld [smem:$0x3FFE];
	_ =	sdelay $0x1  }
0x8a: {  	s1 =	srdreg.scid  }
0x8b: {  	s0 =	sand.u32 $0x1, s1  }
0x8c: {  	s16 =	sshll.u32 s0, $0xA;
	s2 =	sadd.s32 s3, s2  }
0x8d: {  	s2 =	sadd.s32 s2, s16  }
0x8e: {  	[smem:$0x3FB1] =	sst s2  }
0x8f: {  	_ = 	snop  }
0x90: {  	(tm) =	ssettm $0x1  }
0x91: {  	s17 =	sld [smem:$0x3FFB];
	_ =	sdelay $0x3  }
0x92: {  	_ =	strace s17  }
0x93: {  	s2 =	sld [smem:$0x3FFC];
	_ =	sdelay $0x3  }
0x94: {  	_ =	strace s2  }
0x95: {  	s2 =	sld [smem:$0x3FFD];
	_ =	sdelay $0x3  }
0x96: {  	_ =	strace s2  }
0x97: {  	_ =	strace $0x8FFFFFFF  }
0x98: {  	s18 =	sld [smem:$0x3FDB];
	_ =	sdelay $0x1  }
0x99: {  	s19 =	simm.s32 $_scs_section_size  }
0x9a: {  	s4 =	simm.s32 $_size__tile_overlayer_lowered;
	s5 =	simm.s32 $_tile_overlayer_lowered  }
0x9b: {  	s22 =	simm.s32 $0x1BFF;
	s21 =	sshll.u32 s5, $0x1;
	s2 =	sadd.s32 s19, s18  }
0x9c: {  	s6 =	simm.s32 $0x0;
	s20 =	sshll.u32 s4, $0x1;
	s4 =	sadd.s32 s21, s2  }
0x9d: {  	[timem:s6], [sflag:s22] =	dma.local [hbm:s4], s20  }
0x9e: {  	_ =	swait.ge [sflag:s22], s20  }
0x9f: {  	s3 =	ssub.s32 $0x0, s20;
	[sflag:s22] =	ssyncset.done $0x0  }
0xa0: {  	[sflag:s22] =	ssyncadd.s32 s3;
	_ =	sdelay $0x1  }
0xa1: {  	s23 =	simm.s32 $0x1B8B  }
0xa2: {  	_ =	swait.ge [sflag:s23], $0x1  }
0xa3: {  	[sflag:s23] =	ssyncset.done $0x0  }
0xa4: {  	s25 =	simm.s32 $0x1B8E;
	s24 =	sld [smem:$0x3FFE];
	[sflag:s23] =	ssyncadd.s32 $0xFFFFFFFF  }
0xa5: {  	s26 =	simm.s32 $execute0_lowered;
	[smem:$0x3FD2] =	sst s25  }
0xa6: {  	s4 =	sshll.u32 s26, $0x1;
	_ =	strace $0x80000049;
	[dreg:$0x1] =	wrdreg $0xFFFFFFFF  }
0xa7: {  	s28 =	simm.s32 $_size_execute0_lowered;
	s2 =	sadd.s32 s2, s4;
	[dreg:$0x0] =	wrdreg $0x0  }
0xa8: {  	s4 =	sshll.u32 s28, $0x1;
	[dreg:$0x2] =	wrdreg s2  }
0xa9: {  	[dreg:$0x3] =	wrdreg s4  }
0xaa: {  	[dreg:$0x4] =	wrdreg $0xC0  }
0xab: {  	_ =	task [dreg:s6], $0x5FFFF  }
0xac: {  	[dreg:$0x1] =	wrdreg $0xFFFFFFFF  }
0xad: {  	[dreg:$0x0] =	wrdreg $0x60  }
0xae: {  	[dreg:$0x2] =	wrdreg s24  }
0xaf: {  	[dreg:$0x3] =	wrdreg $0x9  }
0xb0: {  	_ =	task.clear_ibuf [dreg:s6], $0x4FFFF;
	_ =	strace $0x90000049  }
0xb1: {  	s29 =	simm.s32 $0x9;
	_ =	strace $0x8000004B  }
0xb2: {  	_ =	swait.ge [sflag:s29], $0x1  }
0xb3: {  	[sflag:s29] =	ssyncadd.s32 $0xFFFFFFFF  }
0xb4: {  	_ =	strace $0x9000004B  }
0xb5: {  	_ =	sfence  }
0xb6: {  	s30 =	sld [smem:$0x0];
	_ =	sdelay $0x2  }
0xb7: {  	s31 =	sshll.u32 s1, $0xD;
	s1 =	sshrl.u32 s1, $0x2  }
0xb8: {  	s3 =	sand.u32 $0x4000, s31;
	s1 =	sadd.s32 s1, s30  }
0xb9: {  	s0 =	sor.u32 s3, s0;
	s1 =	sshll.u32 s1, $0x11  }
0xba: {  	s0 =	sor.u32 s1, s0  }
0xbb: {  	s0 =	sadd.s32 $0x8F2B, s0  }
0xbc: {  	[sflag:s0] =	ssyncadd.remote.s32 $0x1  }
0xbd: {  	_ =	sfence.sel $0xFFFF  }
0xbe: {  	[dreg:$0x0] =	wrdreg $0xFFFFFFFF;
	(pc) =	sbr.abs _section_cstart, $3  }
0xbf: {  	[dreg:$0x1] =	wrdreg $0xFFFFFFFF  }
0xc0: {  	_ =	task.clear_ibuf [dreg:s6], $0x2FFFF;
	_ =	strace $0x9FFFFFFF  }
0xc1: {  	(tm) =	ssettm $0x7FFFFFFF  }
tec
execute0_lowered:
.L_overlay_start_1:
0x0: {  	(tag) =	ssettag $0x1  }
0x1: {  	s8 =	rddreg [dreg:$0x0]  }
0x2: {  	s0 =	rddreg [dreg:$0x1];
	_ =	strace $0x8000004A;
	s1 =	stileid.u32  }
0x3: {  	s3 =	srdreg.scid;
	s4 =	simm.s32 $0x1;
	s7 =	simm.s32 $0x1  }
0x4: {  	s9 =	simm.s32 $0x1;
	s10 =	simm.s32 $0x3;
	s13 =	simm.s32 $0x0  }
0x5: {  	s12 =	simm.s32 $0x0;
	s5 =	sand.u32 $0x1, s3;
	s6 =	sshll.u32 s1, $0x1  }
0x6: {  	s2 =	sadd.s32 $0x57800, s8;
	s3 =	sadd.s32 $0x5800, s8;
	s5 =	sor.u32 s6, s5  }
.Ltmp0:
0x7: {  	[sflag:s4] =	ssyncpa.u1 $0x0;
	p0 =	slt.u32 s5, $0x15;
	(pc) =	sbr.rel .LBB2_1-.Ltmp0, $4  }
0x8: {  	s6 =	simm.s32 $0x2;
	s7 =	simm.s32 @!p0 $0x0;
	p0 =	sne.s32 s5, $0x14  }
0x9: {  	[sflag:s6] =	ssyncpa.u1 $0x0;
	s5 =	smul.u32 $0x350, s5;
	s9 =	simm.s32 @!p0 $0x0  }
0xa: {  	s8 =	sadd.s32 $0x4200, s8;
	[sflag:s10] =	ssyncpa.u1 $0x0;
	s7 =	sadd.s32 s9, s7  }
0xb: {  	vm0 =	vmmov $0xffff;
	s10 =	simm.s32 $0x0;
	s11 =	smov.u32 s5;
	s9 =	sadd.s32 $0x1, s7  }
.LBB2_4:
0xc: {  	v2 =	vnsel vm1, $0x0, v2  }
0xd: {  	vm1 =	vgt.s32 v0, $0x0;
	v2 =	vmin.u32 v2, $0xAC3F  }
0xe: {  	v0 =	vnsel vm1, $0x0, v0  }
0xf: {  	v0 =	vmin.u32 v0, $0xAC3F  }
0x10: {  	[tilespmem:s18], [sflag:$0x1] =	stream.indirect_vreg.gather [hbm4b:s2+s10], $0x1, v1, vm0, $0x4038;
	[tilespmem:$0xD40] =	vst v63  }
0x11: {  	(ifvalue) =	ssetifvalue $0x7FFFFFFF  }
0x12: {  	[tilespmem:s15], [sflag:$0x1] =	stream.indirect_vreg.gather [hbm4b:s2+s10], $0x1, v2, vm0, $0x4038;
	[tilespmem:$0xD40] =	vst v63  }
0x13: {  	s29 =	sadd.s32 $0x10, s15;
	(ifvalue) =	ssetifvalue $0x7FFFFFFF  }
0x14: {  	[tilespmem:s29], [sflag:$0x1] =	stream.indirect_vreg.gather [hbm4b:s2+s10], $0x1, v0, vm0, $0x4038;
	[tilespmem:$0xD40] =	vst v63  }
0x15: {  	_ =	swait.ge [sflag:s4], $0x350  }
0x16: {  	s30 =	sshrl.u32 s13, $0x3;
	[sflag:s4] =	ssyncset.done $0x0  }
0x17: {  	s31 =	sand.u32 $0x7, s13;
	s15 =	sadd.s32 s8, s30;
	[sflag:s4] =	ssyncadd.s32 $0xFFFFFCB0  }
0x18: {  	[hbm4b:s15+s31] =	stream.linear.scatter [tilespmem:s14], [sflag:$0x3], $0x350, $0x38;
	[tilespmem:$0xD40] =	vst v63  }
.LBB2_5:
0x19: {  	s15 =	sadd.s32 $0x6A00, s11  }
0x1a: {  	p1 =	sgt.s32 s15, $0xAC3F  }
0x1b: {  	s15 =	smov.u32 @p1 s5;
	p1 =	sne.s32 s12, s9  }
.Ltmp1:
0x1c: {  	p0 =	slt.u32 s12, $0x2;
	(pc) =	sbr.rel @!p1 .LBB2_6-.Ltmp1, $4  }
0x1d: {  	s14 =	simm.s32 @!p0 $0x3  }
0x1e: {  	_ =	swait.ge @!p0 [sflag:s14], $0x350  }
0x1f: {  	s16 =	sadd.s32 $0x1, s12;
	s13 =	smov.u32 s11;
	[sflag:s14] =	ssyncset.done @!p0 $0x0  }
0x20: {  	s12 =	smov.u32 s16;
	s11 =	smov.u32 s15;
	[sflag:s14] =	ssyncadd.s32 @!p0 $0xFFFFFCB0  }
.LBB2_1:
0x21: {  	p0 =	sge.u32 s12, s7  }
0x22: {  	s14 =	sxor.u32 @!p0 $0x1, s12  }
0x23: {  	s14 =	smul.u32 @!p0 $0xD40, s14  }
0x24: {  	s31 =	sadd.s32 $0xFFFFFFFF, s12;
	s15 =	sshrl.u32 @!p0 s11, $0x3  }
0x25: {  	s16 =	sand.u32 @!p0 $0x7, s11;
	s15 =	sadd.s32 @!p0 s3, s15;
	s14 =	sshra.s32 @!p0 s14, $0x2  }
0x26: {  	[tilespmem:s14], [sflag:$0x2] =	stream.linear.gather @!p0 [hbm4b:s15+s16], $0x350, $0x38;
	[tilespmem:$0xD40] =	vst v63  }
0x27: {  	p0 =	sge.u32 s31, s7  }
.Ltmp2:
0x28: {  	_ = 	snop;
	(pc) =	sbr.rel @p0 .LBB2_5-.Ltmp2, $1  }
0x29: {  	_ =	sdelay $0x3  }
0x2a: {  	s14 =	sand.u32 $0x1, s12  }
0x2b: {  	_ =	swait.ge [sflag:s6], $0x350;
	p0 =	seq.s32 s14, $0x1;
	s14 =	simm.s32 $0x350  }
0x2c: {  	[sflag:s6] =	ssyncset.done $0x0;
	s14 =	simm.s32 @!p0 $0x0  }
0x2d: {  	[sflag:s6] =	ssyncadd.s32 $0xFFFFFCB0;
	(ifvalue) =	ssetifvalue $0x7FFFFFFF;
	v0 =	vld.msk [tilespmem:s14+$0x0 ss:$0x1], $0xffff;
	_ =	sdelay $0x4  }
0x2e: {  	s15 =	sadd.s32 $0x10, s14;
	vm1 =	vgt.s32 v0, $0x0  }
0x2f: {  	v2 =	vld.msk [tilespmem:s15+$0x0 ss:$0x1], $0xffff;
	v1 =	vnsel vm1, $0x0, v0  }
0x30: {  	v1 =	vmin.u32 v1, $0xAC3F;
	_ =	sdelay $0x2  }
0x31: {  	s17 =	simm.s32 $0x20;
	s14 =	sadd.s32 $0x6A0, s14;
	s16 =	sadd.s32 $0x10, s15  }
0x32: {  	s15 =	sadd.s32 $0x10, s14;
	s18 =	smov.u32 s14;
	v0 =	vld.msk [tilespmem:s16+$0x0 ss:$0x1], $0xffff;
	vm1 =	vgt.s32 v2, $0x0;
	(ifvalue) =	ssetifvalue $0x7FFFFFFF  }
.LBB2_3:
0x33: {  	[tilespmem:s18], [sflag:$0x1] =	stream.indirect_vreg.gather [hbm4b:s2+s10], $0x1, v1, vm0, $0x4038;
	[tilespmem:$0xD40] =	vst v63  }
0x34: {  	s17 =	sadd.s32 $0x10, s17  }
0x35: {  	v2 =	vnsel vm1, $0x0, v2;
	p0 =	slt.u32 s17, $0x340  }
.Ltmp3:
0x36: {  	s18 =	smov.u32 s15;
	v1 =	vmin.u32 v2, $0xAC3F;
	(pc) =	sbr.rel @p0 .LBB2_3-.Ltmp3, $3  }
0x37: {  	_ =	sdelay $0x1  }
0x38: {  	s16 =	sadd.s32 $0x10, s16  }
0x39: {  	vm1 =	vgt.s32 v0, $0x0;
	s15 =	sadd.s32 $0x10, s15;
	v2 =	vmov v0;
	(ifvalue) =	ssetifvalue $0x7FFFFFFF;
	v0 =	vld.msk [tilespmem:s16+$0x0 ss:$0x1], $0xffff  }
.Ltmp4:
0x3a: {  	_ = 	snop;
	(pc) =	sbr.rel .LBB2_4-.Ltmp4, $1  }
0x3b: {  	_ =	sdelay $0x3  }
.LBB2_6:
0x3c: {  	_ =	sfence.sel $0x180000  }
0x3d: {  	s2 =	simm.s32 $0x2;
	[bflag:$0x0] =	sbarrier.arrive $0xFFFF  }
0x3e: {  	s30 =	simm.s32 $0x3;
	[sflag:s2] =	ssyncpa.u1 $0x1  }
0x3f: {  	s31 =	simm.s32 $0x1;
	[sflag:s30] =	ssyncpa.u1 $0x1  }
0x40: {  	[sflag:s31] =	ssyncpa.u1 $0x1  }
0x41: {  	p0 =	sne.s32 s1, $0x0;
	_ =	strace $0x9000004A  }
0x42: {  	s0 =	sadd.s32 @!p0 $0x100000, s0;
	[bflag:$0x2] =	sbarrier.arrive $0xFFFF  }
0x43: {  	[sflag:s0] =	ssyncadd.tile.s32 @!p0 $0x1;
	_ =	shalt  }
.Lfunc_end2:
_tile_overlayer_lowered:
.L_overlay_start_2:
0x44: {  	(tag) =	ssettag $0x2  }
0x45: {  	s0 =	rddreg [dreg:$0x0];
	s2 =	stileid.u32  }
0x46: {  	s1 =	rddreg [dreg:$0x1];
	p0 =	sne.s32 s2, $0x0  }
0x47: {  	s3 =	rddreg [dreg:$0x2];
	[bflag:$0x3] =	sbarrier.arrive $0xFFFF;
	s2 =	simm.s32 @!p0 $0x1C01  }
0x48: {  	[timem:s3], [sflag:s2] =	dma.local @!p0 [hbm:s0], s1  }
0x49: {  	s0 =	simm.s32 @!p0 $0x1  }
0x4a: {  	_ =	swait.ge @!p0 [sflag:s0], s1  }
0x4b: {  	s1 =	ssub.s32 @!p0 $0x0, s1;
	[sflag:s0] =	ssyncset.done @!p0 $0x0  }
0x4c: {  	[sflag:s0] =	ssyncadd.s32 @!p0 s1  }
0x4d: {  	[bflag:$0x3] =	sbarrier.arrive $0xFFFF  }
0x4e: {  	_ =	shalt  }

// kernel: gather_offload_async_start.2
scs
__scs_entry_jumppad:
0x0: {  	(pc) =	sbr.rel $0x88, $3  }
0x1: {  	(tag) =	ssettag $0x0;
	lr =	simm.s32 $0x1  }
0x2: {  	[smem:$0x3F8A] =	sst lr;
	_ =	strace $0xD0000000  }
0x3: {  	_ = 	snop  }
0x4: {  	_ = 	snop  }
0x5: {  	_ = 	snop  }
0x6: {  	_ = 	snop  }
0x7: {  	_ = 	snop  }
__scs_overlays_trampoline_lowered:
0x8: {  	[smem:$0x3F99] =	sst s0  }
0x9: {  	[smem:$0x3F9A] =	sst s1  }
0xa: {  	[smem:$0x3F9B] =	sst s2  }
0xb: {  	[smem:$0x3F9C] =	sst s3  }
0xc: {  	[smem:$0x3F9D] =	sst s4  }
0xd: {  	[smem:$0x3F9E] =	sst s5  }
0xe: {  	[smem:$0x3F9F] =	sst s6  }
0xf: {  	[smem:$0x3FA0] =	sst s7  }
0x10: {  	[smem:$0x3FA1] =	sst s8  }
0x11: {  	[smem:$0x3FA2] =	sst s9;
	s0 =	simm.s32 @!p0 $0x0  }
0x12: {  	s1 =	sld [smem:$0x3F88];
	s0 =	simm.s32 @p0 $0x1  }
0x13: {  	[smem:$0x3FA3] =	sst s0;
	s0 =	simm.s32 @!p1 $0x0  }
0x14: {  	s2 =	sld [smem:$0x3F87];
	s0 =	simm.s32 @p1 $0x1  }
0x15: {  	[smem:$0x3FA4] =	sst s0;
	s0 =	simm.s32 @!p2 $0x0  }
0x16: {  	s3 =	sld [smem:$0x3FDB];
	s0 =	simm.s32 @p2 $0x1  }
0x17: {  	s4 =	simm.s32 $0x1BF5;
	[smem:$0x3FA6] =	sst s0  }
0x18: {  	s0 =	sld [smem:$0x3F89];
	_ =	swait.ge [sflag:s4], $0x0  }
0x19: {  	s7 =	sld [smem:$0x3F8A]  }
0x1a: {  	s8 =	sadd.s32 $0xFFFFE003, lr  }
0x1b: {  	s9 =	sadd.s32 $0xFFFFFEF7, lr;
	s5 =	simm.s32 $0xFFFFFFFF;
	p2 =	slt.u32 s8, $0xFFFFF086  }
0x1c: {  	p1 =	slt.u32 s9, $0xF7A;
	s5 =	simm.s32 @!p2 $0x0  }
0x1d: {  	s5 =	simm.s32 @p1 $0x1;
	p0 =	seq.s32 s7, s2  }
0x1e: {  	s7 =	smul.u32 @!p0 $0xF7A, s2;
	p2 =	seq.s32 @!p0 s5, $0x0  }
0x1f: {  	s9 =	smul.u32 $0xF7A, s1;
	s8 =	simm.s32 @!p0 $0x1BF5;
	p2 =	por !p2, p0  }
0x20: {  	[sflag:s8] =	ssyncset.s32 @!p0 $0xFFFFF086;
	s6 =	sadd.s32 @!p0 s3, s7;
	s7 =	simm.s32 @!p0 $0x108  }
0x21: {  	s3 =	sadd.s32 s3, s9;
	s6 =	sadd.s32 @!p0 $0x88, s6;
	s7 =	simm.s32 @p2 $0x1082  }
0x22: {  	[simem:s7], [sflag:s8] =	dma.local @!p0 [hbm:s6], $0xF7A  }
0x23: {  	s9 =	sor.u32 $0xD0000000, s2;
	s6 =	simm.s32 $0x108;
	_ =	swait.ge @!p0 [sflag:s8], $0x0  }
0x24: {  	s3 =	sadd.s32 $0x88, s3;
	s6 =	simm.s32 @!p1 $0x1082;
	[sflag:s4] =	ssyncset.s32 $0xFFFFF086  }
0x25: {  	[simem:s6], [sflag:s4] =	dma.local [hbm:s3], $0xF7A  }
0x26: {  	[smem:$0x3F8A] =	sst s1;
	(tag) =	ssettag s2;
	_ =	strace s9  }
0x27: {  	s1 =	sld [smem:$0x3F9A]  }
0x28: {  	s2 =	sld [smem:$0x3F9B]  }
0x29: {  	s4 =	sld [smem:$0x3F9D]  }
0x2a: {  	p0 =	seq.s32 s5, $0x0;
	s5 =	sld [smem:$0x3F9E]  }
0x2b: {  	s6 =	sld [smem:$0x3F9F]  }
0x2c: {  	s7 =	sld [smem:$0x3FA0]  }
0x2d: {  	s3 =	simm.s32 $0x108;
	s8 =	sld [smem:$0x3FA1]  }
0x2e: {  	s3 =	simm.s32 @!p0 $0x1082;
	s9 =	sld [smem:$0x3FA2]  }
0x2f: {  	lr =	sadd.s32 s0, s3;
	s0 =	sld [smem:$0x3F99]  }
0x30: {  	s3 =	sld [smem:$0x3F9C]  }
0x31: {  	[smem:$0x3FA5] =	sst s10  }
0x32: {  	s10 =	sld [smem:$0x3FA3];
	_ =	sdelay $0x3  }
0x33: {  	p0 =	seq.s32 s10, $0x1;
	s10 =	sld [smem:$0x3FA5];
	_ =	sdelay $0x3  }
0x34: {  	[smem:$0x3FA5] =	sst s10  }
0x35: {  	s10 =	sld [smem:$0x3FA4];
	_ =	sdelay $0x3  }
0x36: {  	p1 =	seq.s32 s10, $0x1;
	s10 =	sld [smem:$0x3FA5];
	_ =	sdelay $0x3  }
0x37: {  	[smem:$0x3FA5] =	sst s10  }
0x38: {  	s10 =	sld [smem:$0x3FA6]  }
0x39: {  	_ = 	snop;
	(pc) =	sbr.ind lr, $3  }
0x3a: {  	_ = 	snop  }
0x3b: {  	_ = 	snop  }
0x3c: {  	p2 =	seq.s32 s10, $0x1;
	s10 =	sld [smem:$0x3FA5]  }
0x3d: {  	_ =	shalt  }
0x3e: {  	_ =	shalt  }
0x3f: {  	_ =	shalt  }
0x40: {  	_ =	shalt  }
0x41: {  	_ =	shalt  }
0x42: {  	_ =	shalt  }
0x43: {  	_ =	shalt  }
0x44: {  	_ =	shalt  }
0x45: {  	_ =	shalt  }
0x46: {  	_ =	shalt  }
0x47: {  	_ =	shalt  }
0x48: {  	_ =	shalt  }
0x49: {  	_ =	shalt  }
0x4a: {  	_ =	shalt  }
0x4b: {  	_ =	shalt  }
0x4c: {  	_ =	shalt  }
0x4d: {  	_ =	shalt  }
0x4e: {  	_ =	shalt  }
0x4f: {  	_ =	shalt  }
0x50: {  	_ =	shalt  }
0x51: {  	_ =	shalt  }
0x52: {  	_ =	shalt  }
0x53: {  	_ =	shalt  }
0x54: {  	_ =	shalt  }
0x55: {  	_ =	shalt  }
0x56: {  	_ =	shalt  }
0x57: {  	_ =	shalt  }
0x58: {  	_ =	shalt  }
0x59: {  	_ =	shalt  }
0x5a: {  	_ =	shalt  }
0x5b: {  	_ =	shalt  }
0x5c: {  	_ =	shalt  }
0x5d: {  	_ =	shalt  }
0x5e: {  	_ =	shalt  }
0x5f: {  	_ =	shalt  }
0x60: {  	_ =	shalt  }
0x61: {  	_ =	shalt  }
0x62: {  	_ =	shalt  }
0x63: {  	_ =	shalt  }
0x64: {  	_ =	shalt  }
0x65: {  	_ =	shalt  }
0x66: {  	_ =	shalt  }
0x67: {  	_ =	shalt  }
0x68: {  	_ =	shalt  }
0x69: {  	_ =	shalt  }
0x6a: {  	_ =	shalt  }
0x6b: {  	_ =	shalt  }
0x6c: {  	_ =	shalt  }
0x6d: {  	_ =	shalt  }
0x6e: {  	_ =	shalt  }
0x6f: {  	_ =	shalt  }
0x70: {  	_ =	shalt  }
0x71: {  	_ =	shalt  }
0x72: {  	_ =	shalt  }
0x73: {  	_ =	shalt  }
0x74: {  	_ =	shalt  }
0x75: {  	_ =	shalt  }
0x76: {  	_ =	shalt  }
0x77: {  	_ =	shalt  }
0x78: {  	_ =	shalt  }
0x79: {  	_ =	shalt  }
0x7a: {  	_ =	shalt  }
0x7b: {  	_ =	shalt  }
0x7c: {  	_ =	shalt  }
0x7d: {  	_ =	shalt  }
0x7e: {  	_ =	shalt  }
0x7f: {  	_ =	shalt  }
0x80: {  	_ =	shalt  }
0x81: {  	_ =	shalt  }
0x82: {  	_ =	shalt  }
0x83: {  	_ =	shalt  }
0x84: {  	_ =	shalt  }
0x85: {  	_ =	shalt  }
0x86: {  	_ =	shalt  }
0x87: {  	_ =	shalt  }
.Lfunc_end0:
.L_simem_size_0:
called_computation.2_lowered:
.L_overlay_start_0:
0x88: {  	s2 =	sld [smem:$0x3FD9]  }
0x89: {  	s3 =	sld [smem:$0x3FFE];
	_ =	sdelay $0x1  }
0x8a: {  	s1 =	srdreg.scid  }
0x8b: {  	s0 =	sand.u32 $0x1, s1  }
0x8c: {  	s16 =	sshll.u32 s0, $0xA;
	s2 =	sadd.s32 s3, s2  }
0x8d: {  	s2 =	sadd.s32 s2, s16  }
0x8e: {  	[smem:$0x3FB1] =	sst s2  }
0x8f: {  	_ = 	snop  }
0x90: {  	(tm) =	ssettm $0x1  }
0x91: {  	s17 =	sld [smem:$0x3FFB];
	_ =	sdelay $0x3  }
0x92: {  	_ =	strace s17  }
0x93: {  	s2 =	sld [smem:$0x3FFC];
	_ =	sdelay $0x3  }
0x94: {  	_ =	strace s2  }
0x95: {  	s2 =	sld [smem:$0x3FFD];
	_ =	sdelay $0x3  }
0x96: {  	_ =	strace s2  }
0x97: {  	_ =	strace $0x8FFFFFFF  }
0x98: {  	s18 =	sld [smem:$0x3FDB];
	_ =	sdelay $0x1  }
0x99: {  	s19 =	simm.s32 $_scs_section_size  }
0x9a: {  	s4 =	simm.s32 $_size__tile_overlayer_lowered;
	s5 =	simm.s32 $_tile_overlayer_lowered  }
0x9b: {  	s22 =	simm.s32 $0x1BFF;
	s21 =	sshll.u32 s5, $0x1;
	s2 =	sadd.s32 s19, s18  }
0x9c: {  	s6 =	simm.s32 $0x0;
	s20 =	sshll.u32 s4, $0x1;
	s4 =	sadd.s32 s21, s2  }
0x9d: {  	[timem:s6], [sflag:s22] =	dma.local [hbm:s4], s20  }
0x9e: {  	_ =	swait.ge [sflag:s22], s20  }
0x9f: {  	s3 =	ssub.s32 $0x0, s20;
	[sflag:s22] =	ssyncset.done $0x0  }
0xa0: {  	[sflag:s22] =	ssyncadd.s32 s3;
	_ =	sdelay $0x1  }
0xa1: {  	s23 =	simm.s32 $0x1B8B  }
0xa2: {  	_ =	swait.ge [sflag:s23], $0x1  }
0xa3: {  	[sflag:s23] =	ssyncset.done $0x0  }
0xa4: {  	s25 =	simm.s32 $0x1B8E;
	s24 =	sld [smem:$0x3FFE];
	[sflag:s23] =	ssyncadd.s32 $0xFFFFFFFF  }
0xa5: {  	s26 =	simm.s32 $execute0_lowered;
	[smem:$0x3FD2] =	sst s25  }
0xa6: {  	s4 =	sshll.u32 s26, $0x1;
	_ =	strace $0x8000004C;
	[dreg:$0x1] =	wrdreg $0xFFFFFFFF  }
0xa7: {  	s28 =	simm.s32 $_size_execute0_lowered;
	s2 =	sadd.s32 s2, s4;
	[dreg:$0x0] =	wrdreg $0x0  }
0xa8: {  	s4 =	sshll.u32 s28, $0x1;
	[dreg:$0x2] =	wrdreg s2  }
0xa9: {  	[dreg:$0x3] =	wrdreg s4  }
0xaa: {  	[dreg:$0x4] =	wrdreg $0xC0  }
0xab: {  	_ =	task [dreg:s6], $0x5FFFF  }
0xac: {  	[dreg:$0x1] =	wrdreg $0xFFFFFFFF  }
0xad: {  	[dreg:$0x0] =	wrdreg $0x60  }
0xae: {  	[dreg:$0x2] =	wrdreg s24  }
0xaf: {  	[dreg:$0x3] =	wrdreg $0x9  }
0xb0: {  	_ =	task.clear_ibuf [dreg:s6], $0x4FFFF;
	_ =	strace $0x9000004C  }
0xb1: {  	s29 =	simm.s32 $0x9;
	_ =	strace $0x8000004E  }
0xb2: {  	_ =	swait.ge [sflag:s29], $0x1  }
0xb3: {  	[sflag:s29] =	ssyncadd.s32 $0xFFFFFFFF  }
0xb4: {  	_ =	strace $0x9000004E  }
0xb5: {  	_ =	sfence  }
0xb6: {  	s30 =	sld [smem:$0x0];
	_ =	sdelay $0x2  }
0xb7: {  	s31 =	sshll.u32 s1, $0xD;
	s1 =	sshrl.u32 s1, $0x2  }
0xb8: {  	s3 =	sand.u32 $0x4000, s31;
	s1 =	sadd.s32 s1, s30  }
0xb9: {  	s0 =	sor.u32 s3, s0;
	s1 =	sshll.u32 s1, $0x11  }
0xba: {  	s0 =	sor.u32 s1, s0  }
0xbb: {  	s0 =	sadd.s32 $0x8F2B, s0  }
0xbc: {  	[sflag:s0] =	ssyncadd.remote.s32 $0x1  }
0xbd: {  	_ =	sfence.sel $0xFFFF  }
0xbe: {  	[dreg:$0x0] =	wrdreg $0xFFFFFFFF;
	(pc) =	sbr.abs _section_cstart, $3  }
0xbf: {  	[dreg:$0x1] =	wrdreg $0xFFFFFFFF  }
0xc0: {  	_ =	task.clear_ibuf [dreg:s6], $0x2FFFF;
	_ =	strace $0x9FFFFFFF  }
0xc1: {  	(tm) =	ssettm $0x7FFFFFFF  }
tec
execute0_lowered:
.L_overlay_start_1:
0x0: {  	(tag) =	ssettag $0x1  }
0x1: {  	s8 =	rddreg [dreg:$0x0]  }
0x2: {  	s0 =	rddreg [dreg:$0x1];
	_ =	strace $0x8000004D;
	s1 =	stileid.u32  }
0x3: {  	s3 =	srdreg.scid;
	s4 =	simm.s32 $0x1;
	s7 =	simm.s32 $0x1  }
0x4: {  	s9 =	simm.s32 $0x1;
	s10 =	simm.s32 $0x3;
	s13 =	simm.s32 $0x0  }
0x5: {  	s12 =	simm.s32 $0x0;
	s5 =	sand.u32 $0x1, s3;
	s6 =	sshll.u32 s1, $0x1  }
0x6: {  	s2 =	sadd.s32 $0x58E00, s8;
	s3 =	sadd.s32 $0x5800, s8;
	s5 =	sor.u32 s6, s5  }
.Ltmp0:
0x7: {  	[sflag:s4] =	ssyncpa.u1 $0x0;
	p0 =	slt.u32 s5, $0x15;
	(pc) =	sbr.rel .LBB2_1-.Ltmp0, $4  }
0x8: {  	s6 =	simm.s32 $0x2;
	s7 =	simm.s32 @!p0 $0x0;
	p0 =	sne.s32 s5, $0x14  }
0x9: {  	[sflag:s6] =	ssyncpa.u1 $0x0;
	s5 =	smul.u32 $0x350, s5;
	s9 =	simm.s32 @!p0 $0x0  }
0xa: {  	s8 =	sadd.s32 $0x4200, s8;
	[sflag:s10] =	ssyncpa.u1 $0x0;
	s7 =	sadd.s32 s9, s7  }
0xb: {  	vm0 =	vmmov $0xffff;
	s10 =	simm.s32 $0x0;
	s11 =	smov.u32 s5;
	s9 =	sadd.s32 $0x1, s7  }
.LBB2_4:
0xc: {  	v2 =	vnsel vm1, $0x0, v2  }
0xd: {  	vm1 =	vgt.s32 v0, $0x0;
	v2 =	vmin.u32 v2, $0xAC3F  }
0xe: {  	v0 =	vnsel vm1, $0x0, v0  }
0xf: {  	v0 =	vmin.u32 v0, $0xAC3F  }
0x10: {  	[tilespmem:s18], [sflag:$0x1] =	stream.indirect_vreg.gather [hbm4b:s2+s10], $0x1, v1, vm0, $0x4038;
	[tilespmem:$0xD40] =	vst v63  }
0x11: {  	(ifvalue) =	ssetifvalue $0x7FFFFFFF  }
0x12: {  	[tilespmem:s15], [sflag:$0x1] =	stream.indirect_vreg.gather [hbm4b:s2+s10], $0x1, v2, vm0, $0x4038;
	[tilespmem:$0xD40] =	vst v63  }
0x13: {  	s29 =	sadd.s32 $0x10, s15;
	(ifvalue) =	ssetifvalue $0x7FFFFFFF  }
0x14: {  	[tilespmem:s29], [sflag:$0x1] =	stream.indirect_vreg.gather [hbm4b:s2+s10], $0x1, v0, vm0, $0x4038;
	[tilespmem:$0xD40] =	vst v63  }
0x15: {  	_ =	swait.ge [sflag:s4], $0x350  }
0x16: {  	s30 =	sshrl.u32 s13, $0x3;
	[sflag:s4] =	ssyncset.done $0x0  }
0x17: {  	s31 =	sand.u32 $0x7, s13;
	s15 =	sadd.s32 s8, s30;
	[sflag:s4] =	ssyncadd.s32 $0xFFFFFCB0  }
0x18: {  	[hbm4b:s15+s31] =	stream.linear.scatter [tilespmem:s14], [sflag:$0x3], $0x350, $0x38;
	[tilespmem:$0xD40] =	vst v63  }
.LBB2_5:
0x19: {  	s15 =	sadd.s32 $0x6A00, s11  }
0x1a: {  	p1 =	sgt.s32 s15, $0xAC3F  }
0x1b: {  	s15 =	smov.u32 @p1 s5;
	p1 =	sne.s32 s12, s9  }
.Ltmp1:
0x1c: {  	p0 =	slt.u32 s12, $0x2;
	(pc) =	sbr.rel @!p1 .LBB2_6-.Ltmp1, $4  }
0x1d: {  	s14 =	simm.s32 @!p0 $0x3  }
0x1e: {  	_ =	swait.ge @!p0 [sflag:s14], $0x350  }
0x1f: {  	s16 =	sadd.s32 $0x1, s12;
	s13 =	smov.u32 s11;
	[sflag:s14] =	ssyncset.done @!p0 $0x0  }
0x20: {  	s12 =	smov.u32 s16;
	s11 =	smov.u32 s15;
	[sflag:s14] =	ssyncadd.s32 @!p0 $0xFFFFFCB0  }
.LBB2_1:
0x21: {  	p0 =	sge.u32 s12, s7  }
0x22: {  	s14 =	sxor.u32 @!p0 $0x1, s12  }
0x23: {  	s14 =	smul.u32 @!p0 $0xD40, s14  }
0x24: {  	s31 =	sadd.s32 $0xFFFFFFFF, s12;
	s15 =	sshrl.u32 @!p0 s11, $0x3  }
0x25: {  	s16 =	sand.u32 @!p0 $0x7, s11;
	s15 =	sadd.s32 @!p0 s3, s15;
	s14 =	sshra.s32 @!p0 s14, $0x2  }
0x26: {  	[tilespmem:s14], [sflag:$0x2] =	stream.linear.gather @!p0 [hbm4b:s15+s16], $0x350, $0x38;
	[tilespmem:$0xD40] =	vst v63  }
0x27: {  	p0 =	sge.u32 s31, s7  }
.Ltmp2:
0x28: {  	_ = 	snop;
	(pc) =	sbr.rel @p0 .LBB2_5-.Ltmp2, $1  }
0x29: {  	_ =	sdelay $0x3  }
0x2a: {  	s14 =	sand.u32 $0x1, s12  }
0x2b: {  	_ =	swait.ge [sflag:s6], $0x350;
	p0 =	seq.s32 s14, $0x1;
	s14 =	simm.s32 $0x350  }
0x2c: {  	[sflag:s6] =	ssyncset.done $0x0;
	s14 =	simm.s32 @!p0 $0x0  }
0x2d: {  	[sflag:s6] =	ssyncadd.s32 $0xFFFFFCB0;
	(ifvalue) =	ssetifvalue $0x7FFFFFFF;
	v0 =	vld.msk [tilespmem:s14+$0x0 ss:$0x1], $0xffff;
	_ =	sdelay $0x4  }
0x2e: {  	s15 =	sadd.s32 $0x10, s14;
	vm1 =	vgt.s32 v0, $0x0  }
0x2f: {  	v2 =	vld.msk [tilespmem:s15+$0x0 ss:$0x1], $0xffff;
	v1 =	vnsel vm1, $0x0, v0  }
0x30: {  	v1 =	vmin.u32 v1, $0xAC3F;
	_ =	sdelay $0x2  }
0x31: {  	s17 =	simm.s32 $0x20;
	s14 =	sadd.s32 $0x6A0, s14;
	s16 =	sadd.s32 $0x10, s15  }
0x32: {  	s15 =	sadd.s32 $0x10, s14;
	s18 =	smov.u32 s14;
	v0 =	vld.msk [tilespmem:s16+$0x0 ss:$0x1], $0xffff;
	vm1 =	vgt.s32 v2, $0x0;
	(ifvalue) =	ssetifvalue $0x7FFFFFFF  }
.LBB2_3:
0x33: {  	[tilespmem:s18], [sflag:$0x1] =	stream.indirect_vreg.gather [hbm4b:s2+s10], $0x1, v1, vm0, $0x4038;
	[tilespmem:$0xD40] =	vst v63  }
0x34: {  	s17 =	sadd.s32 $0x10, s17  }
0x35: {  	v2 =	vnsel vm1, $0x0, v2;
	p0 =	slt.u32 s17, $0x340  }
.Ltmp3:
0x36: {  	s18 =	smov.u32 s15;
	v1 =	vmin.u32 v2, $0xAC3F;
	(pc) =	sbr.rel @p0 .LBB2_3-.Ltmp3, $3  }
0x37: {  	_ =	sdelay $0x1  }
0x38: {  	s16 =	sadd.s32 $0x10, s16  }
0x39: {  	vm1 =	vgt.s32 v0, $0x0;
	s15 =	sadd.s32 $0x10, s15;
	v2 =	vmov v0;
	(ifvalue) =	ssetifvalue $0x7FFFFFFF;
	v0 =	vld.msk [tilespmem:s16+$0x0 ss:$0x1], $0xffff  }
.Ltmp4:
0x3a: {  	_ = 	snop;
	(pc) =	sbr.rel .LBB2_4-.Ltmp4, $1  }
0x3b: {  	_ =	sdelay $0x3  }
.LBB2_6:
0x3c: {  	_ =	sfence.sel $0x180000  }
0x3d: {  	s2 =	simm.s32 $0x2;
	[bflag:$0x0] =	sbarrier.arrive $0xFFFF  }
0x3e: {  	s30 =	simm.s32 $0x3;
	[sflag:s2] =	ssyncpa.u1 $0x1  }
0x3f: {  	s31 =	simm.s32 $0x1;
	[sflag:s30] =	ssyncpa.u1 $0x1  }
0x40: {  	[sflag:s31] =	ssyncpa.u1 $0x1  }
0x41: {  	p0 =	sne.s32 s1, $0x0;
	_ =	strace $0x9000004D  }
0x42: {  	s0 =	sadd.s32 @!p0 $0x100000, s0;
	[bflag:$0x2] =	sbarrier.arrive $0xFFFF  }
0x43: {  	[sflag:s0] =	ssyncadd.tile.s32 @!p0 $0x1;
	_ =	shalt  }
.Lfunc_end2:
_tile_overlayer_lowered:
.L_overlay_start_2:
0x44: {  	(tag) =	ssettag $0x2  }
0x45: {  	s0 =	rddreg [dreg:$0x0];
	s2 =	stileid.u32  }
0x46: {  	s1 =	rddreg [dreg:$0x1];
	p0 =	sne.s32 s2, $0x0  }
0x47: {  	s3 =	rddreg [dreg:$0x2];
	[bflag:$0x3] =	sbarrier.arrive $0xFFFF;
	s2 =	simm.s32 @!p0 $0x1C01  }
0x48: {  	[timem:s3], [sflag:s2] =	dma.local @!p0 [hbm:s0], s1  }
0x49: {  	s0 =	simm.s32 @!p0 $0x1  }
0x4a: {  	_ =	swait.ge @!p0 [sflag:s0], s1  }
0x4b: {  	s1 =	ssub.s32 @!p0 $0x0, s1;
	[sflag:s0] =	ssyncset.done @!p0 $0x0  }
0x4c: {  	[sflag:s0] =	ssyncadd.s32 @!p0 s1  }
0x4d: {  	[bflag:$0x3] =	sbarrier.arrive $0xFFFF  }
0x4e: {  	_ =	shalt  }

// kernel: gather_offload_async_start
scs
__scs_entry_jumppad:
0x0: {  	(pc) =	sbr.rel $0x88, $3  }
0x1: {  	(tag) =	ssettag $0x0;
	lr =	simm.s32 $0x1  }
0x2: {  	[smem:$0x3F8A] =	sst lr;
	_ =	strace $0xD0000000  }
0x3: {  	_ = 	snop  }
0x4: {  	_ = 	snop  }
0x5: {  	_ = 	snop  }
0x6: {  	_ = 	snop  }
0x7: {  	_ = 	snop  }
__scs_overlays_trampoline_lowered:
0x8: {  	[smem:$0x3F99] =	sst s0  }
0x9: {  	[smem:$0x3F9A] =	sst s1  }
0xa: {  	[smem:$0x3F9B] =	sst s2  }
0xb: {  	[smem:$0x3F9C] =	sst s3  }
0xc: {  	[smem:$0x3F9D] =	sst s4  }
0xd: {  	[smem:$0x3F9E] =	sst s5  }
0xe: {  	[smem:$0x3F9F] =	sst s6  }
0xf: {  	[smem:$0x3FA0] =	sst s7  }
0x10: {  	[smem:$0x3FA1] =	sst s8  }
0x11: {  	[smem:$0x3FA2] =	sst s9;
	s0 =	simm.s32 @!p0 $0x0  }
0x12: {  	s1 =	sld [smem:$0x3F88];
	s0 =	simm.s32 @p0 $0x1  }
0x13: {  	[smem:$0x3FA3] =	sst s0;
	s0 =	simm.s32 @!p1 $0x0  }
0x14: {  	s2 =	sld [smem:$0x3F87];
	s0 =	simm.s32 @p1 $0x1  }
0x15: {  	[smem:$0x3FA4] =	sst s0;
	s0 =	simm.s32 @!p2 $0x0  }
0x16: {  	s3 =	sld [smem:$0x3FDB];
	s0 =	simm.s32 @p2 $0x1  }
0x17: {  	s4 =	simm.s32 $0x1BF5;
	[smem:$0x3FA6] =	sst s0  }
0x18: {  	s0 =	sld [smem:$0x3F89];
	_ =	swait.ge [sflag:s4], $0x0  }
0x19: {  	s7 =	sld [smem:$0x3F8A]  }
0x1a: {  	s8 =	sadd.s32 $0xFFFFE003, lr  }
0x1b: {  	s9 =	sadd.s32 $0xFFFFFEF7, lr;
	s5 =	simm.s32 $0xFFFFFFFF;
	p2 =	slt.u32 s8, $0xFFFFF086  }
0x1c: {  	p1 =	slt.u32 s9, $0xF7A;
	s5 =	simm.s32 @!p2 $0x0  }
0x1d: {  	s5 =	simm.s32 @p1 $0x1;
	p0 =	seq.s32 s7, s2  }
0x1e: {  	s7 =	smul.u32 @!p0 $0xF7A, s2;
	p2 =	seq.s32 @!p0 s5, $0x0  }
0x1f: {  	s9 =	smul.u32 $0xF7A, s1;
	s8 =	simm.s32 @!p0 $0x1BF5;
	p2 =	por !p2, p0  }
0x20: {  	[sflag:s8] =	ssyncset.s32 @!p0 $0xFFFFF086;
	s6 =	sadd.s32 @!p0 s3, s7;
	s7 =	simm.s32 @!p0 $0x108  }
0x21: {  	s3 =	sadd.s32 s3, s9;
	s6 =	sadd.s32 @!p0 $0x88, s6;
	s7 =	simm.s32 @p2 $0x1082  }
0x22: {  	[simem:s7], [sflag:s8] =	dma.local @!p0 [hbm:s6], $0xF7A  }
0x23: {  	s9 =	sor.u32 $0xD0000000, s2;
	s6 =	simm.s32 $0x108;
	_ =	swait.ge @!p0 [sflag:s8], $0x0  }
0x24: {  	s3 =	sadd.s32 $0x88, s3;
	s6 =	simm.s32 @!p1 $0x1082;
	[sflag:s4] =	ssyncset.s32 $0xFFFFF086  }
0x25: {  	[simem:s6], [sflag:s4] =	dma.local [hbm:s3], $0xF7A  }
0x26: {  	[smem:$0x3F8A] =	sst s1;
	(tag) =	ssettag s2;
	_ =	strace s9  }
0x27: {  	s1 =	sld [smem:$0x3F9A]  }
0x28: {  	s2 =	sld [smem:$0x3F9B]  }
0x29: {  	s4 =	sld [smem:$0x3F9D]  }
0x2a: {  	p0 =	seq.s32 s5, $0x0;
	s5 =	sld [smem:$0x3F9E]  }
0x2b: {  	s6 =	sld [smem:$0x3F9F]  }
0x2c: {  	s7 =	sld [smem:$0x3FA0]  }
0x2d: {  	s3 =	simm.s32 $0x108;
	s8 =	sld [smem:$0x3FA1]  }
0x2e: {  	s3 =	simm.s32 @!p0 $0x1082;
	s9 =	sld [smem:$0x3FA2]  }
0x2f: {  	lr =	sadd.s32 s0, s3;
	s0 =	sld [smem:$0x3F99]  }
0x30: {  	s3 =	sld [smem:$0x3F9C]  }
0x31: {  	[smem:$0x3FA5] =	sst s10  }
0x32: {  	s10 =	sld [smem:$0x3FA3];
	_ =	sdelay $0x3  }
0x33: {  	p0 =	seq.s32 s10, $0x1;
	s10 =	sld [smem:$0x3FA5];
	_ =	sdelay $0x3  }
0x34: {  	[smem:$0x3FA5] =	sst s10  }
0x35: {  	s10 =	sld [smem:$0x3FA4];
	_ =	sdelay $0x3  }
0x36: {  	p1 =	seq.s32 s10, $0x1;
	s10 =	sld [smem:$0x3FA5];
	_ =	sdelay $0x3  }
0x37: {  	[smem:$0x3FA5] =	sst s10  }
0x38: {  	s10 =	sld [smem:$0x3FA6]  }
0x39: {  	_ = 	snop;
	(pc) =	sbr.ind lr, $3  }
0x3a: {  	_ = 	snop  }
0x3b: {  	_ = 	snop  }
0x3c: {  	p2 =	seq.s32 s10, $0x1;
	s10 =	sld [smem:$0x3FA5]  }
0x3d: {  	_ =	shalt  }
0x3e: {  	_ =	shalt  }
0x3f: {  	_ =	shalt  }
0x40: {  	_ =	shalt  }
0x41: {  	_ =	shalt  }
0x42: {  	_ =	shalt  }
0x43: {  	_ =	shalt  }
0x44: {  	_ =	shalt  }
0x45: {  	_ =	shalt  }
0x46: {  	_ =	shalt  }
0x47: {  	_ =	shalt  }
0x48: {  	_ =	shalt  }
0x49: {  	_ =	shalt  }
0x4a: {  	_ =	shalt  }
0x4b: {  	_ =	shalt  }
0x4c: {  	_ =	shalt  }
0x4d: {  	_ =	shalt  }
0x4e: {  	_ =	shalt  }
0x4f: {  	_ =	shalt  }
0x50: {  	_ =	shalt  }
0x51: {  	_ =	shalt  }
0x52: {  	_ =	shalt  }
0x53: {  	_ =	shalt  }
0x54: {  	_ =	shalt  }
0x55: {  	_ =	shalt  }
0x56: {  	_ =	shalt  }
0x57: {  	_ =	shalt  }
0x58: {  	_ =	shalt  }
0x59: {  	_ =	shalt  }
0x5a: {  	_ =	shalt  }
0x5b: {  	_ =	shalt  }
0x5c: {  	_ =	shalt  }
0x5d: {  	_ =	shalt  }
0x5e: {  	_ =	shalt  }
0x5f: {  	_ =	shalt  }
0x60: {  	_ =	shalt  }
0x61: {  	_ =	shalt  }
0x62: {  	_ =	shalt  }
0x63: {  	_ =	shalt  }
0x64: {  	_ =	shalt  }
0x65: {  	_ =	shalt  }
0x66: {  	_ =	shalt  }
0x67: {  	_ =	shalt  }
0x68: {  	_ =	shalt  }
0x69: {  	_ =	shalt  }
0x6a: {  	_ =	shalt  }
0x6b: {  	_ =	shalt  }
0x6c: {  	_ =	shalt  }
0x6d: {  	_ =	shalt  }
0x6e: {  	_ =	shalt  }
0x6f: {  	_ =	shalt  }
0x70: {  	_ =	shalt  }
0x71: {  	_ =	shalt  }
0x72: {  	_ =	shalt  }
0x73: {  	_ =	shalt  }
0x74: {  	_ =	shalt  }
0x75: {  	_ =	shalt  }
0x76: {  	_ =	shalt  }
0x77: {  	_ =	shalt  }
0x78: {  	_ =	shalt  }
0x79: {  	_ =	shalt  }
0x7a: {  	_ =	shalt  }
0x7b: {  	_ =	shalt  }
0x7c: {  	_ =	shalt  }
0x7d: {  	_ =	shalt  }
0x7e: {  	_ =	shalt  }
0x7f: {  	_ =	shalt  }
0x80: {  	_ =	shalt  }
0x81: {  	_ =	shalt  }
0x82: {  	_ =	shalt  }
0x83: {  	_ =	shalt  }
0x84: {  	_ =	shalt  }
0x85: {  	_ =	shalt  }
0x86: {  	_ =	shalt  }
0x87: {  	_ =	shalt  }
.Lfunc_end0:
.L_simem_size_0:
called_computation_lowered:
.L_overlay_start_0:
0x88: {  	s2 =	sld [smem:$0x3FD9]  }
0x89: {  	s3 =	sld [smem:$0x3FFE];
	_ =	sdelay $0x1  }
0x8a: {  	s1 =	srdreg.scid  }
0x8b: {  	s0 =	sand.u32 $0x1, s1  }
0x8c: {  	s16 =	sshll.u32 s0, $0xA;
	s2 =	sadd.s32 s3, s2  }
0x8d: {  	s2 =	sadd.s32 s2, s16  }
0x8e: {  	[smem:$0x3FB1] =	sst s2  }
0x8f: {  	_ = 	snop  }
0x90: {  	(tm) =	ssettm $0x1  }
0x91: {  	s17 =	sld [smem:$0x3FFB];
	_ =	sdelay $0x3  }
0x92: {  	_ =	strace s17  }
0x93: {  	s2 =	sld [smem:$0x3FFC];
	_ =	sdelay $0x3  }
0x94: {  	_ =	strace s2  }
0x95: {  	s2 =	sld [smem:$0x3FFD];
	_ =	sdelay $0x3  }
0x96: {  	_ =	strace s2  }
0x97: {  	_ =	strace $0x8FFFFFFF  }
0x98: {  	s18 =	sld [smem:$0x3FDB];
	_ =	sdelay $0x1  }
0x99: {  	s19 =	simm.s32 $_scs_section_size  }
0x9a: {  	s4 =	simm.s32 $_size__tile_overlayer_lowered;
	s5 =	simm.s32 $_tile_overlayer_lowered  }
0x9b: {  	s22 =	simm.s32 $0x1BFF;
	s21 =	sshll.u32 s5, $0x1;
	s2 =	sadd.s32 s19, s18  }
0x9c: {  	s6 =	simm.s32 $0x0;
	s20 =	sshll.u32 s4, $0x1;
	s4 =	sadd.s32 s21, s2  }
0x9d: {  	[timem:s6], [sflag:s22] =	dma.local [hbm:s4], s20  }
0x9e: {  	_ =	swait.ge [sflag:s22], s20  }
0x9f: {  	s3 =	ssub.s32 $0x0, s20;
	[sflag:s22] =	ssyncset.done $0x0  }
0xa0: {  	[sflag:s22] =	ssyncadd.s32 s3;
	_ =	sdelay $0x1  }
0xa1: {  	s23 =	simm.s32 $0x1B8B  }
0xa2: {  	_ =	swait.ge [sflag:s23], $0x1  }
0xa3: {  	[sflag:s23] =	ssyncset.done $0x0  }
0xa4: {  	s25 =	simm.s32 $0x1B8E;
	s24 =	sld [smem:$0x3FFE];
	[sflag:s23] =	ssyncadd.s32 $0xFFFFFFFF  }
0xa5: {  	s26 =	simm.s32 $execute0_lowered;
	[smem:$0x3FD2] =	sst s25  }
0xa6: {  	s4 =	sshll.u32 s26, $0x1;
	_ =	strace $0x80000046;
	[dreg:$0x1] =	wrdreg $0xFFFFFFFF  }
0xa7: {  	s28 =	simm.s32 $_size_execute0_lowered;
	s2 =	sadd.s32 s2, s4;
	[dreg:$0x0] =	wrdreg $0x0  }
0xa8: {  	s4 =	sshll.u32 s28, $0x1;
	[dreg:$0x2] =	wrdreg s2  }
0xa9: {  	[dreg:$0x3] =	wrdreg s4  }
0xaa: {  	[dreg:$0x4] =	wrdreg $0xC0  }
0xab: {  	_ =	task [dreg:s6], $0x5FFFF  }
0xac: {  	[dreg:$0x1] =	wrdreg $0xFFFFFFFF  }
0xad: {  	[dreg:$0x0] =	wrdreg $0x60  }
0xae: {  	[dreg:$0x2] =	wrdreg s24  }
0xaf: {  	[dreg:$0x3] =	wrdreg $0x9  }
0xb0: {  	_ =	task.clear_ibuf [dreg:s6], $0x4FFFF;
	_ =	strace $0x90000046  }
0xb1: {  	s29 =	simm.s32 $0x9;
	_ =	strace $0x80000048  }
0xb2: {  	_ =	swait.ge [sflag:s29], $0x1  }
0xb3: {  	[sflag:s29] =	ssyncadd.s32 $0xFFFFFFFF  }
0xb4: {  	_ =	strace $0x90000048  }
0xb5: {  	_ =	sfence  }
0xb6: {  	s30 =	sld [smem:$0x0];
	_ =	sdelay $0x2  }
0xb7: {  	s31 =	sshll.u32 s1, $0xD;
	s1 =	sshrl.u32 s1, $0x2  }
0xb8: {  	s3 =	sand.u32 $0x4000, s31;
	s1 =	sadd.s32 s1, s30  }
0xb9: {  	s0 =	sor.u32 s3, s0;
	s1 =	sshll.u32 s1, $0x11  }
0xba: {  	s0 =	sor.u32 s1, s0  }
0xbb: {  	s0 =	sadd.s32 $0x8F2B, s0  }
0xbc: {  	[sflag:s0] =	ssyncadd.remote.s32 $0x1  }
0xbd: {  	_ =	sfence.sel $0xFFFF  }
0xbe: {  	[dreg:$0x0] =	wrdreg $0xFFFFFFFF;
	(pc) =	sbr.abs _section_cstart, $3  }
0xbf: {  	[dreg:$0x1] =	wrdreg $0xFFFFFFFF  }
0xc0: {  	_ =	task.clear_ibuf [dreg:s6], $0x2FFFF;
	_ =	strace $0x9FFFFFFF  }
0xc1: {  	(tm) =	ssettm $0x7FFFFFFF  }
tec
execute0_lowered:
.L_overlay_start_1:
0x0: {  	(tag) =	ssettag $0x1  }
0x1: {  	s8 =	rddreg [dreg:$0x0]  }
0x2: {  	s0 =	rddreg [dreg:$0x1];
	_ =	strace $0x80000047;
	s1 =	stileid.u32  }
0x3: {  	s3 =	srdreg.scid;
	s4 =	simm.s32 $0x1;
	s7 =	simm.s32 $0x1  }
0x4: {  	s9 =	simm.s32 $0x1;
	s10 =	simm.s32 $0x3;
	s13 =	simm.s32 $0x0  }
0x5: {  	s12 =	simm.s32 $0x0;
	s5 =	sand.u32 $0x1, s3;
	s6 =	sshll.u32 s1, $0x1  }
0x6: {  	s2 =	sadd.s32 $0x4200, s8;
	s3 =	sadd.s32 $0x5800, s8;
	s5 =	sor.u32 s6, s5  }
.Ltmp0:
0x7: {  	[sflag:s4] =	ssyncpa.u1 $0x0;
	p0 =	slt.u32 s5, $0x15;
	(pc) =	sbr.rel .LBB2_1-.Ltmp0, $4  }
0x8: {  	s6 =	simm.s32 $0x2;
	s7 =	simm.s32 @!p0 $0x0;
	p0 =	sne.s32 s5, $0x14  }
0x9: {  	[sflag:s6] =	ssyncpa.u1 $0x0;
	s5 =	smul.u32 $0x350, s5;
	s9 =	simm.s32 @!p0 $0x0  }
0xa: {  	s8 =	sadd.s32 $0x5A400, s8;
	[sflag:s10] =	ssyncpa.u1 $0x0;
	s7 =	sadd.s32 s9, s7  }
0xb: {  	vm0 =	vmmov $0xffff;
	s10 =	simm.s32 $0x0;
	s11 =	smov.u32 s5;
	s9 =	sadd.s32 $0x1, s7  }
.LBB2_4:
0xc: {  	v2 =	vnsel vm1, $0x0, v2  }
0xd: {  	vm1 =	vgt.s32 v0, $0x0;
	v2 =	vmin.u32 v2, $0xAC3F  }
0xe: {  	v0 =	vnsel vm1, $0x0, v0  }
0xf: {  	v0 =	vmin.u32 v0, $0xAC3F  }
0x10: {  	[tilespmem:s18], [sflag:$0x1] =	stream.indirect_vreg.gather [hbm4b:s2+s10], $0x1, v1, vm0, $0x4038;
	[tilespmem:$0xD40] =	vst v63  }
0x11: {  	(ifvalue) =	ssetifvalue $0x7FFFFFFF  }
0x12: {  	[tilespmem:s15], [sflag:$0x1] =	stream.indirect_vreg.gather [hbm4b:s2+s10], $0x1, v2, vm0, $0x4038;
	[tilespmem:$0xD40] =	vst v63  }
0x13: {  	s29 =	sadd.s32 $0x10, s15;
	(ifvalue) =	ssetifvalue $0x7FFFFFFF  }
0x14: {  	[tilespmem:s29], [sflag:$0x1] =	stream.indirect_vreg.gather [hbm4b:s2+s10], $0x1, v0, vm0, $0x4038;
	[tilespmem:$0xD40] =	vst v63  }
0x15: {  	_ =	swait.ge [sflag:s4], $0x350  }
0x16: {  	s30 =	sshrl.u32 s13, $0x3;
	[sflag:s4] =	ssyncset.done $0x0  }
0x17: {  	s31 =	sand.u32 $0x7, s13;
	s15 =	sadd.s32 s8, s30;
	[sflag:s4] =	ssyncadd.s32 $0xFFFFFCB0  }
0x18: {  	[hbm4b:s15+s31] =	stream.linear.scatter [tilespmem:s14], [sflag:$0x3], $0x350, $0x38;
	[tilespmem:$0xD40] =	vst v63  }
.LBB2_5:
0x19: {  	s15 =	sadd.s32 $0x6A00, s11  }
0x1a: {  	p1 =	sgt.s32 s15, $0xAC3F  }
0x1b: {  	s15 =	smov.u32 @p1 s5;
	p1 =	sne.s32 s12, s9  }
.Ltmp1:
0x1c: {  	p0 =	slt.u32 s12, $0x2;
	(pc) =	sbr.rel @!p1 .LBB2_6-.Ltmp1, $4  }
0x1d: {  	s14 =	simm.s32 @!p0 $0x3  }
0x1e: {  	_ =	swait.ge @!p0 [sflag:s14], $0x350  }
0x1f: {  	s16 =	sadd.s32 $0x1, s12;
	s13 =	smov.u32 s11;
	[sflag:s14] =	ssyncset.done @!p0 $0x0  }
0x20: {  	s12 =	smov.u32 s16;
	s11 =	smov.u32 s15;
	[sflag:s14] =	ssyncadd.s32 @!p0 $0xFFFFFCB0  }
.LBB2_1:
0x21: {  	p0 =	sge.u32 s12, s7  }
0x22: {  	s14 =	sxor.u32 @!p0 $0x1, s12  }
0x23: {  	s14 =	smul.u32 @!p0 $0xD40, s14  }
0x24: {  	s31 =	sadd.s32 $0xFFFFFFFF, s12;
	s15 =	sshrl.u32 @!p0 s11, $0x3  }
0x25: {  	s16 =	sand.u32 @!p0 $0x7, s11;
	s15 =	sadd.s32 @!p0 s3, s15;
	s14 =	sshra.s32 @!p0 s14, $0x2  }
0x26: {  	[tilespmem:s14], [sflag:$0x2] =	stream.linear.gather @!p0 [hbm4b:s15+s16], $0x350, $0x38;
	[tilespmem:$0xD40] =	vst v63  }
0x27: {  	p0 =	sge.u32 s31, s7  }
.Ltmp2:
0x28: {  	_ = 	snop;
	(pc) =	sbr.rel @p0 .LBB2_5-.Ltmp2, $1  }
0x29: {  	_ =	sdelay $0x3  }
0x2a: {  	s14 =	sand.u32 $0x1, s12  }
0x2b: {  	_ =	swait.ge [sflag:s6], $0x350;
	p0 =	seq.s32 s14, $0x1;
	s14 =	simm.s32 $0x350  }
0x2c: {  	[sflag:s6] =	ssyncset.done $0x0;
	s14 =	simm.s32 @!p0 $0x0  }
0x2d: {  	[sflag:s6] =	ssyncadd.s32 $0xFFFFFCB0;
	(ifvalue) =	ssetifvalue $0x7FFFFFFF;
	v0 =	vld.msk [tilespmem:s14+$0x0 ss:$0x1], $0xffff;
	_ =	sdelay $0x4  }
0x2e: {  	s15 =	sadd.s32 $0x10, s14;
	vm1 =	vgt.s32 v0, $0x0  }
0x2f: {  	v2 =	vld.msk [tilespmem:s15+$0x0 ss:$0x1], $0xffff;
	v1 =	vnsel vm1, $0x0, v0  }
0x30: {  	v1 =	vmin.u32 v1, $0xAC3F;
	_ =	sdelay $0x2  }
0x31: {  	s17 =	simm.s32 $0x20;
	s14 =	sadd.s32 $0x6A0, s14;
	s16 =	sadd.s32 $0x10, s15  }
0x32: {  	s15 =	sadd.s32 $0x10, s14;
	s18 =	smov.u32 s14;
	v0 =	vld.msk [tilespmem:s16+$0x0 ss:$0x1], $0xffff;
	vm1 =	vgt.s32 v2, $0x0;
	(ifvalue) =	ssetifvalue $0x7FFFFFFF  }
.LBB2_3:
0x33: {  	[tilespmem:s18], [sflag:$0x1] =	stream.indirect_vreg.gather [hbm4b:s2+s10], $0x1, v1, vm0, $0x4038;
	[tilespmem:$0xD40] =	vst v63  }
0x34: {  	s17 =	sadd.s32 $0x10, s17  }
0x35: {  	v2 =	vnsel vm1, $0x0, v2;
	p0 =	slt.u32 s17, $0x340  }
.Ltmp3:
0x36: {  	s18 =	smov.u32 s15;
	v1 =	vmin.u32 v2, $0xAC3F;
	(pc) =	sbr.rel @p0 .LBB2_3-.Ltmp3, $3  }
0x37: {  	_ =	sdelay $0x1  }
0x38: {  	s16 =	sadd.s32 $0x10, s16  }
0x39: {  	vm1 =	vgt.s32 v0, $0x0;
	s15 =	sadd.s32 $0x10, s15;
	v2 =	vmov v0;
	(ifvalue) =	ssetifvalue $0x7FFFFFFF;
	v0 =	vld.msk [tilespmem:s16+$0x0 ss:$0x1], $0xffff  }
.Ltmp4:
0x3a: {  	_ = 	snop;
	(pc) =	sbr.rel .LBB2_4-.Ltmp4, $1  }
0x3b: {  	_ =	sdelay $0x3  }
.LBB2_6:
0x3c: {  	_ =	sfence.sel $0x180000  }
0x3d: {  	s2 =	simm.s32 $0x2;
	[bflag:$0x0] =	sbarrier.arrive $0xFFFF  }
0x3e: {  	s30 =	simm.s32 $0x3;
	[sflag:s2] =	ssyncpa.u1 $0x1  }
0x3f: {  	s31 =	simm.s32 $0x1;
	[sflag:s30] =	ssyncpa.u1 $0x1  }
0x40: {  	[sflag:s31] =	ssyncpa.u1 $0x1  }
0x41: {  	p0 =	sne.s32 s1, $0x0;
	_ =	strace $0x90000047  }
0x42: {  	s0 =	sadd.s32 @!p0 $0x100000, s0;
	[bflag:$0x2] =	sbarrier.arrive $0xFFFF  }
0x43: {  	[sflag:s0] =	ssyncadd.tile.s32 @!p0 $0x1;
	_ =	shalt  }
.Lfunc_end2:
_tile_overlayer_lowered:
.L_overlay_start_2:
0x44: {  	(tag) =	ssettag $0x2  }
0x45: {  	s0 =	rddreg [dreg:$0x0];
	s2 =	stileid.u32  }
0x46: {  	s1 =	rddreg [dreg:$0x1];
	p0 =	sne.s32 s2, $0x0  }
0x47: {  	s3 =	rddreg [dreg:$0x2];
	[bflag:$0x3] =	sbarrier.arrive $0xFFFF;
	s2 =	simm.s32 @!p0 $0x1C01  }
0x48: {  	[timem:s3], [sflag:s2] =	dma.local @!p0 [hbm:s0], s1  }
0x49: {  	s0 =	simm.s32 @!p0 $0x1  }
0x4a: {  	_ =	swait.ge @!p0 [sflag:s0], s1  }
0x4b: {  	s1 =	ssub.s32 @!p0 $0x0, s1;
	[sflag:s0] =	ssyncset.done @!p0 $0x0  }
0x4c: {  	[sflag:s0] =	ssyncadd.s32 @!p0 s1  }
0x4d: {  	[bflag:$0x3] =	sbarrier.arrive $0xFFFF  }
0x4e: {  	_ =	shalt  }

// kernel: kernel.11.cloned.1.call-start
scs
__scs_entry_jumppad:
0x0: {  	(pc) =	sbr.rel $0x88, $3  }
0x1: {  	(tag) =	ssettag $0x0;
	lr =	simm.s32 $0x1  }
0x2: {  	[smem:$0x3F8A] =	sst lr;
	_ =	strace $0xD0000000  }
0x3: {  	_ = 	snop  }
0x4: {  	_ = 	snop  }
0x5: {  	_ = 	snop  }
0x6: {  	_ = 	snop  }
0x7: {  	_ = 	snop  }
__scs_overlays_trampoline_lowered:
0x8: {  	[smem:$0x3F99] =	sst s0  }
0x9: {  	[smem:$0x3F9A] =	sst s1  }
0xa: {  	[smem:$0x3F9B] =	sst s2  }
0xb: {  	[smem:$0x3F9C] =	sst s3  }
0xc: {  	[smem:$0x3F9D] =	sst s4  }
0xd: {  	[smem:$0x3F9E] =	sst s5  }
0xe: {  	[smem:$0x3F9F] =	sst s6  }
0xf: {  	[smem:$0x3FA0] =	sst s7  }
0x10: {  	[smem:$0x3FA1] =	sst s8  }
0x11: {  	[smem:$0x3FA2] =	sst s9;
	s0 =	simm.s32 @!p0 $0x0  }
0x12: {  	s1 =	sld [smem:$0x3F88];
	s0 =	simm.s32 @p0 $0x1  }
0x13: {  	[smem:$0x3FA3] =	sst s0;
	s0 =	simm.s32 @!p1 $0x0  }
0x14: {  	s2 =	sld [smem:$0x3F87];
	s0 =	simm.s32 @p1 $0x1  }
0x15: {  	[smem:$0x3FA4] =	sst s0;
	s0 =	simm.s32 @!p2 $0x0  }
0x16: {  	s3 =	sld [smem:$0x3FDB];
	s0 =	simm.s32 @p2 $0x1  }
0x17: {  	s4 =	simm.s32 $0x1BF5;
	[smem:$0x3FA6] =	sst s0  }
0x18: {  	s0 =	sld [smem:$0x3F89];
	_ =	swait.ge [sflag:s4], $0x0  }
0x19: {  	s7 =	sld [smem:$0x3F8A]  }
0x1a: {  	s8 =	sadd.s32 $0xFFFFE003, lr  }
0x1b: {  	s9 =	sadd.s32 $0xFFFFFEF7, lr;
	s5 =	simm.s32 $0xFFFFFFFF;
	p2 =	slt.u32 s8, $0xFFFFF086  }
0x1c: {  	p1 =	slt.u32 s9, $0xF7A;
	s5 =	simm.s32 @!p2 $0x0  }
0x1d: {  	s5 =	simm.s32 @p1 $0x1;
	p0 =	seq.s32 s7, s2  }
0x1e: {  	s7 =	smul.u32 @!p0 $0xF7A, s2;
	p2 =	seq.s32 @!p0 s5, $0x0  }
0x1f: {  	s9 =	smul.u32 $0xF7A, s1;
	s8 =	simm.s32 @!p0 $0x1BF5;
	p2 =	por !p2, p0  }
0x20: {  	[sflag:s8] =	ssyncset.s32 @!p0 $0xFFFFF086;
	s6 =	sadd.s32 @!p0 s3, s7;
	s7 =	simm.s32 @!p0 $0x108  }
0x21: {  	s3 =	sadd.s32 s3, s9;
	s6 =	sadd.s32 @!p0 $0x88, s6;
	s7 =	simm.s32 @p2 $0x1082  }
0x22: {  	[simem:s7], [sflag:s8] =	dma.local @!p0 [hbm:s6], $0xF7A  }
0x23: {  	s9 =	sor.u32 $0xD0000000, s2;
	s6 =	simm.s32 $0x108;
	_ =	swait.ge @!p0 [sflag:s8], $0x0  }
0x24: {  	s3 =	sadd.s32 $0x88, s3;
	s6 =	simm.s32 @!p1 $0x1082;
	[sflag:s4] =	ssyncset.s32 $0xFFFFF086  }
0x25: {  	[simem:s6], [sflag:s4] =	dma.local [hbm:s3], $0xF7A  }
0x26: {  	[smem:$0x3F8A] =	sst s1;
	(tag) =	ssettag s2;
	_ =	strace s9  }
0x27: {  	s1 =	sld [smem:$0x3F9A]  }
0x28: {  	s2 =	sld [smem:$0x3F9B]  }
0x29: {  	s4 =	sld [smem:$0x3F9D]  }
0x2a: {  	p0 =	seq.s32 s5, $0x0;
	s5 =	sld [smem:$0x3F9E]  }
0x2b: {  	s6 =	sld [smem:$0x3F9F]  }
0x2c: {  	s7 =	sld [smem:$0x3FA0]  }
0x2d: {  	s3 =	simm.s32 $0x108;
	s8 =	sld [smem:$0x3FA1]  }
0x2e: {  	s3 =	simm.s32 @!p0 $0x1082;
	s9 =	sld [smem:$0x3FA2]  }
0x2f: {  	lr =	sadd.s32 s0, s3;
	s0 =	sld [smem:$0x3F99]  }
0x30: {  	s3 =	sld [smem:$0x3F9C]  }
0x31: {  	[smem:$0x3FA5] =	sst s10  }
0x32: {  	s10 =	sld [smem:$0x3FA3];
	_ =	sdelay $0x3  }
0x33: {  	p0 =	seq.s32 s10, $0x1;
	s10 =	sld [smem:$0x3FA5];
	_ =	sdelay $0x3  }
0x34: {  	[smem:$0x3FA5] =	sst s10  }
0x35: {  	s10 =	sld [smem:$0x3FA4];
	_ =	sdelay $0x3  }
0x36: {  	p1 =	seq.s32 s10, $0x1;
	s10 =	sld [smem:$0x3FA5];
	_ =	sdelay $0x3  }
0x37: {  	[smem:$0x3FA5] =	sst s10  }
0x38: {  	s10 =	sld [smem:$0x3FA6]  }
0x39: {  	_ = 	snop;
	(pc) =	sbr.ind lr, $3  }
0x3a: {  	_ = 	snop  }
0x3b: {  	_ = 	snop  }
0x3c: {  	p2 =	seq.s32 s10, $0x1;
	s10 =	sld [smem:$0x3FA5]  }
0x3d: {  	_ =	shalt  }
0x3e: {  	_ =	shalt  }
0x3f: {  	_ =	shalt  }
0x40: {  	_ =	shalt  }
0x41: {  	_ =	shalt  }
0x42: {  	_ =	shalt  }
0x43: {  	_ =	shalt  }
0x44: {  	_ =	shalt  }
0x45: {  	_ =	shalt  }
0x46: {  	_ =	shalt  }
0x47: {  	_ =	shalt  }
0x48: {  	_ =	shalt  }
0x49: {  	_ =	shalt  }
0x4a: {  	_ =	shalt  }
0x4b: {  	_ =	shalt  }
0x4c: {  	_ =	shalt  }
0x4d: {  	_ =	shalt  }
0x4e: {  	_ =	shalt  }
0x4f: {  	_ =	shalt  }
0x50: {  	_ =	shalt  }
0x51: {  	_ =	shalt  }
0x52: {  	_ =	shalt  }
0x53: {  	_ =	shalt  }
0x54: {  	_ =	shalt  }
0x55: {  	_ =	shalt  }
0x56: {  	_ =	shalt  }
0x57: {  	_ =	shalt  }
0x58: {  	_ =	shalt  }
0x59: {  	_ =	shalt  }
0x5a: {  	_ =	shalt  }
0x5b: {  	_ =	shalt  }
0x5c: {  	_ =	shalt  }
0x5d: {  	_ =	shalt  }
0x5e: {  	_ =	shalt  }
0x5f: {  	_ =	shalt  }
0x60: {  	_ =	shalt  }
0x61: {  	_ =	shalt  }
0x62: {  	_ =	shalt  }
0x63: {  	_ =	shalt  }
0x64: {  	_ =	shalt  }
0x65: {  	_ =	shalt  }
0x66: {  	_ =	shalt  }
0x67: {  	_ =	shalt  }
0x68: {  	_ =	shalt  }
0x69: {  	_ =	shalt  }
0x6a: {  	_ =	shalt  }
0x6b: {  	_ =	shalt  }
0x6c: {  	_ =	shalt  }
0x6d: {  	_ =	shalt  }
0x6e: {  	_ =	shalt  }
0x6f: {  	_ =	shalt  }
0x70: {  	_ =	shalt  }
0x71: {  	_ =	shalt  }
0x72: {  	_ =	shalt  }
0x73: {  	_ =	shalt  }
0x74: {  	_ =	shalt  }
0x75: {  	_ =	shalt  }
0x76: {  	_ =	shalt  }
0x77: {  	_ =	shalt  }
0x78: {  	_ =	shalt  }
0x79: {  	_ =	shalt  }
0x7a: {  	_ =	shalt  }
0x7b: {  	_ =	shalt  }
0x7c: {  	_ =	shalt  }
0x7d: {  	_ =	shalt  }
0x7e: {  	_ =	shalt  }
0x7f: {  	_ =	shalt  }
0x80: {  	_ =	shalt  }
0x81: {  	_ =	shalt  }
0x82: {  	_ =	shalt  }
0x83: {  	_ =	shalt  }
0x84: {  	_ =	shalt  }
0x85: {  	_ =	shalt  }
0x86: {  	_ =	shalt  }
0x87: {  	_ =	shalt  }
.Lfunc_end0:
.L_simem_size_0:
called_computation.5_lowered:
.L_overlay_start_0:
0x88: {  	s2 =	sld [smem:$0x3FD9]  }
0x89: {  	s3 =	sld [smem:$0x3FFE];
	_ =	sdelay $0x1  }
0x8a: {  	s1 =	srdreg.scid  }
0x8b: {  	s0 =	sand.u32 $0x1, s1  }
0x8c: {  	s16 =	sshll.u32 s0, $0xA;
	s2 =	sadd.s32 s3, s2  }
0x8d: {  	s2 =	sadd.s32 s2, s16  }
0x8e: {  	[smem:$0x3FB1] =	sst s2  }
0x8f: {  	_ = 	snop  }
0x90: {  	(tm) =	ssettm $0x1  }
0x91: {  	s17 =	sld [smem:$0x3FFB];
	_ =	sdelay $0x3  }
0x92: {  	_ =	strace s17  }
0x93: {  	s2 =	sld [smem:$0x3FFC];
	_ =	sdelay $0x3  }
0x94: {  	_ =	strace s2  }
0x95: {  	s2 =	sld [smem:$0x3FFD];
	_ =	sdelay $0x3  }
0x96: {  	_ =	strace s2  }
0x97: {  	_ =	strace $0x8FFFFFFF  }
0x98: {  	s18 =	sld [smem:$0x3FDB];
	_ =	sdelay $0x1  }
0x99: {  	s19 =	simm.s32 $_scs_section_size  }
0x9a: {  	s4 =	simm.s32 $_size__tile_overlayer_lowered;
	s5 =	simm.s32 $_tile_overlayer_lowered  }
0x9b: {  	s22 =	simm.s32 $0x1BFF;
	s21 =	sshll.u32 s5, $0x1;
	s2 =	sadd.s32 s19, s18  }
0x9c: {  	s6 =	simm.s32 $0x0;
	s20 =	sshll.u32 s4, $0x1;
	s4 =	sadd.s32 s21, s2  }
0x9d: {  	[timem:s6], [sflag:s22] =	dma.local [hbm:s4], s20  }
0x9e: {  	_ =	swait.ge [sflag:s22], s20  }
0x9f: {  	s3 =	ssub.s32 $0x0, s20;
	[sflag:s22] =	ssyncset.done $0x0  }
0xa0: {  	[sflag:s22] =	ssyncadd.s32 s3;
	_ =	sdelay $0x1  }
0xa1: {  	s23 =	simm.s32 $0x1B8B  }
0xa2: {  	_ =	swait.ge [sflag:s23], $0x1  }
0xa3: {  	[sflag:s23] =	ssyncset.done $0x0  }
0xa4: {  	s25 =	simm.s32 $0x1B8E;
	s24 =	sld [smem:$0x3FFE];
	[sflag:s23] =	ssyncadd.s32 $0xFFFFFFFF  }
0xa5: {  	s26 =	simm.s32 $execute0_lowered;
	[smem:$0x3FD2] =	sst s25  }
0xa6: {  	s4 =	sshll.u32 s26, $0x1;
	_ =	strace $0x80000052;
	[dreg:$0x1] =	wrdreg $0xFFFFFFFF  }
0xa7: {  	s28 =	simm.s32 $_size_execute0_lowered;
	s2 =	sadd.s32 s2, s4;
	[dreg:$0x0] =	wrdreg $0x0  }
0xa8: {  	s4 =	sshll.u32 s28, $0x1;
	[dreg:$0x2] =	wrdreg s2  }
0xa9: {  	[dreg:$0x3] =	wrdreg s4  }
0xaa: {  	[dreg:$0x4] =	wrdreg $0xC0  }
0xab: {  	_ =	task [dreg:s6], $0x5FFFF  }
0xac: {  	[dreg:$0x1] =	wrdreg $0xFFFFFFFF  }
0xad: {  	[dreg:$0x0] =	wrdreg $0x60  }
0xae: {  	[dreg:$0x2] =	wrdreg s24  }
0xaf: {  	[dreg:$0x3] =	wrdreg $0x9  }
0xb0: {  	_ =	task.clear_ibuf [dreg:s6], $0x4FFFF;
	_ =	strace $0x90000052  }
0xb1: {  	s29 =	simm.s32 $0x9;
	_ =	strace $0x80000054  }
0xb2: {  	_ =	swait.ge [sflag:s29], $0x1  }
0xb3: {  	[sflag:s29] =	ssyncadd.s32 $0xFFFFFFFF  }
0xb4: {  	_ =	strace $0x90000054  }
0xb5: {  	_ =	sfence  }
0xb6: {  	s30 =	sld [smem:$0x0];
	_ =	sdelay $0x2  }
0xb7: {  	s31 =	sshll.u32 s1, $0xD;
	s1 =	sshrl.u32 s1, $0x2  }
0xb8: {  	s3 =	sand.u32 $0x4000, s31;
	s1 =	sadd.s32 s1, s30  }
0xb9: {  	s0 =	sor.u32 s3, s0;
	s1 =	sshll.u32 s1, $0x11  }
0xba: {  	s0 =	sor.u32 s1, s0  }
0xbb: {  	s0 =	sadd.s32 $0x8F2B, s0  }
0xbc: {  	[sflag:s0] =	ssyncadd.remote.s32 $0x1  }
0xbd: {  	_ =	sfence.sel $0xFFFF  }
0xbe: {  	[dreg:$0x0] =	wrdreg $0xFFFFFFFF;
	(pc) =	sbr.abs _section_cstart, $3  }
0xbf: {  	[dreg:$0x1] =	wrdreg $0xFFFFFFFF  }
0xc0: {  	_ =	task.clear_ibuf [dreg:s6], $0x2FFFF;
	_ =	strace $0x9FFFFFFF  }
0xc1: {  	(tm) =	ssettm $0x7FFFFFFF  }
tec
execute0_lowered:
.L_overlay_start_1:
0x0: {  	(tag) =	ssettag $0x1  }
0x1: {  	s6 =	rddreg [dreg:$0x0]  }
0x2: {  	s0 =	rddreg [dreg:$0x1];
	s3 =	srdreg.scid  }
0x3: {  	s2 =	simm.s32 $0x0;
	s1 =	stileid.u32;
	s12 =	simm.s32 $0x8100  }
0x4: {  	s13 =	simm.s32 $0x40;
	s14 =	simm.s32 $0x100;
	s15 =	simm.s32 $0x1  }
0x5: {  	s16 =	simm.s32 $0x2100;
	s17 =	simm.s32 $0x4100;
	s18 =	simm.s32 $0x6100  }
0x6: {  	s19 =	simm.s32 $0x8180;
	s20 =	simm.s32 $0x0;
	s5 =	sand.u32 $0x1, s3  }
0x7: {  	[smem:$0x7FF] =	sst s2;
	s4 =	sshll.u32 s1, $0x7;
	s3 =	sadd.s32 $0xABA00, s6  }
0x8: {  	s7 =	sshll.u32 s5, $0x6;
	_ =	strace $0x80000053;
	s9 =	ssub.s32 $0x2, s5  }
0x9: {  	s5 =	sadd.s32 $0x3C00, s6;
	s7 =	sor.u32 s7, s4;
	s4 =	sadd.s32 $0x4200, s6  }
0xa: {  	s10 =	sshrl.u32 s9, $0x1;
	s8 =	sshrl.u32 s7, $0x3;
	s7 =	sshll.u32 s7, $0x4  }
0xb: {  	s9 =	ssub.s32 s9, s10;
	s10 =	simm.s32 $0x2;
	s8 =	sadd.s32 s8, s6  }
0xc: {  	s11 =	sadd.s32 s7, s6;
	s9 =	smax.u32 s9, $0x1;
	s6 =	sadd.s32 $0x4000, s8  }
0xd: {  	s7 =	sadd.s32 $0x3E00, s8;
	s8 =	sadd.s32 $0x54200, s11;
	s11 =	simm.s32 $0x80  }
.LBB2_1:
0xe: {  	[tilespmem:s2], [sflag:$0x2] =	stream.linear.gather [hbm4b:s6+s2], $0x40, $0x38;
	[tilespmem:$0xA180] =	vst v63  }
0xf: {  	_ =	swait.ge [sflag:s10], $0x40  }
0x10: {  	[sflag:s10] =	ssyncset.done $0x0  }
0x11: {  	[sflag:s10] =	ssyncadd.s32 $0xFFFFFFC0  }
0x12: {  	[tilespmem:s11], [sflag:$0x2] =	stream.linear.gather [hbm4b:s7+s2], $0x40, $0x38;
	[tilespmem:$0xA180] =	vst v63  }
0x13: {  	_ =	swait.ge [sflag:s10], $0x40  }
0x14: {  	[sflag:s10] =	ssyncset.done $0x0  }
0x15: {  	[sflag:s10] =	ssyncadd.s32 $0xFFFFFFC0  }
0x16: {  	[tilespmem:s12], [sflag:$0x2] =	stream.linear.gather [hbm4b:s5+s2], $0x80, $0x38;
	[tilespmem:$0xA180] =	vst v63  }
0x17: {  	_ =	swait.ge [sflag:s10], $0x80  }
0x18: {  	[sflag:s10] =	ssyncset.done $0x0  }
0x19: {  	[sflag:s10] =	ssyncadd.s32 $0xFFFFFF80  }
0x1a: {  	[tilespmem:s14], [sflag:$0x1] =	stream.indirect.gather [hbm4b:s3+s13], $0x80, s2, s13, $0xb8;
	[tilespmem:$0xA180] =	vst v63  }
0x1b: {  	_ =	swait.ge [sflag:s15], $0x2000  }
0x1c: {  	[sflag:s15] =	ssyncset.done $0x0  }
0x1d: {  	[sflag:s15] =	ssyncadd.s32 $0xFFFFE000  }
0x1e: {  	[tilespmem:s16], [sflag:$0x1] =	stream.indirect.gather [hbm4b:s3+s13], $0x80, s11, s13, $0xb8;
	[tilespmem:$0xA180] =	vst v63  }
0x1f: {  	_ =	swait.ge [sflag:s15], $0x2000  }
0x20: {  	[sflag:s15] =	ssyncset.done $0x0  }
0x21: {  	[sflag:s15] =	ssyncadd.s32 $0xFFFFE000  }
0x22: {  	[tilespmem:s17], [sflag:$0x1] =	stream.indirect.gather [hbm4b:s4+s13], $0x80, s2, s13, $0xb8;
	[tilespmem:$0xA180] =	vst v63  }
0x23: {  	_ =	swait.ge [sflag:s15], $0x2000  }
0x24: {  	[sflag:s15] =	ssyncset.done $0x0  }
0x25: {  	[sflag:s15] =	ssyncadd.s32 $0xFFFFE000  }
0x26: {  	[tilespmem:s18], [sflag:$0x1] =	stream.indirect.gather [hbm4b:s4+s13], $0x80, s11, s13, $0xb8;
	[tilespmem:$0xA180] =	vst v63  }
0x27: {  	_ =	swait.ge [sflag:s15], $0x2000  }
0x28: {  	[sflag:s15] =	ssyncset.done $0x0  }
0x29: {  	[sflag:s15] =	ssyncadd.s32 $0xFFFFE000  }
0x2a: {  	v0 =	vld [tilespmem:$0x8100]  }
0x2b: {  	v3 =	vld [tilespmem:$0x8110]  }
0x2c: {  	v4 =	vld [tilespmem:$0x8120]  }
0x2d: {  	s21 =	simm.s32 $0x0;
	v1 =	vld [tilespmem:$0x8130]  }
0x2e: {  	v2 =	vld [tilespmem:s21+$0x130]  }
0x2f: {  	v5 =	vld [tilespmem:s21+$0x6130]  }
0x30: {  	v6 =	vld [tilespmem:s21+$0x2130]  }
0x31: {  	v7 =	vld [tilespmem:s21+$0x4130]  }
0x32: {  	v8 =	vld [tilespmem:s21+$0x100]  }
0x33: {  	v9 =	vld [tilespmem:s21+$0x6100]  }
0x34: {  	v10 =	vld [tilespmem:s21+$0x2100]  }
0x35: {  	v11 =	vld [tilespmem:s21+$0x4100];
	v1 =	vmul.f32 $9.990000000e+02, v1;
	v2 =	vadd.f32 v5, v2  }
0x36: {  	v12 =	vld [tilespmem:s21+$0x110];
	v5 =	vadd.f32 v7, v6  }
0x37: {  	v13 =	vld [tilespmem:s21+$0x2110];
	v2 =	vadd.f32 v2, v1  }
0x38: {  	v14 =	vld [tilespmem:s21+$0x4110];
	v5 =	vadd.f32 v5, v1  }
0x39: {  	v15 =	vld [tilespmem:s21+$0x120];
	v6 =	vadd.f32 v9, v8;
	v8 =	vmax.f32 v2, $0.0e+00  }
0x3a: {  	v7 =	vld [tilespmem:s21+$0x6110];
	v5 =	vmax.f32 v5, $0.0e+00;
	v2 =	vmul.f32 $9.990000000e+02, v0;
	v0 =	vadd.f32 v11, v10  }
0x3b: {  	v9 =	vld [tilespmem:s21+$0x6120];
	v5 =	vadd.f32 v5, v8  }
0x3c: {  	v10 =	vld [tilespmem:s21+$0x4120];
	v6 =	vadd.f32 v6, v2;
	v0 =	vadd.f32 v0, v2  }
0x3d: {  	v8 =	vld [tilespmem:s21+$0x2120]  }
0x3e: {  	v61 =	vadd.f32 v14, v13;
	v11 =	vld [tilespmem:s21+$0x4140];
	[tilespmem:s21+$0x81F0] =	vst v5;
	v5 =	vmax.f32 v6, $0.0e+00;
	v0 =	vmax.f32 v0, $0.0e+00  }
0x3f: {  	v16 =	vld [tilespmem:s21+$0x6140];
	v3 =	vmul.f32 $9.990000000e+02, v3;
	v7 =	vadd.f32 v7, v12;
	v0 =	vadd.f32 v0, v5  }
0x40: {  	v9 =	vadd.f32 v9, v15;
	v6 =	vld [tilespmem:s21+$0x6150]  }
0x41: {  	s22 =	simm.s32 $0x80;
	v12 =	vadd.f32 v61, v3;
	v62 =	vadd.f32 v7, v3;
	v5 =	vld [tilespmem:s21+$0x4150];
	[tilespmem:s21+$0x81C0] =	vst v0;
	v0 =	vmul.f32 $9.990000000e+02, v4  }
0x42: {  	v63 =	vadd.f32 v10, v8;
	v4 =	vld [tilespmem:s22+$0x130]  }
0x43: {  	v10 =	vmax.f32 v62, $0.0e+00;
	v7 =	vld [tilespmem:s22+$0x6130];
	[tilespmem:s21+$0x8180] =	vst v11;
	v11 =	vmax.f32 v12, $0.0e+00;
	v9 =	vadd.f32 v9, v0  }
0x44: {  	v10 =	vadd.f32 v11, v10  }
0x45: {  	s23 =	simm.s32 $0x400;
	v8 =	vld [tilespmem:s22+$0x2130];
	[tilespmem:s21+$0x81A0] =	vst v16;
	v11 =	vadd.f32 v63, v0;
	v9 =	vmax.f32 v9, $0.0e+00  }
.LBB2_2:
0x46: {  	p0 =	sne.s32 s23, $0x7E00;
	v12 =	vld [tilespmem:s22+$0x4130];
	[tilespmem:s21+$0x81D0] =	vst v10  }
0x47: {  	v10 =	vld [tilespmem:s22+$0x100];
	[tilespmem:s21+$0x8190] =	vst v5;
	v5 =	vmax.f32 v11, $0.0e+00  }
0x48: {  	v11 =	vld [tilespmem:s22+$0x6100];
	[tilespmem:s21+$0x81B0] =	vst v6;
	v5 =	vadd.f32 v5, v9  }
0x49: {  	v6 =	vld [tilespmem:s22+$0x2100]  }
0x4a: {  	v9 =	vld [tilespmem:s22+$0x4100];
	[tilespmem:s21+$0x81E0] =	vst v5;
	s21 =	smov.u32 s22  }
0x4b: {  	v4 =	vadd.f32 v7, v4;
	v5 =	vld [tilespmem:s21+$0x110];
	v7 =	vadd.f32 v12, v8  }
0x4c: {  	v8 =	vld [tilespmem:s21+$0x6110]  }
0x4d: {  	v4 =	vadd.f32 v4, v1;
	v12 =	vld [tilespmem:s21+$0x2110];
	v7 =	vadd.f32 v7, v1  }
0x4e: {  	v10 =	vadd.f32 v11, v10;
	v11 =	vld [tilespmem:s21+$0x4110]  }
0x4f: {  	v4 =	vmax.f32 v4, $0.0e+00;
	v6 =	vadd.f32 v9, v6;
	v9 =	vld [tilespmem:s21+$0x120];
	v7 =	vmax.f32 v7, $0.0e+00  }
0x50: {  	v10 =	vadd.f32 v10, v2;
	v13 =	vld [tilespmem:s21+$0x6120];
	v4 =	vadd.f32 v7, v4  }
0x51: {  	v6 =	vadd.f32 v6, v2;
	v5 =	vadd.f32 v8, v5;
	v7 =	vld [tilespmem:s21+$0x2120]  }
0x52: {  	v8 =	vmax.f32 v10, $0.0e+00;
	v10 =	vld [tilespmem:s21+$0x4120];
	[tilespmem:s21+$0x81F0] =	vst v4  }
0x53: {  	v14 =	vld [tilespmem:s21+$0x4140];
	v4 =	vmax.f32 v6, $0.0e+00;
	v6 =	vadd.f32 v5, v3;
	v11 =	vadd.f32 v11, v12  }
0x54: {  	v12 =	vld [tilespmem:s21+$0x6140];
	v4 =	vadd.f32 v4, v8  }
.Ltmp0:
0x55: {  	v5 =	vld [tilespmem:s21+$0x4150];
	v8 =	vmax.f32 v6, $0.0e+00;
	v11 =	vadd.f32 v11, v3;
	v9 =	vadd.f32 v13, v9;
	(pc) =	sbr.rel @p0 .LBB2_2-.Ltmp0, $4  }
0x56: {  	s22 =	sshra.s32 s23, $0x2;
	v6 =	vld [tilespmem:s21+$0x6150];
	[tilespmem:s21+$0x81C0] =	vst v4  }
0x57: {  	v4 =	vld [tilespmem:s22+$0x130];
	v11 =	vmax.f32 v11, $0.0e+00;
	v9 =	vadd.f32 v9, v0;
	v13 =	vadd.f32 v10, v7  }
0x58: {  	v7 =	vld [tilespmem:s22+$0x6130];
	[tilespmem:s21+$0x8180] =	vst v14;
	v10 =	vadd.f32 v11, v8  }
0x59: {  	s23 =	sadd.s32 $0x200, s23;
	v8 =	vld [tilespmem:s22+$0x2130];
	[tilespmem:s21+$0x81A0] =	vst v12;
	v9 =	vmax.f32 v9, $0.0e+00;
	v11 =	vadd.f32 v13, v0  }
0x5a: {  	v12 =	vld [tilespmem:s22+$0x4130];
	[tilespmem:s21+$0x81D0] =	vst v10  }
0x5b: {  	v10 =	vld [tilespmem:s22+$0x100];
	[tilespmem:s21+$0x8190] =	vst v5;
	v11 =	vmax.f32 v11, $0.0e+00  }
0x5c: {  	v5 =	vld [tilespmem:s22+$0x6100];
	[tilespmem:s21+$0x81B0] =	vst v6;
	v41 =	vadd.f32 v11, v9  }
0x5d: {  	v42 =	vld [tilespmem:s22+$0x2100]  }
0x5e: {  	v43 =	vld [tilespmem:s22+$0x4100];
	[tilespmem:s21+$0x81E0] =	vst v41  }
0x5f: {  	v6 =	vld [tilespmem:s22+$0x110]  }
0x60: {  	v45 =	vld [tilespmem:s22+$0x6110]  }
0x61: {  	v46 =	vld [tilespmem:s22+$0x2110]  }
0x62: {  	v48 =	vld [tilespmem:s22+$0x4110]  }
0x63: {  	v49 =	vld [tilespmem:s22+$0x120]  }
0x64: {  	v4 =	vadd.f32 v7, v4;
	v44 =	vadd.f32 v12, v8;
	v50 =	vld [tilespmem:s22+$0x6120]  }
0x65: {  	v51 =	vld [tilespmem:s22+$0x2120]  }
0x66: {  	v4 =	vadd.f32 v4, v1;
	v53 =	vld [tilespmem:s22+$0x4120];
	v47 =	vadd.f32 v44, v1  }
0x67: {  	v55 =	vld [tilespmem:s22+$0x4140];
	v5 =	vadd.f32 v5, v10  }
0x68: {  	v56 =	vld [tilespmem:s22+$0x6140];
	v4 =	vmax.f32 v4, $0.0e+00;
	v9 =	vadd.f32 v43, v42;
	v1 =	vmax.f32 v47, $0.0e+00  }
0x69: {  	v5 =	vadd.f32 v5, v2;
	v1 =	vadd.f32 v1, v4  }
0x6a: {  	v57 =	vld [tilespmem:s22+$0x4150];
	v52 =	vadd.f32 v9, v2;
	v6 =	vadd.f32 v45, v6  }
0x6b: {  	v7 =	vadd.f32 v48, v46;
	v59 =	vadd.f32 v50, v49  }
0x6c: {  	v60 =	vld [tilespmem:s22+$0x6150];
	v4 =	vadd.f32 v53, v51;
	[tilespmem:s22+$0x8180] =	vst v55;
	v54 =	vmax.f32 v5, $0.0e+00;
	v6 =	vadd.f32 v6, v3  }
0x6d: {  	[tilespmem:s22+$0x81A0] =	vst v56;
	v2 =	vmax.f32 v52, $0.0e+00;
	v58 =	vadd.f32 v7, v3;
	v62 =	vadd.f32 v59, v0  }
0x6e: {  	[tilespmem:s22+$0x81F0] =	vst v1;
	v63 =	vadd.f32 v4, v0;
	v1 =	vadd.f32 v2, v54  }
0x6f: {  	[tilespmem:s22+$0x8190] =	vst v57;
	v6 =	vmax.f32 v6, $0.0e+00;
	v61 =	vmax.f32 v58, $0.0e+00  }
0x70: {  	v3 =	vmax.f32 v62, $0.0e+00;
	v0 =	vmax.f32 v63, $0.0e+00;
	[tilespmem:s22+$0x81C0] =	vst v1;
	v1 =	vadd.f32 v61, v6  }
0x71: {  	s20 =	sadd.s32 $0x1, s20;
	[tilespmem:s22+$0x81B0] =	vst v60;
	v0 =	vadd.f32 v0, v3  }
0x72: {  	p0 =	sne.s32 s20, s9;
	[tilespmem:s22+$0x81D0] =	vst v1  }
.Ltmp1:
0x73: {  	[tilespmem:s22+$0x81E0] =	vst v0;
	(pc) =	sbr.rel @p0 .LBB2_1-.Ltmp1, $4  }
0x74: {  	[hbm4b:s8+s2] =	stream.linear.scatter [tilespmem:s19], [sflag:$0x2], $0x2000, $0x38;
	[tilespmem:$0xA180] =	vst v63  }
0x75: {  	_ =	swait.ge [sflag:s10], $0x2000  }
0x76: {  	[sflag:s10] =	ssyncset.done $0x0  }
0x77: {  	[sflag:s10] =	ssyncadd.s32 $0xFFFFE000  }
0x78: {  	_ =	sfence.sel $0x180000  }
0x79: {  	[bflag:$0x0] =	sbarrier.arrive $0xFFFF  }
0x7a: {  	p0 =	sne.s32 s1, $0x0;
	_ =	strace $0x90000053  }
0x7b: {  	s0 =	sadd.s32 @!p0 $0x100000, s0;
	[bflag:$0x2] =	sbarrier.arrive $0xFFFF  }
0x7c: {  	[sflag:s0] =	ssyncadd.tile.s32 @!p0 $0x1;
	_ =	shalt  }
.Lfunc_end2:
_tile_overlayer_lowered:
.L_overlay_start_2:
0x7d: {  	(tag) =	ssettag $0x2  }
0x7e: {  	s0 =	rddreg [dreg:$0x0];
	s2 =	stileid.u32  }
0x7f: {  	s1 =	rddreg [dreg:$0x1];
	p0 =	sne.s32 s2, $0x0  }
0x80: {  	s3 =	rddreg [dreg:$0x2];
	[bflag:$0x3] =	sbarrier.arrive $0xFFFF;
	s2 =	simm.s32 @!p0 $0x1C02  }
0x81: {  	[timem:s3], [sflag:s2] =	dma.local @!p0 [hbm:s0], s1  }
0x82: {  	s0 =	simm.s32 @!p0 $0x2  }
0x83: {  	_ =	swait.ge @!p0 [sflag:s0], s1  }
0x84: {  	s1 =	ssub.s32 @!p0 $0x0, s1;
	[sflag:s0] =	ssyncset.done @!p0 $0x0  }
0x85: {  	[sflag:s0] =	ssyncadd.s32 @!p0 s1  }
0x86: {  	[bflag:$0x3] =	sbarrier.arrive $0xFFFF  }
0x87: {  	_ =	shalt  }

// kernel: kernel.8.cloned.1.call-start
scs
__scs_entry_jumppad:
0x0: {  	(pc) =	sbr.rel $0x88, $3  }
0x1: {  	(tag) =	ssettag $0x0;
	lr =	simm.s32 $0x1  }
0x2: {  	[smem:$0x3F8A] =	sst lr;
	_ =	strace $0xD0000000  }
0x3: {  	_ = 	snop  }
0x4: {  	_ = 	snop  }
0x5: {  	_ = 	snop  }
0x6: {  	_ = 	snop  }
0x7: {  	_ = 	snop  }
__scs_overlays_trampoline_lowered:
0x8: {  	[smem:$0x3F99] =	sst s0  }
0x9: {  	[smem:$0x3F9A] =	sst s1  }
0xa: {  	[smem:$0x3F9B] =	sst s2  }
0xb: {  	[smem:$0x3F9C] =	sst s3  }
0xc: {  	[smem:$0x3F9D] =	sst s4  }
0xd: {  	[smem:$0x3F9E] =	sst s5  }
0xe: {  	[smem:$0x3F9F] =	sst s6  }
0xf: {  	[smem:$0x3FA0] =	sst s7  }
0x10: {  	[smem:$0x3FA1] =	sst s8  }
0x11: {  	[smem:$0x3FA2] =	sst s9;
	s0 =	simm.s32 @!p0 $0x0  }
0x12: {  	s1 =	sld [smem:$0x3F88];
	s0 =	simm.s32 @p0 $0x1  }
0x13: {  	[smem:$0x3FA3] =	sst s0;
	s0 =	simm.s32 @!p1 $0x0  }
0x14: {  	s2 =	sld [smem:$0x3F87];
	s0 =	simm.s32 @p1 $0x1  }
0x15: {  	[smem:$0x3FA4] =	sst s0;
	s0 =	simm.s32 @!p2 $0x0  }
0x16: {  	s3 =	sld [smem:$0x3FDB];
	s0 =	simm.s32 @p2 $0x1  }
0x17: {  	s4 =	simm.s32 $0x1BF5;
	[smem:$0x3FA6] =	sst s0  }
0x18: {  	s0 =	sld [smem:$0x3F89];
	_ =	swait.ge [sflag:s4], $0x0  }
0x19: {  	s7 =	sld [smem:$0x3F8A]  }
0x1a: {  	s8 =	sadd.s32 $0xFFFFE003, lr  }
0x1b: {  	s9 =	sadd.s32 $0xFFFFFEF7, lr;
	s5 =	simm.s32 $0xFFFFFFFF;
	p2 =	slt.u32 s8, $0xFFFFF086  }
0x1c: {  	p1 =	slt.u32 s9, $0xF7A;
	s5 =	simm.s32 @!p2 $0x0  }
0x1d: {  	s5 =	simm.s32 @p1 $0x1;
	p0 =	seq.s32 s7, s2  }
0x1e: {  	s7 =	smul.u32 @!p0 $0xF7A, s2;
	p2 =	seq.s32 @!p0 s5, $0x0  }
0x1f: {  	s9 =	smul.u32 $0xF7A, s1;
	s8 =	simm.s32 @!p0 $0x1BF5;
	p2 =	por !p2, p0  }
0x20: {  	[sflag:s8] =	ssyncset.s32 @!p0 $0xFFFFF086;
	s6 =	sadd.s32 @!p0 s3, s7;
	s7 =	simm.s32 @!p0 $0x108  }
0x21: {  	s3 =	sadd.s32 s3, s9;
	s6 =	sadd.s32 @!p0 $0x88, s6;
	s7 =	simm.s32 @p2 $0x1082  }
0x22: {  	[simem:s7], [sflag:s8] =	dma.local @!p0 [hbm:s6], $0xF7A  }
0x23: {  	s9 =	sor.u32 $0xD0000000, s2;
	s6 =	simm.s32 $0x108;
	_ =	swait.ge @!p0 [sflag:s8], $0x0  }
0x24: {  	s3 =	sadd.s32 $0x88, s3;
	s6 =	simm.s32 @!p1 $0x1082;
	[sflag:s4] =	ssyncset.s32 $0xFFFFF086  }
0x25: {  	[simem:s6], [sflag:s4] =	dma.local [hbm:s3], $0xF7A  }
0x26: {  	[smem:$0x3F8A] =	sst s1;
	(tag) =	ssettag s2;
	_ =	strace s9  }
0x27: {  	s1 =	sld [smem:$0x3F9A]  }
0x28: {  	s2 =	sld [smem:$0x3F9B]  }
0x29: {  	s4 =	sld [smem:$0x3F9D]  }
0x2a: {  	p0 =	seq.s32 s5, $0x0;
	s5 =	sld [smem:$0x3F9E]  }
0x2b: {  	s6 =	sld [smem:$0x3F9F]  }
0x2c: {  	s7 =	sld [smem:$0x3FA0]  }
0x2d: {  	s3 =	simm.s32 $0x108;
	s8 =	sld [smem:$0x3FA1]  }
0x2e: {  	s3 =	simm.s32 @!p0 $0x1082;
	s9 =	sld [smem:$0x3FA2]  }
0x2f: {  	lr =	sadd.s32 s0, s3;
	s0 =	sld [smem:$0x3F99]  }
0x30: {  	s3 =	sld [smem:$0x3F9C]  }
0x31: {  	[smem:$0x3FA5] =	sst s10  }
0x32: {  	s10 =	sld [smem:$0x3FA3];
	_ =	sdelay $0x3  }
0x33: {  	p0 =	seq.s32 s10, $0x1;
	s10 =	sld [smem:$0x3FA5];
	_ =	sdelay $0x3  }
0x34: {  	[smem:$0x3FA5] =	sst s10  }
0x35: {  	s10 =	sld [smem:$0x3FA4];
	_ =	sdelay $0x3  }
0x36: {  	p1 =	seq.s32 s10, $0x1;
	s10 =	sld [smem:$0x3FA5];
	_ =	sdelay $0x3  }
0x37: {  	[smem:$0x3FA5] =	sst s10  }
0x38: {  	s10 =	sld [smem:$0x3FA6]  }
0x39: {  	_ = 	snop;
	(pc) =	sbr.ind lr, $3  }
0x3a: {  	_ = 	snop  }
0x3b: {  	_ = 	snop  }
0x3c: {  	p2 =	seq.s32 s10, $0x1;
	s10 =	sld [smem:$0x3FA5]  }
0x3d: {  	_ =	shalt  }
0x3e: {  	_ =	shalt  }
0x3f: {  	_ =	shalt  }
0x40: {  	_ =	shalt  }
0x41: {  	_ =	shalt  }
0x42: {  	_ =	shalt  }
0x43: {  	_ =	shalt  }
0x44: {  	_ =	shalt  }
0x45: {  	_ =	shalt  }
0x46: {  	_ =	shalt  }
0x47: {  	_ =	shalt  }
0x48: {  	_ =	shalt  }
0x49: {  	_ =	shalt  }
0x4a: {  	_ =	shalt  }
0x4b: {  	_ =	shalt  }
0x4c: {  	_ =	shalt  }
0x4d: {  	_ =	shalt  }
0x4e: {  	_ =	shalt  }
0x4f: {  	_ =	shalt  }
0x50: {  	_ =	shalt  }
0x51: {  	_ =	shalt  }
0x52: {  	_ =	shalt  }
0x53: {  	_ =	shalt  }
0x54: {  	_ =	shalt  }
0x55: {  	_ =	shalt  }
0x56: {  	_ =	shalt  }
0x57: {  	_ =	shalt  }
0x58: {  	_ =	shalt  }
0x59: {  	_ =	shalt  }
0x5a: {  	_ =	shalt  }
0x5b: {  	_ =	shalt  }
0x5c: {  	_ =	shalt  }
0x5d: {  	_ =	shalt  }
0x5e: {  	_ =	shalt  }
0x5f: {  	_ =	shalt  }
0x60: {  	_ =	shalt  }
0x61: {  	_ =	shalt  }
0x62: {  	_ =	shalt  }
0x63: {  	_ =	shalt  }
0x64: {  	_ =	shalt  }
0x65: {  	_ =	shalt  }
0x66: {  	_ =	shalt  }
0x67: {  	_ =	shalt  }
0x68: {  	_ =	shalt  }
0x69: {  	_ =	shalt  }
0x6a: {  	_ =	shalt  }
0x6b: {  	_ =	shalt  }
0x6c: {  	_ =	shalt  }
0x6d: {  	_ =	shalt  }
0x6e: {  	_ =	shalt  }
0x6f: {  	_ =	shalt  }
0x70: {  	_ =	shalt  }
0x71: {  	_ =	shalt  }
0x72: {  	_ =	shalt  }
0x73: {  	_ =	shalt  }
0x74: {  	_ =	shalt  }
0x75: {  	_ =	shalt  }
0x76: {  	_ =	shalt  }
0x77: {  	_ =	shalt  }
0x78: {  	_ =	shalt  }
0x79: {  	_ =	shalt  }
0x7a: {  	_ =	shalt  }
0x7b: {  	_ =	shalt  }
0x7c: {  	_ =	shalt  }
0x7d: {  	_ =	shalt  }
0x7e: {  	_ =	shalt  }
0x7f: {  	_ =	shalt  }
0x80: {  	_ =	shalt  }
0x81: {  	_ =	shalt  }
0x82: {  	_ =	shalt  }
0x83: {  	_ =	shalt  }
0x84: {  	_ =	shalt  }
0x85: {  	_ =	shalt  }
0x86: {  	_ =	shalt  }
0x87: {  	_ =	shalt  }
.Lfunc_end0:
.L_simem_size_0:
called_computation.4_lowered:
.L_overlay_start_0:
0x88: {  	s2 =	sld [smem:$0x3FD9]  }
0x89: {  	s3 =	sld [smem:$0x3FFE];
	_ =	sdelay $0x1  }
0x8a: {  	s1 =	srdreg.scid  }
0x8b: {  	s0 =	sand.u32 $0x1, s1  }
0x8c: {  	s16 =	sshll.u32 s0, $0xA;
	s2 =	sadd.s32 s3, s2  }
0x8d: {  	s2 =	sadd.s32 s2, s16  }
0x8e: {  	[smem:$0x3FB1] =	sst s2  }
0x8f: {  	_ = 	snop  }
0x90: {  	(tm) =	ssettm $0x1  }
0x91: {  	s17 =	sld [smem:$0x3FFB];
	_ =	sdelay $0x3  }
0x92: {  	_ =	strace s17  }
0x93: {  	s2 =	sld [smem:$0x3FFC];
	_ =	sdelay $0x3  }
0x94: {  	_ =	strace s2  }
0x95: {  	s2 =	sld [smem:$0x3FFD];
	_ =	sdelay $0x3  }
0x96: {  	_ =	strace s2  }
0x97: {  	_ =	strace $0x8FFFFFFF  }
0x98: {  	s18 =	sld [smem:$0x3FDB];
	_ =	sdelay $0x1  }
0x99: {  	s19 =	simm.s32 $_scs_section_size  }
0x9a: {  	s4 =	simm.s32 $_size__tile_overlayer_lowered;
	s5 =	simm.s32 $_tile_overlayer_lowered  }
0x9b: {  	s22 =	simm.s32 $0x1BFF;
	s21 =	sshll.u32 s5, $0x1;
	s2 =	sadd.s32 s19, s18  }
0x9c: {  	s6 =	simm.s32 $0x0;
	s20 =	sshll.u32 s4, $0x1;
	s4 =	sadd.s32 s21, s2  }
0x9d: {  	[timem:s6], [sflag:s22] =	dma.local [hbm:s4], s20  }
0x9e: {  	_ =	swait.ge [sflag:s22], s20  }
0x9f: {  	s3 =	ssub.s32 $0x0, s20;
	[sflag:s22] =	ssyncset.done $0x0  }
0xa0: {  	[sflag:s22] =	ssyncadd.s32 s3;
	_ =	sdelay $0x1  }
0xa1: {  	s23 =	simm.s32 $0x1B8B  }
0xa2: {  	_ =	swait.ge [sflag:s23], $0x1  }
0xa3: {  	[sflag:s23] =	ssyncset.done $0x0  }
0xa4: {  	s25 =	simm.s32 $0x1B8E;
	s24 =	sld [smem:$0x3FFE];
	[sflag:s23] =	ssyncadd.s32 $0xFFFFFFFF  }
0xa5: {  	s26 =	simm.s32 $execute0_lowered;
	[smem:$0x3FD2] =	sst s25  }
0xa6: {  	s4 =	sshll.u32 s26, $0x1;
	_ =	strace $0x8000004F;
	[dreg:$0x1] =	wrdreg $0xFFFFFFFF  }
0xa7: {  	s28 =	simm.s32 $_size_execute0_lowered;
	s2 =	sadd.s32 s2, s4;
	[dreg:$0x0] =	wrdreg $0x0  }
0xa8: {  	s4 =	sshll.u32 s28, $0x1;
	[dreg:$0x2] =	wrdreg s2  }
0xa9: {  	[dreg:$0x3] =	wrdreg s4  }
0xaa: {  	[dreg:$0x4] =	wrdreg $0xC0  }
0xab: {  	_ =	task [dreg:s6], $0x5FFFF  }
0xac: {  	[dreg:$0x1] =	wrdreg $0xFFFFFFFF  }
0xad: {  	[dreg:$0x0] =	wrdreg $0x60  }
0xae: {  	[dreg:$0x2] =	wrdreg s24  }
0xaf: {  	[dreg:$0x3] =	wrdreg $0x9  }
0xb0: {  	_ =	task.clear_ibuf [dreg:s6], $0x4FFFF;
	_ =	strace $0x9000004F  }
0xb1: {  	s29 =	simm.s32 $0x9;
	_ =	strace $0x80000051  }
0xb2: {  	_ =	swait.ge [sflag:s29], $0x1  }
0xb3: {  	[sflag:s29] =	ssyncadd.s32 $0xFFFFFFFF  }
0xb4: {  	_ =	strace $0x90000051  }
0xb5: {  	_ =	sfence  }
0xb6: {  	s30 =	sld [smem:$0x0];
	_ =	sdelay $0x2  }
0xb7: {  	s31 =	sshll.u32 s1, $0xD;
	s1 =	sshrl.u32 s1, $0x2  }
0xb8: {  	s3 =	sand.u32 $0x4000, s31;
	s1 =	sadd.s32 s1, s30  }
0xb9: {  	s0 =	sor.u32 s3, s0;
	s1 =	sshll.u32 s1, $0x11  }
0xba: {  	s0 =	sor.u32 s1, s0  }
0xbb: {  	s0 =	sadd.s32 $0x8F2B, s0  }
0xbc: {  	[sflag:s0] =	ssyncadd.remote.s32 $0x1  }
0xbd: {  	_ =	sfence.sel $0xFFFF  }
0xbe: {  	[dreg:$0x0] =	wrdreg $0xFFFFFFFF;
	(pc) =	sbr.abs _section_cstart, $3  }
0xbf: {  	[dreg:$0x1] =	wrdreg $0xFFFFFFFF  }
0xc0: {  	_ =	task.clear_ibuf [dreg:s6], $0x2FFFF;
	_ =	strace $0x9FFFFFFF  }
0xc1: {  	(tm) =	ssettm $0x7FFFFFFF  }
tec
execute0_lowered:
.L_overlay_start_1:
0x0: {  	(tag) =	ssettag $0x1  }
0x1: {  	s0 =	rddreg [dreg:$0x0]  }
0x2: {  	s1 =	simm.s32 $0x0;
	s24 =	srdreg.scid;
	s9 =	stileid.u32  }
0x3: {  	s18 =	simm.s32 $0x2;
	s20 =	simm.s32 $0xE700;
	s17 =	simm.s32 $0x4300  }
0x4: {  	s22 =	simm.s32 $0x1;
	s23 =	simm.s32 $0x80;
	s28 =	simm.s32 $0x0  }
0x5: {  	[smem:$0x7FF] =	sst s1;
	s2 =	sadd.s32 $0xABA00, s0;
	s4 =	sadd.s32 $0x5BA00, s0  }
0x6: {  	s3 =	sadd.s32 $0x57600, s0;
	s5 =	sadd.s32 $0x5A400, s0;
	s6 =	sadd.s32 $0x5800, s0  }
0x7: {  	s7 =	sadd.s32 $0x7000, s0;
	s8 =	sadd.s32 $0x4200, s0;
	s9 =	sshll.u32 s9, $0x1  }
0x8: {  	_ =	strace $0x80000050;
	[dreg:$0x2] =	wrdreg s7;
	s7 =	sand.u32 $0x1, s24  }
0x9: {  	s10 =	sadd.s32 $0x3C00, s0;
	s25 =	ssub.s32 $0x2, s7;
	s7 =	sor.u32 s7, s9  }
0xa: {  	s0 =	sadd.s32 $0xFBA00, s0;
	[dreg:$0x3] =	wrdreg s10;
	s12 =	smul.u32 $0x2800, s7  }
0xb: {  	s24 =	simm.s32 $0x100;
	s26 =	sshrl.u32 s25, $0x1;
	s13 =	sshllo.u32 s7, $0x1  }
0xc: {  	s9 =	ssub.s32 s25, s26;
	s15 =	smul.u32 $0x1400, s13;
	s29 =	sadd.s32 s4, s12  }
.Ltmp0:
0xd: {  	s30 =	sadd.s32 s0, s12;
	[dreg:$0x4] =	wrdreg s29;
	(pc) =	sbr.rel .LBB2_1-.Ltmp0, $4  }
0xe: {  	s10 =	sshll.u32 s7, $0x1;
	s31 =	smax.u32 s9, $0x1;
	[dreg:$0x5] =	wrdreg s30  }
0xf: {  	s11 =	smul.u32 $0x280, s7;
	s4 =	sadd.s32 s4, s15;
	[dreg:$0x8] =	wrdreg s31  }
0x10: {  	s14 =	smul.u32 $0x140, s13;
	s0 =	sadd.s32 s0, s15;
	[dreg:$0x6] =	wrdreg s4  }
0x11: {  	s25 =	simm.s32 $0x200;
	s26 =	simm.s32 $0x300;
	[dreg:$0x7] =	wrdreg s0  }
.LBB2_9:
0x12: {  	s0 =	rddreg [dreg:$0x7]  }
0x13: {  	[hbm4b:s0+s1] =	stream.linear.scatter [tilespmem:s20], [sflag:$0x2], $0xA000, $0x38;
	[tilespmem:$0x18B80] =	vst v63  }
0x14: {  	_ =	swait.ge [sflag:s18], $0xA000  }
0x15: {  	s28 =	sadd.s32 $0x1, s28;
	s31 =	rddreg [dreg:$0x8]  }
0x16: {  	p0 =	sne.s32 s28, s31  }
.Ltmp1:
0x17: {  	_ = 	snop;
	(pc) =	sbr.rel @!p0 .LBB2_10-.Ltmp1, $3  }
0x18: {  	_ =	sdelay $0x1  }
0x19: {  	[sflag:s18] =	ssyncset.done $0x0  }
0x1a: {  	s17 =	simm.s32 $0x4300;
	[sflag:s18] =	ssyncadd.s32 $0xFFFF6000  }
.LBB2_1:
0x1b: {  	s0 =	rddreg [dreg:$0x2]  }
0x1c: {  	[tilespmem:s1], [sflag:$0x2] =	stream.linear.gather [hbm4b:s0+s1], $0x80, $0x38;
	[tilespmem:$0x18B80] =	vst v63  }
0x1d: {  	_ =	swait.ge [sflag:s18], $0x80  }
0x1e: {  	[sflag:s18] =	ssyncset.done $0x0  }
0x1f: {  	s4 =	simm.s32 $0x18B00;
	s9 =	rddreg [dreg:$0x3];
	[sflag:s18] =	ssyncadd.s32 $0xFFFFFF80  }
0x20: {  	[tilespmem:s4], [sflag:$0x2] =	stream.linear.gather [hbm4b:s9+s1], $0x80, $0x38;
	[tilespmem:$0x18B80] =	vst v63  }
0x21: {  	_ =	swait.ge [sflag:s18], $0x80  }
0x22: {  	[sflag:s18] =	ssyncset.done $0x0  }
0x23: {  	[sflag:s18] =	ssyncadd.s32 $0xFFFFFF80  }
0x24: {  	v0 =	vld [tilespmem:$0x18B00]  }
0x25: {  	v1 =	vld [tilespmem:$0x18B10]  }
0x26: {  	v2 =	vld [tilespmem:$0x18B20]  }
0x27: {  	v3 =	vld [tilespmem:$0x18B30];
	[tilespmem:s20], [sflag:$0x2] =	stream.linear.gather [hbm4b:s8+s1], $0xA400, $0x38  }
0x28: {  	_ =	swait.ge [sflag:s18], $0xA400  }
0x29: {  	[sflag:s18] =	ssyncset.done $0x0  }
0x2a: {  	s12 =	rddreg [dreg:$0x4];
	[sflag:s18] =	ssyncadd.s32 $0xFFFF5C00  }
0x2b: {  	[tilespmem:s17], [sflag:$0x2] =	stream.linear.gather [hbm4b:s12+s1], $0xA000, $0x38;
	[tilespmem:$0x18B80] =	vst v63  }
0x2c: {  	_ =	swait.ge [sflag:s18], $0xA000  }
0x2d: {  	[sflag:s18] =	ssyncset.done $0x0  }
0x2e: {  	[sflag:s18] =	ssyncadd.s32 $0xFFFF6000  }
0x2f: {  	v4 =	vld [tilespmem:s10+$0x0];
	_ =	sdelay $0x4  }
0x30: {  	(v2sf) =	vpush v4, $0x0;
	_ =	sdelay $0x6  }
0x31: {  	(v2sf) =	vpush v4, $0x1;
	_ =	sdelay $0x7  }
0x32: {  	s29 =	spop (v2sf)  }
0x33: {  	s13 =	sand.u32 $0x7F, s29  }
0x34: {  	s15 =	sshra.s32 s29, $0x1F;
	p0 =	slt.s32 s29, $0x1;
	p1 =	sne.s32 s13, $0x0  }
0x35: {  	s16 =	sshrl.u32 s15, $0x19;
	p0 =	por !p0, !p1  }
0x36: {  	s4 =	simm.s32 $0x1;
	s0 =	sadd.s32 s16, s29;
	p0 =	por !p0, !p0  }
0x37: {  	s0 =	sshra.s32 s0, $0x7;
	s4 =	simm.s32 @!p0 $0x0  }
0x38: {  	s30 =	ssub.s32 s0, s4  }
0x39: {  	s31 =	spop (v2sf);
	s0 =	sshll.u32 s30, $0x7  }
0x3a: {  	s19 =	ssub.s32 s31, s0  }
0x3b: {  	s4 =	sadd.s32 $0x7F, s19  }
0x3c: {  	s7 =	sand.u32 $0x7F, s4  }
0x3d: {  	s21 =	sshra.s32 s4, $0x1F;
	p6 =	slt.s32 s4, $0x1;
	p5 =	sne.s32 s7, $0x0  }
0x3e: {  	s7 =	sshrl.u32 s21, $0x19;
	p0 =	por !p6, !p5  }
0x3f: {  	s4 =	sadd.s32 s7, s4;
	s7 =	simm.s32 $0x1;
	p0 =	por !p0, !p0  }
0x40: {  	s4 =	sshra.s32 s4, $0x7;
	s7 =	simm.s32 @!p0 $0x0  }
0x41: {  	s4 =	ssub.s32 s4, s7  }
0x42: {  	p0 =	slt.s32 s4, $0x1  }
.Ltmp2:
0x43: {  	_ = 	snop;
	(pc) =	sbr.rel @p0 .LBB2_5-.Ltmp2, $2  }
0x44: {  	_ =	sdelay $0x2  }
0x45: {  	s19 =	simm.s32 $0x0  }
.LBB2_2:
0x46: {  	s7 =	sadd.s32 s30, s19  }
0x47: {  	s7 =	sshll.u32 s7, $0x4  }
0x48: {  	s7 =	sand.u32 $0x1FFFFFF0, s7  }
0x49: {  	s12 =	simm.s32 $0x0;
	s9 =	sadd.s32 s3, s7  }
0x4a: {  	[tilespmem:s23], [sflag:$0x2] =	stream.linear.gather [hbm4b:s9+s12], $0x80, $0x38;
	[tilespmem:$0x18B80] =	vst v63  }
0x4b: {  	_ =	swait.ge [sflag:s18], $0x80  }
0x4c: {  	[sflag:s18] =	ssyncset.done $0x0  }
0x4d: {  	s21 =	sadd.s32 s5, s7;
	[sflag:s18] =	ssyncadd.s32 $0xFFFFFF80  }
0x4e: {  	[tilespmem:s24], [sflag:$0x2] =	stream.linear.gather [hbm4b:s21+s12], $0x80, $0x38;
	[tilespmem:$0x18B80] =	vst v63  }
0x4f: {  	_ =	swait.ge [sflag:s18], $0x80  }
0x50: {  	[sflag:s18] =	ssyncset.done $0x0  }
0x51: {  	s7 =	sadd.s32 s6, s7;
	[sflag:s18] =	ssyncadd.s32 $0xFFFFFF80  }
0x52: {  	[tilespmem:s25], [sflag:$0x2] =	stream.linear.gather [hbm4b:s7+s12], $0x80, $0x38;
	[tilespmem:$0x18B80] =	vst v63  }
0x53: {  	_ =	swait.ge [sflag:s18], $0x80  }
0x54: {  	[sflag:s18] =	ssyncset.done $0x0  }
0x55: {  	[sflag:s18] =	ssyncadd.s32 $0xFFFFFF80  }
0x56: {  	[tilespmem:s26], [sflag:$0x1] =	stream.indirect.gather [hbm4b:s2+s23], $0x80, s23, s23, $0xb8;
	[tilespmem:$0x18B80] =	vst v63  }
0x57: {  	_ =	swait.ge [sflag:s22], $0x4000  }
0x58: {  	[sflag:s22] =	ssyncset.done $0x0  }
0x59: {  	s9 =	simm.s32 $0x0;
	[sflag:s22] =	ssyncadd.s32 $0xFFFFC000  }
0x5a: {  	v4 =	vld [tilespmem:s9+$0x100];
	_ =	sdelay $0x4  }
0x5b: {  	(v2sf) =	vpush v4, $0x0;
	_ =	sdelay $0xe  }
0x5c: {  	s13 =	spop (v2sf)  }
0x5d: {  	s15 =	ssub.s32 s13, s11  }
0x5e: {  	p0 =	slt.s32 s0, s31;
	s12 =	sshll.u32 s15, $0x7  }
0x5f: {  	s16 =	simm.s32 $0x380;
	p1 =	sge.s32 s0, s29;
	v5 =	vld.msk [tilespmem:s9+$0x200 ss:$0x0], $0xffff;
	s12 =	simm.s32 @!p0 $0xA000  }
0x60: {  	v4 =	vld [tilespmem:s16+$0xFFFFFF80];
	s12 =	simm.s32 @!p1 $0xA000  }
0x61: {  	v6 =	vld [tilespmem:s12+$0x4300];
	_ =	sdelay $0x4  }
0x62: {  	v4 =	vadd.f32 v6, v4;
	v6 =	vmul.f32 v5, v0;
	_ =	sdelay $0x1  }
0x63: {  	v4 =	vadd.f32 v4, v6;
	_ =	sdelay $0x1  }
0x64: {  	v6 =	vld [tilespmem:s12+$0x4310];
	v4 =	vmax.f32 v4, $0.0e+00  }
0x65: {  	[tilespmem:s12+$0xE700] =	vst.add.f32.msk $0xffff, v4  }
0x66: {  	v4 =	vld [tilespmem:s16+$0xFFFFFF90];
	_ =	sdelay $0x4  }
0x67: {  	v4 =	vadd.f32 v6, v4;
	v6 =	vmul.f32 v5, v1;
	_ =	sdelay $0x1  }
0x68: {  	v4 =	vadd.f32 v4, v6;
	_ =	sdelay $0x1  }
0x69: {  	v6 =	vld [tilespmem:s12+$0x4320];
	v4 =	vmax.f32 v4, $0.0e+00  }
0x6a: {  	[tilespmem:s12+$0xE710] =	vst.add.f32.msk $0xffff, v4  }
0x6b: {  	v4 =	vld [tilespmem:s16+$0xFFFFFFA0];
	_ =	sdelay $0x4  }
0x6c: {  	v4 =	vadd.f32 v6, v4;
	v6 =	vmul.f32 v5, v2;
	_ =	sdelay $0x1  }
0x6d: {  	v4 =	vadd.f32 v4, v6;
	_ =	sdelay $0x1  }
0x6e: {  	v6 =	vld [tilespmem:s12+$0x4330];
	v4 =	vmax.f32 v4, $0.0e+00  }
0x6f: {  	[tilespmem:s12+$0xE720] =	vst.add.f32.msk $0xffff, v4  }
0x70: {  	v4 =	vld [tilespmem:s16+$0xFFFFFFB0];
	_ =	sdelay $0x4  }
0x71: {  	v5 =	vmul.f32 v5, v3;
	v4 =	vadd.f32 v6, v4;
	_ =	sdelay $0x1  }
0x72: {  	v4 =	vadd.f32 v4, v5;
	_ =	sdelay $0x1  }
0x73: {  	v4 =	vmax.f32 v4, $0.0e+00  }
0x74: {  	[tilespmem:s12+$0xE730] =	vst.add.f32.msk $0xffff, v4  }
0x75: {  	v4 =	vld [tilespmem:s9+$0x101];
	_ =	sdelay $0x4  }
0x76: {  	(v2sf) =	vpush v4, $0x0;
	_ =	sdelay $0xe  }
0x77: {  	s21 =	spop (v2sf)  }
0x78: {  	s15 =	sadd.s32 $0x1, s0;
	s12 =	ssub.s32 s21, s11  }
0x79: {  	p0 =	slt.s32 s15, s31;
	s13 =	sshll.u32 s12, $0x7  }
0x7a: {  	p1 =	sge.s32 s15, s29;
	v5 =	vld [tilespmem:s16+$0x0];
	s13 =	simm.s32 @!p0 $0xA000  }
0x7b: {  	v4 =	vld.msk [tilespmem:s9+$0x201 ss:$0x0], $0xffff;
	s13 =	simm.s32 @!p1 $0xA000  }
0x7c: {  	v6 =	vld [tilespmem:s13+$0x4300];
	_ =	sdelay $0x4  }
0x7d: {  	v5 =	vadd.f32 v6, v5;
	v6 =	vmul.f32 v4, v0;
	_ =	sdelay $0x1  }
0x7e: {  	v5 =	vadd.f32 v5, v6;
	_ =	sdelay $0x1  }
0x7f: {  	v7 =	vld [tilespmem:s13+$0x4310];
	v5 =	vmax.f32 v5, $0.0e+00  }
0x80: {  	[tilespmem:s13+$0xE700] =	vst.add.f32.msk $0xffff, v5  }
0x81: {  	v5 =	vld [tilespmem:s16+$0x10];
	_ =	sdelay $0x4  }
0x82: {  	v5 =	vadd.f32 v7, v5;
	v7 =	vmul.f32 v4, v1;
	_ =	sdelay $0x1  }
0x83: {  	v5 =	vadd.f32 v5, v7;
	_ =	sdelay $0x1  }
0x84: {  	v6 =	vld [tilespmem:s13+$0x4320];
	v5 =	vmax.f32 v5, $0.0e+00  }
0x85: {  	[tilespmem:s13+$0xE710] =	vst.add.f32.msk $0xffff, v5  }
0x86: {  	v5 =	vld [tilespmem:s16+$0x20];
	_ =	sdelay $0x4  }
0x87: {  	v5 =	vadd.f32 v6, v5;
	v6 =	vmul.f32 v4, v2;
	_ =	sdelay $0x1  }
0x88: {  	v5 =	vadd.f32 v5, v6;
	_ =	sdelay $0x1  }
0x89: {  	v8 =	vld [tilespmem:s13+$0x4330];
	v5 =	vmax.f32 v5, $0.0e+00  }
0x8a: {  	[tilespmem:s13+$0xE720] =	vst.add.f32.msk $0xffff, v5  }
0x8b: {  	v5 =	vld [tilespmem:s16+$0x30];
	_ =	sdelay $0x4  }
0x8c: {  	v4 =	vmul.f32 v4, v3;
	v5 =	vadd.f32 v8, v5;
	_ =	sdelay $0x1  }
0x8d: {  	v4 =	vadd.f32 v5, v4  }
0x8e: {  	s7 =	simm.s32 $0x480  }
0x8f: {  	s9 =	smov.u32 s0;
	s21 =	simm.s32 $0x8;
	s16 =	simm.s32 $0x10;
	v4 =	vmax.f32 v4, $0.0e+00  }
.LBB2_3:
0x90: {  	s15 =	sshra.s32 s21, $0x2  }
0x91: {  	[tilespmem:s13+$0xE730] =	vst.add.f32.msk $0xffff, v4;
	s9 =	sadd.s32 $0x2, s9;
	s21 =	smov.u32 s16;
	s12 =	sadd.s32 $0x8, s16  }
0x92: {  	p0 =	sne.s32 s16, $0x1F8;
	v4 =	vld [tilespmem:s15+$0x100];
	_ =	sdelay $0x4  }
0x93: {  	(v2sf) =	vpush v4, $0x0;
	_ =	sdelay $0xe  }
0x94: {  	s13 =	spop (v2sf)  }
0x95: {  	s13 =	ssub.s32 s13, s11  }
0x96: {  	p1 =	slt.s32 s9, s31;
	s13 =	sshll.u32 s13, $0x7  }
0x97: {  	p2 =	sge.s32 s9, s29;
	v4 =	vld [tilespmem:s7+$0xFFFFFF80];
	s13 =	simm.s32 @!p1 $0xA000  }
0x98: {  	s13 =	simm.s32 @!p2 $0xA000;
	v5 =	vld.msk [tilespmem:s15+$0x200 ss:$0x0], $0xffff  }
0x99: {  	v6 =	vld [tilespmem:s13+$0x4300];
	_ =	sdelay $0x4  }
0x9a: {  	v4 =	vadd.f32 v6, v4;
	v6 =	vmul.f32 v5, v0;
	_ =	sdelay $0x1  }
0x9b: {  	v4 =	vadd.f32 v4, v6;
	_ =	sdelay $0x1  }
0x9c: {  	v4 =	vmax.f32 v4, $0.0e+00;
	v6 =	vld [tilespmem:s13+$0x4310]  }
0x9d: {  	[tilespmem:s13+$0xE700] =	vst.add.f32.msk $0xffff, v4  }
0x9e: {  	v4 =	vld [tilespmem:s7+$0xFFFFFF90];
	_ =	sdelay $0x4  }
0x9f: {  	v4 =	vadd.f32 v6, v4;
	v6 =	vmul.f32 v5, v1;
	_ =	sdelay $0x1  }
0xa0: {  	v4 =	vadd.f32 v4, v6;
	_ =	sdelay $0x1  }
0xa1: {  	v4 =	vmax.f32 v4, $0.0e+00;
	v6 =	vld [tilespmem:s13+$0x4320]  }
0xa2: {  	[tilespmem:s13+$0xE710] =	vst.add.f32.msk $0xffff, v4  }
0xa3: {  	v4 =	vld [tilespmem:s7+$0xFFFFFFA0];
	_ =	sdelay $0x4  }
0xa4: {  	v4 =	vadd.f32 v6, v4;
	v6 =	vmul.f32 v5, v2;
	_ =	sdelay $0x1  }
0xa5: {  	v4 =	vadd.f32 v4, v6;
	_ =	sdelay $0x1  }
0xa6: {  	v4 =	vmax.f32 v4, $0.0e+00;
	v6 =	vld [tilespmem:s13+$0x4330]  }
0xa7: {  	[tilespmem:s13+$0xE720] =	vst.add.f32.msk $0xffff, v4  }
0xa8: {  	v4 =	vld [tilespmem:s7+$0xFFFFFFB0];
	_ =	sdelay $0x4  }
0xa9: {  	v5 =	vmul.f32 v5, v3;
	v4 =	vadd.f32 v6, v4;
	_ =	sdelay $0x1  }
0xaa: {  	v4 =	vadd.f32 v4, v5;
	_ =	sdelay $0x1  }
0xab: {  	v4 =	vmax.f32 v4, $0.0e+00  }
0xac: {  	[tilespmem:s13+$0xE730] =	vst.add.f32.msk $0xffff, v4  }
0xad: {  	v4 =	vld [tilespmem:s15+$0x101]  }
0xae: {  	v5 =	vld.msk [tilespmem:s15+$0x201 ss:$0x0], $0xffff;
	_ =	sdelay $0x3  }
0xaf: {  	(v2sf) =	vpush v4, $0x0;
	_ =	sdelay $0xe  }
0xb0: {  	s13 =	spop (v2sf)  }
0xb1: {  	s15 =	sadd.s32 $0x1, s9;
	s13 =	ssub.s32 s13, s11  }
0xb2: {  	p1 =	slt.s32 s15, s31;
	s13 =	sshll.u32 s13, $0x7  }
0xb3: {  	p2 =	sge.s32 s15, s29;
	s13 =	simm.s32 @!p1 $0xA000  }
0xb4: {  	v4 =	vld [tilespmem:s7+$0x0];
	s13 =	simm.s32 @!p2 $0xA000  }
0xb5: {  	v6 =	vld [tilespmem:s13+$0x4300]  }
0xb6: {  	v7 =	vld [tilespmem:s13+$0x4310]  }
0xb7: {  	v8 =	vld [tilespmem:s13+$0x4320]  }
0xb8: {  	v9 =	vld [tilespmem:s13+$0x4330];
	_ =	sdelay $0x1  }
0xb9: {  	v4 =	vadd.f32 v6, v4;
	v6 =	vmul.f32 v5, v0;
	_ =	sdelay $0x1  }
0xba: {  	v4 =	vadd.f32 v4, v6;
	_ =	sdelay $0x1  }
0xbb: {  	v4 =	vmax.f32 v4, $0.0e+00  }
0xbc: {  	[tilespmem:s13+$0xE700] =	vst.add.f32.msk $0xffff, v4  }
0xbd: {  	v4 =	vld [tilespmem:s7+$0x10];
	_ =	sdelay $0x4  }
0xbe: {  	v6 =	vmul.f32 v5, v1;
	v4 =	vadd.f32 v7, v4;
	_ =	sdelay $0x1  }
0xbf: {  	v4 =	vadd.f32 v4, v6;
	_ =	sdelay $0x1  }
0xc0: {  	v4 =	vmax.f32 v4, $0.0e+00  }
0xc1: {  	[tilespmem:s13+$0xE710] =	vst.add.f32.msk $0xffff, v4  }
0xc2: {  	v4 =	vld [tilespmem:s7+$0x20];
	_ =	sdelay $0x4  }
0xc3: {  	v6 =	vmul.f32 v5, v2;
	v4 =	vadd.f32 v8, v4;
	_ =	sdelay $0x1  }
0xc4: {  	v4 =	vadd.f32 v4, v6;
	_ =	sdelay $0x1  }
0xc5: {  	v4 =	vmax.f32 v4, $0.0e+00  }
0xc6: {  	[tilespmem:s13+$0xE720] =	vst.add.f32.msk $0xffff, v4  }
0xc7: {  	v4 =	vld [tilespmem:s7+$0x30];
	_ =	sdelay $0x4  }
.Ltmp3:
0xc8: {  	v5 =	vmul.f32 v5, v3;
	v4 =	vadd.f32 v9, v4;
	(pc) =	sbr.rel @p0 .LBB2_3-.Ltmp3, $3  }
0xc9: {  	_ = 	snop  }
0xca: {  	v4 =	vadd.f32 v4, v5;
	_ =	sdelay $0x1  }
0xcb: {  	s16 =	smov.u32 s12;
	s7 =	sadd.s32 $0x100, s7;
	v4 =	vmax.f32 v4, $0.0e+00  }
0xcc: {  	s12 =	sshra.s32 s21, $0x2;
	[tilespmem:s13+$0xE730] =	vst.add.f32.msk $0xffff, v4  }
0xcd: {  	v4 =	vld [tilespmem:s12+$0x100];
	_ =	sdelay $0x4  }
0xce: {  	(v2sf) =	vpush v4, $0x0;
	_ =	sdelay $0xe  }
0xcf: {  	s16 =	spop (v2sf)  }
0xd0: {  	s9 =	sadd.s32 $0x2, s9;
	s13 =	ssub.s32 s16, s11  }
0xd1: {  	p0 =	slt.s32 s9, s31;
	s13 =	sshll.u32 s13, $0x7  }
0xd2: {  	p1 =	sge.s32 s9, s29;
	v5 =	vld.msk [tilespmem:s12+$0x200 ss:$0x0], $0xffff;
	s13 =	simm.s32 @!p0 $0xA000  }
0xd3: {  	v4 =	vld [tilespmem:s7+$0xFFFFFF80];
	s13 =	simm.s32 @!p1 $0xA000  }
0xd4: {  	v6 =	vld [tilespmem:s13+$0x4300];
	_ =	sdelay $0x4  }
0xd5: {  	v53 =	vmul.f32 v5, v0;
	v4 =	vadd.f32 v6, v4;
	_ =	sdelay $0x1  }
0xd6: {  	v4 =	vadd.f32 v4, v53;
	_ =	sdelay $0x1  }
0xd7: {  	v54 =	vld [tilespmem:s13+$0x4310];
	v4 =	vmax.f32 v4, $0.0e+00  }
0xd8: {  	[tilespmem:s13+$0xE700] =	vst.add.f32.msk $0xffff, v4  }
0xd9: {  	v4 =	vld [tilespmem:s7+$0xFFFFFF90];
	_ =	sdelay $0x4  }
0xda: {  	v55 =	vmul.f32 v5, v1;
	v4 =	vadd.f32 v54, v4;
	_ =	sdelay $0x1  }
0xdb: {  	v4 =	vadd.f32 v4, v55;
	_ =	sdelay $0x1  }
0xdc: {  	v56 =	vld [tilespmem:s13+$0x4320];
	v4 =	vmax.f32 v4, $0.0e+00  }
0xdd: {  	[tilespmem:s13+$0xE710] =	vst.add.f32.msk $0xffff, v4  }
0xde: {  	v4 =	vld [tilespmem:s7+$0xFFFFFFA0];
	_ =	sdelay $0x4  }
0xdf: {  	v57 =	vmul.f32 v5, v2;
	v4 =	vadd.f32 v56, v4;
	_ =	sdelay $0x1  }
0xe0: {  	v4 =	vadd.f32 v4, v57;
	_ =	sdelay $0x1  }
0xe1: {  	v58 =	vld [tilespmem:s13+$0x4330];
	v4 =	vmax.f32 v4, $0.0e+00  }
0xe2: {  	[tilespmem:s13+$0xE720] =	vst.add.f32.msk $0xffff, v4  }
0xe3: {  	v4 =	vld [tilespmem:s7+$0xFFFFFFB0];
	_ =	sdelay $0x4  }
0xe4: {  	v5 =	vmul.f32 v5, v3;
	v4 =	vadd.f32 v58, v4;
	_ =	sdelay $0x1  }
0xe5: {  	v4 =	vadd.f32 v4, v5;
	_ =	sdelay $0x1  }
0xe6: {  	v4 =	vmax.f32 v4, $0.0e+00  }
0xe7: {  	[tilespmem:s13+$0xE730] =	vst.add.f32.msk $0xffff, v4  }
0xe8: {  	v4 =	vld [tilespmem:s12+$0x101];
	_ =	sdelay $0x4  }
0xe9: {  	(v2sf) =	vpush v4, $0x0;
	_ =	sdelay $0xe  }
0xea: {  	s21 =	spop (v2sf)  }
0xeb: {  	s9 =	sadd.s32 $0x1, s9;
	s13 =	ssub.s32 s21, s11  }
0xec: {  	p0 =	slt.s32 s9, s31;
	s13 =	sshll.u32 s13, $0x7  }
0xed: {  	p1 =	sge.s32 s9, s29;
	v5 =	vld [tilespmem:s7+$0x0];
	s13 =	simm.s32 @!p0 $0xA000  }
0xee: {  	v4 =	vld.msk [tilespmem:s12+$0x201 ss:$0x0], $0xffff;
	s13 =	simm.s32 @!p1 $0xA000  }
0xef: {  	v59 =	vld [tilespmem:s13+$0x4300];
	_ =	sdelay $0x4  }
0xf0: {  	v60 =	vmul.f32 v4, v0;
	v5 =	vadd.f32 v59, v5;
	_ =	sdelay $0x1  }
0xf1: {  	v5 =	vadd.f32 v5, v60;
	_ =	sdelay $0x1  }
0xf2: {  	v7 =	vld [tilespmem:s13+$0x4310];
	v5 =	vmax.f32 v5, $0.0e+00  }
0xf3: {  	[tilespmem:s13+$0xE700] =	vst.add.f32.msk $0xffff, v5  }
0xf4: {  	v5 =	vld [tilespmem:s7+$0x10];
	_ =	sdelay $0x4  }
0xf5: {  	v62 =	vmul.f32 v4, v1;
	v5 =	vadd.f32 v7, v5;
	_ =	sdelay $0x1  }
0xf6: {  	v5 =	vadd.f32 v5, v62;
	_ =	sdelay $0x1  }
0xf7: {  	v61 =	vld [tilespmem:s13+$0x4320];
	v5 =	vmax.f32 v5, $0.0e+00  }
0xf8: {  	[tilespmem:s13+$0xE710] =	vst.add.f32.msk $0xffff, v5  }
0xf9: {  	v5 =	vld [tilespmem:s7+$0x20];
	_ =	sdelay $0x4  }
0xfa: {  	v63 =	vmul.f32 v4, v2;
	v5 =	vadd.f32 v61, v5;
	_ =	sdelay $0x1  }
0xfb: {  	v5 =	vadd.f32 v5, v63;
	_ =	sdelay $0x1  }
0xfc: {  	v8 =	vld [tilespmem:s13+$0x4330];
	v5 =	vmax.f32 v5, $0.0e+00  }
0xfd: {  	[tilespmem:s13+$0xE720] =	vst.add.f32.msk $0xffff, v5  }
0xfe: {  	v5 =	vld [tilespmem:s7+$0x30];
	_ =	sdelay $0x3  }
0xff: {  	s19 =	sadd.s32 $0x1, s19  }
0x100: {  	v4 =	vmul.f32 v4, v3;
	p0 =	sne.s32 s19, s4;
	v5 =	vadd.f32 v8, v5  }
.Ltmp4:
0x101: {  	_ = 	snop;
	(pc) =	sbr.rel @p0 .LBB2_2-.Ltmp4, $3  }
0x102: {  	v4 =	vadd.f32 v5, v4;
	_ =	sdelay $0x1  }
0x103: {  	v4 =	vmax.f32 v4, $0.0e+00  }
0x104: {  	s0 =	sadd.s32 $0x80, s0;
	[tilespmem:s13+$0xE730] =	vst.add.f32.msk $0xffff, v4  }
.LBB2_5:
0x105: {  	s29 =	simm.s32 $0x0;
	s0 =	rddreg [dreg:$0x5]  }
0x106: {  	[hbm4b:s0+s29] =	stream.linear.scatter [tilespmem:s20], [sflag:$0x2], $0xA000, $0x38;
	[tilespmem:$0x18B80] =	vst v63  }
0x107: {  	_ =	swait.ge [sflag:s18], $0xA000  }
0x108: {  	[sflag:s18] =	ssyncset.done $0x0  }
0x109: {  	[sflag:s18] =	ssyncadd.s32 $0xFFFF6000  }
0x10a: {  	[tilespmem:s20], [sflag:$0x2] =	stream.linear.gather [hbm4b:s8+s29], $0xA400, $0x38;
	[tilespmem:$0x18B80] =	vst v63  }
0x10b: {  	_ =	swait.ge [sflag:s18], $0xA400  }
0x10c: {  	[sflag:s18] =	ssyncset.done $0x0  }
0x10d: {  	s13 =	rddreg [dreg:$0x6];
	[sflag:s18] =	ssyncadd.s32 $0xFFFF5C00  }
0x10e: {  	[tilespmem:s17], [sflag:$0x2] =	stream.linear.gather [hbm4b:s13+s29], $0xA000, $0x38;
	[tilespmem:$0x18B80] =	vst v63  }
0x10f: {  	_ =	swait.ge [sflag:s18], $0xA000  }
0x110: {  	[sflag:s18] =	ssyncset.done $0x0  }
0x111: {  	[sflag:s18] =	ssyncadd.s32 $0xFFFF6000  }
0x112: {  	v4 =	vld [tilespmem:s10+$0x1];
	_ =	sdelay $0x4  }
0x113: {  	(v2sf) =	vpush v4, $0x0;
	_ =	sdelay $0x6  }
0x114: {  	(v2sf) =	vpush v4, $0x1;
	_ =	sdelay $0x7  }
0x115: {  	s30 =	spop (v2sf)  }
0x116: {  	s15 =	sand.u32 $0x7F, s30  }
0x117: {  	s4 =	sshra.s32 s30, $0x1F;
	p0 =	slt.s32 s30, $0x1;
	p1 =	sne.s32 s15, $0x0  }
0x118: {  	s16 =	sshrl.u32 s4, $0x19;
	p0 =	por !p0, !p1  }
0x119: {  	s4 =	simm.s32 $0x1;
	s0 =	sadd.s32 s16, s30;
	p0 =	por !p0, !p0  }
0x11a: {  	s0 =	sshra.s32 s0, $0x7;
	s4 =	simm.s32 @!p0 $0x0  }
0x11b: {  	s31 =	ssub.s32 s0, s4  }
0x11c: {  	s0 =	spop (v2sf);
	s21 =	sshll.u32 s31, $0x7  }
0x11d: {  	s17 =	ssub.s32 s0, s21  }
0x11e: {  	s4 =	sadd.s32 $0x7F, s17  }
0x11f: {  	s7 =	sand.u32 $0x7F, s4  }
0x120: {  	s19 =	sshra.s32 s4, $0x1F;
	p6 =	slt.s32 s4, $0x1;
	p5 =	sne.s32 s7, $0x0  }
0x121: {  	s7 =	sshrl.u32 s19, $0x19;
	p0 =	por !p6, !p5  }
0x122: {  	s4 =	sadd.s32 s7, s4;
	s7 =	simm.s32 $0x1;
	p0 =	por !p0, !p0  }
0x123: {  	s4 =	sshra.s32 s4, $0x7;
	s7 =	simm.s32 @!p0 $0x0  }
0x124: {  	s19 =	ssub.s32 s4, s7  }
0x125: {  	p0 =	slt.s32 s19, $0x1  }
.Ltmp5:
0x126: {  	_ = 	snop;
	(pc) =	sbr.rel @p0 .LBB2_9-.Ltmp5, $2  }
0x127: {  	_ =	sdelay $0x2  }
0x128: {  	s7 =	simm.s32 $0x0  }
.LBB2_6:
0x129: {  	s4 =	sadd.s32 s31, s7  }
0x12a: {  	s4 =	sshll.u32 s4, $0x4  }
0x12b: {  	s4 =	sand.u32 $0x1FFFFFF0, s4  }
0x12c: {  	s9 =	sadd.s32 s3, s4  }
0x12d: {  	[tilespmem:s23], [sflag:$0x2] =	stream.linear.gather [hbm4b:s9+s29], $0x80, $0x38;
	[tilespmem:$0x18B80] =	vst v63  }
0x12e: {  	_ =	swait.ge [sflag:s18], $0x80  }
0x12f: {  	[sflag:s18] =	ssyncset.done $0x0  }
0x130: {  	s13 =	sadd.s32 s5, s4;
	[sflag:s18] =	ssyncadd.s32 $0xFFFFFF80  }
0x131: {  	[tilespmem:s24], [sflag:$0x2] =	stream.linear.gather [hbm4b:s13+s29], $0x80, $0x38;
	[tilespmem:$0x18B80] =	vst v63  }
0x132: {  	_ =	swait.ge [sflag:s18], $0x80  }
0x133: {  	[sflag:s18] =	ssyncset.done $0x0  }
0x134: {  	s4 =	sadd.s32 s6, s4;
	[sflag:s18] =	ssyncadd.s32 $0xFFFFFF80  }
0x135: {  	[tilespmem:s25], [sflag:$0x2] =	stream.linear.gather [hbm4b:s4+s29], $0x80, $0x38;
	[tilespmem:$0x18B80] =	vst v63  }
0x136: {  	_ =	swait.ge [sflag:s18], $0x80  }
0x137: {  	[sflag:s18] =	ssyncset.done $0x0  }
0x138: {  	[sflag:s18] =	ssyncadd.s32 $0xFFFFFF80  }
0x139: {  	[tilespmem:s26], [sflag:$0x1] =	stream.indirect.gather [hbm4b:s2+s23], $0x80, s23, s23, $0xb8;
	[tilespmem:$0x18B80] =	vst v63  }
0x13a: {  	_ =	swait.ge [sflag:s22], $0x4000  }
0x13b: {  	[sflag:s22] =	ssyncset.done $0x0  }
0x13c: {  	s9 =	simm.s32 $0x0;
	[sflag:s22] =	ssyncadd.s32 $0xFFFFC000  }
0x13d: {  	v4 =	vld [tilespmem:s9+$0x100];
	_ =	sdelay $0x4  }
0x13e: {  	(v2sf) =	vpush v4, $0x0;
	_ =	sdelay $0xe  }
0x13f: {  	s15 =	spop (v2sf)  }
0x140: {  	s12 =	ssub.s32 s15, s14  }
0x141: {  	p0 =	slt.s32 s21, s0;
	s12 =	sshll.u32 s12, $0x7  }
0x142: {  	s16 =	simm.s32 $0x380;
	p1 =	sge.s32 s21, s30;
	v5 =	vld.msk [tilespmem:s9+$0x200 ss:$0x0], $0xffff;
	s12 =	simm.s32 @!p0 $0xA000  }
0x143: {  	v4 =	vld [tilespmem:s16+$0xFFFFFF80];
	s12 =	simm.s32 @!p1 $0xA000  }
0x144: {  	v6 =	vld [tilespmem:s12+$0x4300];
	_ =	sdelay $0x4  }
0x145: {  	v4 =	vadd.f32 v6, v4;
	v6 =	vmul.f32 v5, v0;
	_ =	sdelay $0x1  }
0x146: {  	v4 =	vadd.f32 v4, v6;
	_ =	sdelay $0x1  }
0x147: {  	v6 =	vld [tilespmem:s12+$0x4310];
	v4 =	vmax.f32 v4, $0.0e+00  }
0x148: {  	[tilespmem:s12+$0xE700] =	vst.add.f32.msk $0xffff, v4  }
0x149: {  	v4 =	vld [tilespmem:s16+$0xFFFFFF90];
	_ =	sdelay $0x4  }
0x14a: {  	v4 =	vadd.f32 v6, v4;
	v6 =	vmul.f32 v5, v1;
	_ =	sdelay $0x1  }
0x14b: {  	v4 =	vadd.f32 v4, v6;
	_ =	sdelay $0x1  }
0x14c: {  	v6 =	vld [tilespmem:s12+$0x4320];
	v4 =	vmax.f32 v4, $0.0e+00  }
0x14d: {  	[tilespmem:s12+$0xE710] =	vst.add.f32.msk $0xffff, v4  }
0x14e: {  	v4 =	vld [tilespmem:s16+$0xFFFFFFA0];
	_ =	sdelay $0x4  }
0x14f: {  	v4 =	vadd.f32 v6, v4;
	v6 =	vmul.f32 v5, v2;
	_ =	sdelay $0x1  }
0x150: {  	v4 =	vadd.f32 v4, v6;
	_ =	sdelay $0x1  }
0x151: {  	v6 =	vld [tilespmem:s12+$0x4330];
	v4 =	vmax.f32 v4, $0.0e+00  }
0x152: {  	[tilespmem:s12+$0xE720] =	vst.add.f32.msk $0xffff, v4  }
0x153: {  	v4 =	vld [tilespmem:s16+$0xFFFFFFB0];
	_ =	sdelay $0x4  }
0x154: {  	v5 =	vmul.f32 v5, v3;
	v4 =	vadd.f32 v6, v4;
	_ =	sdelay $0x1  }
0x155: {  	v4 =	vadd.f32 v4, v5;
	_ =	sdelay $0x1  }
0x156: {  	v4 =	vmax.f32 v4, $0.0e+00  }
0x157: {  	[tilespmem:s12+$0xE730] =	vst.add.f32.msk $0xffff, v4  }
0x158: {  	v4 =	vld [tilespmem:s9+$0x101];
	_ =	sdelay $0x4  }
0x159: {  	(v2sf) =	vpush v4, $0x0;
	_ =	sdelay $0xe  }
0x15a: {  	s17 =	spop (v2sf)  }
0x15b: {  	s13 =	sadd.s32 $0x1, s21;
	s12 =	ssub.s32 s17, s14  }
0x15c: {  	p0 =	slt.s32 s13, s0;
	s15 =	sshll.u32 s12, $0x7  }
0x15d: {  	p1 =	sge.s32 s13, s30;
	v5 =	vld [tilespmem:s16+$0x0];
	s15 =	simm.s32 @!p0 $0xA000  }
0x15e: {  	v4 =	vld.msk [tilespmem:s9+$0x201 ss:$0x0], $0xffff;
	s15 =	simm.s32 @!p1 $0xA000  }
0x15f: {  	v6 =	vld [tilespmem:s15+$0x4300];
	_ =	sdelay $0x4  }
0x160: {  	v5 =	vadd.f32 v6, v5;
	v6 =	vmul.f32 v4, v0;
	_ =	sdelay $0x1  }
0x161: {  	v5 =	vadd.f32 v5, v6;
	_ =	sdelay $0x1  }
0x162: {  	v7 =	vld [tilespmem:s15+$0x4310];
	v5 =	vmax.f32 v5, $0.0e+00  }
0x163: {  	[tilespmem:s15+$0xE700] =	vst.add.f32.msk $0xffff, v5  }
0x164: {  	v5 =	vld [tilespmem:s16+$0x10];
	_ =	sdelay $0x4  }
0x165: {  	v5 =	vadd.f32 v7, v5;
	v7 =	vmul.f32 v4, v1;
	_ =	sdelay $0x1  }
0x166: {  	v5 =	vadd.f32 v5, v7;
	_ =	sdelay $0x1  }
0x167: {  	v6 =	vld [tilespmem:s15+$0x4320];
	v5 =	vmax.f32 v5, $0.0e+00  }
0x168: {  	[tilespmem:s15+$0xE710] =	vst.add.f32.msk $0xffff, v5  }
0x169: {  	v5 =	vld [tilespmem:s16+$0x20];
	_ =	sdelay $0x4  }
0x16a: {  	v5 =	vadd.f32 v6, v5;
	v6 =	vmul.f32 v4, v2;
	_ =	sdelay $0x1  }
0x16b: {  	v5 =	vadd.f32 v5, v6;
	_ =	sdelay $0x1  }
0x16c: {  	v8 =	vld [tilespmem:s15+$0x4330];
	v5 =	vmax.f32 v5, $0.0e+00  }
0x16d: {  	[tilespmem:s15+$0xE720] =	vst.add.f32.msk $0xffff, v5  }
0x16e: {  	v5 =	vld [tilespmem:s16+$0x30];
	_ =	sdelay $0x4  }
0x16f: {  	v4 =	vmul.f32 v4, v3;
	v5 =	vadd.f32 v8, v5;
	_ =	sdelay $0x1  }
0x170: {  	v4 =	vadd.f32 v5, v4  }
0x171: {  	s4 =	smov.u32 s21  }
0x172: {  	s13 =	simm.s32 $0x10;
	s9 =	simm.s32 $0x480;
	s12 =	simm.s32 $0x8;
	v4 =	vmax.f32 v4, $0.0e+00  }
.LBB2_7:
0x173: {  	s16 =	sshra.s32 s12, $0x2  }
0x174: {  	[tilespmem:s15+$0xE730] =	vst.add.f32.msk $0xffff, v4;
	s4 =	sadd.s32 $0x2, s4;
	s12 =	smov.u32 s13;
	s17 =	sadd.s32 $0x8, s13  }
0x175: {  	p0 =	sne.s32 s13, $0x1F8;
	v4 =	vld [tilespmem:s16+$0x100];
	_ =	sdelay $0x4  }
0x176: {  	(v2sf) =	vpush v4, $0x0;
	_ =	sdelay $0xe  }
0x177: {  	s13 =	spop (v2sf)  }
0x178: {  	s13 =	ssub.s32 s13, s14  }
0x179: {  	p1 =	slt.s32 s4, s0;
	s15 =	sshll.u32 s13, $0x7  }
0x17a: {  	p2 =	sge.s32 s4, s30;
	v4 =	vld [tilespmem:s9+$0xFFFFFF80];
	s15 =	simm.s32 @!p1 $0xA000  }
0x17b: {  	s15 =	simm.s32 @!p2 $0xA000;
	v5 =	vld.msk [tilespmem:s16+$0x200 ss:$0x0], $0xffff  }
0x17c: {  	v6 =	vld [tilespmem:s15+$0x4300];
	_ =	sdelay $0x4  }
0x17d: {  	v4 =	vadd.f32 v6, v4;
	v6 =	vmul.f32 v5, v0;
	_ =	sdelay $0x1  }
0x17e: {  	v4 =	vadd.f32 v4, v6;
	_ =	sdelay $0x1  }
0x17f: {  	v4 =	vmax.f32 v4, $0.0e+00;
	v6 =	vld [tilespmem:s15+$0x4310]  }
0x180: {  	[tilespmem:s15+$0xE700] =	vst.add.f32.msk $0xffff, v4  }
0x181: {  	v4 =	vld [tilespmem:s9+$0xFFFFFF90];
	_ =	sdelay $0x4  }
0x182: {  	v4 =	vadd.f32 v6, v4;
	v6 =	vmul.f32 v5, v1;
	_ =	sdelay $0x1  }
0x183: {  	v4 =	vadd.f32 v4, v6;
	_ =	sdelay $0x1  }
0x184: {  	v4 =	vmax.f32 v4, $0.0e+00;
	v6 =	vld [tilespmem:s15+$0x4320]  }
0x185: {  	[tilespmem:s15+$0xE710] =	vst.add.f32.msk $0xffff, v4  }
0x186: {  	v4 =	vld [tilespmem:s9+$0xFFFFFFA0];
	_ =	sdelay $0x4  }
0x187: {  	v4 =	vadd.f32 v6, v4;
	v6 =	vmul.f32 v5, v2;
	_ =	sdelay $0x1  }
0x188: {  	v4 =	vadd.f32 v4, v6;
	_ =	sdelay $0x1  }
0x189: {  	v4 =	vmax.f32 v4, $0.0e+00;
	v6 =	vld [tilespmem:s15+$0x4330]  }
0x18a: {  	[tilespmem:s15+$0xE720] =	vst.add.f32.msk $0xffff, v4  }
0x18b: {  	v4 =	vld [tilespmem:s9+$0xFFFFFFB0];
	_ =	sdelay $0x4  }
0x18c: {  	v5 =	vmul.f32 v5, v3;
	v4 =	vadd.f32 v6, v4;
	_ =	sdelay $0x1  }
0x18d: {  	v4 =	vadd.f32 v4, v5;
	_ =	sdelay $0x1  }
0x18e: {  	v4 =	vmax.f32 v4, $0.0e+00  }
0x18f: {  	[tilespmem:s15+$0xE730] =	vst.add.f32.msk $0xffff, v4  }
0x190: {  	v4 =	vld [tilespmem:s16+$0x101]  }
0x191: {  	v5 =	vld.msk [tilespmem:s16+$0x201 ss:$0x0], $0xffff;
	_ =	sdelay $0x3  }
0x192: {  	(v2sf) =	vpush v4, $0x0;
	_ =	sdelay $0xe  }
0x193: {  	s13 =	spop (v2sf)  }
0x194: {  	s16 =	sadd.s32 $0x1, s4;
	s13 =	ssub.s32 s13, s14  }
0x195: {  	p1 =	slt.s32 s16, s0;
	s15 =	sshll.u32 s13, $0x7  }
0x196: {  	p2 =	sge.s32 s16, s30;
	s15 =	simm.s32 @!p1 $0xA000  }
0x197: {  	v4 =	vld [tilespmem:s9+$0x0];
	s15 =	simm.s32 @!p2 $0xA000  }
0x198: {  	v6 =	vld [tilespmem:s15+$0x4300]  }
0x199: {  	v7 =	vld [tilespmem:s15+$0x4310]  }
0x19a: {  	v8 =	vld [tilespmem:s15+$0x4320]  }
0x19b: {  	v9 =	vld [tilespmem:s15+$0x4330];
	_ =	sdelay $0x1  }
0x19c: {  	v4 =	vadd.f32 v6, v4;
	v6 =	vmul.f32 v5, v0;
	_ =	sdelay $0x1  }
0x19d: {  	v4 =	vadd.f32 v4, v6;
	_ =	sdelay $0x1  }
0x19e: {  	v4 =	vmax.f32 v4, $0.0e+00  }
0x19f: {  	[tilespmem:s15+$0xE700] =	vst.add.f32.msk $0xffff, v4  }
0x1a0: {  	v4 =	vld [tilespmem:s9+$0x10];
	_ =	sdelay $0x4  }
0x1a1: {  	v6 =	vmul.f32 v5, v1;
	v4 =	vadd.f32 v7, v4;
	_ =	sdelay $0x1  }
0x1a2: {  	v4 =	vadd.f32 v4, v6;
	_ =	sdelay $0x1  }
0x1a3: {  	v4 =	vmax.f32 v4, $0.0e+00  }
0x1a4: {  	[tilespmem:s15+$0xE710] =	vst.add.f32.msk $0xffff, v4  }
0x1a5: {  	v4 =	vld [tilespmem:s9+$0x20];
	_ =	sdelay $0x4  }
0x1a6: {  	v6 =	vmul.f32 v5, v2;
	v4 =	vadd.f32 v8, v4;
	_ =	sdelay $0x1  }
0x1a7: {  	v4 =	vadd.f32 v4, v6;
	_ =	sdelay $0x1  }
0x1a8: {  	v4 =	vmax.f32 v4, $0.0e+00  }
0x1a9: {  	[tilespmem:s15+$0xE720] =	vst.add.f32.msk $0xffff, v4  }
0x1aa: {  	v4 =	vld [tilespmem:s9+$0x30];
	_ =	sdelay $0x4  }
.Ltmp6:
0x1ab: {  	v5 =	vmul.f32 v5, v3;
	v4 =	vadd.f32 v9, v4;
	(pc) =	sbr.rel @p0 .LBB2_7-.Ltmp6, $3  }
0x1ac: {  	_ = 	snop  }
0x1ad: {  	v4 =	vadd.f32 v4, v5;
	_ =	sdelay $0x1  }
0x1ae: {  	s13 =	smov.u32 s17;
	s9 =	sadd.s32 $0x100, s9;
	v4 =	vmax.f32 v4, $0.0e+00  }
0x1af: {  	s12 =	sshra.s32 s12, $0x2;
	[tilespmem:s15+$0xE730] =	vst.add.f32.msk $0xffff, v4  }
0x1b0: {  	v4 =	vld [tilespmem:s12+$0x100];
	_ =	sdelay $0x4  }
0x1b1: {  	(v2sf) =	vpush v4, $0x0;
	_ =	sdelay $0xe  }
0x1b2: {  	s13 =	spop (v2sf)  }
0x1b3: {  	s4 =	sadd.s32 $0x2, s4;
	s13 =	ssub.s32 s13, s14  }
0x1b4: {  	p0 =	slt.s32 s4, s0;
	s13 =	sshll.u32 s13, $0x7  }
0x1b5: {  	p1 =	sge.s32 s4, s30;
	v5 =	vld.msk [tilespmem:s12+$0x200 ss:$0x0], $0xffff;
	s13 =	simm.s32 @!p0 $0xA000  }
0x1b6: {  	v4 =	vld [tilespmem:s9+$0xFFFFFF80];
	s13 =	simm.s32 @!p1 $0xA000  }
0x1b7: {  	v6 =	vld [tilespmem:s13+$0x4300];
	_ =	sdelay $0x4  }
0x1b8: {  	v53 =	vmul.f32 v5, v0;
	v4 =	vadd.f32 v6, v4;
	_ =	sdelay $0x1  }
0x1b9: {  	v4 =	vadd.f32 v4, v53;
	_ =	sdelay $0x1  }
0x1ba: {  	v54 =	vld [tilespmem:s13+$0x4310];
	v4 =	vmax.f32 v4, $0.0e+00  }
0x1bb: {  	[tilespmem:s13+$0xE700] =	vst.add.f32.msk $0xffff, v4  }
0x1bc: {  	v4 =	vld [tilespmem:s9+$0xFFFFFF90];
	_ =	sdelay $0x4  }
0x1bd: {  	v55 =	vmul.f32 v5, v1;
	v4 =	vadd.f32 v54, v4;
	_ =	sdelay $0x1  }
0x1be: {  	v4 =	vadd.f32 v4, v55;
	_ =	sdelay $0x1  }
0x1bf: {  	v56 =	vld [tilespmem:s13+$0x4320];
	v4 =	vmax.f32 v4, $0.0e+00  }
0x1c0: {  	[tilespmem:s13+$0xE710] =	vst.add.f32.msk $0xffff, v4  }
0x1c1: {  	v4 =	vld [tilespmem:s9+$0xFFFFFFA0];
	_ =	sdelay $0x4  }
0x1c2: {  	v57 =	vmul.f32 v5, v2;
	v4 =	vadd.f32 v56, v4;
	_ =	sdelay $0x1  }
0x1c3: {  	v4 =	vadd.f32 v4, v57;
	_ =	sdelay $0x1  }
0x1c4: {  	v58 =	vld [tilespmem:s13+$0x4330];
	v4 =	vmax.f32 v4, $0.0e+00  }
0x1c5: {  	[tilespmem:s13+$0xE720] =	vst.add.f32.msk $0xffff, v4  }
0x1c6: {  	v4 =	vld [tilespmem:s9+$0xFFFFFFB0];
	_ =	sdelay $0x4  }
0x1c7: {  	v5 =	vmul.f32 v5, v3;
	v4 =	vadd.f32 v58, v4;
	_ =	sdelay $0x1  }
0x1c8: {  	v4 =	vadd.f32 v4, v5;
	_ =	sdelay $0x1  }
0x1c9: {  	v4 =	vmax.f32 v4, $0.0e+00  }
0x1ca: {  	[tilespmem:s13+$0xE730] =	vst.add.f32.msk $0xffff, v4  }
0x1cb: {  	v4 =	vld [tilespmem:s12+$0x101];
	_ =	sdelay $0x4  }
0x1cc: {  	(v2sf) =	vpush v4, $0x0;
	_ =	sdelay $0xe  }
0x1cd: {  	s17 =	spop (v2sf)  }
0x1ce: {  	s4 =	sadd.s32 $0x1, s4;
	s13 =	ssub.s32 s17, s14  }
0x1cf: {  	p0 =	slt.s32 s4, s0;
	s13 =	sshll.u32 s13, $0x7  }
0x1d0: {  	p1 =	sge.s32 s4, s30;
	v5 =	vld [tilespmem:s9+$0x0];
	s13 =	simm.s32 @!p0 $0xA000  }
0x1d1: {  	v4 =	vld.msk [tilespmem:s12+$0x201 ss:$0x0], $0xffff;
	s13 =	simm.s32 @!p1 $0xA000  }
0x1d2: {  	v59 =	vld [tilespmem:s13+$0x4300];
	_ =	sdelay $0x4  }
0x1d3: {  	v60 =	vmul.f32 v4, v0;
	v5 =	vadd.f32 v59, v5;
	_ =	sdelay $0x1  }
0x1d4: {  	v5 =	vadd.f32 v5, v60;
	_ =	sdelay $0x1  }
0x1d5: {  	v7 =	vld [tilespmem:s13+$0x4310];
	v5 =	vmax.f32 v5, $0.0e+00  }
0x1d6: {  	[tilespmem:s13+$0xE700] =	vst.add.f32.msk $0xffff, v5  }
0x1d7: {  	v5 =	vld [tilespmem:s9+$0x10];
	_ =	sdelay $0x4  }
0x1d8: {  	v62 =	vmul.f32 v4, v1;
	v5 =	vadd.f32 v7, v5;
	_ =	sdelay $0x1  }
0x1d9: {  	v5 =	vadd.f32 v5, v62;
	_ =	sdelay $0x1  }
0x1da: {  	v61 =	vld [tilespmem:s13+$0x4320];
	v5 =	vmax.f32 v5, $0.0e+00  }
0x1db: {  	[tilespmem:s13+$0xE710] =	vst.add.f32.msk $0xffff, v5  }
0x1dc: {  	v5 =	vld [tilespmem:s9+$0x20];
	_ =	sdelay $0x4  }
0x1dd: {  	v63 =	vmul.f32 v4, v2;
	v5 =	vadd.f32 v61, v5;
	_ =	sdelay $0x1  }
0x1de: {  	v5 =	vadd.f32 v5, v63;
	_ =	sdelay $0x1  }
0x1df: {  	v8 =	vld [tilespmem:s13+$0x4330];
	v5 =	vmax.f32 v5, $0.0e+00  }
0x1e0: {  	[tilespmem:s13+$0xE720] =	vst.add.f32.msk $0xffff, v5  }
0x1e1: {  	v5 =	vld [tilespmem:s9+$0x30];
	_ =	sdelay $0x3  }
0x1e2: {  	s7 =	sadd.s32 $0x1, s7  }
0x1e3: {  	v4 =	vmul.f32 v4, v3;
	p0 =	sne.s32 s7, s19;
	v5 =	vadd.f32 v8, v5  }
.Ltmp7:
0x1e4: {  	_ = 	snop;
	(pc) =	sbr.rel @p0 .LBB2_6-.Ltmp7, $4  }
.Ltmp8:
0x1e5: {  	v4 =	vadd.f32 v5, v4;
	(pc) =	sbr.rel @!p0 .LBB2_9-.Ltmp8, $4  }
0x1e6: {  	_ = 	snop  }
0x1e7: {  	v4 =	vmax.f32 v4, $0.0e+00  }
0x1e8: {  	s21 =	sadd.s32 $0x80, s21;
	[tilespmem:s13+$0xE730] =	vst.add.f32.msk $0xffff, v4  }
0x1e9: {  	_ = 	snop  }
.LBB2_10:
0x1ea: {  	_ =	sfence.sel $0x180000  }
0x1eb: {  	[bflag:$0x0] =	sbarrier.arrive $0xFFFF  }
0x1ec: {  	_ =	strace $0x90000050  }
0x1ed: {  	s0 =	stileid.u32;
	[bflag:$0x2] =	sbarrier.arrive $0xFFFF  }
0x1ee: {  	p0 =	sne.s32 s0, $0x0;
	s0 =	rddreg [dreg:$0x1]  }
0x1ef: {  	s0 =	sadd.s32 @!p0 $0x100000, s0  }
0x1f0: {  	[sflag:s0] =	ssyncadd.tile.s32 @!p0 $0x1;
	_ =	shalt  }
.Lfunc_end2:
_tile_overlayer_lowered:
.L_overlay_start_2:
0x1f1: {  	(tag) =	ssettag $0x2  }
0x1f2: {  	s0 =	rddreg [dreg:$0x0];
	s2 =	stileid.u32  }
0x1f3: {  	s1 =	rddreg [dreg:$0x1];
	p0 =	sne.s32 s2, $0x0  }
0x1f4: {  	s3 =	rddreg [dreg:$0x2];
	[bflag:$0x3] =	sbarrier.arrive $0xFFFF;
	s2 =	simm.s32 @!p0 $0x1C02  }
0x1f5: {  	[timem:s3], [sflag:s2] =	dma.local @!p0 [hbm:s0], s1  }
0x1f6: {  	s0 =	simm.s32 @!p0 $0x2  }
0x1f7: {  	_ =	swait.ge @!p0 [sflag:s0], s1  }
0x1f8: {  	s1 =	ssub.s32 @!p0 $0x0, s1;
	[sflag:s0] =	ssyncset.done @!p0 $0x0  }
0x1f9: {  	[sflag:s0] =	ssyncadd.s32 @!p0 s1  }
0x1fa: {  	[bflag:$0x3] =	sbarrier.arrive $0xFFFF  }
0x1fb: {  	_ =	shalt  }

</sc_bundles>
